<compile_context>
chip_gen: v7x
topology: tpu7x:2x2x1
jax: 0.10.2.dev20260603
libtpu: 0.0.44.dev20260713+nightly
codegen_flags: <defaults>
</compile_context>

<pallas_src>
import functools

import jax
import jax.numpy as jnp
from jax import lax
from jax.experimental import pallas as pl
from jax.experimental.pallas import tpu as pltpu
from jax.experimental.pallas import tpu_sc as plsc

VOCAB = 1000000
SEQ = 200
DIM = 32
BATCH = 4096
LANES = 16

NC = 2
NS = 16
NW = NC * NS
BW = BATCH // NW
GB = 8
TP = 129
NBUF = 4
LOOK = 3


def _body(idxT_hbm, word_hbm, posT_hbm, out_hbm, idx_v, pos_v, g_v, t_v,
          gsem, ssem):
    w = lax.axis_index("s") * NC + lax.axis_index("c")
    pltpu.sync_copy(idxT_hbm.at[:, pl.ds(w * BW, BW)], idx_v)
    pltpu.sync_copy(posT_hbm, pos_v)

    def issue_gather(s, slot):
        pltpu.async_copy(word_hbm.at[idx_v.at[s]], g_v.at[slot],
                         gsem.at[slot])

    for k in range(LOOK):
        issue_gather(k, k)

    row_lo = jnp.arange(LANES, dtype=jnp.int32)
    row_hi = row_lo + LANES

    def it(s, carry):
        slot = lax.rem(s, NBUF)

        pltpu.make_async_copy(
            word_hbm.at[pl.ds(0, BW)], g_v.at[slot], gsem.at[slot]).wait()

        @pl.when(s + LOOK < SEQ)
        def _():
            issue_gather(s + LOOK, lax.rem(s + LOOK, NBUF))

        @pl.when(s >= NBUF)
        def _():
            for dI in range(DIM // 8):
                pltpu.make_async_copy(
                    t_v.at[slot, pl.ds(dI * 8, 8), pl.ds(0, 128)],
                    out_hbm.at[0, 0, 0], ssem.at[slot]).wait()

        scol = jnp.zeros((LANES,), jnp.int32) + s
        pv_lo = plsc.load_gather(pos_v, [row_lo, scol])
        pv_hi = plsc.load_gather(pos_v, [row_hi, scol])

        for b0 in range(0, BW, GB):
            vs = []
            for b in range(b0, b0 + GB):
                vs.append((g_v[slot, b, pl.ds(0, LANES)],
                           g_v[slot, b, pl.ds(LANES, LANES)]))
            for i, b in enumerate(range(b0, b0 + GB)):
                col = jnp.full((LANES,), b, jnp.int32)
                plsc.store_scatter(t_v.at[slot], [row_lo, col],
                                   vs[i][0] + pv_lo)
                plsc.store_scatter(t_v.at[slot], [row_hi, col],
                                   vs[i][1] + pv_hi)
            del vs

        for dI in range(DIM // 8):
            pltpu.async_copy(
                t_v.at[slot, pl.ds(dI * 8, 8), pl.ds(0, 128)],
                out_hbm.at[s, dI, w], ssem.at[slot])
        return carry

    lax.fori_loop(0, SEQ, it, 0)

    for t in range(NBUF):
        for dI in range(DIM // 8):
            pltpu.make_async_copy(
                t_v.at[t, pl.ds(dI * 8, 8), pl.ds(0, 128)],
                out_hbm.at[0, 0, 0], ssem.at[t]).wait()


_grid_kernel = functools.partial(
    pl.kernel,
    mesh=plsc.VectorSubcoreMesh(core_axis_name="c", subcore_axis_name="s"),
    out_type=jax.ShapeDtypeStruct(
        (SEQ, DIM // 8, BATCH // 128, 8, 128), jnp.float32),
    compiler_params=pltpu.CompilerParams(
        use_tc_tiling_on_sc=False, needs_layout_passes=False),
    scratch_types=[
        pltpu.VMEM((SEQ, BW), jnp.int32),
        pltpu.VMEM((DIM, SEQ), jnp.float32),
        pltpu.VMEM((NBUF, BW, DIM), jnp.float32),
        pltpu.VMEM((NBUF, DIM, TP), jnp.float32),
        pltpu.SemaphoreType.DMA((NBUF,)),
        pltpu.SemaphoreType.DMA((NBUF,)),
    ],
)(_body)


def kernel(inputs, word_table, pos_table):
    out5 = _grid_kernel(inputs.T, word_table, pos_table.T)
    return out5.transpose(2, 4, 0, 1, 3).reshape(BATCH, SEQ, DIM)

# --- scband reference (transcript-rebuilt; emitter-appended) ---
"""Pipeline reference for scband-position-embedding-layer-51324859187412 (READ-ONLY COPY).

The authoritative reference and input builder live on the scoring server;
editing this copy changes nothing except your own understanding.
"""

import jax, jax.numpy as jnp
import numpy as np

VOCAB = 1000000
SEQ_LEN = 200
DIM = 32
BATCH = 4096


def setup_inputs(seed: int = 0) -> dict:
    key = jax.random.key(seed)
    k1, k2, k3 = jax.random.split(key, 3)
    inputs = jax.random.randint(k1, (BATCH, SEQ_LEN), 0, VOCAB, dtype=jnp.int32)
    word_table = jax.random.normal(k2, (VOCAB, DIM), dtype=jnp.float32) * 0.05
    pos_table = jax.random.normal(k3, (SEQ_LEN, DIM), dtype=jnp.float32) * 0.05
    return {"inputs": inputs, "word_table": word_table, "pos_table": pos_table}


def reference(inputs, word_table, pos_table):
    # position_indices = tf.range(tf.shape(inputs)[-1])
    position_indices = jnp.arange(inputs.shape[-1])
    # embedded_words = word_embedding_layer(inputs)  -> gather rows
    embedded_words = jnp.take(word_table, inputs, axis=0)
    # embedded_indices = position_embedding_layer(position_indices)
    embedded_indices = jnp.take(pos_table, position_indices, axis=0)
    # broadcast-add position embeddings over batch
    return embedded_words + embedded_indices

if __name__ == "__main__":
    import jax
    _d = setup_inputs()
    print(jax.jit(kernel)(*tuple(_d.values())))

</pallas_src>

<mosaic_0001>
#map = affine_map<(d0, d1) -> (0, 0)>
#map1 = affine_map<(d0, d1) -> (0, 0, 0, 0, 0)>
module attributes {stable_mosaic.version = 14 : i64} {
  func.func @_body(%arg0: i32, %arg1: i32, %arg2: memref<200x4096xi32, #tpu.memory_space<hbm>>, %arg3: memref<1000000x32xf32, #tpu.memory_space<hbm>>, %arg4: memref<32x200xf32, #tpu.memory_space<hbm>>, %arg5: memref<200x4x32x8x128xf32, #tpu.memory_space<hbm>>, %arg6: memref<200x128xi32, #tpu.memory_space<vmem>>, %arg7: memref<32x200xf32, #tpu.memory_space<vmem>>, %arg8: memref<4x128x32xf32, #tpu.memory_space<vmem>>, %arg9: memref<4x32x129xf32, #tpu.memory_space<vmem>>, %arg10: memref<4x!tpu.dma_semaphore, #tpu.memory_space<semaphore_mem>>, %arg11: memref<4x!tpu.dma_semaphore, #tpu.memory_space<semaphore_mem>>) attributes {dimension_semantics = [#tpu.dimension_semantics<core_parallel>, #tpu.dimension_semantics<subcore_parallel>], iteration_bounds = array<i64: 2, 16>, scalar_prefetch = 0 : i64, scratch_operands = 6 : i64, tpu.core_type = #tpu.core_type<sc_vector_subcore>, window_params = [{transform_indices = #map}, {transform_indices = #map}, {transform_indices = #map}, {transform_indices = #map1}]} {
    %mul3A = arith.constant 2 : i32
    %mul3A_0 = arith.muli %arg1, %mul3A : i32
    %add3A = arith.addi %mul3A_0, %arg0 : i32
    %mul3A_1 = arith.constant 128 : i32
    %mul3A_2 = arith.muli %add3A, %mul3A_1 : i32
    "tpu.region"() ({
      %run_scoped3A = tpu.sem_alloc : memref<!tpu.dma_semaphore, #tpu.memory_space<semaphore_mem>>
      %dma_start3A_422 = arith.constant 0 : i32
      %dma_start3A_423 = tpu.memref_slice %arg2[%dma_start3A_422, %mul3A_2] : memref<200x4096xi32, #tpu.memory_space<hbm>> -> memref<200x128xi32, #tpu.memory_space<hbm>>
      %dma_start3A_424 = arith.constant 0 : i32
      %dma_start3A_425 = tpu.memref_slice %arg2[%dma_start3A_424, %mul3A_2] : memref<200x4096xi32, #tpu.memory_space<hbm>> -> memref<200x128xi32, #tpu.memory_space<hbm>>
      tpu.enqueue_dma source(%dma_start3A_425 : memref<200x128xi32, #tpu.memory_space<hbm>>) target(%arg6 : memref<200x128xi32, #tpu.memory_space<vmem>>) target_semaphore(%run_scoped3A : memref<!tpu.dma_semaphore, #tpu.memory_space<semaphore_mem>>)
      %dma_wait3A_426 = arith.constant 0 : i32
      %dma_wait3A_427 = tpu.memref_slice %arg2[%dma_wait3A_426, %mul3A_2] : memref<200x4096xi32, #tpu.memory_space<hbm>> -> memref<200x128xi32, #tpu.memory_space<hbm>>
      %dma_wait3A_428 = arith.constant 0 : i32
      %dma_wait3A_429 = tpu.memref_slice %arg2[%dma_wait3A_428, %mul3A_2] : memref<200x4096xi32, #tpu.memory_space<hbm>> -> memref<200x128xi32, #tpu.memory_space<hbm>>
      tpu.wait_dma2 semaphore(%run_scoped3A : memref<!tpu.dma_semaphore, #tpu.memory_space<semaphore_mem>>) src(%dma_wait3A_429 : memref<200x128xi32, #tpu.memory_space<hbm>>) dst(%arg6 : memref<200x128xi32, #tpu.memory_space<vmem>>)
      tpu.yield
    }) : () -> ()
    "tpu.region"() ({
      %run_scoped3A = tpu.sem_alloc : memref<!tpu.dma_semaphore, #tpu.memory_space<semaphore_mem>>
      tpu.enqueue_dma source(%arg4 : memref<32x200xf32, #tpu.memory_space<hbm>>) target(%arg7 : memref<32x200xf32, #tpu.memory_space<vmem>>) target_semaphore(%run_scoped3A : memref<!tpu.dma_semaphore, #tpu.memory_space<semaphore_mem>>)
      tpu.wait_dma2 semaphore(%run_scoped3A : memref<!tpu.dma_semaphore, #tpu.memory_space<semaphore_mem>>) src(%arg4 : memref<32x200xf32, #tpu.memory_space<hbm>>) dst(%arg7 : memref<32x200xf32, #tpu.memory_space<vmem>>)
      tpu.yield
    }) : () -> ()
    %dma_start3A = arith.constant 0 : i32
    %dma_start3A_3 = arith.constant 0 : i32
    %dma_start3A_4 = arith.constant 0 : i32
    %dma_start3A_5 = arith.constant 0 : i32
    %dma_start3A_6 = arith.constant 0 : i32
    %dma_start3A_7 = tpu.memref_slice %arg8[%dma_start3A_3, %dma_start3A_5, %dma_start3A_6] : memref<4x128x32xf32, #tpu.memory_space<vmem>> -> memref<1x128x32xf32, #tpu.memory_space<vmem>>
    %dma_start3A_8 = tpu.memref_squeeze %dma_start3A_7 : memref<1x128x32xf32, #tpu.memory_space<vmem>> -> memref<128x32xf32, #tpu.memory_space<vmem>>
    %dma_start3A_9 = arith.constant 0 : i32
    %dma_start3A_10 = tpu.memref_slice %arg6[%dma_start3A, %dma_start3A_9] : memref<200x128xi32, #tpu.memory_space<vmem>> -> memref<1x128xi32, #tpu.memory_space<vmem>>
    %dma_start3A_11 = tpu.memref_squeeze %dma_start3A_10 : memref<1x128xi32, #tpu.memory_space<vmem>> -> memref<128xi32, #tpu.memory_space<vmem>>
    %dma_start3A_12 = arith.constant 0 : i32
    %dma_start3A_13 = arith.constant 0 : i32
    %dma_start3A_14 = tpu.memref_slice %arg3[%dma_start3A_12, %dma_start3A_13] : memref<1000000x32xf32, #tpu.memory_space<hbm>> -> memref<1000000x32xf32, #tpu.memory_space<hbm>>
    %dma_start3A_15 = tpu.memref_slice %arg10[%dma_start3A_4] : memref<4x!tpu.dma_semaphore, #tpu.memory_space<semaphore_mem>> -> memref<1x!tpu.dma_semaphore, #tpu.memory_space<semaphore_mem>>
    %dma_start3A_16 = tpu.memref_squeeze %dma_start3A_15 : memref<1x!tpu.dma_semaphore, #tpu.memory_space<semaphore_mem>> -> memref<!tpu.dma_semaphore, #tpu.memory_space<semaphore_mem>>
    tpu.enqueue_indirect_dma source(%dma_start3A_14 : memref<1000000x32xf32, #tpu.memory_space<hbm>>) target(%dma_start3A_8 : memref<128x32xf32, #tpu.memory_space<vmem>>) offsets(%dma_start3A_11 : memref<128xi32, #tpu.memory_space<vmem>>) semaphore(%dma_start3A_16 : memref<!tpu.dma_semaphore, #tpu.memory_space<semaphore_mem>>)
    %dma_start3A_17 = arith.constant 1 : i32
    %dma_start3A_18 = arith.constant 1 : i32
    %dma_start3A_19 = arith.constant 1 : i32
    %dma_start3A_20 = arith.constant 0 : i32
    %dma_start3A_21 = arith.constant 0 : i32
    %dma_start3A_22 = tpu.memref_slice %arg8[%dma_start3A_18, %dma_start3A_20, %dma_start3A_21] : memref<4x128x32xf32, #tpu.memory_space<vmem>> -> memref<1x128x32xf32, #tpu.memory_space<vmem>>
    %dma_start3A_23 = tpu.memref_squeeze %dma_start3A_22 : memref<1x128x32xf32, #tpu.memory_space<vmem>> -> memref<128x32xf32, #tpu.memory_space<vmem>>
    %dma_start3A_24 = arith.constant 0 : i32
    %dma_start3A_25 = tpu.memref_slice %arg6[%dma_start3A_17, %dma_start3A_24] : memref<200x128xi32, #tpu.memory_space<vmem>> -> memref<1x128xi32, #tpu.memory_space<vmem>>
    %dma_start3A_26 = tpu.memref_squeeze %dma_start3A_25 : memref<1x128xi32, #tpu.memory_space<vmem>> -> memref<128xi32, #tpu.memory_space<vmem>>
    %dma_start3A_27 = arith.constant 0 : i32
    %dma_start3A_28 = arith.constant 0 : i32
    %dma_start3A_29 = tpu.memref_slice %arg3[%dma_start3A_27, %dma_start3A_28] : memref<1000000x32xf32, #tpu.memory_space<hbm>> -> memref<1000000x32xf32, #tpu.memory_space<hbm>>
    %dma_start3A_30 = tpu.memref_slice %arg10[%dma_start3A_19] : memref<4x!tpu.dma_semaphore, #tpu.memory_space<semaphore_mem>> -> memref<1x!tpu.dma_semaphore, #tpu.memory_space<semaphore_mem>>
    %dma_start3A_31 = tpu.memref_squeeze %dma_start3A_30 : memref<1x!tpu.dma_semaphore, #tpu.memory_space<semaphore_mem>> -> memref<!tpu.dma_semaphore, #tpu.memory_space<semaphore_mem>>
    tpu.enqueue_indirect_dma source(%dma_start3A_29 : memref<1000000x32xf32, #tpu.memory_space<hbm>>) target(%dma_start3A_23 : memref<128x32xf32, #tpu.memory_space<vmem>>) offsets(%dma_start3A_26 : memref<128xi32, #tpu.memory_space<vmem>>) semaphore(%dma_start3A_31 : memref<!tpu.dma_semaphore, #tpu.memory_space<semaphore_mem>>)
    %dma_start3A_32 = arith.constant 2 : i32
    %dma_start3A_33 = arith.constant 2 : i32
    %dma_start3A_34 = arith.constant 2 : i32
    %dma_start3A_35 = arith.constant 0 : i32
    %dma_start3A_36 = arith.constant 0 : i32
    %dma_start3A_37 = tpu.memref_slice %arg8[%dma_start3A_33, %dma_start3A_35, %dma_start3A_36] : memref<4x128x32xf32, #tpu.memory_space<vmem>> -> memref<1x128x32xf32, #tpu.memory_space<vmem>>
    %dma_start3A_38 = tpu.memref_squeeze %dma_start3A_37 : memref<1x128x32xf32, #tpu.memory_space<vmem>> -> memref<128x32xf32, #tpu.memory_space<vmem>>
    %dma_start3A_39 = arith.constant 0 : i32
    %dma_start3A_40 = tpu.memref_slice %arg6[%dma_start3A_32, %dma_start3A_39] : memref<200x128xi32, #tpu.memory_space<vmem>> -> memref<1x128xi32, #tpu.memory_space<vmem>>
    %dma_start3A_41 = tpu.memref_squeeze %dma_start3A_40 : memref<1x128xi32, #tpu.memory_space<vmem>> -> memref<128xi32, #tpu.memory_space<vmem>>
    %dma_start3A_42 = arith.constant 0 : i32
    %dma_start3A_43 = arith.constant 0 : i32
    %dma_start3A_44 = tpu.memref_slice %arg3[%dma_start3A_42, %dma_start3A_43] : memref<1000000x32xf32, #tpu.memory_space<hbm>> -> memref<1000000x32xf32, #tpu.memory_space<hbm>>
    %dma_start3A_45 = tpu.memref_slice %arg10[%dma_start3A_34] : memref<4x!tpu.dma_semaphore, #tpu.memory_space<semaphore_mem>> -> memref<1x!tpu.dma_semaphore, #tpu.memory_space<semaphore_mem>>
    %dma_start3A_46 = tpu.memref_squeeze %dma_start3A_45 : memref<1x!tpu.dma_semaphore, #tpu.memory_space<semaphore_mem>> -> memref<!tpu.dma_semaphore, #tpu.memory_space<semaphore_mem>>
    tpu.enqueue_indirect_dma source(%dma_start3A_44 : memref<1000000x32xf32, #tpu.memory_space<hbm>>) target(%dma_start3A_38 : memref<128x32xf32, #tpu.memory_space<vmem>>) offsets(%dma_start3A_41 : memref<128xi32, #tpu.memory_space<vmem>>) semaphore(%dma_start3A_46 : memref<!tpu.dma_semaphore, #tpu.memory_space<semaphore_mem>>)
    %iota3A = tpu.iota {dimensions = array<i32: 0>} : vector<16xi32>
    %add3A_47 = arith.constant 16 : i32
    %add3A_48 = vector.broadcast %add3A_47 : i32 to vector<16xi32>
    %add3A_49 = arith.addi %iota3A, %add3A_48 : vector<16xi32>
    %scan3A = arith.constant 0 : i32
    %scan3A_50 = arith.constant 0 : i32
    %scan3A_51 = arith.constant 200 : i32
    %scan3A_52 = arith.addi %scan3A_50, %scan3A_51 : i32
    %scan3A_53 = arith.constant 1 : i32
    scf.for %scan3A_422 = %scan3A_50 to %scan3A_52 step %scan3A_53  : i32 {
      %rem3A = arith.constant 4 : i32
      %rem3A_423 = arith.remsi %scan3A_422, %rem3A : i32
      %dma_wait3A_424 = arith.constant 0 : i32
      %dma_wait3A_425 = arith.constant 0 : i32
      %dma_wait3A_426 = tpu.memref_slice %arg8[%rem3A_423, %dma_wait3A_424, %dma_wait3A_425] : memref<4x128x32xf32, #tpu.memory_space<vmem>> -> memref<1x128x32xf32, #tpu.memory_space<vmem>>
      %dma_wait3A_427 = tpu.memref_squeeze %dma_wait3A_426 : memref<1x128x32xf32, #tpu.memory_space<vmem>> -> memref<128x32xf32, #tpu.memory_space<vmem>>
      %dma_wait3A_428 = arith.constant 0 : i32
      %dma_wait3A_429 = arith.constant 0 : i32
      %dma_wait3A_430 = tpu.memref_slice %arg3[%dma_wait3A_428, %dma_wait3A_429] : memref<1000000x32xf32, #tpu.memory_space<hbm>> -> memref<128x32xf32, #tpu.memory_space<hbm>>
      %dma_wait3A_431 = tpu.memref_slice %arg10[%rem3A_423] : memref<4x!tpu.dma_semaphore, #tpu.memory_space<semaphore_mem>> -> memref<1x!tpu.dma_semaphore, #tpu.memory_space<semaphore_mem>>
      %dma_wait3A_432 = tpu.memref_squeeze %dma_wait3A_431 : memref<1x!tpu.dma_semaphore, #tpu.memory_space<semaphore_mem>> -> memref<!tpu.dma_semaphore, #tpu.memory_space<semaphore_mem>>
      %dma_wait3A_433 = arith.constant 0 : i32
      %dma_wait3A_434 = arith.constant 0 : i32
      %dma_wait3A_435 = tpu.memref_slice %arg8[%rem3A_423, %dma_wait3A_433, %dma_wait3A_434] : memref<4x128x32xf32, #tpu.memory_space<vmem>> -> memref<1x128x32xf32, #tpu.memory_space<vmem>>
      %dma_wait3A_436 = tpu.memref_squeeze %dma_wait3A_435 : memref<1x128x32xf32, #tpu.memory_space<vmem>> -> memref<128x32xf32, #tpu.memory_space<vmem>>
      %dma_wait3A_437 = arith.constant 0 : i32
      %dma_wait3A_438 = arith.constant 0 : i32
      %dma_wait3A_439 = tpu.memref_slice %arg3[%dma_wait3A_437, %dma_wait3A_438] : memref<1000000x32xf32, #tpu.memory_space<hbm>> -> memref<128x32xf32, #tpu.memory_space<hbm>>
      tpu.wait_dma2 semaphore(%dma_wait3A_432 : memref<!tpu.dma_semaphore, #tpu.memory_space<semaphore_mem>>) src(%dma_wait3A_439 : memref<128x32xf32, #tpu.memory_space<hbm>>) dst(%dma_wait3A_436 : memref<128x32xf32, #tpu.memory_space<vmem>>)
      %add3A_440 = arith.constant 3 : i32
      %add3A_441 = arith.addi %scan3A_422, %add3A_440 : i32
      %lt3A = arith.constant 200 : i32
      %lt3A_442 = arith.cmpi slt, %add3A_441, %lt3A : i32
      %convert_element_type3A = arith.extui %lt3A_442 : i1 to i32
      %cond3A = arith.constant 0 : i32
      %cond3A_443 = arith.cmpi ne, %convert_element_type3A, %cond3A : i32
      scf.if %cond3A_443 {
        %add3A_3342 = arith.constant 3 : i32
        %add3A_3343 = arith.addi %scan3A_422, %add3A_3342 : i32
        %add3A_3344 = arith.constant 3 : i32
        %add3A_3345 = arith.addi %scan3A_422, %add3A_3344 : i32
        %rem3A_3346 = arith.constant 4 : i32
        %rem3A_3347 = arith.remsi %add3A_3345, %rem3A_3346 : i32
        %dma_start3A_3348 = arith.constant 0 : i32
        %dma_start3A_3349 = arith.constant 0 : i32
        %dma_start3A_3350 = tpu.memref_slice %arg8[%rem3A_3347, %dma_start3A_3348, %dma_start3A_3349] : memref<4x128x32xf32, #tpu.memory_space<vmem>> -> memref<1x128x32xf32, #tpu.memory_space<vmem>>
        %dma_start3A_3351 = tpu.memref_squeeze %dma_start3A_3350 : memref<1x128x32xf32, #tpu.memory_space<vmem>> -> memref<128x32xf32, #tpu.memory_space<vmem>>
        %dma_start3A_3352 = arith.constant 0 : i32
        %dma_start3A_3353 = tpu.memref_slice %arg6[%add3A_3343, %dma_start3A_3352] : memref<200x128xi32, #tpu.memory_space<vmem>> -> memref<1x128xi32, #tpu.memory_space<vmem>>
        %dma_start3A_3354 = tpu.memref_squeeze %dma_start3A_3353 : memref<1x128xi32, #tpu.memory_space<vmem>> -> memref<128xi32, #tpu.memory_space<vmem>>
        %dma_start3A_3355 = arith.constant 0 : i32
        %dma_start3A_3356 = arith.constant 0 : i32
        %dma_start3A_3357 = tpu.memref_slice %arg3[%dma_start3A_3355, %dma_start3A_3356] : memref<1000000x32xf32, #tpu.memory_space<hbm>> -> memref<1000000x32xf32, #tpu.memory_space<hbm>>
        %dma_start3A_3358 = tpu.memref_slice %arg10[%rem3A_3347] : memref<4x!tpu.dma_semaphore, #tpu.memory_space<semaphore_mem>> -> memref<1x!tpu.dma_semaphore, #tpu.memory_space<semaphore_mem>>
        %dma_start3A_3359 = tpu.memref_squeeze %dma_start3A_3358 : memref<1x!tpu.dma_semaphore, #tpu.memory_space<semaphore_mem>> -> memref<!tpu.dma_semaphore, #tpu.memory_space<semaphore_mem>>
        tpu.enqueue_indirect_dma source(%dma_start3A_3357 : memref<1000000x32xf32, #tpu.memory_space<hbm>>) target(%dma_start3A_3351 : memref<128x32xf32, #tpu.memory_space<vmem>>) offsets(%dma_start3A_3354 : memref<128xi32, #tpu.memory_space<vmem>>) semaphore(%dma_start3A_3359 : memref<!tpu.dma_semaphore, #tpu.memory_space<semaphore_mem>>)
      } else {
      }
      %ge3A = arith.constant 4 : i32
      %ge3A_444 = arith.cmpi sge, %scan3A_422, %ge3A : i32
      %convert_element_type3A_445 = arith.extui %ge3A_444 : i1 to i32
      %cond3A_446 = arith.constant 0 : i32
      %cond3A_447 = arith.cmpi ne, %convert_element_type3A_445, %cond3A_446 : i32
      scf.if %cond3A_447 {
        %dma_wait3A_3342 = arith.constant 0 : i32
        %dma_wait3A_3343 = arith.constant 0 : i32
        %dma_wait3A_3344 = arith.constant 0 : i32
        %dma_wait3A_3345 = arith.constant 0 : i32
        %dma_wait3A_3346 = arith.constant 0 : i32
        %dma_wait3A_3347 = tpu.memref_slice %arg9[%rem3A_423, %dma_wait3A_3345, %dma_wait3A_3346] : memref<4x32x129xf32, #tpu.memory_space<vmem>> -> memref<1x8x128xf32, #tpu.memory_space<vmem>>
        %dma_wait3A_3348 = tpu.memref_squeeze %dma_wait3A_3347 : memref<1x8x128xf32, #tpu.memory_space<vmem>> -> memref<8x128xf32, #tpu.memory_space<vmem>>
        %dma_wait3A_3349 = arith.constant 0 : i32
        %dma_wait3A_3350 = arith.constant 0 : i32
        %dma_wait3A_3351 = tpu.memref_slice %arg5[%dma_wait3A_3342, %dma_wait3A_3343, %dma_wait3A_3344, %dma_wait3A_3349, %dma_wait3A_3350] : memref<200x4x32x8x128xf32, #tpu.memory_space<hbm>> -> memref<1x1x1x8x128xf32, #tpu.memory_space<hbm>>
        %dma_wait3A_3352 = tpu.memref_squeeze %dma_wait3A_3351 : memref<1x1x1x8x128xf32, #tpu.memory_space<hbm>> -> memref<8x128xf32, #tpu.memory_space<hbm>>
        %dma_wait3A_3353 = tpu.memref_slice %arg11[%rem3A_423] : memref<4x!tpu.dma_semaphore, #tpu.memory_space<semaphore_mem>> -> memref<1x!tpu.dma_semaphore, #tpu.memory_space<semaphore_mem>>
        %dma_wait3A_3354 = tpu.memref_squeeze %dma_wait3A_3353 : memref<1x!tpu.dma_semaphore, #tpu.memory_space<semaphore_mem>> -> memref<!tpu.dma_semaphore, #tpu.memory_space<semaphore_mem>>
        %dma_wait3A_3355 = arith.constant 0 : i32
        %dma_wait3A_3356 = arith.constant 0 : i32
        %dma_wait3A_3357 = tpu.memref_slice %arg5[%dma_wait3A_3342, %dma_wait3A_3343, %dma_wait3A_3344, %dma_wait3A_3355, %dma_wait3A_3356] : memref<200x4x32x8x128xf32, #tpu.memory_space<hbm>> -> memref<1x1x1x8x128xf32, #tpu.memory_space<hbm>>
        %dma_wait3A_3358 = tpu.memref_squeeze %dma_wait3A_3357 : memref<1x1x1x8x128xf32, #tpu.memory_space<hbm>> -> memref<8x128xf32, #tpu.memory_space<hbm>>
        %dma_wait3A_3359 = arith.constant 0 : i32
        %dma_wait3A_3360 = arith.constant 0 : i32
        %dma_wait3A_3361 = tpu.memref_slice %arg9[%rem3A_423, %dma_wait3A_3359, %dma_wait3A_3360] : memref<4x32x129xf32, #tpu.memory_space<vmem>> -> memref<1x8x128xf32, #tpu.memory_space<vmem>>
        %dma_wait3A_3362 = tpu.memref_squeeze %dma_wait3A_3361 : memref<1x8x128xf32, #tpu.memory_space<vmem>> -> memref<8x128xf32, #tpu.memory_space<vmem>>
        tpu.wait_dma2 semaphore(%dma_wait3A_3354 : memref<!tpu.dma_semaphore, #tpu.memory_space<semaphore_mem>>) src(%dma_wait3A_3362 : memref<8x128xf32, #tpu.memory_space<vmem>>) dst(%dma_wait3A_3358 : memref<8x128xf32, #tpu.memory_space<hbm>>)
        %dma_wait3A_3363 = arith.constant 0 : i32
        %dma_wait3A_3364 = arith.constant 0 : i32
        %dma_wait3A_3365 = arith.constant 0 : i32
        %dma_wait3A_3366 = arith.constant 8 : i32
        %dma_wait3A_3367 = arith.constant 0 : i32
        %dma_wait3A_3368 = tpu.memref_slice %arg9[%rem3A_423, %dma_wait3A_3366, %dma_wait3A_3367] : memref<4x32x129xf32, #tpu.memory_space<vmem>> -> memref<1x8x128xf32, #tpu.memory_space<vmem>>
        %dma_wait3A_3369 = tpu.memref_squeeze %dma_wait3A_3368 : memref<1x8x128xf32, #tpu.memory_space<vmem>> -> memref<8x128xf32, #tpu.memory_space<vmem>>
        %dma_wait3A_3370 = arith.constant 0 : i32
        %dma_wait3A_3371 = arith.constant 0 : i32
        %dma_wait3A_3372 = tpu.memref_slice %arg5[%dma_wait3A_3363, %dma_wait3A_3364, %dma_wait3A_3365, %dma_wait3A_3370, %dma_wait3A_3371] : memref<200x4x32x8x128xf32, #tpu.memory_space<hbm>> -> memref<1x1x1x8x128xf32, #tpu.memory_space<hbm>>
        %dma_wait3A_3373 = tpu.memref_squeeze %dma_wait3A_3372 : memref<1x1x1x8x128xf32, #tpu.memory_space<hbm>> -> memref<8x128xf32, #tpu.memory_space<hbm>>
        %dma_wait3A_3374 = tpu.memref_slice %arg11[%rem3A_423] : memref<4x!tpu.dma_semaphore, #tpu.memory_space<semaphore_mem>> -> memref<1x!tpu.dma_semaphore, #tpu.memory_space<semaphore_mem>>
        %dma_wait3A_3375 = tpu.memref_squeeze %dma_wait3A_3374 : memref<1x!tpu.dma_semaphore, #tpu.memory_space<semaphore_mem>> -> memref<!tpu.dma_semaphore, #tpu.memory_space<semaphore_mem>>
        %dma_wait3A_3376 = arith.constant 0 : i32
        %dma_wait3A_3377 = arith.constant 0 : i32
        %dma_wait3A_3378 = tpu.memref_slice %arg5[%dma_wait3A_3363, %dma_wait3A_3364, %dma_wait3A_3365, %dma_wait3A_3376, %dma_wait3A_3377] : memref<200x4x32x8x128xf32, #tpu.memory_space<hbm>> -> memref<1x1x1x8x128xf32, #tpu.memory_space<hbm>>
        %dma_wait3A_3379 = tpu.memref_squeeze %dma_wait3A_3378 : memref<1x1x1x8x128xf32, #tpu.memory_space<hbm>> -> memref<8x128xf32, #tpu.memory_space<hbm>>
        %dma_wait3A_3380 = arith.constant 8 : i32
        %dma_wait3A_3381 = arith.constant 0 : i32
        %dma_wait3A_3382 = tpu.memref_slice %arg9[%rem3A_423, %dma_wait3A_3380, %dma_wait3A_3381] : memref<4x32x129xf32, #tpu.memory_space<vmem>> -> memref<1x8x128xf32, #tpu.memory_space<vmem>>
        %dma_wait3A_3383 = tpu.memref_squeeze %dma_wait3A_3382 : memref<1x8x128xf32, #tpu.memory_space<vmem>> -> memref<8x128xf32, #tpu.memory_space<vmem>>
        tpu.wait_dma2 semaphore(%dma_wait3A_3375 : memref<!tpu.dma_semaphore, #tpu.memory_space<semaphore_mem>>) src(%dma_wait3A_3383 : memref<8x128xf32, #tpu.memory_space<vmem>>) dst(%dma_wait3A_3379 : memref<8x128xf32, #tpu.memory_space<hbm>>)
        %dma_wait3A_3384 = arith.constant 0 : i32
        %dma_wait3A_3385 = arith.constant 0 : i32
        %dma_wait3A_3386 = arith.constant 0 : i32
        %dma_wait3A_3387 = arith.constant 16 : i32
        %dma_wait3A_3388 = arith.constant 0 : i32
        %dma_wait3A_3389 = tpu.memref_slice %arg9[%rem3A_423, %dma_wait3A_3387, %dma_wait3A_3388] : memref<4x32x129xf32, #tpu.memory_space<vmem>> -> memref<1x8x128xf32, #tpu.memory_space<vmem>>
        %dma_wait3A_3390 = tpu.memref_squeeze %dma_wait3A_3389 : memref<1x8x128xf32, #tpu.memory_space<vmem>> -> memref<8x128xf32, #tpu.memory_space<vmem>>
        %dma_wait3A_3391 = arith.constant 0 : i32
        %dma_wait3A_3392 = arith.constant 0 : i32
        %dma_wait3A_3393 = tpu.memref_slice %arg5[%dma_wait3A_3384, %dma_wait3A_3385, %dma_wait3A_3386, %dma_wait3A_3391, %dma_wait3A_3392] : memref<200x4x32x8x128xf32, #tpu.memory_space<hbm>> -> memref<1x1x1x8x128xf32, #tpu.memory_space<hbm>>
        %dma_wait3A_3394 = tpu.memref_squeeze %dma_wait3A_3393 : memref<1x1x1x8x128xf32, #tpu.memory_space<hbm>> -> memref<8x128xf32, #tpu.memory_space<hbm>>
        %dma_wait3A_3395 = tpu.memref_slice %arg11[%rem3A_423] : memref<4x!tpu.dma_semaphore, #tpu.memory_space<semaphore_mem>> -> memref<1x!tpu.dma_semaphore, #tpu.memory_space<semaphore_mem>>
        %dma_wait3A_3396 = tpu.memref_squeeze %dma_wait3A_3395 : memref<1x!tpu.dma_semaphore, #tpu.memory_space<semaphore_mem>> -> memref<!tpu.dma_semaphore, #tpu.memory_space<semaphore_mem>>
        %dma_wait3A_3397 = arith.constant 0 : i32
        %dma_wait3A_3398 = arith.constant 0 : i32
        %dma_wait3A_3399 = tpu.memref_slice %arg5[%dma_wait3A_3384, %dma_wait3A_3385, %dma_wait3A_3386, %dma_wait3A_3397, %dma_wait3A_3398] : memref<200x4x32x8x128xf32, #tpu.memory_space<hbm>> -> memref<1x1x1x8x128xf32, #tpu.memory_space<hbm>>
        %dma_wait3A_3400 = tpu.memref_squeeze %dma_wait3A_3399 : memref<1x1x1x8x128xf32, #tpu.memory_space<hbm>> -> memref<8x128xf32, #tpu.memory_space<hbm>>
        %dma_wait3A_3401 = arith.constant 16 : i32
        %dma_wait3A_3402 = arith.constant 0 : i32
        %dma_wait3A_3403 = tpu.memref_slice %arg9[%rem3A_423, %dma_wait3A_3401, %dma_wait3A_3402] : memref<4x32x129xf32, #tpu.memory_space<vmem>> -> memref<1x8x128xf32, #tpu.memory_space<vmem>>
        %dma_wait3A_3404 = tpu.memref_squeeze %dma_wait3A_3403 : memref<1x8x128xf32, #tpu.memory_space<vmem>> -> memref<8x128xf32, #tpu.memory_space<vmem>>
        tpu.wait_dma2 semaphore(%dma_wait3A_3396 : memref<!tpu.dma_semaphore, #tpu.memory_space<semaphore_mem>>) src(%dma_wait3A_3404 : memref<8x128xf32, #tpu.memory_space<vmem>>) dst(%dma_wait3A_3400 : memref<8x128xf32, #tpu.memory_space<hbm>>)
        %dma_wait3A_3405 = arith.constant 0 : i32
        %dma_wait3A_3406 = arith.constant 0 : i32
        %dma_wait3A_3407 = arith.constant 0 : i32
        %dma_wait3A_3408 = arith.constant 24 : i32
        %dma_wait3A_3409 = arith.constant 0 : i32
        %dma_wait3A_3410 = tpu.memref_slice %arg9[%rem3A_423, %dma_wait3A_3408, %dma_wait3A_3409] : memref<4x32x129xf32, #tpu.memory_space<vmem>> -> memref<1x8x128xf32, #tpu.memory_space<vmem>>
        %dma_wait3A_3411 = tpu.memref_squeeze %dma_wait3A_3410 : memref<1x8x128xf32, #tpu.memory_space<vmem>> -> memref<8x128xf32, #tpu.memory_space<vmem>>
        %dma_wait3A_3412 = arith.constant 0 : i32
        %dma_wait3A_3413 = arith.constant 0 : i32
        %dma_wait3A_3414 = tpu.memref_slice %arg5[%dma_wait3A_3405, %dma_wait3A_3406, %dma_wait3A_3407, %dma_wait3A_3412, %dma_wait3A_3413] : memref<200x4x32x8x128xf32, #tpu.memory_space<hbm>> -> memref<1x1x1x8x128xf32, #tpu.memory_space<hbm>>
        %dma_wait3A_3415 = tpu.memref_squeeze %dma_wait3A_3414 : memref<1x1x1x8x128xf32, #tpu.memory_space<hbm>> -> memref<8x128xf32, #tpu.memory_space<hbm>>
        %dma_wait3A_3416 = tpu.memref_slice %arg11[%rem3A_423] : memref<4x!tpu.dma_semaphore, #tpu.memory_space<semaphore_mem>> -> memref<1x!tpu.dma_semaphore, #tpu.memory_space<semaphore_mem>>
        %dma_wait3A_3417 = tpu.memref_squeeze %dma_wait3A_3416 : memref<1x!tpu.dma_semaphore, #tpu.memory_space<semaphore_mem>> -> memref<!tpu.dma_semaphore, #tpu.memory_space<semaphore_mem>>
        %dma_wait3A_3418 = arith.constant 0 : i32
        %dma_wait3A_3419 = arith.constant 0 : i32
        %dma_wait3A_3420 = tpu.memref_slice %arg5[%dma_wait3A_3405, %dma_wait3A_3406, %dma_wait3A_3407, %dma_wait3A_3418, %dma_wait3A_3419] : memref<200x4x32x8x128xf32, #tpu.memory_space<hbm>> -> memref<1x1x1x8x128xf32, #tpu.memory_space<hbm>>
        %dma_wait3A_3421 = tpu.memref_squeeze %dma_wait3A_3420 : memref<1x1x1x8x128xf32, #tpu.memory_space<hbm>> -> memref<8x128xf32, #tpu.memory_space<hbm>>
        %dma_wait3A_3422 = arith.constant 24 : i32
        %dma_wait3A_3423 = arith.constant 0 : i32
        %dma_wait3A_3424 = tpu.memref_slice %arg9[%rem3A_423, %dma_wait3A_3422, %dma_wait3A_3423] : memref<4x32x129xf32, #tpu.memory_space<vmem>> -> memref<1x8x128xf32, #tpu.memory_space<vmem>>
        %dma_wait3A_3425 = tpu.memref_squeeze %dma_wait3A_3424 : memref<1x8x128xf32, #tpu.memory_space<vmem>> -> memref<8x128xf32, #tpu.memory_space<vmem>>
        tpu.wait_dma2 semaphore(%dma_wait3A_3417 : memref<!tpu.dma_semaphore, #tpu.memory_space<semaphore_mem>>) src(%dma_wait3A_3425 : memref<8x128xf32, #tpu.memory_space<vmem>>) dst(%dma_wait3A_3421 : memref<8x128xf32, #tpu.memory_space<hbm>>)
      } else {
      }
      %broadcast_in_dim3A = arith.constant 0 : i32
      %broadcast_in_dim3A_448 = vector.broadcast %broadcast_in_dim3A : i32 to vector<16xi32>
      %add3A_449 = vector.broadcast %scan3A_422 : i32 to vector<16xi32>
      %add3A_450 = arith.addi %broadcast_in_dim3A_448, %add3A_449 : vector<16xi32>
      %gather3A = tpu.vector_load_idx %arg7[%iota3A, %add3A_450] : memref<32x200xf32, #tpu.memory_space<vmem>>[vector<16xi32>, vector<16xi32>], vector<16xf32>,
      %gather3A_451 = tpu.vector_load_idx %arg7[%add3A_49, %add3A_450] : memref<32x200xf32, #tpu.memory_space<vmem>>[vector<16xi32>, vector<16xi32>], vector<16xf32>,
      %get3A = arith.constant 0 : i32
      %get3A_452 = arith.index_cast %rem3A_423 : i32 to index
      %get3A_453 = arith.index_cast %get3A : i32 to index
      %get3A_454 = arith.constant 0 : index
      %get3A_455 = tpu.vector_load %arg8[%get3A_452, %get3A_453, %get3A_454] {strides = array<i32>} : memref<4x128x32xf32, #tpu.memory_space<vmem>>, vector<16xf32>,
      %get3A_456 = arith.constant 0 : i32
      %get3A_457 = arith.index_cast %rem3A_423 : i32 to index
      %get3A_458 = arith.index_cast %get3A_456 : i32 to index
      %get3A_459 = arith.constant 16 : index
      %get3A_460 = tpu.vector_load %arg8[%get3A_457, %get3A_458, %get3A_459] {strides = array<i32>} : memref<4x128x32xf32, #tpu.memory_space<vmem>>, vector<16xf32>,
      %get3A_461 = arith.constant 1 : i32
      %get3A_462 = arith.index_cast %rem3A_423 : i32 to index
      %get3A_463 = arith.index_cast %get3A_461 : i32 to index
      %get3A_464 = arith.constant 0 : index
      %get3A_465 = tpu.vector_load %arg8[%get3A_462, %get3A_463, %get3A_464] {strides = array<i32>} : memref<4x128x32xf32, #tpu.memory_space<vmem>>, vector<16xf32>,
      %get3A_466 = arith.constant 1 : i32
      %get3A_467 = arith.index_cast %rem3A_423 : i32 to index
      %get3A_468 = arith.index_cast %get3A_466 : i32 to index
      %get3A_469 = arith.constant 16 : index
      %get3A_470 = tpu.vector_load %arg8[%get3A_467, %get3A_468, %get3A_469] {strides = array<i32>} : memref<4x128x32xf32, #tpu.memory_space<vmem>>, vector<16xf32>,
      %get3A_471 = arith.constant 2 : i32
      %get3A_472 = arith.index_cast %rem3A_423 : i32 to index
      %get3A_473 = arith.index_cast %get3A_471 : i32 to index
      %get3A_474 = arith.constant 0 : index
      %get3A_475 = tpu.vector_load %arg8[%get3A_472, %get3A_473, %get3A_474] {strides = array<i32>} : memref<4x128x32xf32, #tpu.memory_space<vmem>>, vector<16xf32>,
      %get3A_476 = arith.constant 2 : i32
      %get3A_477 = arith.index_cast %rem3A_423 : i32 to index
      %get3A_478 = arith.index_cast %get3A_476 : i32 to index
      %get3A_479 = arith.constant 16 : index
      %get3A_480 = tpu.vector_load %arg8[%get3A_477, %get3A_478, %get3A_479] {strides = array<i32>} : memref<4x128x32xf32, #tpu.memory_space<vmem>>, vector<16xf32>,
      %get3A_481 = arith.constant 3 : i32
      %get3A_482 = arith.index_cast %rem3A_423 : i32 to index
      %get3A_483 = arith.index_cast %get3A_481 : i32 to index
      %get3A_484 = arith.constant 0 : index
      %get3A_485 = tpu.vector_load %arg8[%get3A_482, %get3A_483, %get3A_484] {strides = array<i32>} : memref<4x128x32xf32, #tpu.memory_space<vmem>>, vector<16xf32>,
      %get3A_486 = arith.constant 3 : i32
      %get3A_487 = arith.index_cast %rem3A_423 : i32 to index
      %get3A_488 = arith.index_cast %get3A_486 : i32 to index
      %get3A_489 = arith.constant 16 : index
      %get3A_490 = tpu.vector_load %arg8[%get3A_487, %get3A_488, %get3A_489] {strides = array<i32>} : memref<4x128x32xf32, #tpu.memory_space<vmem>>, vector<16xf32>,
      %get3A_491 = arith.constant 4 : i32
      %get3A_492 = arith.index_cast %rem3A_423 : i32 to index
      %get3A_493 = arith.index_cast %get3A_491 : i32 to index
      %get3A_494 = arith.constant 0 : index
      %get3A_495 = tpu.vector_load %arg8[%get3A_492, %get3A_493, %get3A_494] {strides = array<i32>} : memref<4x128x32xf32, #tpu.memory_space<vmem>>, vector<16xf32>,
      %get3A_496 = arith.constant 4 : i32
      %get3A_497 = arith.index_cast %rem3A_423 : i32 to index
      %get3A_498 = arith.index_cast %get3A_496 : i32 to index
      %get3A_499 = arith.constant 16 : index
      %get3A_500 = tpu.vector_load %arg8[%get3A_497, %get3A_498, %get3A_499] {strides = array<i32>} : memref<4x128x32xf32, #tpu.memory_space<vmem>>, vector<16xf32>,
      %get3A_501 = arith.constant 5 : i32
      %get3A_502 = arith.index_cast %rem3A_423 : i32 to index
      %get3A_503 = arith.index_cast %get3A_501 : i32 to index
      %get3A_504 = arith.constant 0 : index
      %get3A_505 = tpu.vector_load %arg8[%get3A_502, %get3A_503, %get3A_504] {strides = array<i32>} : memref<4x128x32xf32, #tpu.memory_space<vmem>>, vector<16xf32>,
      %get3A_506 = arith.constant 5 : i32
      %get3A_507 = arith.index_cast %rem3A_423 : i32 to index
      %get3A_508 = arith.index_cast %get3A_506 : i32 to index
      %get3A_509 = arith.constant 16 : index
      %get3A_510 = tpu.vector_load %arg8[%get3A_507, %get3A_508, %get3A_509] {strides = array<i32>} : memref<4x128x32xf32, #tpu.memory_space<vmem>>, vector<16xf32>,
      %get3A_511 = arith.constant 6 : i32
      %get3A_512 = arith.index_cast %rem3A_423 : i32 to index
      %get3A_513 = arith.index_cast %get3A_511 : i32 to index
      %get3A_514 = arith.constant 0 : index
      %get3A_515 = tpu.vector_load %arg8[%get3A_512, %get3A_513, %get3A_514] {strides = array<i32>} : memref<4x128x32xf32, #tpu.memory_space<vmem>>, vector<16xf32>,
      %get3A_516 = arith.constant 6 : i32
      %get3A_517 = arith.index_cast %rem3A_423 : i32 to index
      %get3A_518 = arith.index_cast %get3A_516 : i32 to index
      %get3A_519 = arith.constant 16 : index
      %get3A_520 = tpu.vector_load %arg8[%get3A_517, %get3A_518, %get3A_519] {strides = array<i32>} : memref<4x128x32xf32, #tpu.memory_space<vmem>>, vector<16xf32>,
      %get3A_521 = arith.constant 7 : i32
      %get3A_522 = arith.index_cast %rem3A_423 : i32 to index
      %get3A_523 = arith.index_cast %get3A_521 : i32 to index
      %get3A_524 = arith.constant 0 : index
      %get3A_525 = tpu.vector_load %arg8[%get3A_522, %get3A_523, %get3A_524] {strides = array<i32>} : memref<4x128x32xf32, #tpu.memory_space<vmem>>, vector<16xf32>,
      %get3A_526 = arith.constant 7 : i32
      %get3A_527 = arith.index_cast %rem3A_423 : i32 to index
      %get3A_528 = arith.index_cast %get3A_526 : i32 to index
      %get3A_529 = arith.constant 16 : index
      %get3A_530 = tpu.vector_load %arg8[%get3A_527, %get3A_528, %get3A_529] {strides = array<i32>} : memref<4x128x32xf32, #tpu.memory_space<vmem>>, vector<16xf32>,
      %broadcast_in_dim3A_531 = arith.constant 0 : i32
      %broadcast_in_dim3A_532 = vector.broadcast %broadcast_in_dim3A_531 : i32 to vector<16xi32>
      %add3A_533 = arith.addf %get3A_455, %gather3A : vector<16xf32>
      %scatter3A = arith.constant 0 : i32
      %scatter3A_534 = arith.constant 0 : i32
      %scatter3A_535 = tpu.memref_slice %arg9[%rem3A_423, %scatter3A, %scatter3A_534] : memref<4x32x129xf32, #tpu.memory_space<vmem>> -> memref<1x32x129xf32, #tpu.memory_space<vmem>>
      %scatter3A_536 = tpu.memref_squeeze %scatter3A_535 : memref<1x32x129xf32, #tpu.memory_space<vmem>> -> memref<32x129xf32, #tpu.memory_space<vmem>>
      tpu.vector_store_idx %scatter3A_536[%iota3A, %broadcast_in_dim3A_532], %add3A_533 : memref<32x129xf32, #tpu.memory_space<vmem>>[vector<16xi32>, vector<16xi32>], vector<16xf32>,
      %add3A_537 = arith.addf %get3A_460, %gather3A_451 : vector<16xf32>
      %scatter3A_538 = arith.constant 0 : i32
      %scatter3A_539 = arith.constant 0 : i32
      %scatter3A_540 = tpu.memref_slice %arg9[%rem3A_423, %scatter3A_538, %scatter3A_539] : memref<4x32x129xf32, #tpu.memory_space<vmem>> -> memref<1x32x129xf32, #tpu.memory_space<vmem>>
      %scatter3A_541 = tpu.memref_squeeze %scatter3A_540 : memref<1x32x129xf32, #tpu.memory_space<vmem>> -> memref<32x129xf32, #tpu.memory_space<vmem>>
      tpu.vector_store_idx %scatter3A_541[%add3A_49, %broadcast_in_dim3A_532], %add3A_537 : memref<32x129xf32, #tpu.memory_space<vmem>>[vector<16xi32>, vector<16xi32>], vector<16xf32>,
      %broadcast_in_dim3A_542 = arith.constant 1 : i32
      %broadcast_in_dim3A_543 = vector.broadcast %broadcast_in_dim3A_542 : i32 to vector<16xi32>
      %add3A_544 = arith.addf %get3A_465, %gather3A : vector<16xf32>
      %scatter3A_545 = arith.constant 0 : i32
      %scatter3A_546 = arith.constant 0 : i32
      %scatter3A_547 = tpu.memref_slice %arg9[%rem3A_423, %scatter3A_545, %scatter3A_546] : memref<4x32x129xf32, #tpu.memory_space<vmem>> -> memref<1x32x129xf32, #tpu.memory_space<vmem>>
      %scatter3A_548 = tpu.memref_squeeze %scatter3A_547 : memref<1x32x129xf32, #tpu.memory_space<vmem>> -> memref<32x129xf32, #tpu.memory_space<vmem>>
      tpu.vector_store_idx %scatter3A_548[%iota3A, %broadcast_in_dim3A_543], %add3A_544 : memref<32x129xf32, #tpu.memory_space<vmem>>[vector<16xi32>, vector<16xi32>], vector<16xf32>,
      %add3A_549 = arith.addf %get3A_470, %gather3A_451 : vector<16xf32>
      %scatter3A_550 = arith.constant 0 : i32
      %scatter3A_551 = arith.constant 0 : i32
      %scatter3A_552 = tpu.memref_slice %arg9[%rem3A_423, %scatter3A_550, %scatter3A_551] : memref<4x32x129xf32, #tpu.memory_space<vmem>> -> memref<1x32x129xf32, #tpu.memory_space<vmem>>
      %scatter3A_553 = tpu.memref_squeeze %scatter3A_552 : memref<1x32x129xf32, #tpu.memory_space<vmem>> -> memref<32x129xf32, #tpu.memory_space<vmem>>
      tpu.vector_store_idx %scatter3A_553[%add3A_49, %broadcast_in_dim3A_543], %add3A_549 : memref<32x129xf32, #tpu.memory_space<vmem>>[vector<16xi32>, vector<16xi32>], vector<16xf32>,
      %broadcast_in_dim3A_554 = arith.constant 2 : i32
      %broadcast_in_dim3A_555 = vector.broadcast %broadcast_in_dim3A_554 : i32 to vector<16xi32>
      %add3A_556 = arith.addf %get3A_475, %gather3A : vector<16xf32>
      %scatter3A_557 = arith.constant 0 : i32
      %scatter3A_558 = arith.constant 0 : i32
      %scatter3A_559 = tpu.memref_slice %arg9[%rem3A_423, %scatter3A_557, %scatter3A_558] : memref<4x32x129xf32, #tpu.memory_space<vmem>> -> memref<1x32x129xf32, #tpu.memory_space<vmem>>
      %scatter3A_560 = tpu.memref_squeeze %scatter3A_559 : memref<1x32x129xf32, #tpu.memory_space<vmem>> -> memref<32x129xf32, #tpu.memory_space<vmem>>
      tpu.vector_store_idx %scatter3A_560[%iota3A, %broadcast_in_dim3A_555], %add3A_556 : memref<32x129xf32, #tpu.memory_space<vmem>>[vector<16xi32>, vector<16xi32>], vector<16xf32>,
      %add3A_561 = arith.addf %get3A_480, %gather3A_451 : vector<16xf32>
      %scatter3A_562 = arith.constant 0 : i32
      %scatter3A_563 = arith.constant 0 : i32
      %scatter3A_564 = tpu.memref_slice %arg9[%rem3A_423, %scatter3A_562, %scatter3A_563] : memref<4x32x129xf32, #tpu.memory_space<vmem>> -> memref<1x32x129xf32, #tpu.memory_space<vmem>>
      %scatter3A_565 = tpu.memref_squeeze %scatter3A_564 : memref<1x32x129xf32, #tpu.memory_space<vmem>> -> memref<32x129xf32, #tpu.memory_space<vmem>>
      tpu.vector_store_idx %scatter3A_565[%add3A_49, %broadcast_in_dim3A_555], %add3A_561 : memref<32x129xf32, #tpu.memory_space<vmem>>[vector<16xi32>, vector<16xi32>], vector<16xf32>,
      %broadcast_in_dim3A_566 = arith.constant 3 : i32
      %broadcast_in_dim3A_567 = vector.broadcast %broadcast_in_dim3A_566 : i32 to vector<16xi32>
      %add3A_568 = arith.addf %get3A_485, %gather3A : vector<16xf32>
      %scatter3A_569 = arith.constant 0 : i32
      %scatter3A_570 = arith.constant 0 : i32
      %scatter3A_571 = tpu.memref_slice %arg9[%rem3A_423, %scatter3A_569, %scatter3A_570] : memref<4x32x129xf32, #tpu.memory_space<vmem>> -> memref<1x32x129xf32, #tpu.memory_space<vmem>>
      %scatter3A_572 = tpu.memref_squeeze %scatter3A_571 : memref<1x32x129xf32, #tpu.memory_space<vmem>> -> memref<32x129xf32, #tpu.memory_space<vmem>>
      tpu.vector_store_idx %scatter3A_572[%iota3A, %broadcast_in_dim3A_567], %add3A_568 : memref<32x129xf32, #tpu.memory_space<vmem>>[vector<16xi32>, vector<16xi32>], vector<16xf32>,
      %add3A_573 = arith.addf %get3A_490, %gather3A_451 : vector<16xf32>
      %scatter3A_574 = arith.constant 0 : i32
      %scatter3A_575 = arith.constant 0 : i32
      %scatter3A_576 = tpu.memref_slice %arg9[%rem3A_423, %scatter3A_574, %scatter3A_575] : memref<4x32x129xf32, #tpu.memory_space<vmem>> -> memref<1x32x129xf32, #tpu.memory_space<vmem>>
      %scatter3A_577 = tpu.memref_squeeze %scatter3A_576 : memref<1x32x129xf32, #tpu.memory_space<vmem>> -> memref<32x129xf32, #tpu.memory_space<vmem>>
      tpu.vector_store_idx %scatter3A_577[%add3A_49, %broadcast_in_dim3A_567], %add3A_573 : memref<32x129xf32, #tpu.memory_space<vmem>>[vector<16xi32>, vector<16xi32>], vector<16xf32>,
      %broadcast_in_dim3A_578 = arith.constant 4 : i32
      %broadcast_in_dim3A_579 = vector.broadcast %broadcast_in_dim3A_578 : i32 to vector<16xi32>
      %add3A_580 = arith.addf %get3A_495, %gather3A : vector<16xf32>
      %scatter3A_581 = arith.constant 0 : i32
      %scatter3A_582 = arith.constant 0 : i32
      %scatter3A_583 = tpu.memref_slice %arg9[%rem3A_423, %scatter3A_581, %scatter3A_582] : memref<4x32x129xf32, #tpu.memory_space<vmem>> -> memref<1x32x129xf32, #tpu.memory_space<vmem>>
      %scatter3A_584 = tpu.memref_squeeze %scatter3A_583 : memref<1x32x129xf32, #tpu.memory_space<vmem>> -> memref<32x129xf32, #tpu.memory_space<vmem>>
      tpu.vector_store_idx %scatter3A_584[%iota3A, %broadcast_in_dim3A_579], %add3A_580 : memref<32x129xf32, #tpu.memory_space<vmem>>[vector<16xi32>, vector<16xi32>], vector<16xf32>,
      %add3A_585 = arith.addf %get3A_500, %gather3A_451 : vector<16xf32>
      %scatter3A_586 = arith.constant 0 : i32
      %scatter3A_587 = arith.constant 0 : i32
      %scatter3A_588 = tpu.memref_slice %arg9[%rem3A_423, %scatter3A_586, %scatter3A_587] : memref<4x32x129xf32, #tpu.memory_space<vmem>> -> memref<1x32x129xf32, #tpu.memory_space<vmem>>
      %scatter3A_589 = tpu.memref_squeeze %scatter3A_588 : memref<1x32x129xf32, #tpu.memory_space<vmem>> -> memref<32x129xf32, #tpu.memory_space<vmem>>
      tpu.vector_store_idx %scatter3A_589[%add3A_49, %broadcast_in_dim3A_579], %add3A_585 : memref<32x129xf32, #tpu.memory_space<vmem>>[vector<16xi32>, vector<16xi32>], vector<16xf32>,
      %broadcast_in_dim3A_590 = arith.constant 5 : i32
      %broadcast_in_dim3A_591 = vector.broadcast %broadcast_in_dim3A_590 : i32 to vector<16xi32>
      %add3A_592 = arith.addf %get3A_505, %gather3A : vector<16xf32>
      %scatter3A_593 = arith.constant 0 : i32
      %scatter3A_594 = arith.constant 0 : i32
      %scatter3A_595 = tpu.memref_slice %arg9[%rem3A_423, %scatter3A_593, %scatter3A_594] : memref<4x32x129xf32, #tpu.memory_space<vmem>> -> memref<1x32x129xf32, #tpu.memory_space<vmem>>
      %scatter3A_596 = tpu.memref_squeeze %scatter3A_595 : memref<1x32x129xf32, #tpu.memory_space<vmem>> -> memref<32x129xf32, #tpu.memory_space<vmem>>
      tpu.vector_store_idx %scatter3A_596[%iota3A, %broadcast_in_dim3A_591], %add3A_592 : memref<32x129xf32, #tpu.memory_space<vmem>>[vector<16xi32>, vector<16xi32>], vector<16xf32>,
      %add3A_597 = arith.addf %get3A_510, %gather3A_451 : vector<16xf32>
      %scatter3A_598 = arith.constant 0 : i32
      %scatter3A_599 = arith.constant 0 : i32
      %scatter3A_600 = tpu.memref_slice %arg9[%rem3A_423, %scatter3A_598, %scatter3A_599] : memref<4x32x129xf32, #tpu.memory_space<vmem>> -> memref<1x32x129xf32, #tpu.memory_space<vmem>>
      %scatter3A_601 = tpu.memref_squeeze %scatter3A_600 : memref<1x32x129xf32, #tpu.memory_space<vmem>> -> memref<32x129xf32, #tpu.memory_space<vmem>>
      tpu.vector_store_idx %scatter3A_601[%add3A_49, %broadcast_in_dim3A_591], %add3A_597 : memref<32x129xf32, #tpu.memory_space<vmem>>[vector<16xi32>, vector<16xi32>], vector<16xf32>,
      %broadcast_in_dim3A_602 = arith.constant 6 : i32
      %broadcast_in_dim3A_603 = vector.broadcast %broadcast_in_dim3A_602 : i32 to vector<16xi32>
      %add3A_604 = arith.addf %get3A_515, %gather3A : vector<16xf32>
      %scatter3A_605 = arith.constant 0 : i32
      %scatter3A_606 = arith.constant 0 : i32
      %scatter3A_607 = tpu.memref_slice %arg9[%rem3A_423, %scatter3A_605, %scatter3A_606] : memref<4x32x129xf32, #tpu.memory_space<vmem>> -> memref<1x32x129xf32, #tpu.memory_space<vmem>>
      %scatter3A_608 = tpu.memref_squeeze %scatter3A_607 : memref<1x32x129xf32, #tpu.memory_space<vmem>> -> memref<32x129xf32, #tpu.memory_space<vmem>>
      tpu.vector_store_idx %scatter3A_608[%iota3A, %broadcast_in_dim3A_603], %add3A_604 : memref<32x129xf32, #tpu.memory_space<vmem>>[vector<16xi32>, vector<16xi32>], vector<16xf32>,
      %add3A_609 = arith.addf %get3A_520, %gather3A_451 : vector<16xf32>
      %scatter3A_610 = arith.constant 0 : i32
      %scatter3A_611 = arith.constant 0 : i32
      %scatter3A_612 = tpu.memref_slice %arg9[%rem3A_423, %scatter3A_610, %scatter3A_611] : memref<4x32x129xf32, #tpu.memory_space<vmem>> -> memref<1x32x129xf32, #tpu.memory_space<vmem>>
      %scatter3A_613 = tpu.memref_squeeze %scatter3A_612 : memref<1x32x129xf32, #tpu.memory_space<vmem>> -> memref<32x129xf32, #tpu.memory_space<vmem>>
      tpu.vector_store_idx %scatter3A_613[%add3A_49, %broadcast_in_dim3A_603], %add3A_609 : memref<32x129xf32, #tpu.memory_space<vmem>>[vector<16xi32>, vector<16xi32>], vector<16xf32>,
      %broadcast_in_dim3A_614 = arith.constant 7 : i32
      %broadcast_in_dim3A_615 = vector.broadcast %broadcast_in_dim3A_614 : i32 to vector<16xi32>
      %add3A_616 = arith.addf %get3A_525, %gather3A : vector<16xf32>
      %scatter3A_617 = arith.constant 0 : i32
      %scatter3A_618 = arith.constant 0 : i32
      %scatter3A_619 = tpu.memref_slice %arg9[%rem3A_423, %scatter3A_617, %scatter3A_618] : memref<4x32x129xf32, #tpu.memory_space<vmem>> -> memref<1x32x129xf32, #tpu.memory_space<vmem>>
      %scatter3A_620 = tpu.memref_squeeze %scatter3A_619 : memref<1x32x129xf32, #tpu.memory_space<vmem>> -> memref<32x129xf32, #tpu.memory_space<vmem>>
      tpu.vector_store_idx %scatter3A_620[%iota3A, %broadcast_in_dim3A_615], %add3A_616 : memref<32x129xf32, #tpu.memory_space<vmem>>[vector<16xi32>, vector<16xi32>], vector<16xf32>,
      %add3A_621 = arith.addf %get3A_530, %gather3A_451 : vector<16xf32>
      %scatter3A_622 = arith.constant 0 : i32
      %scatter3A_623 = arith.constant 0 : i32
      %scatter3A_624 = tpu.memref_slice %arg9[%rem3A_423, %scatter3A_622, %scatter3A_623] : memref<4x32x129xf32, #tpu.memory_space<vmem>> -> memref<1x32x129xf32, #tpu.memory_space<vmem>>
      %scatter3A_625 = tpu.memref_squeeze %scatter3A_624 : memref<1x32x129xf32, #tpu.memory_space<vmem>> -> memref<32x129xf32, #tpu.memory_space<vmem>>
      tpu.vector_store_idx %scatter3A_625[%add3A_49, %broadcast_in_dim3A_615], %add3A_621 : memref<32x129xf32, #tpu.memory_space<vmem>>[vector<16xi32>, vector<16xi32>], vector<16xf32>,
      %get3A_626 = arith.constant 8 : i32
      %get3A_627 = arith.index_cast %rem3A_423 : i32 to index
      %get3A_628 = arith.index_cast %get3A_626 : i32 to index
      %get3A_629 = arith.constant 0 : index
      %get3A_630 = tpu.vector_load %arg8[%get3A_627, %get3A_628, %get3A_629] {strides = array<i32>} : memref<4x128x32xf32, #tpu.memory_space<vmem>>, vector<16xf32>,
      %get3A_631 = arith.constant 8 : i32
      %get3A_632 = arith.index_cast %rem3A_423 : i32 to index
      %get3A_633 = arith.index_cast %get3A_631 : i32 to index
      %get3A_634 = arith.constant 16 : index
      %get3A_635 = tpu.vector_load %arg8[%get3A_632, %get3A_633, %get3A_634] {strides = array<i32>} : memref<4x128x32xf32, #tpu.memory_space<vmem>>, vector<16xf32>,
      %get3A_636 = arith.constant 9 : i32
      %get3A_637 = arith.index_cast %rem3A_423 : i32 to index
      %get3A_638 = arith.index_cast %get3A_636 : i32 to index
      %get3A_639 = arith.constant 0 : index
      %get3A_640 = tpu.vector_load %arg8[%get3A_637, %get3A_638, %get3A_639] {strides = array<i32>} : memref<4x128x32xf32, #tpu.memory_space<vmem>>, vector<16xf32>,
      %get3A_641 = arith.constant 9 : i32
      %get3A_642 = arith.index_cast %rem3A_423 : i32 to index
      %get3A_643 = arith.index_cast %get3A_641 : i32 to index
      %get3A_644 = arith.constant 16 : index
      %get3A_645 = tpu.vector_load %arg8[%get3A_642, %get3A_643, %get3A_644] {strides = array<i32>} : memref<4x128x32xf32, #tpu.memory_space<vmem>>, vector<16xf32>,
      %get3A_646 = arith.constant 10 : i32
      %get3A_647 = arith.index_cast %rem3A_423 : i32 to index
      %get3A_648 = arith.index_cast %get3A_646 : i32 to index
      %get3A_649 = arith.constant 0 : index
      %get3A_650 = tpu.vector_load %arg8[%get3A_647, %get3A_648, %get3A_649] {strides = array<i32>} : memref<4x128x32xf32, #tpu.memory_space<vmem>>, vector<16xf32>,
      %get3A_651 = arith.constant 10 : i32
      %get3A_652 = arith.index_cast %rem3A_423 : i32 to index
      %get3A_653 = arith.index_cast %get3A_651 : i32 to index
      %get3A_654 = arith.constant 16 : index
      %get3A_655 = tpu.vector_load %arg8[%get3A_652, %get3A_653, %get3A_654] {strides = array<i32>} : memref<4x128x32xf32, #tpu.memory_space<vmem>>, vector<16xf32>,
      %get3A_656 = arith.constant 11 : i32
      %get3A_657 = arith.index_cast %rem3A_423 : i32 to index
      %get3A_658 = arith.index_cast %get3A_656 : i32 to index
      %get3A_659 = arith.constant 0 : index
      %get3A_660 = tpu.vector_load %arg8[%get3A_657, %get3A_658, %get3A_659] {strides = array<i32>} : memref<4x128x32xf32, #tpu.memory_space<vmem>>, vector<16xf32>,
      %get3A_661 = arith.constant 11 : i32
      %get3A_662 = arith.index_cast %rem3A_423 : i32 to index
      %get3A_663 = arith.index_cast %get3A_661 : i32 to index
      %get3A_664 = arith.constant 16 : index
      %get3A_665 = tpu.vector_load %arg8[%get3A_662, %get3A_663, %get3A_664] {strides = array<i32>} : memref<4x128x32xf32, #tpu.memory_space<vmem>>, vector<16xf32>,
      %get3A_666 = arith.constant 12 : i32
      %get3A_667 = arith.index_cast %rem3A_423 : i32 to index
      %get3A_668 = arith.index_cast %get3A_666 : i32 to index
      %get3A_669 = arith.constant 0 : index
      %get3A_670 = tpu.vector_load %arg8[%get3A_667, %get3A_668, %get3A_669] {strides = array<i32>} : memref<4x128x32xf32, #tpu.memory_space<vmem>>, vector<16xf32>,
      %get3A_671 = arith.constant 12 : i32
      %get3A_672 = arith.index_cast %rem3A_423 : i32 to index
      %get3A_673 = arith.index_cast %get3A_671 : i32 to index
      %get3A_674 = arith.constant 16 : index
      %get3A_675 = tpu.vector_load %arg8[%get3A_672, %get3A_673, %get3A_674] {strides = array<i32>} : memref<4x128x32xf32, #tpu.memory_space<vmem>>, vector<16xf32>,
      %get3A_676 = arith.constant 13 : i32
      %get3A_677 = arith.index_cast %rem3A_423 : i32 to index
      %get3A_678 = arith.index_cast %get3A_676 : i32 to index
      %get3A_679 = arith.constant 0 : index
      %get3A_680 = tpu.vector_load %arg8[%get3A_677, %get3A_678, %get3A_679] {strides = array<i32>} : memref<4x128x32xf32, #tpu.memory_space<vmem>>, vector<16xf32>,
      %get3A_681 = arith.constant 13 : i32
      %get3A_682 = arith.index_cast %rem3A_423 : i32 to index
      %get3A_683 = arith.index_cast %get3A_681 : i32 to index
      %get3A_684 = arith.constant 16 : index
      %get3A_685 = tpu.vector_load %arg8[%get3A_682, %get3A_683, %get3A_684] {strides = array<i32>} : memref<4x128x32xf32, #tpu.memory_space<vmem>>, vector<16xf32>,
      %get3A_686 = arith.constant 14 : i32
      %get3A_687 = arith.index_cast %rem3A_423 : i32 to index
      %get3A_688 = arith.index_cast %get3A_686 : i32 to index
      %get3A_689 = arith.constant 0 : index
      %get3A_690 = tpu.vector_load %arg8[%get3A_687, %get3A_688, %get3A_689] {strides = array<i32>} : memref<4x128x32xf32, #tpu.memory_space<vmem>>, vector<16xf32>,
      %get3A_691 = arith.constant 14 : i32
      %get3A_692 = arith.index_cast %rem3A_423 : i32 to index
      %get3A_693 = arith.index_cast %get3A_691 : i32 to index
      %get3A_694 = arith.constant 16 : index
      %get3A_695 = tpu.vector_load %arg8[%get3A_692, %get3A_693, %get3A_694] {strides = array<i32>} : memref<4x128x32xf32, #tpu.memory_space<vmem>>, vector<16xf32>,
      %get3A_696 = arith.constant 15 : i32
      %get3A_697 = arith.index_cast %rem3A_423 : i32 to index
      %get3A_698 = arith.index_cast %get3A_696 : i32 to index
      %get3A_699 = arith.constant 0 : index
      %get3A_700 = tpu.vector_load %arg8[%get3A_697, %get3A_698, %get3A_699] {strides = array<i32>} : memref<4x128x32xf32, #tpu.memory_space<vmem>>, vector<16xf32>,
      %get3A_701 = arith.constant 15 : i32
      %get3A_702 = arith.index_cast %rem3A_423 : i32 to index
      %get3A_703 = arith.index_cast %get3A_701 : i32 to index
      %get3A_704 = arith.constant 16 : index
      %get3A_705 = tpu.vector_load %arg8[%get3A_702, %get3A_703, %get3A_704] {strides = array<i32>} : memref<4x128x32xf32, #tpu.memory_space<vmem>>, vector<16xf32>,
      %broadcast_in_dim3A_706 = arith.constant 8 : i32
      %broadcast_in_dim3A_707 = vector.broadcast %broadcast_in_dim3A_706 : i32 to vector<16xi32>
      %add3A_708 = arith.addf %get3A_630, %gather3A : vector<16xf32>
      %scatter3A_709 = arith.constant 0 : i32
      %scatter3A_710 = arith.constant 0 : i32
      %scatter3A_711 = tpu.memref_slice %arg9[%rem3A_423, %scatter3A_709, %scatter3A_710] : memref<4x32x129xf32, #tpu.memory_space<vmem>> -> memref<1x32x129xf32, #tpu.memory_space<vmem>>
      %scatter3A_712 = tpu.memref_squeeze %scatter3A_711 : memref<1x32x129xf32, #tpu.memory_space<vmem>> -> memref<32x129xf32, #tpu.memory_space<vmem>>
      tpu.vector_store_idx %scatter3A_712[%iota3A, %broadcast_in_dim3A_707], %add3A_708 : memref<32x129xf32, #tpu.memory_space<vmem>>[vector<16xi32>, vector<16xi32>], vector<16xf32>,
      %add3A_713 = arith.addf %get3A_635, %gather3A_451 : vector<16xf32>
      %scatter3A_714 = arith.constant 0 : i32
      %scatter3A_715 = arith.constant 0 : i32
      %scatter3A_716 = tpu.memref_slice %arg9[%rem3A_423, %scatter3A_714, %scatter3A_715] : memref<4x32x129xf32, #tpu.memory_space<vmem>> -> memref<1x32x129xf32, #tpu.memory_space<vmem>>
      %scatter3A_717 = tpu.memref_squeeze %scatter3A_716 : memref<1x32x129xf32, #tpu.memory_space<vmem>> -> memref<32x129xf32, #tpu.memory_space<vmem>>
      tpu.vector_store_idx %scatter3A_717[%add3A_49, %broadcast_in_dim3A_707], %add3A_713 : memref<32x129xf32, #tpu.memory_space<vmem>>[vector<16xi32>, vector<16xi32>], vector<16xf32>,
      %broadcast_in_dim3A_718 = arith.constant 9 : i32
      %broadcast_in_dim3A_719 = vector.broadcast %broadcast_in_dim3A_718 : i32 to vector<16xi32>
      %add3A_720 = arith.addf %get3A_640, %gather3A : vector<16xf32>
      %scatter3A_721 = arith.constant 0 : i32
      %scatter3A_722 = arith.constant 0 : i32
      %scatter3A_723 = tpu.memref_slice %arg9[%rem3A_423, %scatter3A_721, %scatter3A_722] : memref<4x32x129xf32, #tpu.memory_space<vmem>> -> memref<1x32x129xf32, #tpu.memory_space<vmem>>
      %scatter3A_724 = tpu.memref_squeeze %scatter3A_723 : memref<1x32x129xf32, #tpu.memory_space<vmem>> -> memref<32x129xf32, #tpu.memory_space<vmem>>
      tpu.vector_store_idx %scatter3A_724[%iota3A, %broadcast_in_dim3A_719], %add3A_720 : memref<32x129xf32, #tpu.memory_space<vmem>>[vector<16xi32>, vector<16xi32>], vector<16xf32>,
      %add3A_725 = arith.addf %get3A_645, %gather3A_451 : vector<16xf32>
      %scatter3A_726 = arith.constant 0 : i32
      %scatter3A_727 = arith.constant 0 : i32
      %scatter3A_728 = tpu.memref_slice %arg9[%rem3A_423, %scatter3A_726, %scatter3A_727] : memref<4x32x129xf32, #tpu.memory_space<vmem>> -> memref<1x32x129xf32, #tpu.memory_space<vmem>>
      %scatter3A_729 = tpu.memref_squeeze %scatter3A_728 : memref<1x32x129xf32, #tpu.memory_space<vmem>> -> memref<32x129xf32, #tpu.memory_space<vmem>>
      tpu.vector_store_idx %scatter3A_729[%add3A_49, %broadcast_in_dim3A_719], %add3A_725 : memref<32x129xf32, #tpu.memory_space<vmem>>[vector<16xi32>, vector<16xi32>], vector<16xf32>,
      %broadcast_in_dim3A_730 = arith.constant 10 : i32
      %broadcast_in_dim3A_731 = vector.broadcast %broadcast_in_dim3A_730 : i32 to vector<16xi32>
      %add3A_732 = arith.addf %get3A_650, %gather3A : vector<16xf32>
      %scatter3A_733 = arith.constant 0 : i32
      %scatter3A_734 = arith.constant 0 : i32
      %scatter3A_735 = tpu.memref_slice %arg9[%rem3A_423, %scatter3A_733, %scatter3A_734] : memref<4x32x129xf32, #tpu.memory_space<vmem>> -> memref<1x32x129xf32, #tpu.memory_space<vmem>>
      %scatter3A_736 = tpu.memref_squeeze %scatter3A_735 : memref<1x32x129xf32, #tpu.memory_space<vmem>> -> memref<32x129xf32, #tpu.memory_space<vmem>>
      tpu.vector_store_idx %scatter3A_736[%iota3A, %broadcast_in_dim3A_731], %add3A_732 : memref<32x129xf32, #tpu.memory_space<vmem>>[vector<16xi32>, vector<16xi32>], vector<16xf32>,
      %add3A_737 = arith.addf %get3A_655, %gather3A_451 : vector<16xf32>
      %scatter3A_738 = arith.constant 0 : i32
      %scatter3A_739 = arith.constant 0 : i32
      %scatter3A_740 = tpu.memref_slice %arg9[%rem3A_423, %scatter3A_738, %scatter3A_739] : memref<4x32x129xf32, #tpu.memory_space<vmem>> -> memref<1x32x129xf32, #tpu.memory_space<vmem>>
      %scatter3A_741 = tpu.memref_squeeze %scatter3A_740 : memref<1x32x129xf32, #tpu.memory_space<vmem>> -> memref<32x129xf32, #tpu.memory_space<vmem>>
      tpu.vector_store_idx %scatter3A_741[%add3A_49, %broadcast_in_dim3A_731], %add3A_737 : memref<32x129xf32, #tpu.memory_space<vmem>>[vector<16xi32>, vector<16xi32>], vector<16xf32>,
      %broadcast_in_dim3A_742 = arith.constant 11 : i32
      %broadcast_in_dim3A_743 = vector.broadcast %broadcast_in_dim3A_742 : i32 to vector<16xi32>
      %add3A_744 = arith.addf %get3A_660, %gather3A : vector<16xf32>
      %scatter3A_745 = arith.constant 0 : i32
      %scatter3A_746 = arith.constant 0 : i32
      %scatter3A_747 = tpu.memref_slice %arg9[%rem3A_423, %scatter3A_745, %scatter3A_746] : memref<4x32x129xf32, #tpu.memory_space<vmem>> -> memref<1x32x129xf32, #tpu.memory_space<vmem>>
      %scatter3A_748 = tpu.memref_squeeze %scatter3A_747 : memref<1x32x129xf32, #tpu.memory_space<vmem>> -> memref<32x129xf32, #tpu.memory_space<vmem>>
      tpu.vector_store_idx %scatter3A_748[%iota3A, %broadcast_in_dim3A_743], %add3A_744 : memref<32x129xf32, #tpu.memory_space<vmem>>[vector<16xi32>, vector<16xi32>], vector<16xf32>,
      %add3A_749 = arith.addf %get3A_665, %gather3A_451 : vector<16xf32>
      %scatter3A_750 = arith.constant 0 : i32
      %scatter3A_751 = arith.constant 0 : i32
      %scatter3A_752 = tpu.memref_slice %arg9[%rem3A_423, %scatter3A_750, %scatter3A_751] : memref<4x32x129xf32, #tpu.memory_space<vmem>> -> memref<1x32x129xf32, #tpu.memory_space<vmem>>
      %scatter3A_753 = tpu.memref_squeeze %scatter3A_752 : memref<1x32x129xf32, #tpu.memory_space<vmem>> -> memref<32x129xf32, #tpu.memory_space<vmem>>
      tpu.vector_store_idx %scatter3A_753[%add3A_49, %broadcast_in_dim3A_743], %add3A_749 : memref<32x129xf32, #tpu.memory_space<vmem>>[vector<16xi32>, vector<16xi32>], vector<16xf32>,
      %broadcast_in_dim3A_754 = arith.constant 12 : i32
      %broadcast_in_dim3A_755 = vector.broadcast %broadcast_in_dim3A_754 : i32 to vector<16xi32>
      %add3A_756 = arith.addf %get3A_670, %gather3A : vector<16xf32>
      %scatter3A_757 = arith.constant 0 : i32
      %scatter3A_758 = arith.constant 0 : i32
      %scatter3A_759 = tpu.memref_slice %arg9[%rem3A_423, %scatter3A_757, %scatter3A_758] : memref<4x32x129xf32, #tpu.memory_space<vmem>> -> memref<1x32x129xf32, #tpu.memory_space<vmem>>
      %scatter3A_760 = tpu.memref_squeeze %scatter3A_759 : memref<1x32x129xf32, #tpu.memory_space<vmem>> -> memref<32x129xf32, #tpu.memory_space<vmem>>
      tpu.vector_store_idx %scatter3A_760[%iota3A, %broadcast_in_dim3A_755], %add3A_756 : memref<32x129xf32, #tpu.memory_space<vmem>>[vector<16xi32>, vector<16xi32>], vector<16xf32>,
      %add3A_761 = arith.addf %get3A_675, %gather3A_451 : vector<16xf32>
      %scatter3A_762 = arith.constant 0 : i32
      %scatter3A_763 = arith.constant 0 : i32
      %scatter3A_764 = tpu.memref_slice %arg9[%rem3A_423, %scatter3A_762, %scatter3A_763] : memref<4x32x129xf32, #tpu.memory_space<vmem>> -> memref<1x32x129xf32, #tpu.memory_space<vmem>>
      %scatter3A_765 = tpu.memref_squeeze %scatter3A_764 : memref<1x32x129xf32, #tpu.memory_space<vmem>> -> memref<32x129xf32, #tpu.memory_space<vmem>>
      tpu.vector_store_idx %scatter3A_765[%add3A_49, %broadcast_in_dim3A_755], %add3A_761 : memref<32x129xf32, #tpu.memory_space<vmem>>[vector<16xi32>, vector<16xi32>], vector<16xf32>,
      %broadcast_in_dim3A_766 = arith.constant 13 : i32
      %broadcast_in_dim3A_767 = vector.broadcast %broadcast_in_dim3A_766 : i32 to vector<16xi32>
      %add3A_768 = arith.addf %get3A_680, %gather3A : vector<16xf32>
      %scatter3A_769 = arith.constant 0 : i32
      %scatter3A_770 = arith.constant 0 : i32
      %scatter3A_771 = tpu.memref_slice %arg9[%rem3A_423, %scatter3A_769, %scatter3A_770] : memref<4x32x129xf32, #tpu.memory_space<vmem>> -> memref<1x32x129xf32, #tpu.memory_space<vmem>>
      %scatter3A_772 = tpu.memref_squeeze %scatter3A_771 : memref<1x32x129xf32, #tpu.memory_space<vmem>> -> memref<32x129xf32, #tpu.memory_space<vmem>>
      tpu.vector_store_idx %scatter3A_772[%iota3A, %broadcast_in_dim3A_767], %add3A_768 : memref<32x129xf32, #tpu.memory_space<vmem>>[vector<16xi32>, vector<16xi32>], vector<16xf32>,
      %add3A_773 = arith.addf %get3A_685, %gather3A_451 : vector<16xf32>
      %scatter3A_774 = arith.constant 0 : i32
      %scatter3A_775 = arith.constant 0 : i32
      %scatter3A_776 = tpu.memref_slice %arg9[%rem3A_423, %scatter3A_774, %scatter3A_775] : memref<4x32x129xf32, #tpu.memory_space<vmem>> -> memref<1x32x129xf32, #tpu.memory_space<vmem>>
      %scatter3A_777 = tpu.memref_squeeze %scatter3A_776 : memref<1x32x129xf32, #tpu.memory_space<vmem>> -> memref<32x129xf32, #tpu.memory_space<vmem>>
      tpu.vector_store_idx %scatter3A_777[%add3A_49, %broadcast_in_dim3A_767], %add3A_773 : memref<32x129xf32, #tpu.memory_space<vmem>>[vector<16xi32>, vector<16xi32>], vector<16xf32>,
      %broadcast_in_dim3A_778 = arith.constant 14 : i32
      %broadcast_in_dim3A_779 = vector.broadcast %broadcast_in_dim3A_778 : i32 to vector<16xi32>
      %add3A_780 = arith.addf %get3A_690, %gather3A : vector<16xf32>
      %scatter3A_781 = arith.constant 0 : i32
      %scatter3A_782 = arith.constant 0 : i32
      %scatter3A_783 = tpu.memref_slice %arg9[%rem3A_423, %scatter3A_781, %scatter3A_782] : memref<4x32x129xf32, #tpu.memory_space<vmem>> -> memref<1x32x129xf32, #tpu.memory_space<vmem>>
      %scatter3A_784 = tpu.memref_squeeze %scatter3A_783 : memref<1x32x129xf32, #tpu.memory_space<vmem>> -> memref<32x129xf32, #tpu.memory_space<vmem>>
      tpu.vector_store_idx %scatter3A_784[%iota3A, %broadcast_in_dim3A_779], %add3A_780 : memref<32x129xf32, #tpu.memory_space<vmem>>[vector<16xi32>, vector<16xi32>], vector<16xf32>,
      %add3A_785 = arith.addf %get3A_695, %gather3A_451 : vector<16xf32>
      %scatter3A_786 = arith.constant 0 : i32
      %scatter3A_787 = arith.constant 0 : i32
      %scatter3A_788 = tpu.memref_slice %arg9[%rem3A_423, %scatter3A_786, %scatter3A_787] : memref<4x32x129xf32, #tpu.memory_space<vmem>> -> memref<1x32x129xf32, #tpu.memory_space<vmem>>
      %scatter3A_789 = tpu.memref_squeeze %scatter3A_788 : memref<1x32x129xf32, #tpu.memory_space<vmem>> -> memref<32x129xf32, #tpu.memory_space<vmem>>
      tpu.vector_store_idx %scatter3A_789[%add3A_49, %broadcast_in_dim3A_779], %add3A_785 : memref<32x129xf32, #tpu.memory_space<vmem>>[vector<16xi32>, vector<16xi32>], vector<16xf32>,
      %broadcast_in_dim3A_790 = arith.constant 15 : i32
      %broadcast_in_dim3A_791 = vector.broadcast %broadcast_in_dim3A_790 : i32 to vector<16xi32>
      %add3A_792 = arith.addf %get3A_700, %gather3A : vector<16xf32>
      %scatter3A_793 = arith.constant 0 : i32
      %scatter3A_794 = arith.constant 0 : i32
      %scatter3A_795 = tpu.memref_slice %arg9[%rem3A_423, %scatter3A_793, %scatter3A_794] : memref<4x32x129xf32, #tpu.memory_space<vmem>> -> memref<1x32x129xf32, #tpu.memory_space<vmem>>
      %scatter3A_796 = tpu.memref_squeeze %scatter3A_795 : memref<1x32x129xf32, #tpu.memory_space<vmem>> -> memref<32x129xf32, #tpu.memory_space<vmem>>
      tpu.vector_store_idx %scatter3A_796[%iota3A, %broadcast_in_dim3A_791], %add3A_792 : memref<32x129xf32, #tpu.memory_space<vmem>>[vector<16xi32>, vector<16xi32>], vector<16xf32>,
      %add3A_797 = arith.addf %get3A_705, %gather3A_451 : vector<16xf32>
      %scatter3A_798 = arith.constant 0 : i32
      %scatter3A_799 = arith.constant 0 : i32
      %scatter3A_800 = tpu.memref_slice %arg9[%rem3A_423, %scatter3A_798, %scatter3A_799] : memref<4x32x129xf32, #tpu.memory_space<vmem>> -> memref<1x32x129xf32, #tpu.memory_space<vmem>>
      %scatter3A_801 = tpu.memref_squeeze %scatter3A_800 : memref<1x32x129xf32, #tpu.memory_space<vmem>> -> memref<32x129xf32, #tpu.memory_space<vmem>>
      tpu.vector_store_idx %scatter3A_801[%add3A_49, %broadcast_in_dim3A_791], %add3A_797 : memref<32x129xf32, #tpu.memory_space<vmem>>[vector<16xi32>, vector<16xi32>], vector<16xf32>,
      %get3A_802 = arith.constant 16 : i32
      %get3A_803 = arith.index_cast %rem3A_423 : i32 to index
      %get3A_804 = arith.index_cast %get3A_802 : i32 to index
      %get3A_805 = arith.constant 0 : index
      %get3A_806 = tpu.vector_load %arg8[%get3A_803, %get3A_804, %get3A_805] {strides = array<i32>} : memref<4x128x32xf32, #tpu.memory_space<vmem>>, vector<16xf32>,
      %get3A_807 = arith.constant 16 : i32
      %get3A_808 = arith.index_cast %rem3A_423 : i32 to index
      %get3A_809 = arith.index_cast %get3A_807 : i32 to index
      %get3A_810 = arith.constant 16 : index
      %get3A_811 = tpu.vector_load %arg8[%get3A_808, %get3A_809, %get3A_810] {strides = array<i32>} : memref<4x128x32xf32, #tpu.memory_space<vmem>>, vector<16xf32>,
      %get3A_812 = arith.constant 17 : i32
      %get3A_813 = arith.index_cast %rem3A_423 : i32 to index
      %get3A_814 = arith.index_cast %get3A_812 : i32 to index
      %get3A_815 = arith.constant 0 : index
      %get3A_816 = tpu.vector_load %arg8[%get3A_813, %get3A_814, %get3A_815] {strides = array<i32>} : memref<4x128x32xf32, #tpu.memory_space<vmem>>, vector<16xf32>,
      %get3A_817 = arith.constant 17 : i32
      %get3A_818 = arith.index_cast %rem3A_423 : i32 to index
      %get3A_819 = arith.index_cast %get3A_817 : i32 to index
      %get3A_820 = arith.constant 16 : index
      %get3A_821 = tpu.vector_load %arg8[%get3A_818, %get3A_819, %get3A_820] {strides = array<i32>} : memref<4x128x32xf32, #tpu.memory_space<vmem>>, vector<16xf32>,
      %get3A_822 = arith.constant 18 : i32
      %get3A_823 = arith.index_cast %rem3A_423 : i32 to index
      %get3A_824 = arith.index_cast %get3A_822 : i32 to index
      %get3A_825 = arith.constant 0 : index
      %get3A_826 = tpu.vector_load %arg8[%get3A_823, %get3A_824, %get3A_825] {strides = array<i32>} : memref<4x128x32xf32, #tpu.memory_space<vmem>>, vector<16xf32>,
      %get3A_827 = arith.constant 18 : i32
      %get3A_828 = arith.index_cast %rem3A_423 : i32 to index
      %get3A_829 = arith.index_cast %get3A_827 : i32 to index
      %get3A_830 = arith.constant 16 : index
      %get3A_831 = tpu.vector_load %arg8[%get3A_828, %get3A_829, %get3A_830] {strides = array<i32>} : memref<4x128x32xf32, #tpu.memory_space<vmem>>, vector<16xf32>,
      %get3A_832 = arith.constant 19 : i32
      %get3A_833 = arith.index_cast %rem3A_423 : i32 to index
      %get3A_834 = arith.index_cast %get3A_832 : i32 to index
      %get3A_835 = arith.constant 0 : index
      %get3A_836 = tpu.vector_load %arg8[%get3A_833, %get3A_834, %get3A_835] {strides = array<i32>} : memref<4x128x32xf32, #tpu.memory_space<vmem>>, vector<16xf32>,
      %get3A_837 = arith.constant 19 : i32
      %get3A_838 = arith.index_cast %rem3A_423 : i32 to index
      %get3A_839 = arith.index_cast %get3A_837 : i32 to index
      %get3A_840 = arith.constant 16 : index
      %get3A_841 = tpu.vector_load %arg8[%get3A_838, %get3A_839, %get3A_840] {strides = array<i32>} : memref<4x128x32xf32, #tpu.memory_space<vmem>>, vector<16xf32>,
      %get3A_842 = arith.constant 20 : i32
      %get3A_843 = arith.index_cast %rem3A_423 : i32 to index
      %get3A_844 = arith.index_cast %get3A_842 : i32 to index
      %get3A_845 = arith.constant 0 : index
      %get3A_846 = tpu.vector_load %arg8[%get3A_843, %get3A_844, %get3A_845] {strides = array<i32>} : memref<4x128x32xf32, #tpu.memory_space<vmem>>, vector<16xf32>,
      %get3A_847 = arith.constant 20 : i32
      %get3A_848 = arith.index_cast %rem3A_423 : i32 to index
      %get3A_849 = arith.index_cast %get3A_847 : i32 to index
      %get3A_850 = arith.constant 16 : index
      %get3A_851 = tpu.vector_load %arg8[%get3A_848, %get3A_849, %get3A_850] {strides = array<i32>} : memref<4x128x32xf32, #tpu.memory_space<vmem>>, vector<16xf32>,
      %get3A_852 = arith.constant 21 : i32
      %get3A_853 = arith.index_cast %rem3A_423 : i32 to index
      %get3A_854 = arith.index_cast %get3A_852 : i32 to index
      %get3A_855 = arith.constant 0 : index
      %get3A_856 = tpu.vector_load %arg8[%get3A_853, %get3A_854, %get3A_855] {strides = array<i32>} : memref<4x128x32xf32, #tpu.memory_space<vmem>>, vector<16xf32>,
      %get3A_857 = arith.constant 21 : i32
      %get3A_858 = arith.index_cast %rem3A_423 : i32 to index
      %get3A_859 = arith.index_cast %get3A_857 : i32 to index
      %get3A_860 = arith.constant 16 : index
      %get3A_861 = tpu.vector_load %arg8[%get3A_858, %get3A_859, %get3A_860] {strides = array<i32>} : memref<4x128x32xf32, #tpu.memory_space<vmem>>, vector<16xf32>,
      %get3A_862 = arith.constant 22 : i32
      %get3A_863 = arith.index_cast %rem3A_423 : i32 to index
      %get3A_864 = arith.index_cast %get3A_862 : i32 to index
      %get3A_865 = arith.constant 0 : index
      %get3A_866 = tpu.vector_load %arg8[%get3A_863, %get3A_864, %get3A_865] {strides = array<i32>} : memref<4x128x32xf32, #tpu.memory_space<vmem>>, vector<16xf32>,
      %get3A_867 = arith.constant 22 : i32
      %get3A_868 = arith.index_cast %rem3A_423 : i32 to index
      %get3A_869 = arith.index_cast %get3A_867 : i32 to index
      %get3A_870 = arith.constant 16 : index
      %get3A_871 = tpu.vector_load %arg8[%get3A_868, %get3A_869, %get3A_870] {strides = array<i32>} : memref<4x128x32xf32, #tpu.memory_space<vmem>>, vector<16xf32>,
      %get3A_872 = arith.constant 23 : i32
      %get3A_873 = arith.index_cast %rem3A_423 : i32 to index
      %get3A_874 = arith.index_cast %get3A_872 : i32 to index
      %get3A_875 = arith.constant 0 : index
      %get3A_876 = tpu.vector_load %arg8[%get3A_873, %get3A_874, %get3A_875] {strides = array<i32>} : memref<4x128x32xf32, #tpu.memory_space<vmem>>, vector<16xf32>,
      %get3A_877 = arith.constant 23 : i32
      %get3A_878 = arith.index_cast %rem3A_423 : i32 to index
      %get3A_879 = arith.index_cast %get3A_877 : i32 to index
      %get3A_880 = arith.constant 16 : index
      %get3A_881 = tpu.vector_load %arg8[%get3A_878, %get3A_879, %get3A_880] {strides = array<i32>} : memref<4x128x32xf32, #tpu.memory_space<vmem>>, vector<16xf32>,
      %broadcast_in_dim3A_882 = arith.constant 16 : i32
      %broadcast_in_dim3A_883 = vector.broadcast %broadcast_in_dim3A_882 : i32 to vector<16xi32>
      %add3A_884 = arith.addf %get3A_806, %gather3A : vector<16xf32>
      %scatter3A_885 = arith.constant 0 : i32
      %scatter3A_886 = arith.constant 0 : i32
      %scatter3A_887 = tpu.memref_slice %arg9[%rem3A_423, %scatter3A_885, %scatter3A_886] : memref<4x32x129xf32, #tpu.memory_space<vmem>> -> memref<1x32x129xf32, #tpu.memory_space<vmem>>
      %scatter3A_888 = tpu.memref_squeeze %scatter3A_887 : memref<1x32x129xf32, #tpu.memory_space<vmem>> -> memref<32x129xf32, #tpu.memory_space<vmem>>
      tpu.vector_store_idx %scatter3A_888[%iota3A, %broadcast_in_dim3A_883], %add3A_884 : memref<32x129xf32, #tpu.memory_space<vmem>>[vector<16xi32>, vector<16xi32>], vector<16xf32>,
      %add3A_889 = arith.addf %get3A_811, %gather3A_451 : vector<16xf32>
      %scatter3A_890 = arith.constant 0 : i32
      %scatter3A_891 = arith.constant 0 : i32
      %scatter3A_892 = tpu.memref_slice %arg9[%rem3A_423, %scatter3A_890, %scatter3A_891] : memref<4x32x129xf32, #tpu.memory_space<vmem>> -> memref<1x32x129xf32, #tpu.memory_space<vmem>>
      %scatter3A_893 = tpu.memref_squeeze %scatter3A_892 : memref<1x32x129xf32, #tpu.memory_space<vmem>> -> memref<32x129xf32, #tpu.memory_space<vmem>>
      tpu.vector_store_idx %scatter3A_893[%add3A_49, %broadcast_in_dim3A_883], %add3A_889 : memref<32x129xf32, #tpu.memory_space<vmem>>[vector<16xi32>, vector<16xi32>], vector<16xf32>,
      %broadcast_in_dim3A_894 = arith.constant 17 : i32
      %broadcast_in_dim3A_895 = vector.broadcast %broadcast_in_dim3A_894 : i32 to vector<16xi32>
      %add3A_896 = arith.addf %get3A_816, %gather3A : vector<16xf32>
      %scatter3A_897 = arith.constant 0 : i32
      %scatter3A_898 = arith.constant 0 : i32
      %scatter3A_899 = tpu.memref_slice %arg9[%rem3A_423, %scatter3A_897, %scatter3A_898] : memref<4x32x129xf32, #tpu.memory_space<vmem>> -> memref<1x32x129xf32, #tpu.memory_space<vmem>>
      %scatter3A_900 = tpu.memref_squeeze %scatter3A_899 : memref<1x32x129xf32, #tpu.memory_space<vmem>> -> memref<32x129xf32, #tpu.memory_space<vmem>>
      tpu.vector_store_idx %scatter3A_900[%iota3A, %broadcast_in_dim3A_895], %add3A_896 : memref<32x129xf32, #tpu.memory_space<vmem>>[vector<16xi32>, vector<16xi32>], vector<16xf32>,
      %add3A_901 = arith.addf %get3A_821, %gather3A_451 : vector<16xf32>
      %scatter3A_902 = arith.constant 0 : i32
      %scatter3A_903 = arith.constant 0 : i32
      %scatter3A_904 = tpu.memref_slice %arg9[%rem3A_423, %scatter3A_902, %scatter3A_903] : memref<4x32x129xf32, #tpu.memory_space<vmem>> -> memref<1x32x129xf32, #tpu.memory_space<vmem>>
      %scatter3A_905 = tpu.memref_squeeze %scatter3A_904 : memref<1x32x129xf32, #tpu.memory_space<vmem>> -> memref<32x129xf32, #tpu.memory_space<vmem>>
      tpu.vector_store_idx %scatter3A_905[%add3A_49, %broadcast_in_dim3A_895], %add3A_901 : memref<32x129xf32, #tpu.memory_space<vmem>>[vector<16xi32>, vector<16xi32>], vector<16xf32>,
      %broadcast_in_dim3A_906 = arith.constant 18 : i32
      %broadcast_in_dim3A_907 = vector.broadcast %broadcast_in_dim3A_906 : i32 to vector<16xi32>
      %add3A_908 = arith.addf %get3A_826, %gather3A : vector<16xf32>
      %scatter3A_909 = arith.constant 0 : i32
      %scatter3A_910 = arith.constant 0 : i32
      %scatter3A_911 = tpu.memref_slice %arg9[%rem3A_423, %scatter3A_909, %scatter3A_910] : memref<4x32x129xf32, #tpu.memory_space<vmem>> -> memref<1x32x129xf32, #tpu.memory_space<vmem>>
      %scatter3A_912 = tpu.memref_squeeze %scatter3A_911 : memref<1x32x129xf32, #tpu.memory_space<vmem>> -> memref<32x129xf32, #tpu.memory_space<vmem>>
      tpu.vector_store_idx %scatter3A_912[%iota3A, %broadcast_in_dim3A_907], %add3A_908 : memref<32x129xf32, #tpu.memory_space<vmem>>[vector<16xi32>, vector<16xi32>], vector<16xf32>,
      %add3A_913 = arith.addf %get3A_831, %gather3A_451 : vector<16xf32>
      %scatter3A_914 = arith.constant 0 : i32
      %scatter3A_915 = arith.constant 0 : i32
      %scatter3A_916 = tpu.memref_slice %arg9[%rem3A_423, %scatter3A_914, %scatter3A_915] : memref<4x32x129xf32, #tpu.memory_space<vmem>> -> memref<1x32x129xf32, #tpu.memory_space<vmem>>
      %scatter3A_917 = tpu.memref_squeeze %scatter3A_916 : memref<1x32x129xf32, #tpu.memory_space<vmem>> -> memref<32x129xf32, #tpu.memory_space<vmem>>
      tpu.vector_store_idx %scatter3A_917[%add3A_49, %broadcast_in_dim3A_907], %add3A_913 : memref<32x129xf32, #tpu.memory_space<vmem>>[vector<16xi32>, vector<16xi32>], vector<16xf32>,
      %broadcast_in_dim3A_918 = arith.constant 19 : i32
      %broadcast_in_dim3A_919 = vector.broadcast %broadcast_in_dim3A_918 : i32 to vector<16xi32>
      %add3A_920 = arith.addf %get3A_836, %gather3A : vector<16xf32>
      %scatter3A_921 = arith.constant 0 : i32
      %scatter3A_922 = arith.constant 0 : i32
      %scatter3A_923 = tpu.memref_slice %arg9[%rem3A_423, %scatter3A_921, %scatter3A_922] : memref<4x32x129xf32, #tpu.memory_space<vmem>> -> memref<1x32x129xf32, #tpu.memory_space<vmem>>
      %scatter3A_924 = tpu.memref_squeeze %scatter3A_923 : memref<1x32x129xf32, #tpu.memory_space<vmem>> -> memref<32x129xf32, #tpu.memory_space<vmem>>
      tpu.vector_store_idx %scatter3A_924[%iota3A, %broadcast_in_dim3A_919], %add3A_920 : memref<32x129xf32, #tpu.memory_space<vmem>>[vector<16xi32>, vector<16xi32>], vector<16xf32>,
      %add3A_925 = arith.addf %get3A_841, %gather3A_451 : vector<16xf32>
      %scatter3A_926 = arith.constant 0 : i32
      %scatter3A_927 = arith.constant 0 : i32
      %scatter3A_928 = tpu.memref_slice %arg9[%rem3A_423, %scatter3A_926, %scatter3A_927] : memref<4x32x129xf32, #tpu.memory_space<vmem>> -> memref<1x32x129xf32, #tpu.memory_space<vmem>>
      %scatter3A_929 = tpu.memref_squeeze %scatter3A_928 : memref<1x32x129xf32, #tpu.memory_space<vmem>> -> memref<32x129xf32, #tpu.memory_space<vmem>>
      tpu.vector_store_idx %scatter3A_929[%add3A_49, %broadcast_in_dim3A_919], %add3A_925 : memref<32x129xf32, #tpu.memory_space<vmem>>[vector<16xi32>, vector<16xi32>], vector<16xf32>,
      %broadcast_in_dim3A_930 = arith.constant 20 : i32
      %broadcast_in_dim3A_931 = vector.broadcast %broadcast_in_dim3A_930 : i32 to vector<16xi32>
      %add3A_932 = arith.addf %get3A_846, %gather3A : vector<16xf32>
      %scatter3A_933 = arith.constant 0 : i32
      %scatter3A_934 = arith.constant 0 : i32
      %scatter3A_935 = tpu.memref_slice %arg9[%rem3A_423, %scatter3A_933, %scatter3A_934] : memref<4x32x129xf32, #tpu.memory_space<vmem>> -> memref<1x32x129xf32, #tpu.memory_space<vmem>>
      %scatter3A_936 = tpu.memref_squeeze %scatter3A_935 : memref<1x32x129xf32, #tpu.memory_space<vmem>> -> memref<32x129xf32, #tpu.memory_space<vmem>>
      tpu.vector_store_idx %scatter3A_936[%iota3A, %broadcast_in_dim3A_931], %add3A_932 : memref<32x129xf32, #tpu.memory_space<vmem>>[vector<16xi32>, vector<16xi32>], vector<16xf32>,
      %add3A_937 = arith.addf %get3A_851, %gather3A_451 : vector<16xf32>
      %scatter3A_938 = arith.constant 0 : i32
      %scatter3A_939 = arith.constant 0 : i32
      %scatter3A_940 = tpu.memref_slice %arg9[%rem3A_423, %scatter3A_938, %scatter3A_939] : memref<4x32x129xf32, #tpu.memory_space<vmem>> -> memref<1x32x129xf32, #tpu.memory_space<vmem>>
      %scatter3A_941 = tpu.memref_squeeze %scatter3A_940 : memref<1x32x129xf32, #tpu.memory_space<vmem>> -> memref<32x129xf32, #tpu.memory_space<vmem>>
      tpu.vector_store_idx %scatter3A_941[%add3A_49, %broadcast_in_dim3A_931], %add3A_937 : memref<32x129xf32, #tpu.memory_space<vmem>>[vector<16xi32>, vector<16xi32>], vector<16xf32>,
      %broadcast_in_dim3A_942 = arith.constant 21 : i32
      %broadcast_in_dim3A_943 = vector.broadcast %broadcast_in_dim3A_942 : i32 to vector<16xi32>
      %add3A_944 = arith.addf %get3A_856, %gather3A : vector<16xf32>
      %scatter3A_945 = arith.constant 0 : i32
      %scatter3A_946 = arith.constant 0 : i32
      %scatter3A_947 = tpu.memref_slice %arg9[%rem3A_423, %scatter3A_945, %scatter3A_946] : memref<4x32x129xf32, #tpu.memory_space<vmem>> -> memref<1x32x129xf32, #tpu.memory_space<vmem>>
      %scatter3A_948 = tpu.memref_squeeze %scatter3A_947 : memref<1x32x129xf32, #tpu.memory_space<vmem>> -> memref<32x129xf32, #tpu.memory_space<vmem>>
      tpu.vector_store_idx %scatter3A_948[%iota3A, %broadcast_in_dim3A_943], %add3A_944 : memref<32x129xf32, #tpu.memory_space<vmem>>[vector<16xi32>, vector<16xi32>], vector<16xf32>,
      %add3A_949 = arith.addf %get3A_861, %gather3A_451 : vector<16xf32>
      %scatter3A_950 = arith.constant 0 : i32
      %scatter3A_951 = arith.constant 0 : i32
      %scatter3A_952 = tpu.memref_slice %arg9[%rem3A_423, %scatter3A_950, %scatter3A_951] : memref<4x32x129xf32, #tpu.memory_space<vmem>> -> memref<1x32x129xf32, #tpu.memory_space<vmem>>
      %scatter3A_953 = tpu.memref_squeeze %scatter3A_952 : memref<1x32x129xf32, #tpu.memory_space<vmem>> -> memref<32x129xf32, #tpu.memory_space<vmem>>
      tpu.vector_store_idx %scatter3A_953[%add3A_49, %broadcast_in_dim3A_943], %add3A_949 : memref<32x129xf32, #tpu.memory_space<vmem>>[vector<16xi32>, vector<16xi32>], vector<16xf32>,
      %broadcast_in_dim3A_954 = arith.constant 22 : i32
      %broadcast_in_dim3A_955 = vector.broadcast %broadcast_in_dim3A_954 : i32 to vector<16xi32>
      %add3A_956 = arith.addf %get3A_866, %gather3A : vector<16xf32>
      %scatter3A_957 = arith.constant 0 : i32
      %scatter3A_958 = arith.constant 0 : i32
      %scatter3A_959 = tpu.memref_slice %arg9[%rem3A_423, %scatter3A_957, %scatter3A_958] : memref<4x32x129xf32, #tpu.memory_space<vmem>> -> memref<1x32x129xf32, #tpu.memory_space<vmem>>
      %scatter3A_960 = tpu.memref_squeeze %scatter3A_959 : memref<1x32x129xf32, #tpu.memory_space<vmem>> -> memref<32x129xf32, #tpu.memory_space<vmem>>
      tpu.vector_store_idx %scatter3A_960[%iota3A, %broadcast_in_dim3A_955], %add3A_956 : memref<32x129xf32, #tpu.memory_space<vmem>>[vector<16xi32>, vector<16xi32>], vector<16xf32>,
      %add3A_961 = arith.addf %get3A_871, %gather3A_451 : vector<16xf32>
      %scatter3A_962 = arith.constant 0 : i32
      %scatter3A_963 = arith.constant 0 : i32
      %scatter3A_964 = tpu.memref_slice %arg9[%rem3A_423, %scatter3A_962, %scatter3A_963] : memref<4x32x129xf32, #tpu.memory_space<vmem>> -> memref<1x32x129xf32, #tpu.memory_space<vmem>>
      %scatter3A_965 = tpu.memref_squeeze %scatter3A_964 : memref<1x32x129xf32, #tpu.memory_space<vmem>> -> memref<32x129xf32, #tpu.memory_space<vmem>>
      tpu.vector_store_idx %scatter3A_965[%add3A_49, %broadcast_in_dim3A_955], %add3A_961 : memref<32x129xf32, #tpu.memory_space<vmem>>[vector<16xi32>, vector<16xi32>], vector<16xf32>,
      %broadcast_in_dim3A_966 = arith.constant 23 : i32
      %broadcast_in_dim3A_967 = vector.broadcast %broadcast_in_dim3A_966 : i32 to vector<16xi32>
      %add3A_968 = arith.addf %get3A_876, %gather3A : vector<16xf32>
      %scatter3A_969 = arith.constant 0 : i32
      %scatter3A_970 = arith.constant 0 : i32
      %scatter3A_971 = tpu.memref_slice %arg9[%rem3A_423, %scatter3A_969, %scatter3A_970] : memref<4x32x129xf32, #tpu.memory_space<vmem>> -> memref<1x32x129xf32, #tpu.memory_space<vmem>>
      %scatter3A_972 = tpu.memref_squeeze %scatter3A_971 : memref<1x32x129xf32, #tpu.memory_space<vmem>> -> memref<32x129xf32, #tpu.memory_space<vmem>>
      tpu.vector_store_idx %scatter3A_972[%iota3A, %broadcast_in_dim3A_967], %add3A_968 : memref<32x129xf32, #tpu.memory_space<vmem>>[vector<16xi32>, vector<16xi32>], vector<16xf32>,
      %add3A_973 = arith.addf %get3A_881, %gather3A_451 : vector<16xf32>
      %scatter3A_974 = arith.constant 0 : i32
      %scatter3A_975 = arith.constant 0 : i32
      %scatter3A_976 = tpu.memref_slice %arg9[%rem3A_423, %scatter3A_974, %scatter3A_975] : memref<4x32x129xf32, #tpu.memory_space<vmem>> -> memref<1x32x129xf32, #tpu.memory_space<vmem>>
      %scatter3A_977 = tpu.memref_squeeze %scatter3A_976 : memref<1x32x129xf32, #tpu.memory_space<vmem>> -> memref<32x129xf32, #tpu.memory_space<vmem>>
      tpu.vector_store_idx %scatter3A_977[%add3A_49, %broadcast_in_dim3A_967], %add3A_973 : memref<32x129xf32, #tpu.memory_space<vmem>>[vector<16xi32>, vector<16xi32>], vector<16xf32>,
      %get3A_978 = arith.constant 24 : i32
      %get3A_979 = arith.index_cast %rem3A_423 : i32 to index
      %get3A_980 = arith.index_cast %get3A_978 : i32 to index
      %get3A_981 = arith.constant 0 : index
      %get3A_982 = tpu.vector_load %arg8[%get3A_979, %get3A_980, %get3A_981] {strides = array<i32>} : memref<4x128x32xf32, #tpu.memory_space<vmem>>, vector<16xf32>,
      %get3A_983 = arith.constant 24 : i32
      %get3A_984 = arith.index_cast %rem3A_423 : i32 to index
      %get3A_985 = arith.index_cast %get3A_983 : i32 to index
      %get3A_986 = arith.constant 16 : index
      %get3A_987 = tpu.vector_load %arg8[%get3A_984, %get3A_985, %get3A_986] {strides = array<i32>} : memref<4x128x32xf32, #tpu.memory_space<vmem>>, vector<16xf32>,
      %get3A_988 = arith.constant 25 : i32
      %get3A_989 = arith.index_cast %rem3A_423 : i32 to index
      %get3A_990 = arith.index_cast %get3A_988 : i32 to index
      %get3A_991 = arith.constant 0 : index
      %get3A_992 = tpu.vector_load %arg8[%get3A_989, %get3A_990, %get3A_991] {strides = array<i32>} : memref<4x128x32xf32, #tpu.memory_space<vmem>>, vector<16xf32>,
      %get3A_993 = arith.constant 25 : i32
      %get3A_994 = arith.index_cast %rem3A_423 : i32 to index
      %get3A_995 = arith.index_cast %get3A_993 : i32 to index
      %get3A_996 = arith.constant 16 : index
      %get3A_997 = tpu.vector_load %arg8[%get3A_994, %get3A_995, %get3A_996] {strides = array<i32>} : memref<4x128x32xf32, #tpu.memory_space<vmem>>, vector<16xf32>,
      %get3A_998 = arith.constant 26 : i32
      %get3A_999 = arith.index_cast %rem3A_423 : i32 to index
      %get3A_1000 = arith.index_cast %get3A_998 : i32 to index
      %get3A_1001 = arith.constant 0 : index
      %get3A_1002 = tpu.vector_load %arg8[%get3A_999, %get3A_1000, %get3A_1001] {strides = array<i32>} : memref<4x128x32xf32, #tpu.memory_space<vmem>>, vector<16xf32>,
      %get3A_1003 = arith.constant 26 : i32
      %get3A_1004 = arith.index_cast %rem3A_423 : i32 to index
      %get3A_1005 = arith.index_cast %get3A_1003 : i32 to index
      %get3A_1006 = arith.constant 16 : index
      %get3A_1007 = tpu.vector_load %arg8[%get3A_1004, %get3A_1005, %get3A_1006] {strides = array<i32>} : memref<4x128x32xf32, #tpu.memory_space<vmem>>, vector<16xf32>,
      %get3A_1008 = arith.constant 27 : i32
      %get3A_1009 = arith.index_cast %rem3A_423 : i32 to index
      %get3A_1010 = arith.index_cast %get3A_1008 : i32 to index
      %get3A_1011 = arith.constant 0 : index
      %get3A_1012 = tpu.vector_load %arg8[%get3A_1009, %get3A_1010, %get3A_1011] {strides = array<i32>} : memref<4x128x32xf32, #tpu.memory_space<vmem>>, vector<16xf32>,
      %get3A_1013 = arith.constant 27 : i32
      %get3A_1014 = arith.index_cast %rem3A_423 : i32 to index
      %get3A_1015 = arith.index_cast %get3A_1013 : i32 to index
      %get3A_1016 = arith.constant 16 : index
      %get3A_1017 = tpu.vector_load %arg8[%get3A_1014, %get3A_1015, %get3A_1016] {strides = array<i32>} : memref<4x128x32xf32, #tpu.memory_space<vmem>>, vector<16xf32>,
      %get3A_1018 = arith.constant 28 : i32
      %get3A_1019 = arith.index_cast %rem3A_423 : i32 to index
      %get3A_1020 = arith.index_cast %get3A_1018 : i32 to index
      %get3A_1021 = arith.constant 0 : index
      %get3A_1022 = tpu.vector_load %arg8[%get3A_1019, %get3A_1020, %get3A_1021] {strides = array<i32>} : memref<4x128x32xf32, #tpu.memory_space<vmem>>, vector<16xf32>,
      %get3A_1023 = arith.constant 28 : i32
      %get3A_1024 = arith.index_cast %rem3A_423 : i32 to index
      %get3A_1025 = arith.index_cast %get3A_1023 : i32 to index
      %get3A_1026 = arith.constant 16 : index
      %get3A_1027 = tpu.vector_load %arg8[%get3A_1024, %get3A_1025, %get3A_1026] {strides = array<i32>} : memref<4x128x32xf32, #tpu.memory_space<vmem>>, vector<16xf32>,
      %get3A_1028 = arith.constant 29 : i32
      %get3A_1029 = arith.index_cast %rem3A_423 : i32 to index
      %get3A_1030 = arith.index_cast %get3A_1028 : i32 to index
      %get3A_1031 = arith.constant 0 : index
      %get3A_1032 = tpu.vector_load %arg8[%get3A_1029, %get3A_1030, %get3A_1031] {strides = array<i32>} : memref<4x128x32xf32, #tpu.memory_space<vmem>>, vector<16xf32>,
      %get3A_1033 = arith.constant 29 : i32
      %get3A_1034 = arith.index_cast %rem3A_423 : i32 to index
      %get3A_1035 = arith.index_cast %get3A_1033 : i32 to index
      %get3A_1036 = arith.constant 16 : index
      %get3A_1037 = tpu.vector_load %arg8[%get3A_1034, %get3A_1035, %get3A_1036] {strides = array<i32>} : memref<4x128x32xf32, #tpu.memory_space<vmem>>, vector<16xf32>,
      %get3A_1038 = arith.constant 30 : i32
      %get3A_1039 = arith.index_cast %rem3A_423 : i32 to index
      %get3A_1040 = arith.index_cast %get3A_1038 : i32 to index
      %get3A_1041 = arith.constant 0 : index
      %get3A_1042 = tpu.vector_load %arg8[%get3A_1039, %get3A_1040, %get3A_1041] {strides = array<i32>} : memref<4x128x32xf32, #tpu.memory_space<vmem>>, vector<16xf32>,
      %get3A_1043 = arith.constant 30 : i32
      %get3A_1044 = arith.index_cast %rem3A_423 : i32 to index
      %get3A_1045 = arith.index_cast %get3A_1043 : i32 to index
      %get3A_1046 = arith.constant 16 : index
      %get3A_1047 = tpu.vector_load %arg8[%get3A_1044, %get3A_1045, %get3A_1046] {strides = array<i32>} : memref<4x128x32xf32, #tpu.memory_space<vmem>>, vector<16xf32>,
      %get3A_1048 = arith.constant 31 : i32
      %get3A_1049 = arith.index_cast %rem3A_423 : i32 to index
      %get3A_1050 = arith.index_cast %get3A_1048 : i32 to index
      %get3A_1051 = arith.constant 0 : index
      %get3A_1052 = tpu.vector_load %arg8[%get3A_1049, %get3A_1050, %get3A_1051] {strides = array<i32>} : memref<4x128x32xf32, #tpu.memory_space<vmem>>, vector<16xf32>,
      %get3A_1053 = arith.constant 31 : i32
      %get3A_1054 = arith.index_cast %rem3A_423 : i32 to index
      %get3A_1055 = arith.index_cast %get3A_1053 : i32 to index
      %get3A_1056 = arith.constant 16 : index
      %get3A_1057 = tpu.vector_load %arg8[%get3A_1054, %get3A_1055, %get3A_1056] {strides = array<i32>} : memref<4x128x32xf32, #tpu.memory_space<vmem>>, vector<16xf32>,
      %broadcast_in_dim3A_1058 = arith.constant 24 : i32
      %broadcast_in_dim3A_1059 = vector.broadcast %broadcast_in_dim3A_1058 : i32 to vector<16xi32>
      %add3A_1060 = arith.addf %get3A_982, %gather3A : vector<16xf32>
      %scatter3A_1061 = arith.constant 0 : i32
      %scatter3A_1062 = arith.constant 0 : i32
      %scatter3A_1063 = tpu.memref_slice %arg9[%rem3A_423, %scatter3A_1061, %scatter3A_1062] : memref<4x32x129xf32, #tpu.memory_space<vmem>> -> memref<1x32x129xf32, #tpu.memory_space<vmem>>
      %scatter3A_1064 = tpu.memref_squeeze %scatter3A_1063 : memref<1x32x129xf32, #tpu.memory_space<vmem>> -> memref<32x129xf32, #tpu.memory_space<vmem>>
      tpu.vector_store_idx %scatter3A_1064[%iota3A, %broadcast_in_dim3A_1059], %add3A_1060 : memref<32x129xf32, #tpu.memory_space<vmem>>[vector<16xi32>, vector<16xi32>], vector<16xf32>,
      %add3A_1065 = arith.addf %get3A_987, %gather3A_451 : vector<16xf32>
      %scatter3A_1066 = arith.constant 0 : i32
      %scatter3A_1067 = arith.constant 0 : i32
      %scatter3A_1068 = tpu.memref_slice %arg9[%rem3A_423, %scatter3A_1066, %scatter3A_1067] : memref<4x32x129xf32, #tpu.memory_space<vmem>> -> memref<1x32x129xf32, #tpu.memory_space<vmem>>
      %scatter3A_1069 = tpu.memref_squeeze %scatter3A_1068 : memref<1x32x129xf32, #tpu.memory_space<vmem>> -> memref<32x129xf32, #tpu.memory_space<vmem>>
      tpu.vector_store_idx %scatter3A_1069[%add3A_49, %broadcast_in_dim3A_1059], %add3A_1065 : memref<32x129xf32, #tpu.memory_space<vmem>>[vector<16xi32>, vector<16xi32>], vector<16xf32>,
      %broadcast_in_dim3A_1070 = arith.constant 25 : i32
      %broadcast_in_dim3A_1071 = vector.broadcast %broadcast_in_dim3A_1070 : i32 to vector<16xi32>
      %add3A_1072 = arith.addf %get3A_992, %gather3A : vector<16xf32>
      %scatter3A_1073 = arith.constant 0 : i32
      %scatter3A_1074 = arith.constant 0 : i32
      %scatter3A_1075 = tpu.memref_slice %arg9[%rem3A_423, %scatter3A_1073, %scatter3A_1074] : memref<4x32x129xf32, #tpu.memory_space<vmem>> -> memref<1x32x129xf32, #tpu.memory_space<vmem>>
      %scatter3A_1076 = tpu.memref_squeeze %scatter3A_1075 : memref<1x32x129xf32, #tpu.memory_space<vmem>> -> memref<32x129xf32, #tpu.memory_space<vmem>>
      tpu.vector_store_idx %scatter3A_1076[%iota3A, %broadcast_in_dim3A_1071], %add3A_1072 : memref<32x129xf32, #tpu.memory_space<vmem>>[vector<16xi32>, vector<16xi32>], vector<16xf32>,
      %add3A_1077 = arith.addf %get3A_997, %gather3A_451 : vector<16xf32>
      %scatter3A_1078 = arith.constant 0 : i32
      %scatter3A_1079 = arith.constant 0 : i32
      %scatter3A_1080 = tpu.memref_slice %arg9[%rem3A_423, %scatter3A_1078, %scatter3A_1079] : memref<4x32x129xf32, #tpu.memory_space<vmem>> -> memref<1x32x129xf32, #tpu.memory_space<vmem>>
      %scatter3A_1081 = tpu.memref_squeeze %scatter3A_1080 : memref<1x32x129xf32, #tpu.memory_space<vmem>> -> memref<32x129xf32, #tpu.memory_space<vmem>>
      tpu.vector_store_idx %scatter3A_1081[%add3A_49, %broadcast_in_dim3A_1071], %add3A_1077 : memref<32x129xf32, #tpu.memory_space<vmem>>[vector<16xi32>, vector<16xi32>], vector<16xf32>,
      %broadcast_in_dim3A_1082 = arith.constant 26 : i32
      %broadcast_in_dim3A_1083 = vector.broadcast %broadcast_in_dim3A_1082 : i32 to vector<16xi32>
      %add3A_1084 = arith.addf %get3A_1002, %gather3A : vector<16xf32>
      %scatter3A_1085 = arith.constant 0 : i32
      %scatter3A_1086 = arith.constant 0 : i32
      %scatter3A_1087 = tpu.memref_slice %arg9[%rem3A_423, %scatter3A_1085, %scatter3A_1086] : memref<4x32x129xf32, #tpu.memory_space<vmem>> -> memref<1x32x129xf32, #tpu.memory_space<vmem>>
      %scatter3A_1088 = tpu.memref_squeeze %scatter3A_1087 : memref<1x32x129xf32, #tpu.memory_space<vmem>> -> memref<32x129xf32, #tpu.memory_space<vmem>>
      tpu.vector_store_idx %scatter3A_1088[%iota3A, %broadcast_in_dim3A_1083], %add3A_1084 : memref<32x129xf32, #tpu.memory_space<vmem>>[vector<16xi32>, vector<16xi32>], vector<16xf32>,
      %add3A_1089 = arith.addf %get3A_1007, %gather3A_451 : vector<16xf32>
      %scatter3A_1090 = arith.constant 0 : i32
      %scatter3A_1091 = arith.constant 0 : i32
      %scatter3A_1092 = tpu.memref_slice %arg9[%rem3A_423, %scatter3A_1090, %scatter3A_1091] : memref<4x32x129xf32, #tpu.memory_space<vmem>> -> memref<1x32x129xf32, #tpu.memory_space<vmem>>
      %scatter3A_1093 = tpu.memref_squeeze %scatter3A_1092 : memref<1x32x129xf32, #tpu.memory_space<vmem>> -> memref<32x129xf32, #tpu.memory_space<vmem>>
      tpu.vector_store_idx %scatter3A_1093[%add3A_49, %broadcast_in_dim3A_1083], %add3A_1089 : memref<32x129xf32, #tpu.memory_space<vmem>>[vector<16xi32>, vector<16xi32>], vector<16xf32>,
      %broadcast_in_dim3A_1094 = arith.constant 27 : i32
      %broadcast_in_dim3A_1095 = vector.broadcast %broadcast_in_dim3A_1094 : i32 to vector<16xi32>
      %add3A_1096 = arith.addf %get3A_1012, %gather3A : vector<16xf32>
      %scatter3A_1097 = arith.constant 0 : i32
      %scatter3A_1098 = arith.constant 0 : i32
      %scatter3A_1099 = tpu.memref_slice %arg9[%rem3A_423, %scatter3A_1097, %scatter3A_1098] : memref<4x32x129xf32, #tpu.memory_space<vmem>> -> memref<1x32x129xf32, #tpu.memory_space<vmem>>
      %scatter3A_1100 = tpu.memref_squeeze %scatter3A_1099 : memref<1x32x129xf32, #tpu.memory_space<vmem>> -> memref<32x129xf32, #tpu.memory_space<vmem>>
      tpu.vector_store_idx %scatter3A_1100[%iota3A, %broadcast_in_dim3A_1095], %add3A_1096 : memref<32x129xf32, #tpu.memory_space<vmem>>[vector<16xi32>, vector<16xi32>], vector<16xf32>,
      %add3A_1101 = arith.addf %get3A_1017, %gather3A_451 : vector<16xf32>
      %scatter3A_1102 = arith.constant 0 : i32
      %scatter3A_1103 = arith.constant 0 : i32
      %scatter3A_1104 = tpu.memref_slice %arg9[%rem3A_423, %scatter3A_1102, %scatter3A_1103] : memref<4x32x129xf32, #tpu.memory_space<vmem>> -> memref<1x32x129xf32, #tpu.memory_space<vmem>>
      %scatter3A_1105 = tpu.memref_squeeze %scatter3A_1104 : memref<1x32x129xf32, #tpu.memory_space<vmem>> -> memref<32x129xf32, #tpu.memory_space<vmem>>
      tpu.vector_store_idx %scatter3A_1105[%add3A_49, %broadcast_in_dim3A_1095], %add3A_1101 : memref<32x129xf32, #tpu.memory_space<vmem>>[vector<16xi32>, vector<16xi32>], vector<16xf32>,
      %broadcast_in_dim3A_1106 = arith.constant 28 : i32
      %broadcast_in_dim3A_1107 = vector.broadcast %broadcast_in_dim3A_1106 : i32 to vector<16xi32>
      %add3A_1108 = arith.addf %get3A_1022, %gather3A : vector<16xf32>
      %scatter3A_1109 = arith.constant 0 : i32
      %scatter3A_1110 = arith.constant 0 : i32
      %scatter3A_1111 = tpu.memref_slice %arg9[%rem3A_423, %scatter3A_1109, %scatter3A_1110] : memref<4x32x129xf32, #tpu.memory_space<vmem>> -> memref<1x32x129xf32, #tpu.memory_space<vmem>>
      %scatter3A_1112 = tpu.memref_squeeze %scatter3A_1111 : memref<1x32x129xf32, #tpu.memory_space<vmem>> -> memref<32x129xf32, #tpu.memory_space<vmem>>
      tpu.vector_store_idx %scatter3A_1112[%iota3A, %broadcast_in_dim3A_1107], %add3A_1108 : memref<32x129xf32, #tpu.memory_space<vmem>>[vector<16xi32>, vector<16xi32>], vector<16xf32>,
      %add3A_1113 = arith.addf %get3A_1027, %gather3A_451 : vector<16xf32>
      %scatter3A_1114 = arith.constant 0 : i32
      %scatter3A_1115 = arith.constant 0 : i32
      %scatter3A_1116 = tpu.memref_slice %arg9[%rem3A_423, %scatter3A_1114, %scatter3A_1115] : memref<4x32x129xf32, #tpu.memory_space<vmem>> -> memref<1x32x129xf32, #tpu.memory_space<vmem>>
      %scatter3A_1117 = tpu.memref_squeeze %scatter3A_1116 : memref<1x32x129xf32, #tpu.memory_space<vmem>> -> memref<32x129xf32, #tpu.memory_space<vmem>>
      tpu.vector_store_idx %scatter3A_1117[%add3A_49, %broadcast_in_dim3A_1107], %add3A_1113 : memref<32x129xf32, #tpu.memory_space<vmem>>[vector<16xi32>, vector<16xi32>], vector<16xf32>,
      %broadcast_in_dim3A_1118 = arith.constant 29 : i32
      %broadcast_in_dim3A_1119 = vector.broadcast %broadcast_in_dim3A_1118 : i32 to vector<16xi32>
      %add3A_1120 = arith.addf %get3A_1032, %gather3A : vector<16xf32>
      %scatter3A_1121 = arith.constant 0 : i32
      %scatter3A_1122 = arith.constant 0 : i32
      %scatter3A_1123 = tpu.memref_slice %arg9[%rem3A_423, %scatter3A_1121, %scatter3A_1122] : memref<4x32x129xf32, #tpu.memory_space<vmem>> -> memref<1x32x129xf32, #tpu.memory_space<vmem>>
      %scatter3A_1124 = tpu.memref_squeeze %scatter3A_1123 : memref<1x32x129xf32, #tpu.memory_space<vmem>> -> memref<32x129xf32, #tpu.memory_space<vmem>>
      tpu.vector_store_idx %scatter3A_1124[%iota3A, %broadcast_in_dim3A_1119], %add3A_1120 : memref<32x129xf32, #tpu.memory_space<vmem>>[vector<16xi32>, vector<16xi32>], vector<16xf32>,
      %add3A_1125 = arith.addf %get3A_1037, %gather3A_451 : vector<16xf32>
      %scatter3A_1126 = arith.constant 0 : i32
      %scatter3A_1127 = arith.constant 0 : i32
      %scatter3A_1128 = tpu.memref_slice %arg9[%rem3A_423, %scatter3A_1126, %scatter3A_1127] : memref<4x32x129xf32, #tpu.memory_space<vmem>> -> memref<1x32x129xf32, #tpu.memory_space<vmem>>
      %scatter3A_1129 = tpu.memref_squeeze %scatter3A_1128 : memref<1x32x129xf32, #tpu.memory_space<vmem>> -> memref<32x129xf32, #tpu.memory_space<vmem>>
      tpu.vector_store_idx %scatter3A_1129[%add3A_49, %broadcast_in_dim3A_1119], %add3A_1125 : memref<32x129xf32, #tpu.memory_space<vmem>>[vector<16xi32>, vector<16xi32>], vector<16xf32>,
      %broadcast_in_dim3A_1130 = arith.constant 30 : i32
      %broadcast_in_dim3A_1131 = vector.broadcast %broadcast_in_dim3A_1130 : i32 to vector<16xi32>
      %add3A_1132 = arith.addf %get3A_1042, %gather3A : vector<16xf32>
      %scatter3A_1133 = arith.constant 0 : i32
      %scatter3A_1134 = arith.constant 0 : i32
      %scatter3A_1135 = tpu.memref_slice %arg9[%rem3A_423, %scatter3A_1133, %scatter3A_1134] : memref<4x32x129xf32, #tpu.memory_space<vmem>> -> memref<1x32x129xf32, #tpu.memory_space<vmem>>
      %scatter3A_1136 = tpu.memref_squeeze %scatter3A_1135 : memref<1x32x129xf32, #tpu.memory_space<vmem>> -> memref<32x129xf32, #tpu.memory_space<vmem>>
      tpu.vector_store_idx %scatter3A_1136[%iota3A, %broadcast_in_dim3A_1131], %add3A_1132 : memref<32x129xf32, #tpu.memory_space<vmem>>[vector<16xi32>, vector<16xi32>], vector<16xf32>,
      %add3A_1137 = arith.addf %get3A_1047, %gather3A_451 : vector<16xf32>
      %scatter3A_1138 = arith.constant 0 : i32
      %scatter3A_1139 = arith.constant 0 : i32
      %scatter3A_1140 = tpu.memref_slice %arg9[%rem3A_423, %scatter3A_1138, %scatter3A_1139] : memref<4x32x129xf32, #tpu.memory_space<vmem>> -> memref<1x32x129xf32, #tpu.memory_space<vmem>>
      %scatter3A_1141 = tpu.memref_squeeze %scatter3A_1140 : memref<1x32x129xf32, #tpu.memory_space<vmem>> -> memref<32x129xf32, #tpu.memory_space<vmem>>
      tpu.vector_store_idx %scatter3A_1141[%add3A_49, %broadcast_in_dim3A_1131], %add3A_1137 : memref<32x129xf32, #tpu.memory_space<vmem>>[vector<16xi32>, vector<16xi32>], vector<16xf32>,
      %broadcast_in_dim3A_1142 = arith.constant 31 : i32
      %broadcast_in_dim3A_1143 = vector.broadcast %broadcast_in_dim3A_1142 : i32 to vector<16xi32>
      %add3A_1144 = arith.addf %get3A_1052, %gather3A : vector<16xf32>
      %scatter3A_1145 = arith.constant 0 : i32
      %scatter3A_1146 = arith.constant 0 : i32
      %scatter3A_1147 = tpu.memref_slice %arg9[%rem3A_423, %scatter3A_1145, %scatter3A_1146] : memref<4x32x129xf32, #tpu.memory_space<vmem>> -> memref<1x32x129xf32, #tpu.memory_space<vmem>>
      %scatter3A_1148 = tpu.memref_squeeze %scatter3A_1147 : memref<1x32x129xf32, #tpu.memory_space<vmem>> -> memref<32x129xf32, #tpu.memory_space<vmem>>
      tpu.vector_store_idx %scatter3A_1148[%iota3A, %broadcast_in_dim3A_1143], %add3A_1144 : memref<32x129xf32, #tpu.memory_space<vmem>>[vector<16xi32>, vector<16xi32>], vector<16xf32>,
      %add3A_1149 = arith.addf %get3A_1057, %gather3A_451 : vector<16xf32>
      %scatter3A_1150 = arith.constant 0 : i32
      %scatter3A_1151 = arith.constant 0 : i32
      %scatter3A_1152 = tpu.memref_slice %arg9[%rem3A_423, %scatter3A_1150, %scatter3A_1151] : memref<4x32x129xf32, #tpu.memory_space<vmem>> -> memref<1x32x129xf32, #tpu.memory_space<vmem>>
      %scatter3A_1153 = tpu.memref_squeeze %scatter3A_1152 : memref<1x32x129xf32, #tpu.memory_space<vmem>> -> memref<32x129xf32, #tpu.memory_space<vmem>>
      tpu.vector_store_idx %scatter3A_1153[%add3A_49, %broadcast_in_dim3A_1143], %add3A_1149 : memref<32x129xf32, #tpu.memory_space<vmem>>[vector<16xi32>, vector<16xi32>], vector<16xf32>,
      %get3A_1154 = arith.constant 32 : i32
      %get3A_1155 = arith.index_cast %rem3A_423 : i32 to index
      %get3A_1156 = arith.index_cast %get3A_1154 : i32 to index
      %get3A_1157 = arith.constant 0 : index
      %get3A_1158 = tpu.vector_load %arg8[%get3A_1155, %get3A_1156, %get3A_1157] {strides = array<i32>} : memref<4x128x32xf32, #tpu.memory_space<vmem>>, vector<16xf32>,
      %get3A_1159 = arith.constant 32 : i32
      %get3A_1160 = arith.index_cast %rem3A_423 : i32 to index
      %get3A_1161 = arith.index_cast %get3A_1159 : i32 to index
      %get3A_1162 = arith.constant 16 : index
      %get3A_1163 = tpu.vector_load %arg8[%get3A_1160, %get3A_1161, %get3A_1162] {strides = array<i32>} : memref<4x128x32xf32, #tpu.memory_space<vmem>>, vector<16xf32>,
      %get3A_1164 = arith.constant 33 : i32
      %get3A_1165 = arith.index_cast %rem3A_423 : i32 to index
      %get3A_1166 = arith.index_cast %get3A_1164 : i32 to index
      %get3A_1167 = arith.constant 0 : index
      %get3A_1168 = tpu.vector_load %arg8[%get3A_1165, %get3A_1166, %get3A_1167] {strides = array<i32>} : memref<4x128x32xf32, #tpu.memory_space<vmem>>, vector<16xf32>,
      %get3A_1169 = arith.constant 33 : i32
      %get3A_1170 = arith.index_cast %rem3A_423 : i32 to index
      %get3A_1171 = arith.index_cast %get3A_1169 : i32 to index
      %get3A_1172 = arith.constant 16 : index
      %get3A_1173 = tpu.vector_load %arg8[%get3A_1170, %get3A_1171, %get3A_1172] {strides = array<i32>} : memref<4x128x32xf32, #tpu.memory_space<vmem>>, vector<16xf32>,
      %get3A_1174 = arith.constant 34 : i32
      %get3A_1175 = arith.index_cast %rem3A_423 : i32 to index
      %get3A_1176 = arith.index_cast %get3A_1174 : i32 to index
      %get3A_1177 = arith.constant 0 : index
      %get3A_1178 = tpu.vector_load %arg8[%get3A_1175, %get3A_1176, %get3A_1177] {strides = array<i32>} : memref<4x128x32xf32, #tpu.memory_space<vmem>>, vector<16xf32>,
      %get3A_1179 = arith.constant 34 : i32
      %get3A_1180 = arith.index_cast %rem3A_423 : i32 to index
      %get3A_1181 = arith.index_cast %get3A_1179 : i32 to index
      %get3A_1182 = arith.constant 16 : index
      %get3A_1183 = tpu.vector_load %arg8[%get3A_1180, %get3A_1181, %get3A_1182] {strides = array<i32>} : memref<4x128x32xf32, #tpu.memory_space<vmem>>, vector<16xf32>,
      %get3A_1184 = arith.constant 35 : i32
      %get3A_1185 = arith.index_cast %rem3A_423 : i32 to index
      %get3A_1186 = arith.index_cast %get3A_1184 : i32 to index
      %get3A_1187 = arith.constant 0 : index
      %get3A_1188 = tpu.vector_load %arg8[%get3A_1185, %get3A_1186, %get3A_1187] {strides = array<i32>} : memref<4x128x32xf32, #tpu.memory_space<vmem>>, vector<16xf32>,
      %get3A_1189 = arith.constant 35 : i32
      %get3A_1190 = arith.index_cast %rem3A_423 : i32 to index
      %get3A_1191 = arith.index_cast %get3A_1189 : i32 to index
      %get3A_1192 = arith.constant 16 : index
      %get3A_1193 = tpu.vector_load %arg8[%get3A_1190, %get3A_1191, %get3A_1192] {strides = array<i32>} : memref<4x128x32xf32, #tpu.memory_space<vmem>>, vector<16xf32>,
      %get3A_1194 = arith.constant 36 : i32
      %get3A_1195 = arith.index_cast %rem3A_423 : i32 to index
      %get3A_1196 = arith.index_cast %get3A_1194 : i32 to index
      %get3A_1197 = arith.constant 0 : index
      %get3A_1198 = tpu.vector_load %arg8[%get3A_1195, %get3A_1196, %get3A_1197] {strides = array<i32>} : memref<4x128x32xf32, #tpu.memory_space<vmem>>, vector<16xf32>,
      %get3A_1199 = arith.constant 36 : i32
      %get3A_1200 = arith.index_cast %rem3A_423 : i32 to index
      %get3A_1201 = arith.index_cast %get3A_1199 : i32 to index
      %get3A_1202 = arith.constant 16 : index
      %get3A_1203 = tpu.vector_load %arg8[%get3A_1200, %get3A_1201, %get3A_1202] {strides = array<i32>} : memref<4x128x32xf32, #tpu.memory_space<vmem>>, vector<16xf32>,
      %get3A_1204 = arith.constant 37 : i32
      %get3A_1205 = arith.index_cast %rem3A_423 : i32 to index
      %get3A_1206 = arith.index_cast %get3A_1204 : i32 to index
      %get3A_1207 = arith.constant 0 : index
      %get3A_1208 = tpu.vector_load %arg8[%get3A_1205, %get3A_1206, %get3A_1207] {strides = array<i32>} : memref<4x128x32xf32, #tpu.memory_space<vmem>>, vector<16xf32>,
      %get3A_1209 = arith.constant 37 : i32
      %get3A_1210 = arith.index_cast %rem3A_423 : i32 to index
      %get3A_1211 = arith.index_cast %get3A_1209 : i32 to index
      %get3A_1212 = arith.constant 16 : index
      %get3A_1213 = tpu.vector_load %arg8[%get3A_1210, %get3A_1211, %get3A_1212] {strides = array<i32>} : memref<4x128x32xf32, #tpu.memory_space<vmem>>, vector<16xf32>,
      %get3A_1214 = arith.constant 38 : i32
      %get3A_1215 = arith.index_cast %rem3A_423 : i32 to index
      %get3A_1216 = arith.index_cast %get3A_1214 : i32 to index
      %get3A_1217 = arith.constant 0 : index
      %get3A_1218 = tpu.vector_load %arg8[%get3A_1215, %get3A_1216, %get3A_1217] {strides = array<i32>} : memref<4x128x32xf32, #tpu.memory_space<vmem>>, vector<16xf32>,
      %get3A_1219 = arith.constant 38 : i32
      %get3A_1220 = arith.index_cast %rem3A_423 : i32 to index
      %get3A_1221 = arith.index_cast %get3A_1219 : i32 to index
      %get3A_1222 = arith.constant 16 : index
      %get3A_1223 = tpu.vector_load %arg8[%get3A_1220, %get3A_1221, %get3A_1222] {strides = array<i32>} : memref<4x128x32xf32, #tpu.memory_space<vmem>>, vector<16xf32>,
      %get3A_1224 = arith.constant 39 : i32
      %get3A_1225 = arith.index_cast %rem3A_423 : i32 to index
      %get3A_1226 = arith.index_cast %get3A_1224 : i32 to index
      %get3A_1227 = arith.constant 0 : index
      %get3A_1228 = tpu.vector_load %arg8[%get3A_1225, %get3A_1226, %get3A_1227] {strides = array<i32>} : memref<4x128x32xf32, #tpu.memory_space<vmem>>, vector<16xf32>,
      %get3A_1229 = arith.constant 39 : i32
      %get3A_1230 = arith.index_cast %rem3A_423 : i32 to index
      %get3A_1231 = arith.index_cast %get3A_1229 : i32 to index
      %get3A_1232 = arith.constant 16 : index
      %get3A_1233 = tpu.vector_load %arg8[%get3A_1230, %get3A_1231, %get3A_1232] {strides = array<i32>} : memref<4x128x32xf32, #tpu.memory_space<vmem>>, vector<16xf32>,
      %broadcast_in_dim3A_1234 = arith.constant 32 : i32
      %broadcast_in_dim3A_1235 = vector.broadcast %broadcast_in_dim3A_1234 : i32 to vector<16xi32>
      %add3A_1236 = arith.addf %get3A_1158, %gather3A : vector<16xf32>
      %scatter3A_1237 = arith.constant 0 : i32
      %scatter3A_1238 = arith.constant 0 : i32
      %scatter3A_1239 = tpu.memref_slice %arg9[%rem3A_423, %scatter3A_1237, %scatter3A_1238] : memref<4x32x129xf32, #tpu.memory_space<vmem>> -> memref<1x32x129xf32, #tpu.memory_space<vmem>>
      %scatter3A_1240 = tpu.memref_squeeze %scatter3A_1239 : memref<1x32x129xf32, #tpu.memory_space<vmem>> -> memref<32x129xf32, #tpu.memory_space<vmem>>
      tpu.vector_store_idx %scatter3A_1240[%iota3A, %broadcast_in_dim3A_1235], %add3A_1236 : memref<32x129xf32, #tpu.memory_space<vmem>>[vector<16xi32>, vector<16xi32>], vector<16xf32>,
      %add3A_1241 = arith.addf %get3A_1163, %gather3A_451 : vector<16xf32>
      %scatter3A_1242 = arith.constant 0 : i32
      %scatter3A_1243 = arith.constant 0 : i32
      %scatter3A_1244 = tpu.memref_slice %arg9[%rem3A_423, %scatter3A_1242, %scatter3A_1243] : memref<4x32x129xf32, #tpu.memory_space<vmem>> -> memref<1x32x129xf32, #tpu.memory_space<vmem>>
      %scatter3A_1245 = tpu.memref_squeeze %scatter3A_1244 : memref<1x32x129xf32, #tpu.memory_space<vmem>> -> memref<32x129xf32, #tpu.memory_space<vmem>>
      tpu.vector_store_idx %scatter3A_1245[%add3A_49, %broadcast_in_dim3A_1235], %add3A_1241 : memref<32x129xf32, #tpu.memory_space<vmem>>[vector<16xi32>, vector<16xi32>], vector<16xf32>,
      %broadcast_in_dim3A_1246 = arith.constant 33 : i32
      %broadcast_in_dim3A_1247 = vector.broadcast %broadcast_in_dim3A_1246 : i32 to vector<16xi32>
      %add3A_1248 = arith.addf %get3A_1168, %gather3A : vector<16xf32>
      %scatter3A_1249 = arith.constant 0 : i32
      %scatter3A_1250 = arith.constant 0 : i32
      %scatter3A_1251 = tpu.memref_slice %arg9[%rem3A_423, %scatter3A_1249, %scatter3A_1250] : memref<4x32x129xf32, #tpu.memory_space<vmem>> -> memref<1x32x129xf32, #tpu.memory_space<vmem>>
      %scatter3A_1252 = tpu.memref_squeeze %scatter3A_1251 : memref<1x32x129xf32, #tpu.memory_space<vmem>> -> memref<32x129xf32, #tpu.memory_space<vmem>>
      tpu.vector_store_idx %scatter3A_1252[%iota3A, %broadcast_in_dim3A_1247], %add3A_1248 : memref<32x129xf32, #tpu.memory_space<vmem>>[vector<16xi32>, vector<16xi32>], vector<16xf32>,
      %add3A_1253 = arith.addf %get3A_1173, %gather3A_451 : vector<16xf32>
      %scatter3A_1254 = arith.constant 0 : i32
      %scatter3A_1255 = arith.constant 0 : i32
      %scatter3A_1256 = tpu.memref_slice %arg9[%rem3A_423, %scatter3A_1254, %scatter3A_1255] : memref<4x32x129xf32, #tpu.memory_space<vmem>> -> memref<1x32x129xf32, #tpu.memory_space<vmem>>
      %scatter3A_1257 = tpu.memref_squeeze %scatter3A_1256 : memref<1x32x129xf32, #tpu.memory_space<vmem>> -> memref<32x129xf32, #tpu.memory_space<vmem>>
      tpu.vector_store_idx %scatter3A_1257[%add3A_49, %broadcast_in_dim3A_1247], %add3A_1253 : memref<32x129xf32, #tpu.memory_space<vmem>>[vector<16xi32>, vector<16xi32>], vector<16xf32>,
      %broadcast_in_dim3A_1258 = arith.constant 34 : i32
      %broadcast_in_dim3A_1259 = vector.broadcast %broadcast_in_dim3A_1258 : i32 to vector<16xi32>
      %add3A_1260 = arith.addf %get3A_1178, %gather3A : vector<16xf32>
      %scatter3A_1261 = arith.constant 0 : i32
      %scatter3A_1262 = arith.constant 0 : i32
      %scatter3A_1263 = tpu.memref_slice %arg9[%rem3A_423, %scatter3A_1261, %scatter3A_1262] : memref<4x32x129xf32, #tpu.memory_space<vmem>> -> memref<1x32x129xf32, #tpu.memory_space<vmem>>
      %scatter3A_1264 = tpu.memref_squeeze %scatter3A_1263 : memref<1x32x129xf32, #tpu.memory_space<vmem>> -> memref<32x129xf32, #tpu.memory_space<vmem>>
      tpu.vector_store_idx %scatter3A_1264[%iota3A, %broadcast_in_dim3A_1259], %add3A_1260 : memref<32x129xf32, #tpu.memory_space<vmem>>[vector<16xi32>, vector<16xi32>], vector<16xf32>,
      %add3A_1265 = arith.addf %get3A_1183, %gather3A_451 : vector<16xf32>
      %scatter3A_1266 = arith.constant 0 : i32
      %scatter3A_1267 = arith.constant 0 : i32
      %scatter3A_1268 = tpu.memref_slice %arg9[%rem3A_423, %scatter3A_1266, %scatter3A_1267] : memref<4x32x129xf32, #tpu.memory_space<vmem>> -> memref<1x32x129xf32, #tpu.memory_space<vmem>>
      %scatter3A_1269 = tpu.memref_squeeze %scatter3A_1268 : memref<1x32x129xf32, #tpu.memory_space<vmem>> -> memref<32x129xf32, #tpu.memory_space<vmem>>
      tpu.vector_store_idx %scatter3A_1269[%add3A_49, %broadcast_in_dim3A_1259], %add3A_1265 : memref<32x129xf32, #tpu.memory_space<vmem>>[vector<16xi32>, vector<16xi32>], vector<16xf32>,
      %broadcast_in_dim3A_1270 = arith.constant 35 : i32
      %broadcast_in_dim3A_1271 = vector.broadcast %broadcast_in_dim3A_1270 : i32 to vector<16xi32>
      %add3A_1272 = arith.addf %get3A_1188, %gather3A : vector<16xf32>
      %scatter3A_1273 = arith.constant 0 : i32
      %scatter3A_1274 = arith.constant 0 : i32
      %scatter3A_1275 = tpu.memref_slice %arg9[%rem3A_423, %scatter3A_1273, %scatter3A_1274] : memref<4x32x129xf32, #tpu.memory_space<vmem>> -> memref<1x32x129xf32, #tpu.memory_space<vmem>>
      %scatter3A_1276 = tpu.memref_squeeze %scatter3A_1275 : memref<1x32x129xf32, #tpu.memory_space<vmem>> -> memref<32x129xf32, #tpu.memory_space<vmem>>
      tpu.vector_store_idx %scatter3A_1276[%iota3A, %broadcast_in_dim3A_1271], %add3A_1272 : memref<32x129xf32, #tpu.memory_space<vmem>>[vector<16xi32>, vector<16xi32>], vector<16xf32>,
      %add3A_1277 = arith.addf %get3A_1193, %gather3A_451 : vector<16xf32>
      %scatter3A_1278 = arith.constant 0 : i32
      %scatter3A_1279 = arith.constant 0 : i32
      %scatter3A_1280 = tpu.memref_slice %arg9[%rem3A_423, %scatter3A_1278, %scatter3A_1279] : memref<4x32x129xf32, #tpu.memory_space<vmem>> -> memref<1x32x129xf32, #tpu.memory_space<vmem>>
      %scatter3A_1281 = tpu.memref_squeeze %scatter3A_1280 : memref<1x32x129xf32, #tpu.memory_space<vmem>> -> memref<32x129xf32, #tpu.memory_space<vmem>>
      tpu.vector_store_idx %scatter3A_1281[%add3A_49, %broadcast_in_dim3A_1271], %add3A_1277 : memref<32x129xf32, #tpu.memory_space<vmem>>[vector<16xi32>, vector<16xi32>], vector<16xf32>,
      %broadcast_in_dim3A_1282 = arith.constant 36 : i32
      %broadcast_in_dim3A_1283 = vector.broadcast %broadcast_in_dim3A_1282 : i32 to vector<16xi32>
      %add3A_1284 = arith.addf %get3A_1198, %gather3A : vector<16xf32>
      %scatter3A_1285 = arith.constant 0 : i32
      %scatter3A_1286 = arith.constant 0 : i32
      %scatter3A_1287 = tpu.memref_slice %arg9[%rem3A_423, %scatter3A_1285, %scatter3A_1286] : memref<4x32x129xf32, #tpu.memory_space<vmem>> -> memref<1x32x129xf32, #tpu.memory_space<vmem>>
      %scatter3A_1288 = tpu.memref_squeeze %scatter3A_1287 : memref<1x32x129xf32, #tpu.memory_space<vmem>> -> memref<32x129xf32, #tpu.memory_space<vmem>>
      tpu.vector_store_idx %scatter3A_1288[%iota3A, %broadcast_in_dim3A_1283], %add3A_1284 : memref<32x129xf32, #tpu.memory_space<vmem>>[vector<16xi32>, vector<16xi32>], vector<16xf32>,
      %add3A_1289 = arith.addf %get3A_1203, %gather3A_451 : vector<16xf32>
      %scatter3A_1290 = arith.constant 0 : i32
      %scatter3A_1291 = arith.constant 0 : i32
      %scatter3A_1292 = tpu.memref_slice %arg9[%rem3A_423, %scatter3A_1290, %scatter3A_1291] : memref<4x32x129xf32, #tpu.memory_space<vmem>> -> memref<1x32x129xf32, #tpu.memory_space<vmem>>
      %scatter3A_1293 = tpu.memref_squeeze %scatter3A_1292 : memref<1x32x129xf32, #tpu.memory_space<vmem>> -> memref<32x129xf32, #tpu.memory_space<vmem>>
      tpu.vector_store_idx %scatter3A_1293[%add3A_49, %broadcast_in_dim3A_1283], %add3A_1289 : memref<32x129xf32, #tpu.memory_space<vmem>>[vector<16xi32>, vector<16xi32>], vector<16xf32>,
      %broadcast_in_dim3A_1294 = arith.constant 37 : i32
      %broadcast_in_dim3A_1295 = vector.broadcast %broadcast_in_dim3A_1294 : i32 to vector<16xi32>
      %add3A_1296 = arith.addf %get3A_1208, %gather3A : vector<16xf32>
      %scatter3A_1297 = arith.constant 0 : i32
      %scatter3A_1298 = arith.constant 0 : i32
      %scatter3A_1299 = tpu.memref_slice %arg9[%rem3A_423, %scatter3A_1297, %scatter3A_1298] : memref<4x32x129xf32, #tpu.memory_space<vmem>> -> memref<1x32x129xf32, #tpu.memory_space<vmem>>
      %scatter3A_1300 = tpu.memref_squeeze %scatter3A_1299 : memref<1x32x129xf32, #tpu.memory_space<vmem>> -> memref<32x129xf32, #tpu.memory_space<vmem>>
      tpu.vector_store_idx %scatter3A_1300[%iota3A, %broadcast_in_dim3A_1295], %add3A_1296 : memref<32x129xf32, #tpu.memory_space<vmem>>[vector<16xi32>, vector<16xi32>], vector<16xf32>,
      %add3A_1301 = arith.addf %get3A_1213, %gather3A_451 : vector<16xf32>
      %scatter3A_1302 = arith.constant 0 : i32
      %scatter3A_1303 = arith.constant 0 : i32
      %scatter3A_1304 = tpu.memref_slice %arg9[%rem3A_423, %scatter3A_1302, %scatter3A_1303] : memref<4x32x129xf32, #tpu.memory_space<vmem>> -> memref<1x32x129xf32, #tpu.memory_space<vmem>>
      %scatter3A_1305 = tpu.memref_squeeze %scatter3A_1304 : memref<1x32x129xf32, #tpu.memory_space<vmem>> -> memref<32x129xf32, #tpu.memory_space<vmem>>
      tpu.vector_store_idx %scatter3A_1305[%add3A_49, %broadcast_in_dim3A_1295], %add3A_1301 : memref<32x129xf32, #tpu.memory_space<vmem>>[vector<16xi32>, vector<16xi32>], vector<16xf32>,
      %broadcast_in_dim3A_1306 = arith.constant 38 : i32
      %broadcast_in_dim3A_1307 = vector.broadcast %broadcast_in_dim3A_1306 : i32 to vector<16xi32>
      %add3A_1308 = arith.addf %get3A_1218, %gather3A : vector<16xf32>
      %scatter3A_1309 = arith.constant 0 : i32
      %scatter3A_1310 = arith.constant 0 : i32
      %scatter3A_1311 = tpu.memref_slice %arg9[%rem3A_423, %scatter3A_1309, %scatter3A_1310] : memref<4x32x129xf32, #tpu.memory_space<vmem>> -> memref<1x32x129xf32, #tpu.memory_space<vmem>>
      %scatter3A_1312 = tpu.memref_squeeze %scatter3A_1311 : memref<1x32x129xf32, #tpu.memory_space<vmem>> -> memref<32x129xf32, #tpu.memory_space<vmem>>
      tpu.vector_store_idx %scatter3A_1312[%iota3A, %broadcast_in_dim3A_1307], %add3A_1308 : memref<32x129xf32, #tpu.memory_space<vmem>>[vector<16xi32>, vector<16xi32>], vector<16xf32>,
      %add3A_1313 = arith.addf %get3A_1223, %gather3A_451 : vector<16xf32>
      %scatter3A_1314 = arith.constant 0 : i32
      %scatter3A_1315 = arith.constant 0 : i32
      %scatter3A_1316 = tpu.memref_slice %arg9[%rem3A_423, %scatter3A_1314, %scatter3A_1315] : memref<4x32x129xf32, #tpu.memory_space<vmem>> -> memref<1x32x129xf32, #tpu.memory_space<vmem>>
      %scatter3A_1317 = tpu.memref_squeeze %scatter3A_1316 : memref<1x32x129xf32, #tpu.memory_space<vmem>> -> memref<32x129xf32, #tpu.memory_space<vmem>>
      tpu.vector_store_idx %scatter3A_1317[%add3A_49, %broadcast_in_dim3A_1307], %add3A_1313 : memref<32x129xf32, #tpu.memory_space<vmem>>[vector<16xi32>, vector<16xi32>], vector<16xf32>,
      %broadcast_in_dim3A_1318 = arith.constant 39 : i32
      %broadcast_in_dim3A_1319 = vector.broadcast %broadcast_in_dim3A_1318 : i32 to vector<16xi32>
      %add3A_1320 = arith.addf %get3A_1228, %gather3A : vector<16xf32>
      %scatter3A_1321 = arith.constant 0 : i32
      %scatter3A_1322 = arith.constant 0 : i32
      %scatter3A_1323 = tpu.memref_slice %arg9[%rem3A_423, %scatter3A_1321, %scatter3A_1322] : memref<4x32x129xf32, #tpu.memory_space<vmem>> -> memref<1x32x129xf32, #tpu.memory_space<vmem>>
      %scatter3A_1324 = tpu.memref_squeeze %scatter3A_1323 : memref<1x32x129xf32, #tpu.memory_space<vmem>> -> memref<32x129xf32, #tpu.memory_space<vmem>>
      tpu.vector_store_idx %scatter3A_1324[%iota3A, %broadcast_in_dim3A_1319], %add3A_1320 : memref<32x129xf32, #tpu.memory_space<vmem>>[vector<16xi32>, vector<16xi32>], vector<16xf32>,
      %add3A_1325 = arith.addf %get3A_1233, %gather3A_451 : vector<16xf32>
      %scatter3A_1326 = arith.constant 0 : i32
      %scatter3A_1327 = arith.constant 0 : i32
      %scatter3A_1328 = tpu.memref_slice %arg9[%rem3A_423, %scatter3A_1326, %scatter3A_1327] : memref<4x32x129xf32, #tpu.memory_space<vmem>> -> memref<1x32x129xf32, #tpu.memory_space<vmem>>
      %scatter3A_1329 = tpu.memref_squeeze %scatter3A_1328 : memref<1x32x129xf32, #tpu.memory_space<vmem>> -> memref<32x129xf32, #tpu.memory_space<vmem>>
      tpu.vector_store_idx %scatter3A_1329[%add3A_49, %broadcast_in_dim3A_1319], %add3A_1325 : memref<32x129xf32, #tpu.memory_space<vmem>>[vector<16xi32>, vector<16xi32>], vector<16xf32>,
      %get3A_1330 = arith.constant 40 : i32
      %get3A_1331 = arith.index_cast %rem3A_423 : i32 to index
      %get3A_1332 = arith.index_cast %get3A_1330 : i32 to index
      %get3A_1333 = arith.constant 0 : index
      %get3A_1334 = tpu.vector_load %arg8[%get3A_1331, %get3A_1332, %get3A_1333] {strides = array<i32>} : memref<4x128x32xf32, #tpu.memory_space<vmem>>, vector<16xf32>,
      %get3A_1335 = arith.constant 40 : i32
      %get3A_1336 = arith.index_cast %rem3A_423 : i32 to index
      %get3A_1337 = arith.index_cast %get3A_1335 : i32 to index
      %get3A_1338 = arith.constant 16 : index
      %get3A_1339 = tpu.vector_load %arg8[%get3A_1336, %get3A_1337, %get3A_1338] {strides = array<i32>} : memref<4x128x32xf32, #tpu.memory_space<vmem>>, vector<16xf32>,
      %get3A_1340 = arith.constant 41 : i32
      %get3A_1341 = arith.index_cast %rem3A_423 : i32 to index
      %get3A_1342 = arith.index_cast %get3A_1340 : i32 to index
      %get3A_1343 = arith.constant 0 : index
      %get3A_1344 = tpu.vector_load %arg8[%get3A_1341, %get3A_1342, %get3A_1343] {strides = array<i32>} : memref<4x128x32xf32, #tpu.memory_space<vmem>>, vector<16xf32>,
      %get3A_1345 = arith.constant 41 : i32
      %get3A_1346 = arith.index_cast %rem3A_423 : i32 to index
      %get3A_1347 = arith.index_cast %get3A_1345 : i32 to index
      %get3A_1348 = arith.constant 16 : index
      %get3A_1349 = tpu.vector_load %arg8[%get3A_1346, %get3A_1347, %get3A_1348] {strides = array<i32>} : memref<4x128x32xf32, #tpu.memory_space<vmem>>, vector<16xf32>,
      %get3A_1350 = arith.constant 42 : i32
      %get3A_1351 = arith.index_cast %rem3A_423 : i32 to index
      %get3A_1352 = arith.index_cast %get3A_1350 : i32 to index
      %get3A_1353 = arith.constant 0 : index
      %get3A_1354 = tpu.vector_load %arg8[%get3A_1351, %get3A_1352, %get3A_1353] {strides = array<i32>} : memref<4x128x32xf32, #tpu.memory_space<vmem>>, vector<16xf32>,
      %get3A_1355 = arith.constant 42 : i32
      %get3A_1356 = arith.index_cast %rem3A_423 : i32 to index
      %get3A_1357 = arith.index_cast %get3A_1355 : i32 to index
      %get3A_1358 = arith.constant 16 : index
      %get3A_1359 = tpu.vector_load %arg8[%get3A_1356, %get3A_1357, %get3A_1358] {strides = array<i32>} : memref<4x128x32xf32, #tpu.memory_space<vmem>>, vector<16xf32>,
      %get3A_1360 = arith.constant 43 : i32
      %get3A_1361 = arith.index_cast %rem3A_423 : i32 to index
      %get3A_1362 = arith.index_cast %get3A_1360 : i32 to index
      %get3A_1363 = arith.constant 0 : index
      %get3A_1364 = tpu.vector_load %arg8[%get3A_1361, %get3A_1362, %get3A_1363] {strides = array<i32>} : memref<4x128x32xf32, #tpu.memory_space<vmem>>, vector<16xf32>,
      %get3A_1365 = arith.constant 43 : i32
      %get3A_1366 = arith.index_cast %rem3A_423 : i32 to index
      %get3A_1367 = arith.index_cast %get3A_1365 : i32 to index
      %get3A_1368 = arith.constant 16 : index
      %get3A_1369 = tpu.vector_load %arg8[%get3A_1366, %get3A_1367, %get3A_1368] {strides = array<i32>} : memref<4x128x32xf32, #tpu.memory_space<vmem>>, vector<16xf32>,
      %get3A_1370 = arith.constant 44 : i32
      %get3A_1371 = arith.index_cast %rem3A_423 : i32 to index
      %get3A_1372 = arith.index_cast %get3A_1370 : i32 to index
      %get3A_1373 = arith.constant 0 : index
      %get3A_1374 = tpu.vector_load %arg8[%get3A_1371, %get3A_1372, %get3A_1373] {strides = array<i32>} : memref<4x128x32xf32, #tpu.memory_space<vmem>>, vector<16xf32>,
      %get3A_1375 = arith.constant 44 : i32
      %get3A_1376 = arith.index_cast %rem3A_423 : i32 to index
      %get3A_1377 = arith.index_cast %get3A_1375 : i32 to index
      %get3A_1378 = arith.constant 16 : index
      %get3A_1379 = tpu.vector_load %arg8[%get3A_1376, %get3A_1377, %get3A_1378] {strides = array<i32>} : memref<4x128x32xf32, #tpu.memory_space<vmem>>, vector<16xf32>,
      %get3A_1380 = arith.constant 45 : i32
      %get3A_1381 = arith.index_cast %rem3A_423 : i32 to index
      %get3A_1382 = arith.index_cast %get3A_1380 : i32 to index
      %get3A_1383 = arith.constant 0 : index
      %get3A_1384 = tpu.vector_load %arg8[%get3A_1381, %get3A_1382, %get3A_1383] {strides = array<i32>} : memref<4x128x32xf32, #tpu.memory_space<vmem>>, vector<16xf32>,
      %get3A_1385 = arith.constant 45 : i32
      %get3A_1386 = arith.index_cast %rem3A_423 : i32 to index
      %get3A_1387 = arith.index_cast %get3A_1385 : i32 to index
      %get3A_1388 = arith.constant 16 : index
      %get3A_1389 = tpu.vector_load %arg8[%get3A_1386, %get3A_1387, %get3A_1388] {strides = array<i32>} : memref<4x128x32xf32, #tpu.memory_space<vmem>>, vector<16xf32>,
      %get3A_1390 = arith.constant 46 : i32
      %get3A_1391 = arith.index_cast %rem3A_423 : i32 to index
      %get3A_1392 = arith.index_cast %get3A_1390 : i32 to index
      %get3A_1393 = arith.constant 0 : index
      %get3A_1394 = tpu.vector_load %arg8[%get3A_1391, %get3A_1392, %get3A_1393] {strides = array<i32>} : memref<4x128x32xf32, #tpu.memory_space<vmem>>, vector<16xf32>,
      %get3A_1395 = arith.constant 46 : i32
      %get3A_1396 = arith.index_cast %rem3A_423 : i32 to index
      %get3A_1397 = arith.index_cast %get3A_1395 : i32 to index
      %get3A_1398 = arith.constant 16 : index
      %get3A_1399 = tpu.vector_load %arg8[%get3A_1396, %get3A_1397, %get3A_1398] {strides = array<i32>} : memref<4x128x32xf32, #tpu.memory_space<vmem>>, vector<16xf32>,
      %get3A_1400 = arith.constant 47 : i32
      %get3A_1401 = arith.index_cast %rem3A_423 : i32 to index
      %get3A_1402 = arith.index_cast %get3A_1400 : i32 to index
      %get3A_1403 = arith.constant 0 : index
      %get3A_1404 = tpu.vector_load %arg8[%get3A_1401, %get3A_1402, %get3A_1403] {strides = array<i32>} : memref<4x128x32xf32, #tpu.memory_space<vmem>>, vector<16xf32>,
      %get3A_1405 = arith.constant 47 : i32
      %get3A_1406 = arith.index_cast %rem3A_423 : i32 to index
      %get3A_1407 = arith.index_cast %get3A_1405 : i32 to index
      %get3A_1408 = arith.constant 16 : index
      %get3A_1409 = tpu.vector_load %arg8[%get3A_1406, %get3A_1407, %get3A_1408] {strides = array<i32>} : memref<4x128x32xf32, #tpu.memory_space<vmem>>, vector<16xf32>,
      %broadcast_in_dim3A_1410 = arith.constant 40 : i32
      %broadcast_in_dim3A_1411 = vector.broadcast %broadcast_in_dim3A_1410 : i32 to vector<16xi32>
      %add3A_1412 = arith.addf %get3A_1334, %gather3A : vector<16xf32>
      %scatter3A_1413 = arith.constant 0 : i32
      %scatter3A_1414 = arith.constant 0 : i32
      %scatter3A_1415 = tpu.memref_slice %arg9[%rem3A_423, %scatter3A_1413, %scatter3A_1414] : memref<4x32x129xf32, #tpu.memory_space<vmem>> -> memref<1x32x129xf32, #tpu.memory_space<vmem>>
      %scatter3A_1416 = tpu.memref_squeeze %scatter3A_1415 : memref<1x32x129xf32, #tpu.memory_space<vmem>> -> memref<32x129xf32, #tpu.memory_space<vmem>>
      tpu.vector_store_idx %scatter3A_1416[%iota3A, %broadcast_in_dim3A_1411], %add3A_1412 : memref<32x129xf32, #tpu.memory_space<vmem>>[vector<16xi32>, vector<16xi32>], vector<16xf32>,
      %add3A_1417 = arith.addf %get3A_1339, %gather3A_451 : vector<16xf32>
      %scatter3A_1418 = arith.constant 0 : i32
      %scatter3A_1419 = arith.constant 0 : i32
      %scatter3A_1420 = tpu.memref_slice %arg9[%rem3A_423, %scatter3A_1418, %scatter3A_1419] : memref<4x32x129xf32, #tpu.memory_space<vmem>> -> memref<1x32x129xf32, #tpu.memory_space<vmem>>
      %scatter3A_1421 = tpu.memref_squeeze %scatter3A_1420 : memref<1x32x129xf32, #tpu.memory_space<vmem>> -> memref<32x129xf32, #tpu.memory_space<vmem>>
      tpu.vector_store_idx %scatter3A_1421[%add3A_49, %broadcast_in_dim3A_1411], %add3A_1417 : memref<32x129xf32, #tpu.memory_space<vmem>>[vector<16xi32>, vector<16xi32>], vector<16xf32>,
      %broadcast_in_dim3A_1422 = arith.constant 41 : i32
      %broadcast_in_dim3A_1423 = vector.broadcast %broadcast_in_dim3A_1422 : i32 to vector<16xi32>
      %add3A_1424 = arith.addf %get3A_1344, %gather3A : vector<16xf32>
      %scatter3A_1425 = arith.constant 0 : i32
      %scatter3A_1426 = arith.constant 0 : i32
      %scatter3A_1427 = tpu.memref_slice %arg9[%rem3A_423, %scatter3A_1425, %scatter3A_1426] : memref<4x32x129xf32, #tpu.memory_space<vmem>> -> memref<1x32x129xf32, #tpu.memory_space<vmem>>
      %scatter3A_1428 = tpu.memref_squeeze %scatter3A_1427 : memref<1x32x129xf32, #tpu.memory_space<vmem>> -> memref<32x129xf32, #tpu.memory_space<vmem>>
      tpu.vector_store_idx %scatter3A_1428[%iota3A, %broadcast_in_dim3A_1423], %add3A_1424 : memref<32x129xf32, #tpu.memory_space<vmem>>[vector<16xi32>, vector<16xi32>], vector<16xf32>,
      %add3A_1429 = arith.addf %get3A_1349, %gather3A_451 : vector<16xf32>
      %scatter3A_1430 = arith.constant 0 : i32
      %scatter3A_1431 = arith.constant 0 : i32
      %scatter3A_1432 = tpu.memref_slice %arg9[%rem3A_423, %scatter3A_1430, %scatter3A_1431] : memref<4x32x129xf32, #tpu.memory_space<vmem>> -> memref<1x32x129xf32, #tpu.memory_space<vmem>>
      %scatter3A_1433 = tpu.memref_squeeze %scatter3A_1432 : memref<1x32x129xf32, #tpu.memory_space<vmem>> -> memref<32x129xf32, #tpu.memory_space<vmem>>
      tpu.vector_store_idx %scatter3A_1433[%add3A_49, %broadcast_in_dim3A_1423], %add3A_1429 : memref<32x129xf32, #tpu.memory_space<vmem>>[vector<16xi32>, vector<16xi32>], vector<16xf32>,
      %broadcast_in_dim3A_1434 = arith.constant 42 : i32
      %broadcast_in_dim3A_1435 = vector.broadcast %broadcast_in_dim3A_1434 : i32 to vector<16xi32>
      %add3A_1436 = arith.addf %get3A_1354, %gather3A : vector<16xf32>
      %scatter3A_1437 = arith.constant 0 : i32
      %scatter3A_1438 = arith.constant 0 : i32
      %scatter3A_1439 = tpu.memref_slice %arg9[%rem3A_423, %scatter3A_1437, %scatter3A_1438] : memref<4x32x129xf32, #tpu.memory_space<vmem>> -> memref<1x32x129xf32, #tpu.memory_space<vmem>>
      %scatter3A_1440 = tpu.memref_squeeze %scatter3A_1439 : memref<1x32x129xf32, #tpu.memory_space<vmem>> -> memref<32x129xf32, #tpu.memory_space<vmem>>
      tpu.vector_store_idx %scatter3A_1440[%iota3A, %broadcast_in_dim3A_1435], %add3A_1436 : memref<32x129xf32, #tpu.memory_space<vmem>>[vector<16xi32>, vector<16xi32>], vector<16xf32>,
      %add3A_1441 = arith.addf %get3A_1359, %gather3A_451 : vector<16xf32>
      %scatter3A_1442 = arith.constant 0 : i32
      %scatter3A_1443 = arith.constant 0 : i32
      %scatter3A_1444 = tpu.memref_slice %arg9[%rem3A_423, %scatter3A_1442, %scatter3A_1443] : memref<4x32x129xf32, #tpu.memory_space<vmem>> -> memref<1x32x129xf32, #tpu.memory_space<vmem>>
      %scatter3A_1445 = tpu.memref_squeeze %scatter3A_1444 : memref<1x32x129xf32, #tpu.memory_space<vmem>> -> memref<32x129xf32, #tpu.memory_space<vmem>>
      tpu.vector_store_idx %scatter3A_1445[%add3A_49, %broadcast_in_dim3A_1435], %add3A_1441 : memref<32x129xf32, #tpu.memory_space<vmem>>[vector<16xi32>, vector<16xi32>], vector<16xf32>,
      %broadcast_in_dim3A_1446 = arith.constant 43 : i32
      %broadcast_in_dim3A_1447 = vector.broadcast %broadcast_in_dim3A_1446 : i32 to vector<16xi32>
      %add3A_1448 = arith.addf %get3A_1364, %gather3A : vector<16xf32>
      %scatter3A_1449 = arith.constant 0 : i32
      %scatter3A_1450 = arith.constant 0 : i32
      %scatter3A_1451 = tpu.memref_slice %arg9[%rem3A_423, %scatter3A_1449, %scatter3A_1450] : memref<4x32x129xf32, #tpu.memory_space<vmem>> -> memref<1x32x129xf32, #tpu.memory_space<vmem>>
      %scatter3A_1452 = tpu.memref_squeeze %scatter3A_1451 : memref<1x32x129xf32, #tpu.memory_space<vmem>> -> memref<32x129xf32, #tpu.memory_space<vmem>>
      tpu.vector_store_idx %scatter3A_1452[%iota3A, %broadcast_in_dim3A_1447], %add3A_1448 : memref<32x129xf32, #tpu.memory_space<vmem>>[vector<16xi32>, vector<16xi32>], vector<16xf32>,
      %add3A_1453 = arith.addf %get3A_1369, %gather3A_451 : vector<16xf32>
      %scatter3A_1454 = arith.constant 0 : i32
      %scatter3A_1455 = arith.constant 0 : i32
      %scatter3A_1456 = tpu.memref_slice %arg9[%rem3A_423, %scatter3A_1454, %scatter3A_1455] : memref<4x32x129xf32, #tpu.memory_space<vmem>> -> memref<1x32x129xf32, #tpu.memory_space<vmem>>
      %scatter3A_1457 = tpu.memref_squeeze %scatter3A_1456 : memref<1x32x129xf32, #tpu.memory_space<vmem>> -> memref<32x129xf32, #tpu.memory_space<vmem>>
      tpu.vector_store_idx %scatter3A_1457[%add3A_49, %broadcast_in_dim3A_1447], %add3A_1453 : memref<32x129xf32, #tpu.memory_space<vmem>>[vector<16xi32>, vector<16xi32>], vector<16xf32>,
      %broadcast_in_dim3A_1458 = arith.constant 44 : i32
      %broadcast_in_dim3A_1459 = vector.broadcast %broadcast_in_dim3A_1458 : i32 to vector<16xi32>
      %add3A_1460 = arith.addf %get3A_1374, %gather3A : vector<16xf32>
      %scatter3A_1461 = arith.constant 0 : i32
      %scatter3A_1462 = arith.constant 0 : i32
      %scatter3A_1463 = tpu.memref_slice %arg9[%rem3A_423, %scatter3A_1461, %scatter3A_1462] : memref<4x32x129xf32, #tpu.memory_space<vmem>> -> memref<1x32x129xf32, #tpu.memory_space<vmem>>
      %scatter3A_1464 = tpu.memref_squeeze %scatter3A_1463 : memref<1x32x129xf32, #tpu.memory_space<vmem>> -> memref<32x129xf32, #tpu.memory_space<vmem>>
      tpu.vector_store_idx %scatter3A_1464[%iota3A, %broadcast_in_dim3A_1459], %add3A_1460 : memref<32x129xf32, #tpu.memory_space<vmem>>[vector<16xi32>, vector<16xi32>], vector<16xf32>,
      %add3A_1465 = arith.addf %get3A_1379, %gather3A_451 : vector<16xf32>
      %scatter3A_1466 = arith.constant 0 : i32
      %scatter3A_1467 = arith.constant 0 : i32
      %scatter3A_1468 = tpu.memref_slice %arg9[%rem3A_423, %scatter3A_1466, %scatter3A_1467] : memref<4x32x129xf32, #tpu.memory_space<vmem>> -> memref<1x32x129xf32, #tpu.memory_space<vmem>>
      %scatter3A_1469 = tpu.memref_squeeze %scatter3A_1468 : memref<1x32x129xf32, #tpu.memory_space<vmem>> -> memref<32x129xf32, #tpu.memory_space<vmem>>
      tpu.vector_store_idx %scatter3A_1469[%add3A_49, %broadcast_in_dim3A_1459], %add3A_1465 : memref<32x129xf32, #tpu.memory_space<vmem>>[vector<16xi32>, vector<16xi32>], vector<16xf32>,
      %broadcast_in_dim3A_1470 = arith.constant 45 : i32
      %broadcast_in_dim3A_1471 = vector.broadcast %broadcast_in_dim3A_1470 : i32 to vector<16xi32>
      %add3A_1472 = arith.addf %get3A_1384, %gather3A : vector<16xf32>
      %scatter3A_1473 = arith.constant 0 : i32
      %scatter3A_1474 = arith.constant 0 : i32
      %scatter3A_1475 = tpu.memref_slice %arg9[%rem3A_423, %scatter3A_1473, %scatter3A_1474] : memref<4x32x129xf32, #tpu.memory_space<vmem>> -> memref<1x32x129xf32, #tpu.memory_space<vmem>>
      %scatter3A_1476 = tpu.memref_squeeze %scatter3A_1475 : memref<1x32x129xf32, #tpu.memory_space<vmem>> -> memref<32x129xf32, #tpu.memory_space<vmem>>
      tpu.vector_store_idx %scatter3A_1476[%iota3A, %broadcast_in_dim3A_1471], %add3A_1472 : memref<32x129xf32, #tpu.memory_space<vmem>>[vector<16xi32>, vector<16xi32>], vector<16xf32>,
      %add3A_1477 = arith.addf %get3A_1389, %gather3A_451 : vector<16xf32>
      %scatter3A_1478 = arith.constant 0 : i32
      %scatter3A_1479 = arith.constant 0 : i32
      %scatter3A_1480 = tpu.memref_slice %arg9[%rem3A_423, %scatter3A_1478, %scatter3A_1479] : memref<4x32x129xf32, #tpu.memory_space<vmem>> -> memref<1x32x129xf32, #tpu.memory_space<vmem>>
      %scatter3A_1481 = tpu.memref_squeeze %scatter3A_1480 : memref<1x32x129xf32, #tpu.memory_space<vmem>> -> memref<32x129xf32, #tpu.memory_space<vmem>>
      tpu.vector_store_idx %scatter3A_1481[%add3A_49, %broadcast_in_dim3A_1471], %add3A_1477 : memref<32x129xf32, #tpu.memory_space<vmem>>[vector<16xi32>, vector<16xi32>], vector<16xf32>,
      %broadcast_in_dim3A_1482 = arith.constant 46 : i32
      %broadcast_in_dim3A_1483 = vector.broadcast %broadcast_in_dim3A_1482 : i32 to vector<16xi32>
      %add3A_1484 = arith.addf %get3A_1394, %gather3A : vector<16xf32>
      %scatter3A_1485 = arith.constant 0 : i32
      %scatter3A_1486 = arith.constant 0 : i32
      %scatter3A_1487 = tpu.memref_slice %arg9[%rem3A_423, %scatter3A_1485, %scatter3A_1486] : memref<4x32x129xf32, #tpu.memory_space<vmem>> -> memref<1x32x129xf32, #tpu.memory_space<vmem>>
      %scatter3A_1488 = tpu.memref_squeeze %scatter3A_1487 : memref<1x32x129xf32, #tpu.memory_space<vmem>> -> memref<32x129xf32, #tpu.memory_space<vmem>>
      tpu.vector_store_idx %scatter3A_1488[%iota3A, %broadcast_in_dim3A_1483], %add3A_1484 : memref<32x129xf32, #tpu.memory_space<vmem>>[vector<16xi32>, vector<16xi32>], vector<16xf32>,
      %add3A_1489 = arith.addf %get3A_1399, %gather3A_451 : vector<16xf32>
      %scatter3A_1490 = arith.constant 0 : i32
      %scatter3A_1491 = arith.constant 0 : i32
      %scatter3A_1492 = tpu.memref_slice %arg9[%rem3A_423, %scatter3A_1490, %scatter3A_1491] : memref<4x32x129xf32, #tpu.memory_space<vmem>> -> memref<1x32x129xf32, #tpu.memory_space<vmem>>
      %scatter3A_1493 = tpu.memref_squeeze %scatter3A_1492 : memref<1x32x129xf32, #tpu.memory_space<vmem>> -> memref<32x129xf32, #tpu.memory_space<vmem>>
      tpu.vector_store_idx %scatter3A_1493[%add3A_49, %broadcast_in_dim3A_1483], %add3A_1489 : memref<32x129xf32, #tpu.memory_space<vmem>>[vector<16xi32>, vector<16xi32>], vector<16xf32>,
      %broadcast_in_dim3A_1494 = arith.constant 47 : i32
      %broadcast_in_dim3A_1495 = vector.broadcast %broadcast_in_dim3A_1494 : i32 to vector<16xi32>
      %add3A_1496 = arith.addf %get3A_1404, %gather3A : vector<16xf32>
      %scatter3A_1497 = arith.constant 0 : i32
      %scatter3A_1498 = arith.constant 0 : i32
      %scatter3A_1499 = tpu.memref_slice %arg9[%rem3A_423, %scatter3A_1497, %scatter3A_1498] : memref<4x32x129xf32, #tpu.memory_space<vmem>> -> memref<1x32x129xf32, #tpu.memory_space<vmem>>
      %scatter3A_1500 = tpu.memref_squeeze %scatter3A_1499 : memref<1x32x129xf32, #tpu.memory_space<vmem>> -> memref<32x129xf32, #tpu.memory_space<vmem>>
      tpu.vector_store_idx %scatter3A_1500[%iota3A, %broadcast_in_dim3A_1495], %add3A_1496 : memref<32x129xf32, #tpu.memory_space<vmem>>[vector<16xi32>, vector<16xi32>], vector<16xf32>,
      %add3A_1501 = arith.addf %get3A_1409, %gather3A_451 : vector<16xf32>
      %scatter3A_1502 = arith.constant 0 : i32
      %scatter3A_1503 = arith.constant 0 : i32
      %scatter3A_1504 = tpu.memref_slice %arg9[%rem3A_423, %scatter3A_1502, %scatter3A_1503] : memref<4x32x129xf32, #tpu.memory_space<vmem>> -> memref<1x32x129xf32, #tpu.memory_space<vmem>>
      %scatter3A_1505 = tpu.memref_squeeze %scatter3A_1504 : memref<1x32x129xf32, #tpu.memory_space<vmem>> -> memref<32x129xf32, #tpu.memory_space<vmem>>
      tpu.vector_store_idx %scatter3A_1505[%add3A_49, %broadcast_in_dim3A_1495], %add3A_1501 : memref<32x129xf32, #tpu.memory_space<vmem>>[vector<16xi32>, vector<16xi32>], vector<16xf32>,
      %get3A_1506 = arith.constant 48 : i32
      %get3A_1507 = arith.index_cast %rem3A_423 : i32 to index
      %get3A_1508 = arith.index_cast %get3A_1506 : i32 to index
      %get3A_1509 = arith.constant 0 : index
      %get3A_1510 = tpu.vector_load %arg8[%get3A_1507, %get3A_1508, %get3A_1509] {strides = array<i32>} : memref<4x128x32xf32, #tpu.memory_space<vmem>>, vector<16xf32>,
      %get3A_1511 = arith.constant 48 : i32
      %get3A_1512 = arith.index_cast %rem3A_423 : i32 to index
      %get3A_1513 = arith.index_cast %get3A_1511 : i32 to index
      %get3A_1514 = arith.constant 16 : index
      %get3A_1515 = tpu.vector_load %arg8[%get3A_1512, %get3A_1513, %get3A_1514] {strides = array<i32>} : memref<4x128x32xf32, #tpu.memory_space<vmem>>, vector<16xf32>,
      %get3A_1516 = arith.constant 49 : i32
      %get3A_1517 = arith.index_cast %rem3A_423 : i32 to index
      %get3A_1518 = arith.index_cast %get3A_1516 : i32 to index
      %get3A_1519 = arith.constant 0 : index
      %get3A_1520 = tpu.vector_load %arg8[%get3A_1517, %get3A_1518, %get3A_1519] {strides = array<i32>} : memref<4x128x32xf32, #tpu.memory_space<vmem>>, vector<16xf32>,
      %get3A_1521 = arith.constant 49 : i32
      %get3A_1522 = arith.index_cast %rem3A_423 : i32 to index
      %get3A_1523 = arith.index_cast %get3A_1521 : i32 to index
      %get3A_1524 = arith.constant 16 : index
      %get3A_1525 = tpu.vector_load %arg8[%get3A_1522, %get3A_1523, %get3A_1524] {strides = array<i32>} : memref<4x128x32xf32, #tpu.memory_space<vmem>>, vector<16xf32>,
      %get3A_1526 = arith.constant 50 : i32
      %get3A_1527 = arith.index_cast %rem3A_423 : i32 to index
      %get3A_1528 = arith.index_cast %get3A_1526 : i32 to index
      %get3A_1529 = arith.constant 0 : index
      %get3A_1530 = tpu.vector_load %arg8[%get3A_1527, %get3A_1528, %get3A_1529] {strides = array<i32>} : memref<4x128x32xf32, #tpu.memory_space<vmem>>, vector<16xf32>,
      %get3A_1531 = arith.constant 50 : i32
      %get3A_1532 = arith.index_cast %rem3A_423 : i32 to index
      %get3A_1533 = arith.index_cast %get3A_1531 : i32 to index
      %get3A_1534 = arith.constant 16 : index
      %get3A_1535 = tpu.vector_load %arg8[%get3A_1532, %get3A_1533, %get3A_1534] {strides = array<i32>} : memref<4x128x32xf32, #tpu.memory_space<vmem>>, vector<16xf32>,
      %get3A_1536 = arith.constant 51 : i32
      %get3A_1537 = arith.index_cast %rem3A_423 : i32 to index
      %get3A_1538 = arith.index_cast %get3A_1536 : i32 to index
      %get3A_1539 = arith.constant 0 : index
      %get3A_1540 = tpu.vector_load %arg8[%get3A_1537, %get3A_1538, %get3A_1539] {strides = array<i32>} : memref<4x128x32xf32, #tpu.memory_space<vmem>>, vector<16xf32>,
      %get3A_1541 = arith.constant 51 : i32
      %get3A_1542 = arith.index_cast %rem3A_423 : i32 to index
      %get3A_1543 = arith.index_cast %get3A_1541 : i32 to index
      %get3A_1544 = arith.constant 16 : index
      %get3A_1545 = tpu.vector_load %arg8[%get3A_1542, %get3A_1543, %get3A_1544] {strides = array<i32>} : memref<4x128x32xf32, #tpu.memory_space<vmem>>, vector<16xf32>,
      %get3A_1546 = arith.constant 52 : i32
      %get3A_1547 = arith.index_cast %rem3A_423 : i32 to index
      %get3A_1548 = arith.index_cast %get3A_1546 : i32 to index
      %get3A_1549 = arith.constant 0 : index
      %get3A_1550 = tpu.vector_load %arg8[%get3A_1547, %get3A_1548, %get3A_1549] {strides = array<i32>} : memref<4x128x32xf32, #tpu.memory_space<vmem>>, vector<16xf32>,
      %get3A_1551 = arith.constant 52 : i32
      %get3A_1552 = arith.index_cast %rem3A_423 : i32 to index
      %get3A_1553 = arith.index_cast %get3A_1551 : i32 to index
      %get3A_1554 = arith.constant 16 : index
      %get3A_1555 = tpu.vector_load %arg8[%get3A_1552, %get3A_1553, %get3A_1554] {strides = array<i32>} : memref<4x128x32xf32, #tpu.memory_space<vmem>>, vector<16xf32>,
      %get3A_1556 = arith.constant 53 : i32
      %get3A_1557 = arith.index_cast %rem3A_423 : i32 to index
      %get3A_1558 = arith.index_cast %get3A_1556 : i32 to index
      %get3A_1559 = arith.constant 0 : index
      %get3A_1560 = tpu.vector_load %arg8[%get3A_1557, %get3A_1558, %get3A_1559] {strides = array<i32>} : memref<4x128x32xf32, #tpu.memory_space<vmem>>, vector<16xf32>,
      %get3A_1561 = arith.constant 53 : i32
      %get3A_1562 = arith.index_cast %rem3A_423 : i32 to index
      %get3A_1563 = arith.index_cast %get3A_1561 : i32 to index
      %get3A_1564 = arith.constant 16 : index
      %get3A_1565 = tpu.vector_load %arg8[%get3A_1562, %get3A_1563, %get3A_1564] {strides = array<i32>} : memref<4x128x32xf32, #tpu.memory_space<vmem>>, vector<16xf32>,
      %get3A_1566 = arith.constant 54 : i32
      %get3A_1567 = arith.index_cast %rem3A_423 : i32 to index
      %get3A_1568 = arith.index_cast %get3A_1566 : i32 to index
      %get3A_1569 = arith.constant 0 : index
      %get3A_1570 = tpu.vector_load %arg8[%get3A_1567, %get3A_1568, %get3A_1569] {strides = array<i32>} : memref<4x128x32xf32, #tpu.memory_space<vmem>>, vector<16xf32>,
      %get3A_1571 = arith.constant 54 : i32
      %get3A_1572 = arith.index_cast %rem3A_423 : i32 to index
      %get3A_1573 = arith.index_cast %get3A_1571 : i32 to index
      %get3A_1574 = arith.constant 16 : index
      %get3A_1575 = tpu.vector_load %arg8[%get3A_1572, %get3A_1573, %get3A_1574] {strides = array<i32>} : memref<4x128x32xf32, #tpu.memory_space<vmem>>, vector<16xf32>,
      %get3A_1576 = arith.constant 55 : i32
      %get3A_1577 = arith.index_cast %rem3A_423 : i32 to index
      %get3A_1578 = arith.index_cast %get3A_1576 : i32 to index
      %get3A_1579 = arith.constant 0 : index
      %get3A_1580 = tpu.vector_load %arg8[%get3A_1577, %get3A_1578, %get3A_1579] {strides = array<i32>} : memref<4x128x32xf32, #tpu.memory_space<vmem>>, vector<16xf32>,
      %get3A_1581 = arith.constant 55 : i32
      %get3A_1582 = arith.index_cast %rem3A_423 : i32 to index
      %get3A_1583 = arith.index_cast %get3A_1581 : i32 to index
      %get3A_1584 = arith.constant 16 : index
      %get3A_1585 = tpu.vector_load %arg8[%get3A_1582, %get3A_1583, %get3A_1584] {strides = array<i32>} : memref<4x128x32xf32, #tpu.memory_space<vmem>>, vector<16xf32>,
      %broadcast_in_dim3A_1586 = arith.constant 48 : i32
      %broadcast_in_dim3A_1587 = vector.broadcast %broadcast_in_dim3A_1586 : i32 to vector<16xi32>
      %add3A_1588 = arith.addf %get3A_1510, %gather3A : vector<16xf32>
      %scatter3A_1589 = arith.constant 0 : i32
      %scatter3A_1590 = arith.constant 0 : i32
      %scatter3A_1591 = tpu.memref_slice %arg9[%rem3A_423, %scatter3A_1589, %scatter3A_1590] : memref<4x32x129xf32, #tpu.memory_space<vmem>> -> memref<1x32x129xf32, #tpu.memory_space<vmem>>
      %scatter3A_1592 = tpu.memref_squeeze %scatter3A_1591 : memref<1x32x129xf32, #tpu.memory_space<vmem>> -> memref<32x129xf32, #tpu.memory_space<vmem>>
      tpu.vector_store_idx %scatter3A_1592[%iota3A, %broadcast_in_dim3A_1587], %add3A_1588 : memref<32x129xf32, #tpu.memory_space<vmem>>[vector<16xi32>, vector<16xi32>], vector<16xf32>,
      %add3A_1593 = arith.addf %get3A_1515, %gather3A_451 : vector<16xf32>
      %scatter3A_1594 = arith.constant 0 : i32
      %scatter3A_1595 = arith.constant 0 : i32
      %scatter3A_1596 = tpu.memref_slice %arg9[%rem3A_423, %scatter3A_1594, %scatter3A_1595] : memref<4x32x129xf32, #tpu.memory_space<vmem>> -> memref<1x32x129xf32, #tpu.memory_space<vmem>>
      %scatter3A_1597 = tpu.memref_squeeze %scatter3A_1596 : memref<1x32x129xf32, #tpu.memory_space<vmem>> -> memref<32x129xf32, #tpu.memory_space<vmem>>
      tpu.vector_store_idx %scatter3A_1597[%add3A_49, %broadcast_in_dim3A_1587], %add3A_1593 : memref<32x129xf32, #tpu.memory_space<vmem>>[vector<16xi32>, vector<16xi32>], vector<16xf32>,
      %broadcast_in_dim3A_1598 = arith.constant 49 : i32
      %broadcast_in_dim3A_1599 = vector.broadcast %broadcast_in_dim3A_1598 : i32 to vector<16xi32>
      %add3A_1600 = arith.addf %get3A_1520, %gather3A : vector<16xf32>
      %scatter3A_1601 = arith.constant 0 : i32
      %scatter3A_1602 = arith.constant 0 : i32
      %scatter3A_1603 = tpu.memref_slice %arg9[%rem3A_423, %scatter3A_1601, %scatter3A_1602] : memref<4x32x129xf32, #tpu.memory_space<vmem>> -> memref<1x32x129xf32, #tpu.memory_space<vmem>>
      %scatter3A_1604 = tpu.memref_squeeze %scatter3A_1603 : memref<1x32x129xf32, #tpu.memory_space<vmem>> -> memref<32x129xf32, #tpu.memory_space<vmem>>
      tpu.vector_store_idx %scatter3A_1604[%iota3A, %broadcast_in_dim3A_1599], %add3A_1600 : memref<32x129xf32, #tpu.memory_space<vmem>>[vector<16xi32>, vector<16xi32>], vector<16xf32>,
      %add3A_1605 = arith.addf %get3A_1525, %gather3A_451 : vector<16xf32>
      %scatter3A_1606 = arith.constant 0 : i32
      %scatter3A_1607 = arith.constant 0 : i32
      %scatter3A_1608 = tpu.memref_slice %arg9[%rem3A_423, %scatter3A_1606, %scatter3A_1607] : memref<4x32x129xf32, #tpu.memory_space<vmem>> -> memref<1x32x129xf32, #tpu.memory_space<vmem>>
      %scatter3A_1609 = tpu.memref_squeeze %scatter3A_1608 : memref<1x32x129xf32, #tpu.memory_space<vmem>> -> memref<32x129xf32, #tpu.memory_space<vmem>>
      tpu.vector_store_idx %scatter3A_1609[%add3A_49, %broadcast_in_dim3A_1599], %add3A_1605 : memref<32x129xf32, #tpu.memory_space<vmem>>[vector<16xi32>, vector<16xi32>], vector<16xf32>,
      %broadcast_in_dim3A_1610 = arith.constant 50 : i32
      %broadcast_in_dim3A_1611 = vector.broadcast %broadcast_in_dim3A_1610 : i32 to vector<16xi32>
      %add3A_1612 = arith.addf %get3A_1530, %gather3A : vector<16xf32>
      %scatter3A_1613 = arith.constant 0 : i32
      %scatter3A_1614 = arith.constant 0 : i32
      %scatter3A_1615 = tpu.memref_slice %arg9[%rem3A_423, %scatter3A_1613, %scatter3A_1614] : memref<4x32x129xf32, #tpu.memory_space<vmem>> -> memref<1x32x129xf32, #tpu.memory_space<vmem>>
      %scatter3A_1616 = tpu.memref_squeeze %scatter3A_1615 : memref<1x32x129xf32, #tpu.memory_space<vmem>> -> memref<32x129xf32, #tpu.memory_space<vmem>>
      tpu.vector_store_idx %scatter3A_1616[%iota3A, %broadcast_in_dim3A_1611], %add3A_1612 : memref<32x129xf32, #tpu.memory_space<vmem>>[vector<16xi32>, vector<16xi32>], vector<16xf32>,
      %add3A_1617 = arith.addf %get3A_1535, %gather3A_451 : vector<16xf32>
      %scatter3A_1618 = arith.constant 0 : i32
      %scatter3A_1619 = arith.constant 0 : i32
      %scatter3A_1620 = tpu.memref_slice %arg9[%rem3A_423, %scatter3A_1618, %scatter3A_1619] : memref<4x32x129xf32, #tpu.memory_space<vmem>> -> memref<1x32x129xf32, #tpu.memory_space<vmem>>
      %scatter3A_1621 = tpu.memref_squeeze %scatter3A_1620 : memref<1x32x129xf32, #tpu.memory_space<vmem>> -> memref<32x129xf32, #tpu.memory_space<vmem>>
      tpu.vector_store_idx %scatter3A_1621[%add3A_49, %broadcast_in_dim3A_1611], %add3A_1617 : memref<32x129xf32, #tpu.memory_space<vmem>>[vector<16xi32>, vector<16xi32>], vector<16xf32>,
      %broadcast_in_dim3A_1622 = arith.constant 51 : i32
      %broadcast_in_dim3A_1623 = vector.broadcast %broadcast_in_dim3A_1622 : i32 to vector<16xi32>
      %add3A_1624 = arith.addf %get3A_1540, %gather3A : vector<16xf32>
      %scatter3A_1625 = arith.constant 0 : i32
      %scatter3A_1626 = arith.constant 0 : i32
      %scatter3A_1627 = tpu.memref_slice %arg9[%rem3A_423, %scatter3A_1625, %scatter3A_1626] : memref<4x32x129xf32, #tpu.memory_space<vmem>> -> memref<1x32x129xf32, #tpu.memory_space<vmem>>
      %scatter3A_1628 = tpu.memref_squeeze %scatter3A_1627 : memref<1x32x129xf32, #tpu.memory_space<vmem>> -> memref<32x129xf32, #tpu.memory_space<vmem>>
      tpu.vector_store_idx %scatter3A_1628[%iota3A, %broadcast_in_dim3A_1623], %add3A_1624 : memref<32x129xf32, #tpu.memory_space<vmem>>[vector<16xi32>, vector<16xi32>], vector<16xf32>,
      %add3A_1629 = arith.addf %get3A_1545, %gather3A_451 : vector<16xf32>
      %scatter3A_1630 = arith.constant 0 : i32
      %scatter3A_1631 = arith.constant 0 : i32
      %scatter3A_1632 = tpu.memref_slice %arg9[%rem3A_423, %scatter3A_1630, %scatter3A_1631] : memref<4x32x129xf32, #tpu.memory_space<vmem>> -> memref<1x32x129xf32, #tpu.memory_space<vmem>>
      %scatter3A_1633 = tpu.memref_squeeze %scatter3A_1632 : memref<1x32x129xf32, #tpu.memory_space<vmem>> -> memref<32x129xf32, #tpu.memory_space<vmem>>
      tpu.vector_store_idx %scatter3A_1633[%add3A_49, %broadcast_in_dim3A_1623], %add3A_1629 : memref<32x129xf32, #tpu.memory_space<vmem>>[vector<16xi32>, vector<16xi32>], vector<16xf32>,
      %broadcast_in_dim3A_1634 = arith.constant 52 : i32
      %broadcast_in_dim3A_1635 = vector.broadcast %broadcast_in_dim3A_1634 : i32 to vector<16xi32>
      %add3A_1636 = arith.addf %get3A_1550, %gather3A : vector<16xf32>
      %scatter3A_1637 = arith.constant 0 : i32
      %scatter3A_1638 = arith.constant 0 : i32
      %scatter3A_1639 = tpu.memref_slice %arg9[%rem3A_423, %scatter3A_1637, %scatter3A_1638] : memref<4x32x129xf32, #tpu.memory_space<vmem>> -> memref<1x32x129xf32, #tpu.memory_space<vmem>>
      %scatter3A_1640 = tpu.memref_squeeze %scatter3A_1639 : memref<1x32x129xf32, #tpu.memory_space<vmem>> -> memref<32x129xf32, #tpu.memory_space<vmem>>
      tpu.vector_store_idx %scatter3A_1640[%iota3A, %broadcast_in_dim3A_1635], %add3A_1636 : memref<32x129xf32, #tpu.memory_space<vmem>>[vector<16xi32>, vector<16xi32>], vector<16xf32>,
      %add3A_1641 = arith.addf %get3A_1555, %gather3A_451 : vector<16xf32>
      %scatter3A_1642 = arith.constant 0 : i32
      %scatter3A_1643 = arith.constant 0 : i32
      %scatter3A_1644 = tpu.memref_slice %arg9[%rem3A_423, %scatter3A_1642, %scatter3A_1643] : memref<4x32x129xf32, #tpu.memory_space<vmem>> -> memref<1x32x129xf32, #tpu.memory_space<vmem>>
      %scatter3A_1645 = tpu.memref_squeeze %scatter3A_1644 : memref<1x32x129xf32, #tpu.memory_space<vmem>> -> memref<32x129xf32, #tpu.memory_space<vmem>>
      tpu.vector_store_idx %scatter3A_1645[%add3A_49, %broadcast_in_dim3A_1635], %add3A_1641 : memref<32x129xf32, #tpu.memory_space<vmem>>[vector<16xi32>, vector<16xi32>], vector<16xf32>,
      %broadcast_in_dim3A_1646 = arith.constant 53 : i32
      %broadcast_in_dim3A_1647 = vector.broadcast %broadcast_in_dim3A_1646 : i32 to vector<16xi32>
      %add3A_1648 = arith.addf %get3A_1560, %gather3A : vector<16xf32>
      %scatter3A_1649 = arith.constant 0 : i32
      %scatter3A_1650 = arith.constant 0 : i32
      %scatter3A_1651 = tpu.memref_slice %arg9[%rem3A_423, %scatter3A_1649, %scatter3A_1650] : memref<4x32x129xf32, #tpu.memory_space<vmem>> -> memref<1x32x129xf32, #tpu.memory_space<vmem>>
      %scatter3A_1652 = tpu.memref_squeeze %scatter3A_1651 : memref<1x32x129xf32, #tpu.memory_space<vmem>> -> memref<32x129xf32, #tpu.memory_space<vmem>>
      tpu.vector_store_idx %scatter3A_1652[%iota3A, %broadcast_in_dim3A_1647], %add3A_1648 : memref<32x129xf32, #tpu.memory_space<vmem>>[vector<16xi32>, vector<16xi32>], vector<16xf32>,
      %add3A_1653 = arith.addf %get3A_1565, %gather3A_451 : vector<16xf32>
      %scatter3A_1654 = arith.constant 0 : i32
      %scatter3A_1655 = arith.constant 0 : i32
      %scatter3A_1656 = tpu.memref_slice %arg9[%rem3A_423, %scatter3A_1654, %scatter3A_1655] : memref<4x32x129xf32, #tpu.memory_space<vmem>> -> memref<1x32x129xf32, #tpu.memory_space<vmem>>
      %scatter3A_1657 = tpu.memref_squeeze %scatter3A_1656 : memref<1x32x129xf32, #tpu.memory_space<vmem>> -> memref<32x129xf32, #tpu.memory_space<vmem>>
      tpu.vector_store_idx %scatter3A_1657[%add3A_49, %broadcast_in_dim3A_1647], %add3A_1653 : memref<32x129xf32, #tpu.memory_space<vmem>>[vector<16xi32>, vector<16xi32>], vector<16xf32>,
      %broadcast_in_dim3A_1658 = arith.constant 54 : i32
      %broadcast_in_dim3A_1659 = vector.broadcast %broadcast_in_dim3A_1658 : i32 to vector<16xi32>
      %add3A_1660 = arith.addf %get3A_1570, %gather3A : vector<16xf32>
      %scatter3A_1661 = arith.constant 0 : i32
      %scatter3A_1662 = arith.constant 0 : i32
      %scatter3A_1663 = tpu.memref_slice %arg9[%rem3A_423, %scatter3A_1661, %scatter3A_1662] : memref<4x32x129xf32, #tpu.memory_space<vmem>> -> memref<1x32x129xf32, #tpu.memory_space<vmem>>
      %scatter3A_1664 = tpu.memref_squeeze %scatter3A_1663 : memref<1x32x129xf32, #tpu.memory_space<vmem>> -> memref<32x129xf32, #tpu.memory_space<vmem>>
      tpu.vector_store_idx %scatter3A_1664[%iota3A, %broadcast_in_dim3A_1659], %add3A_1660 : memref<32x129xf32, #tpu.memory_space<vmem>>[vector<16xi32>, vector<16xi32>], vector<16xf32>,
      %add3A_1665 = arith.addf %get3A_1575, %gather3A_451 : vector<16xf32>
      %scatter3A_1666 = arith.constant 0 : i32
      %scatter3A_1667 = arith.constant 0 : i32
      %scatter3A_1668 = tpu.memref_slice %arg9[%rem3A_423, %scatter3A_1666, %scatter3A_1667] : memref<4x32x129xf32, #tpu.memory_space<vmem>> -> memref<1x32x129xf32, #tpu.memory_space<vmem>>
      %scatter3A_1669 = tpu.memref_squeeze %scatter3A_1668 : memref<1x32x129xf32, #tpu.memory_space<vmem>> -> memref<32x129xf32, #tpu.memory_space<vmem>>
      tpu.vector_store_idx %scatter3A_1669[%add3A_49, %broadcast_in_dim3A_1659], %add3A_1665 : memref<32x129xf32, #tpu.memory_space<vmem>>[vector<16xi32>, vector<16xi32>], vector<16xf32>,
      %broadcast_in_dim3A_1670 = arith.constant 55 : i32
      %broadcast_in_dim3A_1671 = vector.broadcast %broadcast_in_dim3A_1670 : i32 to vector<16xi32>
      %add3A_1672 = arith.addf %get3A_1580, %gather3A : vector<16xf32>
      %scatter3A_1673 = arith.constant 0 : i32
      %scatter3A_1674 = arith.constant 0 : i32
      %scatter3A_1675 = tpu.memref_slice %arg9[%rem3A_423, %scatter3A_1673, %scatter3A_1674] : memref<4x32x129xf32, #tpu.memory_space<vmem>> -> memref<1x32x129xf32, #tpu.memory_space<vmem>>
      %scatter3A_1676 = tpu.memref_squeeze %scatter3A_1675 : memref<1x32x129xf32, #tpu.memory_space<vmem>> -> memref<32x129xf32, #tpu.memory_space<vmem>>
      tpu.vector_store_idx %scatter3A_1676[%iota3A, %broadcast_in_dim3A_1671], %add3A_1672 : memref<32x129xf32, #tpu.memory_space<vmem>>[vector<16xi32>, vector<16xi32>], vector<16xf32>,
      %add3A_1677 = arith.addf %get3A_1585, %gather3A_451 : vector<16xf32>
      %scatter3A_1678 = arith.constant 0 : i32
      %scatter3A_1679 = arith.constant 0 : i32
      %scatter3A_1680 = tpu.memref_slice %arg9[%rem3A_423, %scatter3A_1678, %scatter3A_1679] : memref<4x32x129xf32, #tpu.memory_space<vmem>> -> memref<1x32x129xf32, #tpu.memory_space<vmem>>
      %scatter3A_1681 = tpu.memref_squeeze %scatter3A_1680 : memref<1x32x129xf32, #tpu.memory_space<vmem>> -> memref<32x129xf32, #tpu.memory_space<vmem>>
      tpu.vector_store_idx %scatter3A_1681[%add3A_49, %broadcast_in_dim3A_1671], %add3A_1677 : memref<32x129xf32, #tpu.memory_space<vmem>>[vector<16xi32>, vector<16xi32>], vector<16xf32>,
      %get3A_1682 = arith.constant 56 : i32
      %get3A_1683 = arith.index_cast %rem3A_423 : i32 to index
      %get3A_1684 = arith.index_cast %get3A_1682 : i32 to index
      %get3A_1685 = arith.constant 0 : index
      %get3A_1686 = tpu.vector_load %arg8[%get3A_1683, %get3A_1684, %get3A_1685] {strides = array<i32>} : memref<4x128x32xf32, #tpu.memory_space<vmem>>, vector<16xf32>,
      %get3A_1687 = arith.constant 56 : i32
      %get3A_1688 = arith.index_cast %rem3A_423 : i32 to index
      %get3A_1689 = arith.index_cast %get3A_1687 : i32 to index
      %get3A_1690 = arith.constant 16 : index
      %get3A_1691 = tpu.vector_load %arg8[%get3A_1688, %get3A_1689, %get3A_1690] {strides = array<i32>} : memref<4x128x32xf32, #tpu.memory_space<vmem>>, vector<16xf32>,
      %get3A_1692 = arith.constant 57 : i32
      %get3A_1693 = arith.index_cast %rem3A_423 : i32 to index
      %get3A_1694 = arith.index_cast %get3A_1692 : i32 to index
      %get3A_1695 = arith.constant 0 : index
      %get3A_1696 = tpu.vector_load %arg8[%get3A_1693, %get3A_1694, %get3A_1695] {strides = array<i32>} : memref<4x128x32xf32, #tpu.memory_space<vmem>>, vector<16xf32>,
      %get3A_1697 = arith.constant 57 : i32
      %get3A_1698 = arith.index_cast %rem3A_423 : i32 to index
      %get3A_1699 = arith.index_cast %get3A_1697 : i32 to index
      %get3A_1700 = arith.constant 16 : index
      %get3A_1701 = tpu.vector_load %arg8[%get3A_1698, %get3A_1699, %get3A_1700] {strides = array<i32>} : memref<4x128x32xf32, #tpu.memory_space<vmem>>, vector<16xf32>,
      %get3A_1702 = arith.constant 58 : i32
      %get3A_1703 = arith.index_cast %rem3A_423 : i32 to index
      %get3A_1704 = arith.index_cast %get3A_1702 : i32 to index
      %get3A_1705 = arith.constant 0 : index
      %get3A_1706 = tpu.vector_load %arg8[%get3A_1703, %get3A_1704, %get3A_1705] {strides = array<i32>} : memref<4x128x32xf32, #tpu.memory_space<vmem>>, vector<16xf32>,
      %get3A_1707 = arith.constant 58 : i32
      %get3A_1708 = arith.index_cast %rem3A_423 : i32 to index
      %get3A_1709 = arith.index_cast %get3A_1707 : i32 to index
      %get3A_1710 = arith.constant 16 : index
      %get3A_1711 = tpu.vector_load %arg8[%get3A_1708, %get3A_1709, %get3A_1710] {strides = array<i32>} : memref<4x128x32xf32, #tpu.memory_space<vmem>>, vector<16xf32>,
      %get3A_1712 = arith.constant 59 : i32
      %get3A_1713 = arith.index_cast %rem3A_423 : i32 to index
      %get3A_1714 = arith.index_cast %get3A_1712 : i32 to index
      %get3A_1715 = arith.constant 0 : index
      %get3A_1716 = tpu.vector_load %arg8[%get3A_1713, %get3A_1714, %get3A_1715] {strides = array<i32>} : memref<4x128x32xf32, #tpu.memory_space<vmem>>, vector<16xf32>,
      %get3A_1717 = arith.constant 59 : i32
      %get3A_1718 = arith.index_cast %rem3A_423 : i32 to index
      %get3A_1719 = arith.index_cast %get3A_1717 : i32 to index
      %get3A_1720 = arith.constant 16 : index
      %get3A_1721 = tpu.vector_load %arg8[%get3A_1718, %get3A_1719, %get3A_1720] {strides = array<i32>} : memref<4x128x32xf32, #tpu.memory_space<vmem>>, vector<16xf32>,
      %get3A_1722 = arith.constant 60 : i32
      %get3A_1723 = arith.index_cast %rem3A_423 : i32 to index
      %get3A_1724 = arith.index_cast %get3A_1722 : i32 to index
      %get3A_1725 = arith.constant 0 : index
      %get3A_1726 = tpu.vector_load %arg8[%get3A_1723, %get3A_1724, %get3A_1725] {strides = array<i32>} : memref<4x128x32xf32, #tpu.memory_space<vmem>>, vector<16xf32>,
      %get3A_1727 = arith.constant 60 : i32
      %get3A_1728 = arith.index_cast %rem3A_423 : i32 to index
      %get3A_1729 = arith.index_cast %get3A_1727 : i32 to index
      %get3A_1730 = arith.constant 16 : index
      %get3A_1731 = tpu.vector_load %arg8[%get3A_1728, %get3A_1729, %get3A_1730] {strides = array<i32>} : memref<4x128x32xf32, #tpu.memory_space<vmem>>, vector<16xf32>,
      %get3A_1732 = arith.constant 61 : i32
      %get3A_1733 = arith.index_cast %rem3A_423 : i32 to index
      %get3A_1734 = arith.index_cast %get3A_1732 : i32 to index
      %get3A_1735 = arith.constant 0 : index
      %get3A_1736 = tpu.vector_load %arg8[%get3A_1733, %get3A_1734, %get3A_1735] {strides = array<i32>} : memref<4x128x32xf32, #tpu.memory_space<vmem>>, vector<16xf32>,
      %get3A_1737 = arith.constant 61 : i32
      %get3A_1738 = arith.index_cast %rem3A_423 : i32 to index
      %get3A_1739 = arith.index_cast %get3A_1737 : i32 to index
      %get3A_1740 = arith.constant 16 : index
      %get3A_1741 = tpu.vector_load %arg8[%get3A_1738, %get3A_1739, %get3A_1740] {strides = array<i32>} : memref<4x128x32xf32, #tpu.memory_space<vmem>>, vector<16xf32>,
      %get3A_1742 = arith.constant 62 : i32
      %get3A_1743 = arith.index_cast %rem3A_423 : i32 to index
      %get3A_1744 = arith.index_cast %get3A_1742 : i32 to index
      %get3A_1745 = arith.constant 0 : index
      %get3A_1746 = tpu.vector_load %arg8[%get3A_1743, %get3A_1744, %get3A_1745] {strides = array<i32>} : memref<4x128x32xf32, #tpu.memory_space<vmem>>, vector<16xf32>,
      %get3A_1747 = arith.constant 62 : i32
      %get3A_1748 = arith.index_cast %rem3A_423 : i32 to index
      %get3A_1749 = arith.index_cast %get3A_1747 : i32 to index
      %get3A_1750 = arith.constant 16 : index
      %get3A_1751 = tpu.vector_load %arg8[%get3A_1748, %get3A_1749, %get3A_1750] {strides = array<i32>} : memref<4x128x32xf32, #tpu.memory_space<vmem>>, vector<16xf32>,
      %get3A_1752 = arith.constant 63 : i32
      %get3A_1753 = arith.index_cast %rem3A_423 : i32 to index
      %get3A_1754 = arith.index_cast %get3A_1752 : i32 to index
      %get3A_1755 = arith.constant 0 : index
      %get3A_1756 = tpu.vector_load %arg8[%get3A_1753, %get3A_1754, %get3A_1755] {strides = array<i32>} : memref<4x128x32xf32, #tpu.memory_space<vmem>>, vector<16xf32>,
      %get3A_1757 = arith.constant 63 : i32
      %get3A_1758 = arith.index_cast %rem3A_423 : i32 to index
      %get3A_1759 = arith.index_cast %get3A_1757 : i32 to index
      %get3A_1760 = arith.constant 16 : index
      %get3A_1761 = tpu.vector_load %arg8[%get3A_1758, %get3A_1759, %get3A_1760] {strides = array<i32>} : memref<4x128x32xf32, #tpu.memory_space<vmem>>, vector<16xf32>,
      %broadcast_in_dim3A_1762 = arith.constant 56 : i32
      %broadcast_in_dim3A_1763 = vector.broadcast %broadcast_in_dim3A_1762 : i32 to vector<16xi32>
      %add3A_1764 = arith.addf %get3A_1686, %gather3A : vector<16xf32>
      %scatter3A_1765 = arith.constant 0 : i32
      %scatter3A_1766 = arith.constant 0 : i32
      %scatter3A_1767 = tpu.memref_slice %arg9[%rem3A_423, %scatter3A_1765, %scatter3A_1766] : memref<4x32x129xf32, #tpu.memory_space<vmem>> -> memref<1x32x129xf32, #tpu.memory_space<vmem>>
      %scatter3A_1768 = tpu.memref_squeeze %scatter3A_1767 : memref<1x32x129xf32, #tpu.memory_space<vmem>> -> memref<32x129xf32, #tpu.memory_space<vmem>>
      tpu.vector_store_idx %scatter3A_1768[%iota3A, %broadcast_in_dim3A_1763], %add3A_1764 : memref<32x129xf32, #tpu.memory_space<vmem>>[vector<16xi32>, vector<16xi32>], vector<16xf32>,
      %add3A_1769 = arith.addf %get3A_1691, %gather3A_451 : vector<16xf32>
      %scatter3A_1770 = arith.constant 0 : i32
      %scatter3A_1771 = arith.constant 0 : i32
      %scatter3A_1772 = tpu.memref_slice %arg9[%rem3A_423, %scatter3A_1770, %scatter3A_1771] : memref<4x32x129xf32, #tpu.memory_space<vmem>> -> memref<1x32x129xf32, #tpu.memory_space<vmem>>
      %scatter3A_1773 = tpu.memref_squeeze %scatter3A_1772 : memref<1x32x129xf32, #tpu.memory_space<vmem>> -> memref<32x129xf32, #tpu.memory_space<vmem>>
      tpu.vector_store_idx %scatter3A_1773[%add3A_49, %broadcast_in_dim3A_1763], %add3A_1769 : memref<32x129xf32, #tpu.memory_space<vmem>>[vector<16xi32>, vector<16xi32>], vector<16xf32>,
      %broadcast_in_dim3A_1774 = arith.constant 57 : i32
      %broadcast_in_dim3A_1775 = vector.broadcast %broadcast_in_dim3A_1774 : i32 to vector<16xi32>
      %add3A_1776 = arith.addf %get3A_1696, %gather3A : vector<16xf32>
      %scatter3A_1777 = arith.constant 0 : i32
      %scatter3A_1778 = arith.constant 0 : i32
      %scatter3A_1779 = tpu.memref_slice %arg9[%rem3A_423, %scatter3A_1777, %scatter3A_1778] : memref<4x32x129xf32, #tpu.memory_space<vmem>> -> memref<1x32x129xf32, #tpu.memory_space<vmem>>
      %scatter3A_1780 = tpu.memref_squeeze %scatter3A_1779 : memref<1x32x129xf32, #tpu.memory_space<vmem>> -> memref<32x129xf32, #tpu.memory_space<vmem>>
      tpu.vector_store_idx %scatter3A_1780[%iota3A, %broadcast_in_dim3A_1775], %add3A_1776 : memref<32x129xf32, #tpu.memory_space<vmem>>[vector<16xi32>, vector<16xi32>], vector<16xf32>,
      %add3A_1781 = arith.addf %get3A_1701, %gather3A_451 : vector<16xf32>
      %scatter3A_1782 = arith.constant 0 : i32
      %scatter3A_1783 = arith.constant 0 : i32
      %scatter3A_1784 = tpu.memref_slice %arg9[%rem3A_423, %scatter3A_1782, %scatter3A_1783] : memref<4x32x129xf32, #tpu.memory_space<vmem>> -> memref<1x32x129xf32, #tpu.memory_space<vmem>>
      %scatter3A_1785 = tpu.memref_squeeze %scatter3A_1784 : memref<1x32x129xf32, #tpu.memory_space<vmem>> -> memref<32x129xf32, #tpu.memory_space<vmem>>
      tpu.vector_store_idx %scatter3A_1785[%add3A_49, %broadcast_in_dim3A_1775], %add3A_1781 : memref<32x129xf32, #tpu.memory_space<vmem>>[vector<16xi32>, vector<16xi32>], vector<16xf32>,
      %broadcast_in_dim3A_1786 = arith.constant 58 : i32
      %broadcast_in_dim3A_1787 = vector.broadcast %broadcast_in_dim3A_1786 : i32 to vector<16xi32>
      %add3A_1788 = arith.addf %get3A_1706, %gather3A : vector<16xf32>
      %scatter3A_1789 = arith.constant 0 : i32
      %scatter3A_1790 = arith.constant 0 : i32
      %scatter3A_1791 = tpu.memref_slice %arg9[%rem3A_423, %scatter3A_1789, %scatter3A_1790] : memref<4x32x129xf32, #tpu.memory_space<vmem>> -> memref<1x32x129xf32, #tpu.memory_space<vmem>>
      %scatter3A_1792 = tpu.memref_squeeze %scatter3A_1791 : memref<1x32x129xf32, #tpu.memory_space<vmem>> -> memref<32x129xf32, #tpu.memory_space<vmem>>
      tpu.vector_store_idx %scatter3A_1792[%iota3A, %broadcast_in_dim3A_1787], %add3A_1788 : memref<32x129xf32, #tpu.memory_space<vmem>>[vector<16xi32>, vector<16xi32>], vector<16xf32>,
      %add3A_1793 = arith.addf %get3A_1711, %gather3A_451 : vector<16xf32>
      %scatter3A_1794 = arith.constant 0 : i32
      %scatter3A_1795 = arith.constant 0 : i32
      %scatter3A_1796 = tpu.memref_slice %arg9[%rem3A_423, %scatter3A_1794, %scatter3A_1795] : memref<4x32x129xf32, #tpu.memory_space<vmem>> -> memref<1x32x129xf32, #tpu.memory_space<vmem>>
      %scatter3A_1797 = tpu.memref_squeeze %scatter3A_1796 : memref<1x32x129xf32, #tpu.memory_space<vmem>> -> memref<32x129xf32, #tpu.memory_space<vmem>>
      tpu.vector_store_idx %scatter3A_1797[%add3A_49, %broadcast_in_dim3A_1787], %add3A_1793 : memref<32x129xf32, #tpu.memory_space<vmem>>[vector<16xi32>, vector<16xi32>], vector<16xf32>,
      %broadcast_in_dim3A_1798 = arith.constant 59 : i32
      %broadcast_in_dim3A_1799 = vector.broadcast %broadcast_in_dim3A_1798 : i32 to vector<16xi32>
      %add3A_1800 = arith.addf %get3A_1716, %gather3A : vector<16xf32>
      %scatter3A_1801 = arith.constant 0 : i32
      %scatter3A_1802 = arith.constant 0 : i32
      %scatter3A_1803 = tpu.memref_slice %arg9[%rem3A_423, %scatter3A_1801, %scatter3A_1802] : memref<4x32x129xf32, #tpu.memory_space<vmem>> -> memref<1x32x129xf32, #tpu.memory_space<vmem>>
      %scatter3A_1804 = tpu.memref_squeeze %scatter3A_1803 : memref<1x32x129xf32, #tpu.memory_space<vmem>> -> memref<32x129xf32, #tpu.memory_space<vmem>>
      tpu.vector_store_idx %scatter3A_1804[%iota3A, %broadcast_in_dim3A_1799], %add3A_1800 : memref<32x129xf32, #tpu.memory_space<vmem>>[vector<16xi32>, vector<16xi32>], vector<16xf32>,
      %add3A_1805 = arith.addf %get3A_1721, %gather3A_451 : vector<16xf32>
      %scatter3A_1806 = arith.constant 0 : i32
      %scatter3A_1807 = arith.constant 0 : i32
      %scatter3A_1808 = tpu.memref_slice %arg9[%rem3A_423, %scatter3A_1806, %scatter3A_1807] : memref<4x32x129xf32, #tpu.memory_space<vmem>> -> memref<1x32x129xf32, #tpu.memory_space<vmem>>
      %scatter3A_1809 = tpu.memref_squeeze %scatter3A_1808 : memref<1x32x129xf32, #tpu.memory_space<vmem>> -> memref<32x129xf32, #tpu.memory_space<vmem>>
      tpu.vector_store_idx %scatter3A_1809[%add3A_49, %broadcast_in_dim3A_1799], %add3A_1805 : memref<32x129xf32, #tpu.memory_space<vmem>>[vector<16xi32>, vector<16xi32>], vector<16xf32>,
      %broadcast_in_dim3A_1810 = arith.constant 60 : i32
      %broadcast_in_dim3A_1811 = vector.broadcast %broadcast_in_dim3A_1810 : i32 to vector<16xi32>
      %add3A_1812 = arith.addf %get3A_1726, %gather3A : vector<16xf32>
      %scatter3A_1813 = arith.constant 0 : i32
      %scatter3A_1814 = arith.constant 0 : i32
      %scatter3A_1815 = tpu.memref_slice %arg9[%rem3A_423, %scatter3A_1813, %scatter3A_1814] : memref<4x32x129xf32, #tpu.memory_space<vmem>> -> memref<1x32x129xf32, #tpu.memory_space<vmem>>
      %scatter3A_1816 = tpu.memref_squeeze %scatter3A_1815 : memref<1x32x129xf32, #tpu.memory_space<vmem>> -> memref<32x129xf32, #tpu.memory_space<vmem>>
      tpu.vector_store_idx %scatter3A_1816[%iota3A, %broadcast_in_dim3A_1811], %add3A_1812 : memref<32x129xf32, #tpu.memory_space<vmem>>[vector<16xi32>, vector<16xi32>], vector<16xf32>,
      %add3A_1817 = arith.addf %get3A_1731, %gather3A_451 : vector<16xf32>
      %scatter3A_1818 = arith.constant 0 : i32
      %scatter3A_1819 = arith.constant 0 : i32
      %scatter3A_1820 = tpu.memref_slice %arg9[%rem3A_423, %scatter3A_1818, %scatter3A_1819] : memref<4x32x129xf32, #tpu.memory_space<vmem>> -> memref<1x32x129xf32, #tpu.memory_space<vmem>>
      %scatter3A_1821 = tpu.memref_squeeze %scatter3A_1820 : memref<1x32x129xf32, #tpu.memory_space<vmem>> -> memref<32x129xf32, #tpu.memory_space<vmem>>
      tpu.vector_store_idx %scatter3A_1821[%add3A_49, %broadcast_in_dim3A_1811], %add3A_1817 : memref<32x129xf32, #tpu.memory_space<vmem>>[vector<16xi32>, vector<16xi32>], vector<16xf32>,
      %broadcast_in_dim3A_1822 = arith.constant 61 : i32
      %broadcast_in_dim3A_1823 = vector.broadcast %broadcast_in_dim3A_1822 : i32 to vector<16xi32>
      %add3A_1824 = arith.addf %get3A_1736, %gather3A : vector<16xf32>
      %scatter3A_1825 = arith.constant 0 : i32
      %scatter3A_1826 = arith.constant 0 : i32
      %scatter3A_1827 = tpu.memref_slice %arg9[%rem3A_423, %scatter3A_1825, %scatter3A_1826] : memref<4x32x129xf32, #tpu.memory_space<vmem>> -> memref<1x32x129xf32, #tpu.memory_space<vmem>>
      %scatter3A_1828 = tpu.memref_squeeze %scatter3A_1827 : memref<1x32x129xf32, #tpu.memory_space<vmem>> -> memref<32x129xf32, #tpu.memory_space<vmem>>
      tpu.vector_store_idx %scatter3A_1828[%iota3A, %broadcast_in_dim3A_1823], %add3A_1824 : memref<32x129xf32, #tpu.memory_space<vmem>>[vector<16xi32>, vector<16xi32>], vector<16xf32>,
      %add3A_1829 = arith.addf %get3A_1741, %gather3A_451 : vector<16xf32>
      %scatter3A_1830 = arith.constant 0 : i32
      %scatter3A_1831 = arith.constant 0 : i32
      %scatter3A_1832 = tpu.memref_slice %arg9[%rem3A_423, %scatter3A_1830, %scatter3A_1831] : memref<4x32x129xf32, #tpu.memory_space<vmem>> -> memref<1x32x129xf32, #tpu.memory_space<vmem>>
      %scatter3A_1833 = tpu.memref_squeeze %scatter3A_1832 : memref<1x32x129xf32, #tpu.memory_space<vmem>> -> memref<32x129xf32, #tpu.memory_space<vmem>>
      tpu.vector_store_idx %scatter3A_1833[%add3A_49, %broadcast_in_dim3A_1823], %add3A_1829 : memref<32x129xf32, #tpu.memory_space<vmem>>[vector<16xi32>, vector<16xi32>], vector<16xf32>,
      %broadcast_in_dim3A_1834 = arith.constant 62 : i32
      %broadcast_in_dim3A_1835 = vector.broadcast %broadcast_in_dim3A_1834 : i32 to vector<16xi32>
      %add3A_1836 = arith.addf %get3A_1746, %gather3A : vector<16xf32>
      %scatter3A_1837 = arith.constant 0 : i32
      %scatter3A_1838 = arith.constant 0 : i32
      %scatter3A_1839 = tpu.memref_slice %arg9[%rem3A_423, %scatter3A_1837, %scatter3A_1838] : memref<4x32x129xf32, #tpu.memory_space<vmem>> -> memref<1x32x129xf32, #tpu.memory_space<vmem>>
      %scatter3A_1840 = tpu.memref_squeeze %scatter3A_1839 : memref<1x32x129xf32, #tpu.memory_space<vmem>> -> memref<32x129xf32, #tpu.memory_space<vmem>>
      tpu.vector_store_idx %scatter3A_1840[%iota3A, %broadcast_in_dim3A_1835], %add3A_1836 : memref<32x129xf32, #tpu.memory_space<vmem>>[vector<16xi32>, vector<16xi32>], vector<16xf32>,
      %add3A_1841 = arith.addf %get3A_1751, %gather3A_451 : vector<16xf32>
      %scatter3A_1842 = arith.constant 0 : i32
      %scatter3A_1843 = arith.constant 0 : i32
      %scatter3A_1844 = tpu.memref_slice %arg9[%rem3A_423, %scatter3A_1842, %scatter3A_1843] : memref<4x32x129xf32, #tpu.memory_space<vmem>> -> memref<1x32x129xf32, #tpu.memory_space<vmem>>
      %scatter3A_1845 = tpu.memref_squeeze %scatter3A_1844 : memref<1x32x129xf32, #tpu.memory_space<vmem>> -> memref<32x129xf32, #tpu.memory_space<vmem>>
      tpu.vector_store_idx %scatter3A_1845[%add3A_49, %broadcast_in_dim3A_1835], %add3A_1841 : memref<32x129xf32, #tpu.memory_space<vmem>>[vector<16xi32>, vector<16xi32>], vector<16xf32>,
      %broadcast_in_dim3A_1846 = arith.constant 63 : i32
      %broadcast_in_dim3A_1847 = vector.broadcast %broadcast_in_dim3A_1846 : i32 to vector<16xi32>
      %add3A_1848 = arith.addf %get3A_1756, %gather3A : vector<16xf32>
      %scatter3A_1849 = arith.constant 0 : i32
      %scatter3A_1850 = arith.constant 0 : i32
      %scatter3A_1851 = tpu.memref_slice %arg9[%rem3A_423, %scatter3A_1849, %scatter3A_1850] : memref<4x32x129xf32, #tpu.memory_space<vmem>> -> memref<1x32x129xf32, #tpu.memory_space<vmem>>
      %scatter3A_1852 = tpu.memref_squeeze %scatter3A_1851 : memref<1x32x129xf32, #tpu.memory_space<vmem>> -> memref<32x129xf32, #tpu.memory_space<vmem>>
      tpu.vector_store_idx %scatter3A_1852[%iota3A, %broadcast_in_dim3A_1847], %add3A_1848 : memref<32x129xf32, #tpu.memory_space<vmem>>[vector<16xi32>, vector<16xi32>], vector<16xf32>,
      %add3A_1853 = arith.addf %get3A_1761, %gather3A_451 : vector<16xf32>
      %scatter3A_1854 = arith.constant 0 : i32
      %scatter3A_1855 = arith.constant 0 : i32
      %scatter3A_1856 = tpu.memref_slice %arg9[%rem3A_423, %scatter3A_1854, %scatter3A_1855] : memref<4x32x129xf32, #tpu.memory_space<vmem>> -> memref<1x32x129xf32, #tpu.memory_space<vmem>>
      %scatter3A_1857 = tpu.memref_squeeze %scatter3A_1856 : memref<1x32x129xf32, #tpu.memory_space<vmem>> -> memref<32x129xf32, #tpu.memory_space<vmem>>
      tpu.vector_store_idx %scatter3A_1857[%add3A_49, %broadcast_in_dim3A_1847], %add3A_1853 : memref<32x129xf32, #tpu.memory_space<vmem>>[vector<16xi32>, vector<16xi32>], vector<16xf32>,
      %get3A_1858 = arith.constant 64 : i32
      %get3A_1859 = arith.index_cast %rem3A_423 : i32 to index
      %get3A_1860 = arith.index_cast %get3A_1858 : i32 to index
      %get3A_1861 = arith.constant 0 : index
      %get3A_1862 = tpu.vector_load %arg8[%get3A_1859, %get3A_1860, %get3A_1861] {strides = array<i32>} : memref<4x128x32xf32, #tpu.memory_space<vmem>>, vector<16xf32>,
      %get3A_1863 = arith.constant 64 : i32
      %get3A_1864 = arith.index_cast %rem3A_423 : i32 to index
      %get3A_1865 = arith.index_cast %get3A_1863 : i32 to index
      %get3A_1866 = arith.constant 16 : index
      %get3A_1867 = tpu.vector_load %arg8[%get3A_1864, %get3A_1865, %get3A_1866] {strides = array<i32>} : memref<4x128x32xf32, #tpu.memory_space<vmem>>, vector<16xf32>,
      %get3A_1868 = arith.constant 65 : i32
      %get3A_1869 = arith.index_cast %rem3A_423 : i32 to index
      %get3A_1870 = arith.index_cast %get3A_1868 : i32 to index
      %get3A_1871 = arith.constant 0 : index
      %get3A_1872 = tpu.vector_load %arg8[%get3A_1869, %get3A_1870, %get3A_1871] {strides = array<i32>} : memref<4x128x32xf32, #tpu.memory_space<vmem>>, vector<16xf32>,
      %get3A_1873 = arith.constant 65 : i32
      %get3A_1874 = arith.index_cast %rem3A_423 : i32 to index
      %get3A_1875 = arith.index_cast %get3A_1873 : i32 to index
      %get3A_1876 = arith.constant 16 : index
      %get3A_1877 = tpu.vector_load %arg8[%get3A_1874, %get3A_1875, %get3A_1876] {strides = array<i32>} : memref<4x128x32xf32, #tpu.memory_space<vmem>>, vector<16xf32>,
      %get3A_1878 = arith.constant 66 : i32
      %get3A_1879 = arith.index_cast %rem3A_423 : i32 to index
      %get3A_1880 = arith.index_cast %get3A_1878 : i32 to index
      %get3A_1881 = arith.constant 0 : index
      %get3A_1882 = tpu.vector_load %arg8[%get3A_1879, %get3A_1880, %get3A_1881] {strides = array<i32>} : memref<4x128x32xf32, #tpu.memory_space<vmem>>, vector<16xf32>,
      %get3A_1883 = arith.constant 66 : i32
      %get3A_1884 = arith.index_cast %rem3A_423 : i32 to index
      %get3A_1885 = arith.index_cast %get3A_1883 : i32 to index
      %get3A_1886 = arith.constant 16 : index
      %get3A_1887 = tpu.vector_load %arg8[%get3A_1884, %get3A_1885, %get3A_1886] {strides = array<i32>} : memref<4x128x32xf32, #tpu.memory_space<vmem>>, vector<16xf32>,
      %get3A_1888 = arith.constant 67 : i32
      %get3A_1889 = arith.index_cast %rem3A_423 : i32 to index
      %get3A_1890 = arith.index_cast %get3A_1888 : i32 to index
      %get3A_1891 = arith.constant 0 : index
      %get3A_1892 = tpu.vector_load %arg8[%get3A_1889, %get3A_1890, %get3A_1891] {strides = array<i32>} : memref<4x128x32xf32, #tpu.memory_space<vmem>>, vector<16xf32>,
      %get3A_1893 = arith.constant 67 : i32
      %get3A_1894 = arith.index_cast %rem3A_423 : i32 to index
      %get3A_1895 = arith.index_cast %get3A_1893 : i32 to index
      %get3A_1896 = arith.constant 16 : index
      %get3A_1897 = tpu.vector_load %arg8[%get3A_1894, %get3A_1895, %get3A_1896] {strides = array<i32>} : memref<4x128x32xf32, #tpu.memory_space<vmem>>, vector<16xf32>,
      %get3A_1898 = arith.constant 68 : i32
      %get3A_1899 = arith.index_cast %rem3A_423 : i32 to index
      %get3A_1900 = arith.index_cast %get3A_1898 : i32 to index
      %get3A_1901 = arith.constant 0 : index
      %get3A_1902 = tpu.vector_load %arg8[%get3A_1899, %get3A_1900, %get3A_1901] {strides = array<i32>} : memref<4x128x32xf32, #tpu.memory_space<vmem>>, vector<16xf32>,
      %get3A_1903 = arith.constant 68 : i32
      %get3A_1904 = arith.index_cast %rem3A_423 : i32 to index
      %get3A_1905 = arith.index_cast %get3A_1903 : i32 to index
      %get3A_1906 = arith.constant 16 : index
      %get3A_1907 = tpu.vector_load %arg8[%get3A_1904, %get3A_1905, %get3A_1906] {strides = array<i32>} : memref<4x128x32xf32, #tpu.memory_space<vmem>>, vector<16xf32>,
      %get3A_1908 = arith.constant 69 : i32
      %get3A_1909 = arith.index_cast %rem3A_423 : i32 to index
      %get3A_1910 = arith.index_cast %get3A_1908 : i32 to index
      %get3A_1911 = arith.constant 0 : index
      %get3A_1912 = tpu.vector_load %arg8[%get3A_1909, %get3A_1910, %get3A_1911] {strides = array<i32>} : memref<4x128x32xf32, #tpu.memory_space<vmem>>, vector<16xf32>,
      %get3A_1913 = arith.constant 69 : i32
      %get3A_1914 = arith.index_cast %rem3A_423 : i32 to index
      %get3A_1915 = arith.index_cast %get3A_1913 : i32 to index
      %get3A_1916 = arith.constant 16 : index
      %get3A_1917 = tpu.vector_load %arg8[%get3A_1914, %get3A_1915, %get3A_1916] {strides = array<i32>} : memref<4x128x32xf32, #tpu.memory_space<vmem>>, vector<16xf32>,
      %get3A_1918 = arith.constant 70 : i32
      %get3A_1919 = arith.index_cast %rem3A_423 : i32 to index
      %get3A_1920 = arith.index_cast %get3A_1918 : i32 to index
      %get3A_1921 = arith.constant 0 : index
      %get3A_1922 = tpu.vector_load %arg8[%get3A_1919, %get3A_1920, %get3A_1921] {strides = array<i32>} : memref<4x128x32xf32, #tpu.memory_space<vmem>>, vector<16xf32>,
      %get3A_1923 = arith.constant 70 : i32
      %get3A_1924 = arith.index_cast %rem3A_423 : i32 to index
      %get3A_1925 = arith.index_cast %get3A_1923 : i32 to index
      %get3A_1926 = arith.constant 16 : index
      %get3A_1927 = tpu.vector_load %arg8[%get3A_1924, %get3A_1925, %get3A_1926] {strides = array<i32>} : memref<4x128x32xf32, #tpu.memory_space<vmem>>, vector<16xf32>,
      %get3A_1928 = arith.constant 71 : i32
      %get3A_1929 = arith.index_cast %rem3A_423 : i32 to index
      %get3A_1930 = arith.index_cast %get3A_1928 : i32 to index
      %get3A_1931 = arith.constant 0 : index
      %get3A_1932 = tpu.vector_load %arg8[%get3A_1929, %get3A_1930, %get3A_1931] {strides = array<i32>} : memref<4x128x32xf32, #tpu.memory_space<vmem>>, vector<16xf32>,
      %get3A_1933 = arith.constant 71 : i32
      %get3A_1934 = arith.index_cast %rem3A_423 : i32 to index
      %get3A_1935 = arith.index_cast %get3A_1933 : i32 to index
      %get3A_1936 = arith.constant 16 : index
      %get3A_1937 = tpu.vector_load %arg8[%get3A_1934, %get3A_1935, %get3A_1936] {strides = array<i32>} : memref<4x128x32xf32, #tpu.memory_space<vmem>>, vector<16xf32>,
      %broadcast_in_dim3A_1938 = arith.constant 64 : i32
      %broadcast_in_dim3A_1939 = vector.broadcast %broadcast_in_dim3A_1938 : i32 to vector<16xi32>
      %add3A_1940 = arith.addf %get3A_1862, %gather3A : vector<16xf32>
      %scatter3A_1941 = arith.constant 0 : i32
      %scatter3A_1942 = arith.constant 0 : i32
      %scatter3A_1943 = tpu.memref_slice %arg9[%rem3A_423, %scatter3A_1941, %scatter3A_1942] : memref<4x32x129xf32, #tpu.memory_space<vmem>> -> memref<1x32x129xf32, #tpu.memory_space<vmem>>
      %scatter3A_1944 = tpu.memref_squeeze %scatter3A_1943 : memref<1x32x129xf32, #tpu.memory_space<vmem>> -> memref<32x129xf32, #tpu.memory_space<vmem>>
      tpu.vector_store_idx %scatter3A_1944[%iota3A, %broadcast_in_dim3A_1939], %add3A_1940 : memref<32x129xf32, #tpu.memory_space<vmem>>[vector<16xi32>, vector<16xi32>], vector<16xf32>,
      %add3A_1945 = arith.addf %get3A_1867, %gather3A_451 : vector<16xf32>
      %scatter3A_1946 = arith.constant 0 : i32
      %scatter3A_1947 = arith.constant 0 : i32
      %scatter3A_1948 = tpu.memref_slice %arg9[%rem3A_423, %scatter3A_1946, %scatter3A_1947] : memref<4x32x129xf32, #tpu.memory_space<vmem>> -> memref<1x32x129xf32, #tpu.memory_space<vmem>>
      %scatter3A_1949 = tpu.memref_squeeze %scatter3A_1948 : memref<1x32x129xf32, #tpu.memory_space<vmem>> -> memref<32x129xf32, #tpu.memory_space<vmem>>
      tpu.vector_store_idx %scatter3A_1949[%add3A_49, %broadcast_in_dim3A_1939], %add3A_1945 : memref<32x129xf32, #tpu.memory_space<vmem>>[vector<16xi32>, vector<16xi32>], vector<16xf32>,
      %broadcast_in_dim3A_1950 = arith.constant 65 : i32
      %broadcast_in_dim3A_1951 = vector.broadcast %broadcast_in_dim3A_1950 : i32 to vector<16xi32>
      %add3A_1952 = arith.addf %get3A_1872, %gather3A : vector<16xf32>
      %scatter3A_1953 = arith.constant 0 : i32
      %scatter3A_1954 = arith.constant 0 : i32
      %scatter3A_1955 = tpu.memref_slice %arg9[%rem3A_423, %scatter3A_1953, %scatter3A_1954] : memref<4x32x129xf32, #tpu.memory_space<vmem>> -> memref<1x32x129xf32, #tpu.memory_space<vmem>>
      %scatter3A_1956 = tpu.memref_squeeze %scatter3A_1955 : memref<1x32x129xf32, #tpu.memory_space<vmem>> -> memref<32x129xf32, #tpu.memory_space<vmem>>
      tpu.vector_store_idx %scatter3A_1956[%iota3A, %broadcast_in_dim3A_1951], %add3A_1952 : memref<32x129xf32, #tpu.memory_space<vmem>>[vector<16xi32>, vector<16xi32>], vector<16xf32>,
      %add3A_1957 = arith.addf %get3A_1877, %gather3A_451 : vector<16xf32>
      %scatter3A_1958 = arith.constant 0 : i32
      %scatter3A_1959 = arith.constant 0 : i32
      %scatter3A_1960 = tpu.memref_slice %arg9[%rem3A_423, %scatter3A_1958, %scatter3A_1959] : memref<4x32x129xf32, #tpu.memory_space<vmem>> -> memref<1x32x129xf32, #tpu.memory_space<vmem>>
      %scatter3A_1961 = tpu.memref_squeeze %scatter3A_1960 : memref<1x32x129xf32, #tpu.memory_space<vmem>> -> memref<32x129xf32, #tpu.memory_space<vmem>>
      tpu.vector_store_idx %scatter3A_1961[%add3A_49, %broadcast_in_dim3A_1951], %add3A_1957 : memref<32x129xf32, #tpu.memory_space<vmem>>[vector<16xi32>, vector<16xi32>], vector<16xf32>,
      %broadcast_in_dim3A_1962 = arith.constant 66 : i32
      %broadcast_in_dim3A_1963 = vector.broadcast %broadcast_in_dim3A_1962 : i32 to vector<16xi32>
      %add3A_1964 = arith.addf %get3A_1882, %gather3A : vector<16xf32>
      %scatter3A_1965 = arith.constant 0 : i32
      %scatter3A_1966 = arith.constant 0 : i32
      %scatter3A_1967 = tpu.memref_slice %arg9[%rem3A_423, %scatter3A_1965, %scatter3A_1966] : memref<4x32x129xf32, #tpu.memory_space<vmem>> -> memref<1x32x129xf32, #tpu.memory_space<vmem>>
      %scatter3A_1968 = tpu.memref_squeeze %scatter3A_1967 : memref<1x32x129xf32, #tpu.memory_space<vmem>> -> memref<32x129xf32, #tpu.memory_space<vmem>>
      tpu.vector_store_idx %scatter3A_1968[%iota3A, %broadcast_in_dim3A_1963], %add3A_1964 : memref<32x129xf32, #tpu.memory_space<vmem>>[vector<16xi32>, vector<16xi32>], vector<16xf32>,
      %add3A_1969 = arith.addf %get3A_1887, %gather3A_451 : vector<16xf32>
      %scatter3A_1970 = arith.constant 0 : i32
      %scatter3A_1971 = arith.constant 0 : i32
      %scatter3A_1972 = tpu.memref_slice %arg9[%rem3A_423, %scatter3A_1970, %scatter3A_1971] : memref<4x32x129xf32, #tpu.memory_space<vmem>> -> memref<1x32x129xf32, #tpu.memory_space<vmem>>
      %scatter3A_1973 = tpu.memref_squeeze %scatter3A_1972 : memref<1x32x129xf32, #tpu.memory_space<vmem>> -> memref<32x129xf32, #tpu.memory_space<vmem>>
      tpu.vector_store_idx %scatter3A_1973[%add3A_49, %broadcast_in_dim3A_1963], %add3A_1969 : memref<32x129xf32, #tpu.memory_space<vmem>>[vector<16xi32>, vector<16xi32>], vector<16xf32>,
      %broadcast_in_dim3A_1974 = arith.constant 67 : i32
      %broadcast_in_dim3A_1975 = vector.broadcast %broadcast_in_dim3A_1974 : i32 to vector<16xi32>
      %add3A_1976 = arith.addf %get3A_1892, %gather3A : vector<16xf32>
      %scatter3A_1977 = arith.constant 0 : i32
      %scatter3A_1978 = arith.constant 0 : i32
      %scatter3A_1979 = tpu.memref_slice %arg9[%rem3A_423, %scatter3A_1977, %scatter3A_1978] : memref<4x32x129xf32, #tpu.memory_space<vmem>> -> memref<1x32x129xf32, #tpu.memory_space<vmem>>
      %scatter3A_1980 = tpu.memref_squeeze %scatter3A_1979 : memref<1x32x129xf32, #tpu.memory_space<vmem>> -> memref<32x129xf32, #tpu.memory_space<vmem>>
      tpu.vector_store_idx %scatter3A_1980[%iota3A, %broadcast_in_dim3A_1975], %add3A_1976 : memref<32x129xf32, #tpu.memory_space<vmem>>[vector<16xi32>, vector<16xi32>], vector<16xf32>,
      %add3A_1981 = arith.addf %get3A_1897, %gather3A_451 : vector<16xf32>
      %scatter3A_1982 = arith.constant 0 : i32
      %scatter3A_1983 = arith.constant 0 : i32
      %scatter3A_1984 = tpu.memref_slice %arg9[%rem3A_423, %scatter3A_1982, %scatter3A_1983] : memref<4x32x129xf32, #tpu.memory_space<vmem>> -> memref<1x32x129xf32, #tpu.memory_space<vmem>>
      %scatter3A_1985 = tpu.memref_squeeze %scatter3A_1984 : memref<1x32x129xf32, #tpu.memory_space<vmem>> -> memref<32x129xf32, #tpu.memory_space<vmem>>
      tpu.vector_store_idx %scatter3A_1985[%add3A_49, %broadcast_in_dim3A_1975], %add3A_1981 : memref<32x129xf32, #tpu.memory_space<vmem>>[vector<16xi32>, vector<16xi32>], vector<16xf32>,
      %broadcast_in_dim3A_1986 = arith.constant 68 : i32
      %broadcast_in_dim3A_1987 = vector.broadcast %broadcast_in_dim3A_1986 : i32 to vector<16xi32>
      %add3A_1988 = arith.addf %get3A_1902, %gather3A : vector<16xf32>
      %scatter3A_1989 = arith.constant 0 : i32
      %scatter3A_1990 = arith.constant 0 : i32
      %scatter3A_1991 = tpu.memref_slice %arg9[%rem3A_423, %scatter3A_1989, %scatter3A_1990] : memref<4x32x129xf32, #tpu.memory_space<vmem>> -> memref<1x32x129xf32, #tpu.memory_space<vmem>>
      %scatter3A_1992 = tpu.memref_squeeze %scatter3A_1991 : memref<1x32x129xf32, #tpu.memory_space<vmem>> -> memref<32x129xf32, #tpu.memory_space<vmem>>
      tpu.vector_store_idx %scatter3A_1992[%iota3A, %broadcast_in_dim3A_1987], %add3A_1988 : memref<32x129xf32, #tpu.memory_space<vmem>>[vector<16xi32>, vector<16xi32>], vector<16xf32>,
      %add3A_1993 = arith.addf %get3A_1907, %gather3A_451 : vector<16xf32>
      %scatter3A_1994 = arith.constant 0 : i32
      %scatter3A_1995 = arith.constant 0 : i32
      %scatter3A_1996 = tpu.memref_slice %arg9[%rem3A_423, %scatter3A_1994, %scatter3A_1995] : memref<4x32x129xf32, #tpu.memory_space<vmem>> -> memref<1x32x129xf32, #tpu.memory_space<vmem>>
      %scatter3A_1997 = tpu.memref_squeeze %scatter3A_1996 : memref<1x32x129xf32, #tpu.memory_space<vmem>> -> memref<32x129xf32, #tpu.memory_space<vmem>>
      tpu.vector_store_idx %scatter3A_1997[%add3A_49, %broadcast_in_dim3A_1987], %add3A_1993 : memref<32x129xf32, #tpu.memory_space<vmem>>[vector<16xi32>, vector<16xi32>], vector<16xf32>,
      %broadcast_in_dim3A_1998 = arith.constant 69 : i32
      %broadcast_in_dim3A_1999 = vector.broadcast %broadcast_in_dim3A_1998 : i32 to vector<16xi32>
      %add3A_2000 = arith.addf %get3A_1912, %gather3A : vector<16xf32>
      %scatter3A_2001 = arith.constant 0 : i32
      %scatter3A_2002 = arith.constant 0 : i32
      %scatter3A_2003 = tpu.memref_slice %arg9[%rem3A_423, %scatter3A_2001, %scatter3A_2002] : memref<4x32x129xf32, #tpu.memory_space<vmem>> -> memref<1x32x129xf32, #tpu.memory_space<vmem>>
      %scatter3A_2004 = tpu.memref_squeeze %scatter3A_2003 : memref<1x32x129xf32, #tpu.memory_space<vmem>> -> memref<32x129xf32, #tpu.memory_space<vmem>>
      tpu.vector_store_idx %scatter3A_2004[%iota3A, %broadcast_in_dim3A_1999], %add3A_2000 : memref<32x129xf32, #tpu.memory_space<vmem>>[vector<16xi32>, vector<16xi32>], vector<16xf32>,
      %add3A_2005 = arith.addf %get3A_1917, %gather3A_451 : vector<16xf32>
      %scatter3A_2006 = arith.constant 0 : i32
      %scatter3A_2007 = arith.constant 0 : i32
      %scatter3A_2008 = tpu.memref_slice %arg9[%rem3A_423, %scatter3A_2006, %scatter3A_2007] : memref<4x32x129xf32, #tpu.memory_space<vmem>> -> memref<1x32x129xf32, #tpu.memory_space<vmem>>
      %scatter3A_2009 = tpu.memref_squeeze %scatter3A_2008 : memref<1x32x129xf32, #tpu.memory_space<vmem>> -> memref<32x129xf32, #tpu.memory_space<vmem>>
      tpu.vector_store_idx %scatter3A_2009[%add3A_49, %broadcast_in_dim3A_1999], %add3A_2005 : memref<32x129xf32, #tpu.memory_space<vmem>>[vector<16xi32>, vector<16xi32>], vector<16xf32>,
      %broadcast_in_dim3A_2010 = arith.constant 70 : i32
      %broadcast_in_dim3A_2011 = vector.broadcast %broadcast_in_dim3A_2010 : i32 to vector<16xi32>
      %add3A_2012 = arith.addf %get3A_1922, %gather3A : vector<16xf32>
      %scatter3A_2013 = arith.constant 0 : i32
      %scatter3A_2014 = arith.constant 0 : i32
      %scatter3A_2015 = tpu.memref_slice %arg9[%rem3A_423, %scatter3A_2013, %scatter3A_2014] : memref<4x32x129xf32, #tpu.memory_space<vmem>> -> memref<1x32x129xf32, #tpu.memory_space<vmem>>
      %scatter3A_2016 = tpu.memref_squeeze %scatter3A_2015 : memref<1x32x129xf32, #tpu.memory_space<vmem>> -> memref<32x129xf32, #tpu.memory_space<vmem>>
      tpu.vector_store_idx %scatter3A_2016[%iota3A, %broadcast_in_dim3A_2011], %add3A_2012 : memref<32x129xf32, #tpu.memory_space<vmem>>[vector<16xi32>, vector<16xi32>], vector<16xf32>,
      %add3A_2017 = arith.addf %get3A_1927, %gather3A_451 : vector<16xf32>
      %scatter3A_2018 = arith.constant 0 : i32
      %scatter3A_2019 = arith.constant 0 : i32
      %scatter3A_2020 = tpu.memref_slice %arg9[%rem3A_423, %scatter3A_2018, %scatter3A_2019] : memref<4x32x129xf32, #tpu.memory_space<vmem>> -> memref<1x32x129xf32, #tpu.memory_space<vmem>>
      %scatter3A_2021 = tpu.memref_squeeze %scatter3A_2020 : memref<1x32x129xf32, #tpu.memory_space<vmem>> -> memref<32x129xf32, #tpu.memory_space<vmem>>
      tpu.vector_store_idx %scatter3A_2021[%add3A_49, %broadcast_in_dim3A_2011], %add3A_2017 : memref<32x129xf32, #tpu.memory_space<vmem>>[vector<16xi32>, vector<16xi32>], vector<16xf32>,
      %broadcast_in_dim3A_2022 = arith.constant 71 : i32
      %broadcast_in_dim3A_2023 = vector.broadcast %broadcast_in_dim3A_2022 : i32 to vector<16xi32>
      %add3A_2024 = arith.addf %get3A_1932, %gather3A : vector<16xf32>
      %scatter3A_2025 = arith.constant 0 : i32
      %scatter3A_2026 = arith.constant 0 : i32
      %scatter3A_2027 = tpu.memref_slice %arg9[%rem3A_423, %scatter3A_2025, %scatter3A_2026] : memref<4x32x129xf32, #tpu.memory_space<vmem>> -> memref<1x32x129xf32, #tpu.memory_space<vmem>>
      %scatter3A_2028 = tpu.memref_squeeze %scatter3A_2027 : memref<1x32x129xf32, #tpu.memory_space<vmem>> -> memref<32x129xf32, #tpu.memory_space<vmem>>
      tpu.vector_store_idx %scatter3A_2028[%iota3A, %broadcast_in_dim3A_2023], %add3A_2024 : memref<32x129xf32, #tpu.memory_space<vmem>>[vector<16xi32>, vector<16xi32>], vector<16xf32>,
      %add3A_2029 = arith.addf %get3A_1937, %gather3A_451 : vector<16xf32>
      %scatter3A_2030 = arith.constant 0 : i32
      %scatter3A_2031 = arith.constant 0 : i32
      %scatter3A_2032 = tpu.memref_slice %arg9[%rem3A_423, %scatter3A_2030, %scatter3A_2031] : memref<4x32x129xf32, #tpu.memory_space<vmem>> -> memref<1x32x129xf32, #tpu.memory_space<vmem>>
      %scatter3A_2033 = tpu.memref_squeeze %scatter3A_2032 : memref<1x32x129xf32, #tpu.memory_space<vmem>> -> memref<32x129xf32, #tpu.memory_space<vmem>>
      tpu.vector_store_idx %scatter3A_2033[%add3A_49, %broadcast_in_dim3A_2023], %add3A_2029 : memref<32x129xf32, #tpu.memory_space<vmem>>[vector<16xi32>, vector<16xi32>], vector<16xf32>,
      %get3A_2034 = arith.constant 72 : i32
      %get3A_2035 = arith.index_cast %rem3A_423 : i32 to index
      %get3A_2036 = arith.index_cast %get3A_2034 : i32 to index
      %get3A_2037 = arith.constant 0 : index
      %get3A_2038 = tpu.vector_load %arg8[%get3A_2035, %get3A_2036, %get3A_2037] {strides = array<i32>} : memref<4x128x32xf32, #tpu.memory_space<vmem>>, vector<16xf32>,
      %get3A_2039 = arith.constant 72 : i32
      %get3A_2040 = arith.index_cast %rem3A_423 : i32 to index
      %get3A_2041 = arith.index_cast %get3A_2039 : i32 to index
      %get3A_2042 = arith.constant 16 : index
      %get3A_2043 = tpu.vector_load %arg8[%get3A_2040, %get3A_2041, %get3A_2042] {strides = array<i32>} : memref<4x128x32xf32, #tpu.memory_space<vmem>>, vector<16xf32>,
      %get3A_2044 = arith.constant 73 : i32
      %get3A_2045 = arith.index_cast %rem3A_423 : i32 to index
      %get3A_2046 = arith.index_cast %get3A_2044 : i32 to index
      %get3A_2047 = arith.constant 0 : index
      %get3A_2048 = tpu.vector_load %arg8[%get3A_2045, %get3A_2046, %get3A_2047] {strides = array<i32>} : memref<4x128x32xf32, #tpu.memory_space<vmem>>, vector<16xf32>,
      %get3A_2049 = arith.constant 73 : i32
      %get3A_2050 = arith.index_cast %rem3A_423 : i32 to index
      %get3A_2051 = arith.index_cast %get3A_2049 : i32 to index
      %get3A_2052 = arith.constant 16 : index
      %get3A_2053 = tpu.vector_load %arg8[%get3A_2050, %get3A_2051, %get3A_2052] {strides = array<i32>} : memref<4x128x32xf32, #tpu.memory_space<vmem>>, vector<16xf32>,
      %get3A_2054 = arith.constant 74 : i32
      %get3A_2055 = arith.index_cast %rem3A_423 : i32 to index
      %get3A_2056 = arith.index_cast %get3A_2054 : i32 to index
      %get3A_2057 = arith.constant 0 : index
      %get3A_2058 = tpu.vector_load %arg8[%get3A_2055, %get3A_2056, %get3A_2057] {strides = array<i32>} : memref<4x128x32xf32, #tpu.memory_space<vmem>>, vector<16xf32>,
      %get3A_2059 = arith.constant 74 : i32
      %get3A_2060 = arith.index_cast %rem3A_423 : i32 to index
      %get3A_2061 = arith.index_cast %get3A_2059 : i32 to index
      %get3A_2062 = arith.constant 16 : index
      %get3A_2063 = tpu.vector_load %arg8[%get3A_2060, %get3A_2061, %get3A_2062] {strides = array<i32>} : memref<4x128x32xf32, #tpu.memory_space<vmem>>, vector<16xf32>,
      %get3A_2064 = arith.constant 75 : i32
      %get3A_2065 = arith.index_cast %rem3A_423 : i32 to index
      %get3A_2066 = arith.index_cast %get3A_2064 : i32 to index
      %get3A_2067 = arith.constant 0 : index
      %get3A_2068 = tpu.vector_load %arg8[%get3A_2065, %get3A_2066, %get3A_2067] {strides = array<i32>} : memref<4x128x32xf32, #tpu.memory_space<vmem>>, vector<16xf32>,
      %get3A_2069 = arith.constant 75 : i32
      %get3A_2070 = arith.index_cast %rem3A_423 : i32 to index
      %get3A_2071 = arith.index_cast %get3A_2069 : i32 to index
      %get3A_2072 = arith.constant 16 : index
      %get3A_2073 = tpu.vector_load %arg8[%get3A_2070, %get3A_2071, %get3A_2072] {strides = array<i32>} : memref<4x128x32xf32, #tpu.memory_space<vmem>>, vector<16xf32>,
      %get3A_2074 = arith.constant 76 : i32
      %get3A_2075 = arith.index_cast %rem3A_423 : i32 to index
      %get3A_2076 = arith.index_cast %get3A_2074 : i32 to index
      %get3A_2077 = arith.constant 0 : index
      %get3A_2078 = tpu.vector_load %arg8[%get3A_2075, %get3A_2076, %get3A_2077] {strides = array<i32>} : memref<4x128x32xf32, #tpu.memory_space<vmem>>, vector<16xf32>,
      %get3A_2079 = arith.constant 76 : i32
      %get3A_2080 = arith.index_cast %rem3A_423 : i32 to index
      %get3A_2081 = arith.index_cast %get3A_2079 : i32 to index
      %get3A_2082 = arith.constant 16 : index
      %get3A_2083 = tpu.vector_load %arg8[%get3A_2080, %get3A_2081, %get3A_2082] {strides = array<i32>} : memref<4x128x32xf32, #tpu.memory_space<vmem>>, vector<16xf32>,
      %get3A_2084 = arith.constant 77 : i32
      %get3A_2085 = arith.index_cast %rem3A_423 : i32 to index
      %get3A_2086 = arith.index_cast %get3A_2084 : i32 to index
      %get3A_2087 = arith.constant 0 : index
      %get3A_2088 = tpu.vector_load %arg8[%get3A_2085, %get3A_2086, %get3A_2087] {strides = array<i32>} : memref<4x128x32xf32, #tpu.memory_space<vmem>>, vector<16xf32>,
      %get3A_2089 = arith.constant 77 : i32
      %get3A_2090 = arith.index_cast %rem3A_423 : i32 to index
      %get3A_2091 = arith.index_cast %get3A_2089 : i32 to index
      %get3A_2092 = arith.constant 16 : index
      %get3A_2093 = tpu.vector_load %arg8[%get3A_2090, %get3A_2091, %get3A_2092] {strides = array<i32>} : memref<4x128x32xf32, #tpu.memory_space<vmem>>, vector<16xf32>,
      %get3A_2094 = arith.constant 78 : i32
      %get3A_2095 = arith.index_cast %rem3A_423 : i32 to index
      %get3A_2096 = arith.index_cast %get3A_2094 : i32 to index
      %get3A_2097 = arith.constant 0 : index
      %get3A_2098 = tpu.vector_load %arg8[%get3A_2095, %get3A_2096, %get3A_2097] {strides = array<i32>} : memref<4x128x32xf32, #tpu.memory_space<vmem>>, vector<16xf32>,
      %get3A_2099 = arith.constant 78 : i32
      %get3A_2100 = arith.index_cast %rem3A_423 : i32 to index
      %get3A_2101 = arith.index_cast %get3A_2099 : i32 to index
      %get3A_2102 = arith.constant 16 : index
      %get3A_2103 = tpu.vector_load %arg8[%get3A_2100, %get3A_2101, %get3A_2102] {strides = array<i32>} : memref<4x128x32xf32, #tpu.memory_space<vmem>>, vector<16xf32>,
      %get3A_2104 = arith.constant 79 : i32
      %get3A_2105 = arith.index_cast %rem3A_423 : i32 to index
      %get3A_2106 = arith.index_cast %get3A_2104 : i32 to index
      %get3A_2107 = arith.constant 0 : index
      %get3A_2108 = tpu.vector_load %arg8[%get3A_2105, %get3A_2106, %get3A_2107] {strides = array<i32>} : memref<4x128x32xf32, #tpu.memory_space<vmem>>, vector<16xf32>,
      %get3A_2109 = arith.constant 79 : i32
      %get3A_2110 = arith.index_cast %rem3A_423 : i32 to index
      %get3A_2111 = arith.index_cast %get3A_2109 : i32 to index
      %get3A_2112 = arith.constant 16 : index
      %get3A_2113 = tpu.vector_load %arg8[%get3A_2110, %get3A_2111, %get3A_2112] {strides = array<i32>} : memref<4x128x32xf32, #tpu.memory_space<vmem>>, vector<16xf32>,
      %broadcast_in_dim3A_2114 = arith.constant 72 : i32
      %broadcast_in_dim3A_2115 = vector.broadcast %broadcast_in_dim3A_2114 : i32 to vector<16xi32>
      %add3A_2116 = arith.addf %get3A_2038, %gather3A : vector<16xf32>
      %scatter3A_2117 = arith.constant 0 : i32
      %scatter3A_2118 = arith.constant 0 : i32
      %scatter3A_2119 = tpu.memref_slice %arg9[%rem3A_423, %scatter3A_2117, %scatter3A_2118] : memref<4x32x129xf32, #tpu.memory_space<vmem>> -> memref<1x32x129xf32, #tpu.memory_space<vmem>>
      %scatter3A_2120 = tpu.memref_squeeze %scatter3A_2119 : memref<1x32x129xf32, #tpu.memory_space<vmem>> -> memref<32x129xf32, #tpu.memory_space<vmem>>
      tpu.vector_store_idx %scatter3A_2120[%iota3A, %broadcast_in_dim3A_2115], %add3A_2116 : memref<32x129xf32, #tpu.memory_space<vmem>>[vector<16xi32>, vector<16xi32>], vector<16xf32>,
      %add3A_2121 = arith.addf %get3A_2043, %gather3A_451 : vector<16xf32>
      %scatter3A_2122 = arith.constant 0 : i32
      %scatter3A_2123 = arith.constant 0 : i32
      %scatter3A_2124 = tpu.memref_slice %arg9[%rem3A_423, %scatter3A_2122, %scatter3A_2123] : memref<4x32x129xf32, #tpu.memory_space<vmem>> -> memref<1x32x129xf32, #tpu.memory_space<vmem>>
      %scatter3A_2125 = tpu.memref_squeeze %scatter3A_2124 : memref<1x32x129xf32, #tpu.memory_space<vmem>> -> memref<32x129xf32, #tpu.memory_space<vmem>>
      tpu.vector_store_idx %scatter3A_2125[%add3A_49, %broadcast_in_dim3A_2115], %add3A_2121 : memref<32x129xf32, #tpu.memory_space<vmem>>[vector<16xi32>, vector<16xi32>], vector<16xf32>,
      %broadcast_in_dim3A_2126 = arith.constant 73 : i32
      %broadcast_in_dim3A_2127 = vector.broadcast %broadcast_in_dim3A_2126 : i32 to vector<16xi32>
      %add3A_2128 = arith.addf %get3A_2048, %gather3A : vector<16xf32>
      %scatter3A_2129 = arith.constant 0 : i32
      %scatter3A_2130 = arith.constant 0 : i32
      %scatter3A_2131 = tpu.memref_slice %arg9[%rem3A_423, %scatter3A_2129, %scatter3A_2130] : memref<4x32x129xf32, #tpu.memory_space<vmem>> -> memref<1x32x129xf32, #tpu.memory_space<vmem>>
      %scatter3A_2132 = tpu.memref_squeeze %scatter3A_2131 : memref<1x32x129xf32, #tpu.memory_space<vmem>> -> memref<32x129xf32, #tpu.memory_space<vmem>>
      tpu.vector_store_idx %scatter3A_2132[%iota3A, %broadcast_in_dim3A_2127], %add3A_2128 : memref<32x129xf32, #tpu.memory_space<vmem>>[vector<16xi32>, vector<16xi32>], vector<16xf32>,
      %add3A_2133 = arith.addf %get3A_2053, %gather3A_451 : vector<16xf32>
      %scatter3A_2134 = arith.constant 0 : i32
      %scatter3A_2135 = arith.constant 0 : i32
      %scatter3A_2136 = tpu.memref_slice %arg9[%rem3A_423, %scatter3A_2134, %scatter3A_2135] : memref<4x32x129xf32, #tpu.memory_space<vmem>> -> memref<1x32x129xf32, #tpu.memory_space<vmem>>
      %scatter3A_2137 = tpu.memref_squeeze %scatter3A_2136 : memref<1x32x129xf32, #tpu.memory_space<vmem>> -> memref<32x129xf32, #tpu.memory_space<vmem>>
      tpu.vector_store_idx %scatter3A_2137[%add3A_49, %broadcast_in_dim3A_2127], %add3A_2133 : memref<32x129xf32, #tpu.memory_space<vmem>>[vector<16xi32>, vector<16xi32>], vector<16xf32>,
      %broadcast_in_dim3A_2138 = arith.constant 74 : i32
      %broadcast_in_dim3A_2139 = vector.broadcast %broadcast_in_dim3A_2138 : i32 to vector<16xi32>
      %add3A_2140 = arith.addf %get3A_2058, %gather3A : vector<16xf32>
      %scatter3A_2141 = arith.constant 0 : i32
      %scatter3A_2142 = arith.constant 0 : i32
      %scatter3A_2143 = tpu.memref_slice %arg9[%rem3A_423, %scatter3A_2141, %scatter3A_2142] : memref<4x32x129xf32, #tpu.memory_space<vmem>> -> memref<1x32x129xf32, #tpu.memory_space<vmem>>
      %scatter3A_2144 = tpu.memref_squeeze %scatter3A_2143 : memref<1x32x129xf32, #tpu.memory_space<vmem>> -> memref<32x129xf32, #tpu.memory_space<vmem>>
      tpu.vector_store_idx %scatter3A_2144[%iota3A, %broadcast_in_dim3A_2139], %add3A_2140 : memref<32x129xf32, #tpu.memory_space<vmem>>[vector<16xi32>, vector<16xi32>], vector<16xf32>,
      %add3A_2145 = arith.addf %get3A_2063, %gather3A_451 : vector<16xf32>
      %scatter3A_2146 = arith.constant 0 : i32
      %scatter3A_2147 = arith.constant 0 : i32
      %scatter3A_2148 = tpu.memref_slice %arg9[%rem3A_423, %scatter3A_2146, %scatter3A_2147] : memref<4x32x129xf32, #tpu.memory_space<vmem>> -> memref<1x32x129xf32, #tpu.memory_space<vmem>>
      %scatter3A_2149 = tpu.memref_squeeze %scatter3A_2148 : memref<1x32x129xf32, #tpu.memory_space<vmem>> -> memref<32x129xf32, #tpu.memory_space<vmem>>
      tpu.vector_store_idx %scatter3A_2149[%add3A_49, %broadcast_in_dim3A_2139], %add3A_2145 : memref<32x129xf32, #tpu.memory_space<vmem>>[vector<16xi32>, vector<16xi32>], vector<16xf32>,
      %broadcast_in_dim3A_2150 = arith.constant 75 : i32
      %broadcast_in_dim3A_2151 = vector.broadcast %broadcast_in_dim3A_2150 : i32 to vector<16xi32>
      %add3A_2152 = arith.addf %get3A_2068, %gather3A : vector<16xf32>
      %scatter3A_2153 = arith.constant 0 : i32
      %scatter3A_2154 = arith.constant 0 : i32
      %scatter3A_2155 = tpu.memref_slice %arg9[%rem3A_423, %scatter3A_2153, %scatter3A_2154] : memref<4x32x129xf32, #tpu.memory_space<vmem>> -> memref<1x32x129xf32, #tpu.memory_space<vmem>>
      %scatter3A_2156 = tpu.memref_squeeze %scatter3A_2155 : memref<1x32x129xf32, #tpu.memory_space<vmem>> -> memref<32x129xf32, #tpu.memory_space<vmem>>
      tpu.vector_store_idx %scatter3A_2156[%iota3A, %broadcast_in_dim3A_2151], %add3A_2152 : memref<32x129xf32, #tpu.memory_space<vmem>>[vector<16xi32>, vector<16xi32>], vector<16xf32>,
      %add3A_2157 = arith.addf %get3A_2073, %gather3A_451 : vector<16xf32>
      %scatter3A_2158 = arith.constant 0 : i32
      %scatter3A_2159 = arith.constant 0 : i32
      %scatter3A_2160 = tpu.memref_slice %arg9[%rem3A_423, %scatter3A_2158, %scatter3A_2159] : memref<4x32x129xf32, #tpu.memory_space<vmem>> -> memref<1x32x129xf32, #tpu.memory_space<vmem>>
      %scatter3A_2161 = tpu.memref_squeeze %scatter3A_2160 : memref<1x32x129xf32, #tpu.memory_space<vmem>> -> memref<32x129xf32, #tpu.memory_space<vmem>>
      tpu.vector_store_idx %scatter3A_2161[%add3A_49, %broadcast_in_dim3A_2151], %add3A_2157 : memref<32x129xf32, #tpu.memory_space<vmem>>[vector<16xi32>, vector<16xi32>], vector<16xf32>,
      %broadcast_in_dim3A_2162 = arith.constant 76 : i32
      %broadcast_in_dim3A_2163 = vector.broadcast %broadcast_in_dim3A_2162 : i32 to vector<16xi32>
      %add3A_2164 = arith.addf %get3A_2078, %gather3A : vector<16xf32>
      %scatter3A_2165 = arith.constant 0 : i32
      %scatter3A_2166 = arith.constant 0 : i32
      %scatter3A_2167 = tpu.memref_slice %arg9[%rem3A_423, %scatter3A_2165, %scatter3A_2166] : memref<4x32x129xf32, #tpu.memory_space<vmem>> -> memref<1x32x129xf32, #tpu.memory_space<vmem>>
      %scatter3A_2168 = tpu.memref_squeeze %scatter3A_2167 : memref<1x32x129xf32, #tpu.memory_space<vmem>> -> memref<32x129xf32, #tpu.memory_space<vmem>>
      tpu.vector_store_idx %scatter3A_2168[%iota3A, %broadcast_in_dim3A_2163], %add3A_2164 : memref<32x129xf32, #tpu.memory_space<vmem>>[vector<16xi32>, vector<16xi32>], vector<16xf32>,
      %add3A_2169 = arith.addf %get3A_2083, %gather3A_451 : vector<16xf32>
      %scatter3A_2170 = arith.constant 0 : i32
      %scatter3A_2171 = arith.constant 0 : i32
      %scatter3A_2172 = tpu.memref_slice %arg9[%rem3A_423, %scatter3A_2170, %scatter3A_2171] : memref<4x32x129xf32, #tpu.memory_space<vmem>> -> memref<1x32x129xf32, #tpu.memory_space<vmem>>
      %scatter3A_2173 = tpu.memref_squeeze %scatter3A_2172 : memref<1x32x129xf32, #tpu.memory_space<vmem>> -> memref<32x129xf32, #tpu.memory_space<vmem>>
      tpu.vector_store_idx %scatter3A_2173[%add3A_49, %broadcast_in_dim3A_2163], %add3A_2169 : memref<32x129xf32, #tpu.memory_space<vmem>>[vector<16xi32>, vector<16xi32>], vector<16xf32>,
      %broadcast_in_dim3A_2174 = arith.constant 77 : i32
      %broadcast_in_dim3A_2175 = vector.broadcast %broadcast_in_dim3A_2174 : i32 to vector<16xi32>
      %add3A_2176 = arith.addf %get3A_2088, %gather3A : vector<16xf32>
      %scatter3A_2177 = arith.constant 0 : i32
      %scatter3A_2178 = arith.constant 0 : i32
      %scatter3A_2179 = tpu.memref_slice %arg9[%rem3A_423, %scatter3A_2177, %scatter3A_2178] : memref<4x32x129xf32, #tpu.memory_space<vmem>> -> memref<1x32x129xf32, #tpu.memory_space<vmem>>
      %scatter3A_2180 = tpu.memref_squeeze %scatter3A_2179 : memref<1x32x129xf32, #tpu.memory_space<vmem>> -> memref<32x129xf32, #tpu.memory_space<vmem>>
      tpu.vector_store_idx %scatter3A_2180[%iota3A, %broadcast_in_dim3A_2175], %add3A_2176 : memref<32x129xf32, #tpu.memory_space<vmem>>[vector<16xi32>, vector<16xi32>], vector<16xf32>,
      %add3A_2181 = arith.addf %get3A_2093, %gather3A_451 : vector<16xf32>
      %scatter3A_2182 = arith.constant 0 : i32
      %scatter3A_2183 = arith.constant 0 : i32
      %scatter3A_2184 = tpu.memref_slice %arg9[%rem3A_423, %scatter3A_2182, %scatter3A_2183] : memref<4x32x129xf32, #tpu.memory_space<vmem>> -> memref<1x32x129xf32, #tpu.memory_space<vmem>>
      %scatter3A_2185 = tpu.memref_squeeze %scatter3A_2184 : memref<1x32x129xf32, #tpu.memory_space<vmem>> -> memref<32x129xf32, #tpu.memory_space<vmem>>
      tpu.vector_store_idx %scatter3A_2185[%add3A_49, %broadcast_in_dim3A_2175], %add3A_2181 : memref<32x129xf32, #tpu.memory_space<vmem>>[vector<16xi32>, vector<16xi32>], vector<16xf32>,
      %broadcast_in_dim3A_2186 = arith.constant 78 : i32
      %broadcast_in_dim3A_2187 = vector.broadcast %broadcast_in_dim3A_2186 : i32 to vector<16xi32>
      %add3A_2188 = arith.addf %get3A_2098, %gather3A : vector<16xf32>
      %scatter3A_2189 = arith.constant 0 : i32
      %scatter3A_2190 = arith.constant 0 : i32
      %scatter3A_2191 = tpu.memref_slice %arg9[%rem3A_423, %scatter3A_2189, %scatter3A_2190] : memref<4x32x129xf32, #tpu.memory_space<vmem>> -> memref<1x32x129xf32, #tpu.memory_space<vmem>>
      %scatter3A_2192 = tpu.memref_squeeze %scatter3A_2191 : memref<1x32x129xf32, #tpu.memory_space<vmem>> -> memref<32x129xf32, #tpu.memory_space<vmem>>
      tpu.vector_store_idx %scatter3A_2192[%iota3A, %broadcast_in_dim3A_2187], %add3A_2188 : memref<32x129xf32, #tpu.memory_space<vmem>>[vector<16xi32>, vector<16xi32>], vector<16xf32>,
      %add3A_2193 = arith.addf %get3A_2103, %gather3A_451 : vector<16xf32>
      %scatter3A_2194 = arith.constant 0 : i32
      %scatter3A_2195 = arith.constant 0 : i32
      %scatter3A_2196 = tpu.memref_slice %arg9[%rem3A_423, %scatter3A_2194, %scatter3A_2195] : memref<4x32x129xf32, #tpu.memory_space<vmem>> -> memref<1x32x129xf32, #tpu.memory_space<vmem>>
      %scatter3A_2197 = tpu.memref_squeeze %scatter3A_2196 : memref<1x32x129xf32, #tpu.memory_space<vmem>> -> memref<32x129xf32, #tpu.memory_space<vmem>>
      tpu.vector_store_idx %scatter3A_2197[%add3A_49, %broadcast_in_dim3A_2187], %add3A_2193 : memref<32x129xf32, #tpu.memory_space<vmem>>[vector<16xi32>, vector<16xi32>], vector<16xf32>,
      %broadcast_in_dim3A_2198 = arith.constant 79 : i32
      %broadcast_in_dim3A_2199 = vector.broadcast %broadcast_in_dim3A_2198 : i32 to vector<16xi32>
      %add3A_2200 = arith.addf %get3A_2108, %gather3A : vector<16xf32>
      %scatter3A_2201 = arith.constant 0 : i32
      %scatter3A_2202 = arith.constant 0 : i32
      %scatter3A_2203 = tpu.memref_slice %arg9[%rem3A_423, %scatter3A_2201, %scatter3A_2202] : memref<4x32x129xf32, #tpu.memory_space<vmem>> -> memref<1x32x129xf32, #tpu.memory_space<vmem>>
      %scatter3A_2204 = tpu.memref_squeeze %scatter3A_2203 : memref<1x32x129xf32, #tpu.memory_space<vmem>> -> memref<32x129xf32, #tpu.memory_space<vmem>>
      tpu.vector_store_idx %scatter3A_2204[%iota3A, %broadcast_in_dim3A_2199], %add3A_2200 : memref<32x129xf32, #tpu.memory_space<vmem>>[vector<16xi32>, vector<16xi32>], vector<16xf32>,
      %add3A_2205 = arith.addf %get3A_2113, %gather3A_451 : vector<16xf32>
      %scatter3A_2206 = arith.constant 0 : i32
      %scatter3A_2207 = arith.constant 0 : i32
      %scatter3A_2208 = tpu.memref_slice %arg9[%rem3A_423, %scatter3A_2206, %scatter3A_2207] : memref<4x32x129xf32, #tpu.memory_space<vmem>> -> memref<1x32x129xf32, #tpu.memory_space<vmem>>
      %scatter3A_2209 = tpu.memref_squeeze %scatter3A_2208 : memref<1x32x129xf32, #tpu.memory_space<vmem>> -> memref<32x129xf32, #tpu.memory_space<vmem>>
      tpu.vector_store_idx %scatter3A_2209[%add3A_49, %broadcast_in_dim3A_2199], %add3A_2205 : memref<32x129xf32, #tpu.memory_space<vmem>>[vector<16xi32>, vector<16xi32>], vector<16xf32>,
      %get3A_2210 = arith.constant 80 : i32
      %get3A_2211 = arith.index_cast %rem3A_423 : i32 to index
      %get3A_2212 = arith.index_cast %get3A_2210 : i32 to index
      %get3A_2213 = arith.constant 0 : index
      %get3A_2214 = tpu.vector_load %arg8[%get3A_2211, %get3A_2212, %get3A_2213] {strides = array<i32>} : memref<4x128x32xf32, #tpu.memory_space<vmem>>, vector<16xf32>,
      %get3A_2215 = arith.constant 80 : i32
      %get3A_2216 = arith.index_cast %rem3A_423 : i32 to index
      %get3A_2217 = arith.index_cast %get3A_2215 : i32 to index
      %get3A_2218 = arith.constant 16 : index
      %get3A_2219 = tpu.vector_load %arg8[%get3A_2216, %get3A_2217, %get3A_2218] {strides = array<i32>} : memref<4x128x32xf32, #tpu.memory_space<vmem>>, vector<16xf32>,
      %get3A_2220 = arith.constant 81 : i32
      %get3A_2221 = arith.index_cast %rem3A_423 : i32 to index
      %get3A_2222 = arith.index_cast %get3A_2220 : i32 to index
      %get3A_2223 = arith.constant 0 : index
      %get3A_2224 = tpu.vector_load %arg8[%get3A_2221, %get3A_2222, %get3A_2223] {strides = array<i32>} : memref<4x128x32xf32, #tpu.memory_space<vmem>>, vector<16xf32>,
      %get3A_2225 = arith.constant 81 : i32
      %get3A_2226 = arith.index_cast %rem3A_423 : i32 to index
      %get3A_2227 = arith.index_cast %get3A_2225 : i32 to index
      %get3A_2228 = arith.constant 16 : index
      %get3A_2229 = tpu.vector_load %arg8[%get3A_2226, %get3A_2227, %get3A_2228] {strides = array<i32>} : memref<4x128x32xf32, #tpu.memory_space<vmem>>, vector<16xf32>,
      %get3A_2230 = arith.constant 82 : i32
      %get3A_2231 = arith.index_cast %rem3A_423 : i32 to index
      %get3A_2232 = arith.index_cast %get3A_2230 : i32 to index
      %get3A_2233 = arith.constant 0 : index
      %get3A_2234 = tpu.vector_load %arg8[%get3A_2231, %get3A_2232, %get3A_2233] {strides = array<i32>} : memref<4x128x32xf32, #tpu.memory_space<vmem>>, vector<16xf32>,
      %get3A_2235 = arith.constant 82 : i32
      %get3A_2236 = arith.index_cast %rem3A_423 : i32 to index
      %get3A_2237 = arith.index_cast %get3A_2235 : i32 to index
      %get3A_2238 = arith.constant 16 : index
      %get3A_2239 = tpu.vector_load %arg8[%get3A_2236, %get3A_2237, %get3A_2238] {strides = array<i32>} : memref<4x128x32xf32, #tpu.memory_space<vmem>>, vector<16xf32>,
      %get3A_2240 = arith.constant 83 : i32
      %get3A_2241 = arith.index_cast %rem3A_423 : i32 to index
      %get3A_2242 = arith.index_cast %get3A_2240 : i32 to index
      %get3A_2243 = arith.constant 0 : index
      %get3A_2244 = tpu.vector_load %arg8[%get3A_2241, %get3A_2242, %get3A_2243] {strides = array<i32>} : memref<4x128x32xf32, #tpu.memory_space<vmem>>, vector<16xf32>,
      %get3A_2245 = arith.constant 83 : i32
      %get3A_2246 = arith.index_cast %rem3A_423 : i32 to index
      %get3A_2247 = arith.index_cast %get3A_2245 : i32 to index
      %get3A_2248 = arith.constant 16 : index
      %get3A_2249 = tpu.vector_load %arg8[%get3A_2246, %get3A_2247, %get3A_2248] {strides = array<i32>} : memref<4x128x32xf32, #tpu.memory_space<vmem>>, vector<16xf32>,
      %get3A_2250 = arith.constant 84 : i32
      %get3A_2251 = arith.index_cast %rem3A_423 : i32 to index
      %get3A_2252 = arith.index_cast %get3A_2250 : i32 to index
      %get3A_2253 = arith.constant 0 : index
      %get3A_2254 = tpu.vector_load %arg8[%get3A_2251, %get3A_2252, %get3A_2253] {strides = array<i32>} : memref<4x128x32xf32, #tpu.memory_space<vmem>>, vector<16xf32>,
      %get3A_2255 = arith.constant 84 : i32
      %get3A_2256 = arith.index_cast %rem3A_423 : i32 to index
      %get3A_2257 = arith.index_cast %get3A_2255 : i32 to index
      %get3A_2258 = arith.constant 16 : index
      %get3A_2259 = tpu.vector_load %arg8[%get3A_2256, %get3A_2257, %get3A_2258] {strides = array<i32>} : memref<4x128x32xf32, #tpu.memory_space<vmem>>, vector<16xf32>,
      %get3A_2260 = arith.constant 85 : i32
      %get3A_2261 = arith.index_cast %rem3A_423 : i32 to index
      %get3A_2262 = arith.index_cast %get3A_2260 : i32 to index
      %get3A_2263 = arith.constant 0 : index
      %get3A_2264 = tpu.vector_load %arg8[%get3A_2261, %get3A_2262, %get3A_2263] {strides = array<i32>} : memref<4x128x32xf32, #tpu.memory_space<vmem>>, vector<16xf32>,
      %get3A_2265 = arith.constant 85 : i32
      %get3A_2266 = arith.index_cast %rem3A_423 : i32 to index
      %get3A_2267 = arith.index_cast %get3A_2265 : i32 to index
      %get3A_2268 = arith.constant 16 : index
      %get3A_2269 = tpu.vector_load %arg8[%get3A_2266, %get3A_2267, %get3A_2268] {strides = array<i32>} : memref<4x128x32xf32, #tpu.memory_space<vmem>>, vector<16xf32>,
      %get3A_2270 = arith.constant 86 : i32
      %get3A_2271 = arith.index_cast %rem3A_423 : i32 to index
      %get3A_2272 = arith.index_cast %get3A_2270 : i32 to index
      %get3A_2273 = arith.constant 0 : index
      %get3A_2274 = tpu.vector_load %arg8[%get3A_2271, %get3A_2272, %get3A_2273] {strides = array<i32>} : memref<4x128x32xf32, #tpu.memory_space<vmem>>, vector<16xf32>,
      %get3A_2275 = arith.constant 86 : i32
      %get3A_2276 = arith.index_cast %rem3A_423 : i32 to index
      %get3A_2277 = arith.index_cast %get3A_2275 : i32 to index
      %get3A_2278 = arith.constant 16 : index
      %get3A_2279 = tpu.vector_load %arg8[%get3A_2276, %get3A_2277, %get3A_2278] {strides = array<i32>} : memref<4x128x32xf32, #tpu.memory_space<vmem>>, vector<16xf32>,
      %get3A_2280 = arith.constant 87 : i32
      %get3A_2281 = arith.index_cast %rem3A_423 : i32 to index
      %get3A_2282 = arith.index_cast %get3A_2280 : i32 to index
      %get3A_2283 = arith.constant 0 : index
      %get3A_2284 = tpu.vector_load %arg8[%get3A_2281, %get3A_2282, %get3A_2283] {strides = array<i32>} : memref<4x128x32xf32, #tpu.memory_space<vmem>>, vector<16xf32>,
      %get3A_2285 = arith.constant 87 : i32
      %get3A_2286 = arith.index_cast %rem3A_423 : i32 to index
      %get3A_2287 = arith.index_cast %get3A_2285 : i32 to index
      %get3A_2288 = arith.constant 16 : index
      %get3A_2289 = tpu.vector_load %arg8[%get3A_2286, %get3A_2287, %get3A_2288] {strides = array<i32>} : memref<4x128x32xf32, #tpu.memory_space<vmem>>, vector<16xf32>,
      %broadcast_in_dim3A_2290 = arith.constant 80 : i32
      %broadcast_in_dim3A_2291 = vector.broadcast %broadcast_in_dim3A_2290 : i32 to vector<16xi32>
      %add3A_2292 = arith.addf %get3A_2214, %gather3A : vector<16xf32>
      %scatter3A_2293 = arith.constant 0 : i32
      %scatter3A_2294 = arith.constant 0 : i32
      %scatter3A_2295 = tpu.memref_slice %arg9[%rem3A_423, %scatter3A_2293, %scatter3A_2294] : memref<4x32x129xf32, #tpu.memory_space<vmem>> -> memref<1x32x129xf32, #tpu.memory_space<vmem>>
      %scatter3A_2296 = tpu.memref_squeeze %scatter3A_2295 : memref<1x32x129xf32, #tpu.memory_space<vmem>> -> memref<32x129xf32, #tpu.memory_space<vmem>>
      tpu.vector_store_idx %scatter3A_2296[%iota3A, %broadcast_in_dim3A_2291], %add3A_2292 : memref<32x129xf32, #tpu.memory_space<vmem>>[vector<16xi32>, vector<16xi32>], vector<16xf32>,
      %add3A_2297 = arith.addf %get3A_2219, %gather3A_451 : vector<16xf32>
      %scatter3A_2298 = arith.constant 0 : i32
      %scatter3A_2299 = arith.constant 0 : i32
      %scatter3A_2300 = tpu.memref_slice %arg9[%rem3A_423, %scatter3A_2298, %scatter3A_2299] : memref<4x32x129xf32, #tpu.memory_space<vmem>> -> memref<1x32x129xf32, #tpu.memory_space<vmem>>
      %scatter3A_2301 = tpu.memref_squeeze %scatter3A_2300 : memref<1x32x129xf32, #tpu.memory_space<vmem>> -> memref<32x129xf32, #tpu.memory_space<vmem>>
      tpu.vector_store_idx %scatter3A_2301[%add3A_49, %broadcast_in_dim3A_2291], %add3A_2297 : memref<32x129xf32, #tpu.memory_space<vmem>>[vector<16xi32>, vector<16xi32>], vector<16xf32>,
      %broadcast_in_dim3A_2302 = arith.constant 81 : i32
      %broadcast_in_dim3A_2303 = vector.broadcast %broadcast_in_dim3A_2302 : i32 to vector<16xi32>
      %add3A_2304 = arith.addf %get3A_2224, %gather3A : vector<16xf32>
      %scatter3A_2305 = arith.constant 0 : i32
      %scatter3A_2306 = arith.constant 0 : i32
      %scatter3A_2307 = tpu.memref_slice %arg9[%rem3A_423, %scatter3A_2305, %scatter3A_2306] : memref<4x32x129xf32, #tpu.memory_space<vmem>> -> memref<1x32x129xf32, #tpu.memory_space<vmem>>
      %scatter3A_2308 = tpu.memref_squeeze %scatter3A_2307 : memref<1x32x129xf32, #tpu.memory_space<vmem>> -> memref<32x129xf32, #tpu.memory_space<vmem>>
      tpu.vector_store_idx %scatter3A_2308[%iota3A, %broadcast_in_dim3A_2303], %add3A_2304 : memref<32x129xf32, #tpu.memory_space<vmem>>[vector<16xi32>, vector<16xi32>], vector<16xf32>,
      %add3A_2309 = arith.addf %get3A_2229, %gather3A_451 : vector<16xf32>
      %scatter3A_2310 = arith.constant 0 : i32
      %scatter3A_2311 = arith.constant 0 : i32
      %scatter3A_2312 = tpu.memref_slice %arg9[%rem3A_423, %scatter3A_2310, %scatter3A_2311] : memref<4x32x129xf32, #tpu.memory_space<vmem>> -> memref<1x32x129xf32, #tpu.memory_space<vmem>>
      %scatter3A_2313 = tpu.memref_squeeze %scatter3A_2312 : memref<1x32x129xf32, #tpu.memory_space<vmem>> -> memref<32x129xf32, #tpu.memory_space<vmem>>
      tpu.vector_store_idx %scatter3A_2313[%add3A_49, %broadcast_in_dim3A_2303], %add3A_2309 : memref<32x129xf32, #tpu.memory_space<vmem>>[vector<16xi32>, vector<16xi32>], vector<16xf32>,
      %broadcast_in_dim3A_2314 = arith.constant 82 : i32
      %broadcast_in_dim3A_2315 = vector.broadcast %broadcast_in_dim3A_2314 : i32 to vector<16xi32>
      %add3A_2316 = arith.addf %get3A_2234, %gather3A : vector<16xf32>
      %scatter3A_2317 = arith.constant 0 : i32
      %scatter3A_2318 = arith.constant 0 : i32
      %scatter3A_2319 = tpu.memref_slice %arg9[%rem3A_423, %scatter3A_2317, %scatter3A_2318] : memref<4x32x129xf32, #tpu.memory_space<vmem>> -> memref<1x32x129xf32, #tpu.memory_space<vmem>>
      %scatter3A_2320 = tpu.memref_squeeze %scatter3A_2319 : memref<1x32x129xf32, #tpu.memory_space<vmem>> -> memref<32x129xf32, #tpu.memory_space<vmem>>
      tpu.vector_store_idx %scatter3A_2320[%iota3A, %broadcast_in_dim3A_2315], %add3A_2316 : memref<32x129xf32, #tpu.memory_space<vmem>>[vector<16xi32>, vector<16xi32>], vector<16xf32>,
      %add3A_2321 = arith.addf %get3A_2239, %gather3A_451 : vector<16xf32>
      %scatter3A_2322 = arith.constant 0 : i32
      %scatter3A_2323 = arith.constant 0 : i32
      %scatter3A_2324 = tpu.memref_slice %arg9[%rem3A_423, %scatter3A_2322, %scatter3A_2323] : memref<4x32x129xf32, #tpu.memory_space<vmem>> -> memref<1x32x129xf32, #tpu.memory_space<vmem>>
      %scatter3A_2325 = tpu.memref_squeeze %scatter3A_2324 : memref<1x32x129xf32, #tpu.memory_space<vmem>> -> memref<32x129xf32, #tpu.memory_space<vmem>>
      tpu.vector_store_idx %scatter3A_2325[%add3A_49, %broadcast_in_dim3A_2315], %add3A_2321 : memref<32x129xf32, #tpu.memory_space<vmem>>[vector<16xi32>, vector<16xi32>], vector<16xf32>,
      %broadcast_in_dim3A_2326 = arith.constant 83 : i32
      %broadcast_in_dim3A_2327 = vector.broadcast %broadcast_in_dim3A_2326 : i32 to vector<16xi32>
      %add3A_2328 = arith.addf %get3A_2244, %gather3A : vector<16xf32>
      %scatter3A_2329 = arith.constant 0 : i32
      %scatter3A_2330 = arith.constant 0 : i32
      %scatter3A_2331 = tpu.memref_slice %arg9[%rem3A_423, %scatter3A_2329, %scatter3A_2330] : memref<4x32x129xf32, #tpu.memory_space<vmem>> -> memref<1x32x129xf32, #tpu.memory_space<vmem>>
      %scatter3A_2332 = tpu.memref_squeeze %scatter3A_2331 : memref<1x32x129xf32, #tpu.memory_space<vmem>> -> memref<32x129xf32, #tpu.memory_space<vmem>>
      tpu.vector_store_idx %scatter3A_2332[%iota3A, %broadcast_in_dim3A_2327], %add3A_2328 : memref<32x129xf32, #tpu.memory_space<vmem>>[vector<16xi32>, vector<16xi32>], vector<16xf32>,
      %add3A_2333 = arith.addf %get3A_2249, %gather3A_451 : vector<16xf32>
      %scatter3A_2334 = arith.constant 0 : i32
      %scatter3A_2335 = arith.constant 0 : i32
      %scatter3A_2336 = tpu.memref_slice %arg9[%rem3A_423, %scatter3A_2334, %scatter3A_2335] : memref<4x32x129xf32, #tpu.memory_space<vmem>> -> memref<1x32x129xf32, #tpu.memory_space<vmem>>
      %scatter3A_2337 = tpu.memref_squeeze %scatter3A_2336 : memref<1x32x129xf32, #tpu.memory_space<vmem>> -> memref<32x129xf32, #tpu.memory_space<vmem>>
      tpu.vector_store_idx %scatter3A_2337[%add3A_49, %broadcast_in_dim3A_2327], %add3A_2333 : memref<32x129xf32, #tpu.memory_space<vmem>>[vector<16xi32>, vector<16xi32>], vector<16xf32>,
      %broadcast_in_dim3A_2338 = arith.constant 84 : i32
      %broadcast_in_dim3A_2339 = vector.broadcast %broadcast_in_dim3A_2338 : i32 to vector<16xi32>
      %add3A_2340 = arith.addf %get3A_2254, %gather3A : vector<16xf32>
      %scatter3A_2341 = arith.constant 0 : i32
      %scatter3A_2342 = arith.constant 0 : i32
      %scatter3A_2343 = tpu.memref_slice %arg9[%rem3A_423, %scatter3A_2341, %scatter3A_2342] : memref<4x32x129xf32, #tpu.memory_space<vmem>> -> memref<1x32x129xf32, #tpu.memory_space<vmem>>
      %scatter3A_2344 = tpu.memref_squeeze %scatter3A_2343 : memref<1x32x129xf32, #tpu.memory_space<vmem>> -> memref<32x129xf32, #tpu.memory_space<vmem>>
      tpu.vector_store_idx %scatter3A_2344[%iota3A, %broadcast_in_dim3A_2339], %add3A_2340 : memref<32x129xf32, #tpu.memory_space<vmem>>[vector<16xi32>, vector<16xi32>], vector<16xf32>,
      %add3A_2345 = arith.addf %get3A_2259, %gather3A_451 : vector<16xf32>
      %scatter3A_2346 = arith.constant 0 : i32
      %scatter3A_2347 = arith.constant 0 : i32
      %scatter3A_2348 = tpu.memref_slice %arg9[%rem3A_423, %scatter3A_2346, %scatter3A_2347] : memref<4x32x129xf32, #tpu.memory_space<vmem>> -> memref<1x32x129xf32, #tpu.memory_space<vmem>>
      %scatter3A_2349 = tpu.memref_squeeze %scatter3A_2348 : memref<1x32x129xf32, #tpu.memory_space<vmem>> -> memref<32x129xf32, #tpu.memory_space<vmem>>
      tpu.vector_store_idx %scatter3A_2349[%add3A_49, %broadcast_in_dim3A_2339], %add3A_2345 : memref<32x129xf32, #tpu.memory_space<vmem>>[vector<16xi32>, vector<16xi32>], vector<16xf32>,
      %broadcast_in_dim3A_2350 = arith.constant 85 : i32
      %broadcast_in_dim3A_2351 = vector.broadcast %broadcast_in_dim3A_2350 : i32 to vector<16xi32>
      %add3A_2352 = arith.addf %get3A_2264, %gather3A : vector<16xf32>
      %scatter3A_2353 = arith.constant 0 : i32
      %scatter3A_2354 = arith.constant 0 : i32
      %scatter3A_2355 = tpu.memref_slice %arg9[%rem3A_423, %scatter3A_2353, %scatter3A_2354] : memref<4x32x129xf32, #tpu.memory_space<vmem>> -> memref<1x32x129xf32, #tpu.memory_space<vmem>>
      %scatter3A_2356 = tpu.memref_squeeze %scatter3A_2355 : memref<1x32x129xf32, #tpu.memory_space<vmem>> -> memref<32x129xf32, #tpu.memory_space<vmem>>
      tpu.vector_store_idx %scatter3A_2356[%iota3A, %broadcast_in_dim3A_2351], %add3A_2352 : memref<32x129xf32, #tpu.memory_space<vmem>>[vector<16xi32>, vector<16xi32>], vector<16xf32>,
      %add3A_2357 = arith.addf %get3A_2269, %gather3A_451 : vector<16xf32>
      %scatter3A_2358 = arith.constant 0 : i32
      %scatter3A_2359 = arith.constant 0 : i32
      %scatter3A_2360 = tpu.memref_slice %arg9[%rem3A_423, %scatter3A_2358, %scatter3A_2359] : memref<4x32x129xf32, #tpu.memory_space<vmem>> -> memref<1x32x129xf32, #tpu.memory_space<vmem>>
      %scatter3A_2361 = tpu.memref_squeeze %scatter3A_2360 : memref<1x32x129xf32, #tpu.memory_space<vmem>> -> memref<32x129xf32, #tpu.memory_space<vmem>>
      tpu.vector_store_idx %scatter3A_2361[%add3A_49, %broadcast_in_dim3A_2351], %add3A_2357 : memref<32x129xf32, #tpu.memory_space<vmem>>[vector<16xi32>, vector<16xi32>], vector<16xf32>,
      %broadcast_in_dim3A_2362 = arith.constant 86 : i32
      %broadcast_in_dim3A_2363 = vector.broadcast %broadcast_in_dim3A_2362 : i32 to vector<16xi32>
      %add3A_2364 = arith.addf %get3A_2274, %gather3A : vector<16xf32>
      %scatter3A_2365 = arith.constant 0 : i32
      %scatter3A_2366 = arith.constant 0 : i32
      %scatter3A_2367 = tpu.memref_slice %arg9[%rem3A_423, %scatter3A_2365, %scatter3A_2366] : memref<4x32x129xf32, #tpu.memory_space<vmem>> -> memref<1x32x129xf32, #tpu.memory_space<vmem>>
      %scatter3A_2368 = tpu.memref_squeeze %scatter3A_2367 : memref<1x32x129xf32, #tpu.memory_space<vmem>> -> memref<32x129xf32, #tpu.memory_space<vmem>>
      tpu.vector_store_idx %scatter3A_2368[%iota3A, %broadcast_in_dim3A_2363], %add3A_2364 : memref<32x129xf32, #tpu.memory_space<vmem>>[vector<16xi32>, vector<16xi32>], vector<16xf32>,
      %add3A_2369 = arith.addf %get3A_2279, %gather3A_451 : vector<16xf32>
      %scatter3A_2370 = arith.constant 0 : i32
      %scatter3A_2371 = arith.constant 0 : i32
      %scatter3A_2372 = tpu.memref_slice %arg9[%rem3A_423, %scatter3A_2370, %scatter3A_2371] : memref<4x32x129xf32, #tpu.memory_space<vmem>> -> memref<1x32x129xf32, #tpu.memory_space<vmem>>
      %scatter3A_2373 = tpu.memref_squeeze %scatter3A_2372 : memref<1x32x129xf32, #tpu.memory_space<vmem>> -> memref<32x129xf32, #tpu.memory_space<vmem>>
      tpu.vector_store_idx %scatter3A_2373[%add3A_49, %broadcast_in_dim3A_2363], %add3A_2369 : memref<32x129xf32, #tpu.memory_space<vmem>>[vector<16xi32>, vector<16xi32>], vector<16xf32>,
      %broadcast_in_dim3A_2374 = arith.constant 87 : i32
      %broadcast_in_dim3A_2375 = vector.broadcast %broadcast_in_dim3A_2374 : i32 to vector<16xi32>
      %add3A_2376 = arith.addf %get3A_2284, %gather3A : vector<16xf32>
      %scatter3A_2377 = arith.constant 0 : i32
      %scatter3A_2378 = arith.constant 0 : i32
      %scatter3A_2379 = tpu.memref_slice %arg9[%rem3A_423, %scatter3A_2377, %scatter3A_2378] : memref<4x32x129xf32, #tpu.memory_space<vmem>> -> memref<1x32x129xf32, #tpu.memory_space<vmem>>
      %scatter3A_2380 = tpu.memref_squeeze %scatter3A_2379 : memref<1x32x129xf32, #tpu.memory_space<vmem>> -> memref<32x129xf32, #tpu.memory_space<vmem>>
      tpu.vector_store_idx %scatter3A_2380[%iota3A, %broadcast_in_dim3A_2375], %add3A_2376 : memref<32x129xf32, #tpu.memory_space<vmem>>[vector<16xi32>, vector<16xi32>], vector<16xf32>,
      %add3A_2381 = arith.addf %get3A_2289, %gather3A_451 : vector<16xf32>
      %scatter3A_2382 = arith.constant 0 : i32
      %scatter3A_2383 = arith.constant 0 : i32
      %scatter3A_2384 = tpu.memref_slice %arg9[%rem3A_423, %scatter3A_2382, %scatter3A_2383] : memref<4x32x129xf32, #tpu.memory_space<vmem>> -> memref<1x32x129xf32, #tpu.memory_space<vmem>>
      %scatter3A_2385 = tpu.memref_squeeze %scatter3A_2384 : memref<1x32x129xf32, #tpu.memory_space<vmem>> -> memref<32x129xf32, #tpu.memory_space<vmem>>
      tpu.vector_store_idx %scatter3A_2385[%add3A_49, %broadcast_in_dim3A_2375], %add3A_2381 : memref<32x129xf32, #tpu.memory_space<vmem>>[vector<16xi32>, vector<16xi32>], vector<16xf32>,
      %get3A_2386 = arith.constant 88 : i32
      %get3A_2387 = arith.index_cast %rem3A_423 : i32 to index
      %get3A_2388 = arith.index_cast %get3A_2386 : i32 to index
      %get3A_2389 = arith.constant 0 : index
      %get3A_2390 = tpu.vector_load %arg8[%get3A_2387, %get3A_2388, %get3A_2389] {strides = array<i32>} : memref<4x128x32xf32, #tpu.memory_space<vmem>>, vector<16xf32>,
      %get3A_2391 = arith.constant 88 : i32
      %get3A_2392 = arith.index_cast %rem3A_423 : i32 to index
      %get3A_2393 = arith.index_cast %get3A_2391 : i32 to index
      %get3A_2394 = arith.constant 16 : index
      %get3A_2395 = tpu.vector_load %arg8[%get3A_2392, %get3A_2393, %get3A_2394] {strides = array<i32>} : memref<4x128x32xf32, #tpu.memory_space<vmem>>, vector<16xf32>,
      %get3A_2396 = arith.constant 89 : i32
      %get3A_2397 = arith.index_cast %rem3A_423 : i32 to index
      %get3A_2398 = arith.index_cast %get3A_2396 : i32 to index
      %get3A_2399 = arith.constant 0 : index
      %get3A_2400 = tpu.vector_load %arg8[%get3A_2397, %get3A_2398, %get3A_2399] {strides = array<i32>} : memref<4x128x32xf32, #tpu.memory_space<vmem>>, vector<16xf32>,
      %get3A_2401 = arith.constant 89 : i32
      %get3A_2402 = arith.index_cast %rem3A_423 : i32 to index
      %get3A_2403 = arith.index_cast %get3A_2401 : i32 to index
      %get3A_2404 = arith.constant 16 : index
      %get3A_2405 = tpu.vector_load %arg8[%get3A_2402, %get3A_2403, %get3A_2404] {strides = array<i32>} : memref<4x128x32xf32, #tpu.memory_space<vmem>>, vector<16xf32>,
      %get3A_2406 = arith.constant 90 : i32
      %get3A_2407 = arith.index_cast %rem3A_423 : i32 to index
      %get3A_2408 = arith.index_cast %get3A_2406 : i32 to index
      %get3A_2409 = arith.constant 0 : index
      %get3A_2410 = tpu.vector_load %arg8[%get3A_2407, %get3A_2408, %get3A_2409] {strides = array<i32>} : memref<4x128x32xf32, #tpu.memory_space<vmem>>, vector<16xf32>,
      %get3A_2411 = arith.constant 90 : i32
      %get3A_2412 = arith.index_cast %rem3A_423 : i32 to index
      %get3A_2413 = arith.index_cast %get3A_2411 : i32 to index
      %get3A_2414 = arith.constant 16 : index
      %get3A_2415 = tpu.vector_load %arg8[%get3A_2412, %get3A_2413, %get3A_2414] {strides = array<i32>} : memref<4x128x32xf32, #tpu.memory_space<vmem>>, vector<16xf32>,
      %get3A_2416 = arith.constant 91 : i32
      %get3A_2417 = arith.index_cast %rem3A_423 : i32 to index
      %get3A_2418 = arith.index_cast %get3A_2416 : i32 to index
      %get3A_2419 = arith.constant 0 : index
      %get3A_2420 = tpu.vector_load %arg8[%get3A_2417, %get3A_2418, %get3A_2419] {strides = array<i32>} : memref<4x128x32xf32, #tpu.memory_space<vmem>>, vector<16xf32>,
      %get3A_2421 = arith.constant 91 : i32
      %get3A_2422 = arith.index_cast %rem3A_423 : i32 to index
      %get3A_2423 = arith.index_cast %get3A_2421 : i32 to index
      %get3A_2424 = arith.constant 16 : index
      %get3A_2425 = tpu.vector_load %arg8[%get3A_2422, %get3A_2423, %get3A_2424] {strides = array<i32>} : memref<4x128x32xf32, #tpu.memory_space<vmem>>, vector<16xf32>,
      %get3A_2426 = arith.constant 92 : i32
      %get3A_2427 = arith.index_cast %rem3A_423 : i32 to index
      %get3A_2428 = arith.index_cast %get3A_2426 : i32 to index
      %get3A_2429 = arith.constant 0 : index
      %get3A_2430 = tpu.vector_load %arg8[%get3A_2427, %get3A_2428, %get3A_2429] {strides = array<i32>} : memref<4x128x32xf32, #tpu.memory_space<vmem>>, vector<16xf32>,
      %get3A_2431 = arith.constant 92 : i32
      %get3A_2432 = arith.index_cast %rem3A_423 : i32 to index
      %get3A_2433 = arith.index_cast %get3A_2431 : i32 to index
      %get3A_2434 = arith.constant 16 : index
      %get3A_2435 = tpu.vector_load %arg8[%get3A_2432, %get3A_2433, %get3A_2434] {strides = array<i32>} : memref<4x128x32xf32, #tpu.memory_space<vmem>>, vector<16xf32>,
      %get3A_2436 = arith.constant 93 : i32
      %get3A_2437 = arith.index_cast %rem3A_423 : i32 to index
      %get3A_2438 = arith.index_cast %get3A_2436 : i32 to index
      %get3A_2439 = arith.constant 0 : index
      %get3A_2440 = tpu.vector_load %arg8[%get3A_2437, %get3A_2438, %get3A_2439] {strides = array<i32>} : memref<4x128x32xf32, #tpu.memory_space<vmem>>, vector<16xf32>,
      %get3A_2441 = arith.constant 93 : i32
      %get3A_2442 = arith.index_cast %rem3A_423 : i32 to index
      %get3A_2443 = arith.index_cast %get3A_2441 : i32 to index
      %get3A_2444 = arith.constant 16 : index
      %get3A_2445 = tpu.vector_load %arg8[%get3A_2442, %get3A_2443, %get3A_2444] {strides = array<i32>} : memref<4x128x32xf32, #tpu.memory_space<vmem>>, vector<16xf32>,
      %get3A_2446 = arith.constant 94 : i32
      %get3A_2447 = arith.index_cast %rem3A_423 : i32 to index
      %get3A_2448 = arith.index_cast %get3A_2446 : i32 to index
      %get3A_2449 = arith.constant 0 : index
      %get3A_2450 = tpu.vector_load %arg8[%get3A_2447, %get3A_2448, %get3A_2449] {strides = array<i32>} : memref<4x128x32xf32, #tpu.memory_space<vmem>>, vector<16xf32>,
      %get3A_2451 = arith.constant 94 : i32
      %get3A_2452 = arith.index_cast %rem3A_423 : i32 to index
      %get3A_2453 = arith.index_cast %get3A_2451 : i32 to index
      %get3A_2454 = arith.constant 16 : index
      %get3A_2455 = tpu.vector_load %arg8[%get3A_2452, %get3A_2453, %get3A_2454] {strides = array<i32>} : memref<4x128x32xf32, #tpu.memory_space<vmem>>, vector<16xf32>,
      %get3A_2456 = arith.constant 95 : i32
      %get3A_2457 = arith.index_cast %rem3A_423 : i32 to index
      %get3A_2458 = arith.index_cast %get3A_2456 : i32 to index
      %get3A_2459 = arith.constant 0 : index
      %get3A_2460 = tpu.vector_load %arg8[%get3A_2457, %get3A_2458, %get3A_2459] {strides = array<i32>} : memref<4x128x32xf32, #tpu.memory_space<vmem>>, vector<16xf32>,
      %get3A_2461 = arith.constant 95 : i32
      %get3A_2462 = arith.index_cast %rem3A_423 : i32 to index
      %get3A_2463 = arith.index_cast %get3A_2461 : i32 to index
      %get3A_2464 = arith.constant 16 : index
      %get3A_2465 = tpu.vector_load %arg8[%get3A_2462, %get3A_2463, %get3A_2464] {strides = array<i32>} : memref<4x128x32xf32, #tpu.memory_space<vmem>>, vector<16xf32>,
      %broadcast_in_dim3A_2466 = arith.constant 88 : i32
      %broadcast_in_dim3A_2467 = vector.broadcast %broadcast_in_dim3A_2466 : i32 to vector<16xi32>
      %add3A_2468 = arith.addf %get3A_2390, %gather3A : vector<16xf32>
      %scatter3A_2469 = arith.constant 0 : i32
      %scatter3A_2470 = arith.constant 0 : i32
      %scatter3A_2471 = tpu.memref_slice %arg9[%rem3A_423, %scatter3A_2469, %scatter3A_2470] : memref<4x32x129xf32, #tpu.memory_space<vmem>> -> memref<1x32x129xf32, #tpu.memory_space<vmem>>
      %scatter3A_2472 = tpu.memref_squeeze %scatter3A_2471 : memref<1x32x129xf32, #tpu.memory_space<vmem>> -> memref<32x129xf32, #tpu.memory_space<vmem>>
      tpu.vector_store_idx %scatter3A_2472[%iota3A, %broadcast_in_dim3A_2467], %add3A_2468 : memref<32x129xf32, #tpu.memory_space<vmem>>[vector<16xi32>, vector<16xi32>], vector<16xf32>,
      %add3A_2473 = arith.addf %get3A_2395, %gather3A_451 : vector<16xf32>
      %scatter3A_2474 = arith.constant 0 : i32
      %scatter3A_2475 = arith.constant 0 : i32
      %scatter3A_2476 = tpu.memref_slice %arg9[%rem3A_423, %scatter3A_2474, %scatter3A_2475] : memref<4x32x129xf32, #tpu.memory_space<vmem>> -> memref<1x32x129xf32, #tpu.memory_space<vmem>>
      %scatter3A_2477 = tpu.memref_squeeze %scatter3A_2476 : memref<1x32x129xf32, #tpu.memory_space<vmem>> -> memref<32x129xf32, #tpu.memory_space<vmem>>
      tpu.vector_store_idx %scatter3A_2477[%add3A_49, %broadcast_in_dim3A_2467], %add3A_2473 : memref<32x129xf32, #tpu.memory_space<vmem>>[vector<16xi32>, vector<16xi32>], vector<16xf32>,
      %broadcast_in_dim3A_2478 = arith.constant 89 : i32
      %broadcast_in_dim3A_2479 = vector.broadcast %broadcast_in_dim3A_2478 : i32 to vector<16xi32>
      %add3A_2480 = arith.addf %get3A_2400, %gather3A : vector<16xf32>
      %scatter3A_2481 = arith.constant 0 : i32
      %scatter3A_2482 = arith.constant 0 : i32
      %scatter3A_2483 = tpu.memref_slice %arg9[%rem3A_423, %scatter3A_2481, %scatter3A_2482] : memref<4x32x129xf32, #tpu.memory_space<vmem>> -> memref<1x32x129xf32, #tpu.memory_space<vmem>>
      %scatter3A_2484 = tpu.memref_squeeze %scatter3A_2483 : memref<1x32x129xf32, #tpu.memory_space<vmem>> -> memref<32x129xf32, #tpu.memory_space<vmem>>
      tpu.vector_store_idx %scatter3A_2484[%iota3A, %broadcast_in_dim3A_2479], %add3A_2480 : memref<32x129xf32, #tpu.memory_space<vmem>>[vector<16xi32>, vector<16xi32>], vector<16xf32>,
      %add3A_2485 = arith.addf %get3A_2405, %gather3A_451 : vector<16xf32>
      %scatter3A_2486 = arith.constant 0 : i32
      %scatter3A_2487 = arith.constant 0 : i32
      %scatter3A_2488 = tpu.memref_slice %arg9[%rem3A_423, %scatter3A_2486, %scatter3A_2487] : memref<4x32x129xf32, #tpu.memory_space<vmem>> -> memref<1x32x129xf32, #tpu.memory_space<vmem>>
      %scatter3A_2489 = tpu.memref_squeeze %scatter3A_2488 : memref<1x32x129xf32, #tpu.memory_space<vmem>> -> memref<32x129xf32, #tpu.memory_space<vmem>>
      tpu.vector_store_idx %scatter3A_2489[%add3A_49, %broadcast_in_dim3A_2479], %add3A_2485 : memref<32x129xf32, #tpu.memory_space<vmem>>[vector<16xi32>, vector<16xi32>], vector<16xf32>,
      %broadcast_in_dim3A_2490 = arith.constant 90 : i32
      %broadcast_in_dim3A_2491 = vector.broadcast %broadcast_in_dim3A_2490 : i32 to vector<16xi32>
      %add3A_2492 = arith.addf %get3A_2410, %gather3A : vector<16xf32>
      %scatter3A_2493 = arith.constant 0 : i32
      %scatter3A_2494 = arith.constant 0 : i32
      %scatter3A_2495 = tpu.memref_slice %arg9[%rem3A_423, %scatter3A_2493, %scatter3A_2494] : memref<4x32x129xf32, #tpu.memory_space<vmem>> -> memref<1x32x129xf32, #tpu.memory_space<vmem>>
      %scatter3A_2496 = tpu.memref_squeeze %scatter3A_2495 : memref<1x32x129xf32, #tpu.memory_space<vmem>> -> memref<32x129xf32, #tpu.memory_space<vmem>>
      tpu.vector_store_idx %scatter3A_2496[%iota3A, %broadcast_in_dim3A_2491], %add3A_2492 : memref<32x129xf32, #tpu.memory_space<vmem>>[vector<16xi32>, vector<16xi32>], vector<16xf32>,
      %add3A_2497 = arith.addf %get3A_2415, %gather3A_451 : vector<16xf32>
      %scatter3A_2498 = arith.constant 0 : i32
      %scatter3A_2499 = arith.constant 0 : i32
      %scatter3A_2500 = tpu.memref_slice %arg9[%rem3A_423, %scatter3A_2498, %scatter3A_2499] : memref<4x32x129xf32, #tpu.memory_space<vmem>> -> memref<1x32x129xf32, #tpu.memory_space<vmem>>
      %scatter3A_2501 = tpu.memref_squeeze %scatter3A_2500 : memref<1x32x129xf32, #tpu.memory_space<vmem>> -> memref<32x129xf32, #tpu.memory_space<vmem>>
      tpu.vector_store_idx %scatter3A_2501[%add3A_49, %broadcast_in_dim3A_2491], %add3A_2497 : memref<32x129xf32, #tpu.memory_space<vmem>>[vector<16xi32>, vector<16xi32>], vector<16xf32>,
      %broadcast_in_dim3A_2502 = arith.constant 91 : i32
      %broadcast_in_dim3A_2503 = vector.broadcast %broadcast_in_dim3A_2502 : i32 to vector<16xi32>
      %add3A_2504 = arith.addf %get3A_2420, %gather3A : vector<16xf32>
      %scatter3A_2505 = arith.constant 0 : i32
      %scatter3A_2506 = arith.constant 0 : i32
      %scatter3A_2507 = tpu.memref_slice %arg9[%rem3A_423, %scatter3A_2505, %scatter3A_2506] : memref<4x32x129xf32, #tpu.memory_space<vmem>> -> memref<1x32x129xf32, #tpu.memory_space<vmem>>
      %scatter3A_2508 = tpu.memref_squeeze %scatter3A_2507 : memref<1x32x129xf32, #tpu.memory_space<vmem>> -> memref<32x129xf32, #tpu.memory_space<vmem>>
      tpu.vector_store_idx %scatter3A_2508[%iota3A, %broadcast_in_dim3A_2503], %add3A_2504 : memref<32x129xf32, #tpu.memory_space<vmem>>[vector<16xi32>, vector<16xi32>], vector<16xf32>,
      %add3A_2509 = arith.addf %get3A_2425, %gather3A_451 : vector<16xf32>
      %scatter3A_2510 = arith.constant 0 : i32
      %scatter3A_2511 = arith.constant 0 : i32
      %scatter3A_2512 = tpu.memref_slice %arg9[%rem3A_423, %scatter3A_2510, %scatter3A_2511] : memref<4x32x129xf32, #tpu.memory_space<vmem>> -> memref<1x32x129xf32, #tpu.memory_space<vmem>>
      %scatter3A_2513 = tpu.memref_squeeze %scatter3A_2512 : memref<1x32x129xf32, #tpu.memory_space<vmem>> -> memref<32x129xf32, #tpu.memory_space<vmem>>
      tpu.vector_store_idx %scatter3A_2513[%add3A_49, %broadcast_in_dim3A_2503], %add3A_2509 : memref<32x129xf32, #tpu.memory_space<vmem>>[vector<16xi32>, vector<16xi32>], vector<16xf32>,
      %broadcast_in_dim3A_2514 = arith.constant 92 : i32
      %broadcast_in_dim3A_2515 = vector.broadcast %broadcast_in_dim3A_2514 : i32 to vector<16xi32>
      %add3A_2516 = arith.addf %get3A_2430, %gather3A : vector<16xf32>
      %scatter3A_2517 = arith.constant 0 : i32
      %scatter3A_2518 = arith.constant 0 : i32
      %scatter3A_2519 = tpu.memref_slice %arg9[%rem3A_423, %scatter3A_2517, %scatter3A_2518] : memref<4x32x129xf32, #tpu.memory_space<vmem>> -> memref<1x32x129xf32, #tpu.memory_space<vmem>>
      %scatter3A_2520 = tpu.memref_squeeze %scatter3A_2519 : memref<1x32x129xf32, #tpu.memory_space<vmem>> -> memref<32x129xf32, #tpu.memory_space<vmem>>
      tpu.vector_store_idx %scatter3A_2520[%iota3A, %broadcast_in_dim3A_2515], %add3A_2516 : memref<32x129xf32, #tpu.memory_space<vmem>>[vector<16xi32>, vector<16xi32>], vector<16xf32>,
      %add3A_2521 = arith.addf %get3A_2435, %gather3A_451 : vector<16xf32>
      %scatter3A_2522 = arith.constant 0 : i32
      %scatter3A_2523 = arith.constant 0 : i32
      %scatter3A_2524 = tpu.memref_slice %arg9[%rem3A_423, %scatter3A_2522, %scatter3A_2523] : memref<4x32x129xf32, #tpu.memory_space<vmem>> -> memref<1x32x129xf32, #tpu.memory_space<vmem>>
      %scatter3A_2525 = tpu.memref_squeeze %scatter3A_2524 : memref<1x32x129xf32, #tpu.memory_space<vmem>> -> memref<32x129xf32, #tpu.memory_space<vmem>>
      tpu.vector_store_idx %scatter3A_2525[%add3A_49, %broadcast_in_dim3A_2515], %add3A_2521 : memref<32x129xf32, #tpu.memory_space<vmem>>[vector<16xi32>, vector<16xi32>], vector<16xf32>,
      %broadcast_in_dim3A_2526 = arith.constant 93 : i32
      %broadcast_in_dim3A_2527 = vector.broadcast %broadcast_in_dim3A_2526 : i32 to vector<16xi32>
      %add3A_2528 = arith.addf %get3A_2440, %gather3A : vector<16xf32>
      %scatter3A_2529 = arith.constant 0 : i32
      %scatter3A_2530 = arith.constant 0 : i32
      %scatter3A_2531 = tpu.memref_slice %arg9[%rem3A_423, %scatter3A_2529, %scatter3A_2530] : memref<4x32x129xf32, #tpu.memory_space<vmem>> -> memref<1x32x129xf32, #tpu.memory_space<vmem>>
      %scatter3A_2532 = tpu.memref_squeeze %scatter3A_2531 : memref<1x32x129xf32, #tpu.memory_space<vmem>> -> memref<32x129xf32, #tpu.memory_space<vmem>>
      tpu.vector_store_idx %scatter3A_2532[%iota3A, %broadcast_in_dim3A_2527], %add3A_2528 : memref<32x129xf32, #tpu.memory_space<vmem>>[vector<16xi32>, vector<16xi32>], vector<16xf32>,
      %add3A_2533 = arith.addf %get3A_2445, %gather3A_451 : vector<16xf32>
      %scatter3A_2534 = arith.constant 0 : i32
      %scatter3A_2535 = arith.constant 0 : i32
      %scatter3A_2536 = tpu.memref_slice %arg9[%rem3A_423, %scatter3A_2534, %scatter3A_2535] : memref<4x32x129xf32, #tpu.memory_space<vmem>> -> memref<1x32x129xf32, #tpu.memory_space<vmem>>
      %scatter3A_2537 = tpu.memref_squeeze %scatter3A_2536 : memref<1x32x129xf32, #tpu.memory_space<vmem>> -> memref<32x129xf32, #tpu.memory_space<vmem>>
      tpu.vector_store_idx %scatter3A_2537[%add3A_49, %broadcast_in_dim3A_2527], %add3A_2533 : memref<32x129xf32, #tpu.memory_space<vmem>>[vector<16xi32>, vector<16xi32>], vector<16xf32>,
      %broadcast_in_dim3A_2538 = arith.constant 94 : i32
      %broadcast_in_dim3A_2539 = vector.broadcast %broadcast_in_dim3A_2538 : i32 to vector<16xi32>
      %add3A_2540 = arith.addf %get3A_2450, %gather3A : vector<16xf32>
      %scatter3A_2541 = arith.constant 0 : i32
      %scatter3A_2542 = arith.constant 0 : i32
      %scatter3A_2543 = tpu.memref_slice %arg9[%rem3A_423, %scatter3A_2541, %scatter3A_2542] : memref<4x32x129xf32, #tpu.memory_space<vmem>> -> memref<1x32x129xf32, #tpu.memory_space<vmem>>
      %scatter3A_2544 = tpu.memref_squeeze %scatter3A_2543 : memref<1x32x129xf32, #tpu.memory_space<vmem>> -> memref<32x129xf32, #tpu.memory_space<vmem>>
      tpu.vector_store_idx %scatter3A_2544[%iota3A, %broadcast_in_dim3A_2539], %add3A_2540 : memref<32x129xf32, #tpu.memory_space<vmem>>[vector<16xi32>, vector<16xi32>], vector<16xf32>,
      %add3A_2545 = arith.addf %get3A_2455, %gather3A_451 : vector<16xf32>
      %scatter3A_2546 = arith.constant 0 : i32
      %scatter3A_2547 = arith.constant 0 : i32
      %scatter3A_2548 = tpu.memref_slice %arg9[%rem3A_423, %scatter3A_2546, %scatter3A_2547] : memref<4x32x129xf32, #tpu.memory_space<vmem>> -> memref<1x32x129xf32, #tpu.memory_space<vmem>>
      %scatter3A_2549 = tpu.memref_squeeze %scatter3A_2548 : memref<1x32x129xf32, #tpu.memory_space<vmem>> -> memref<32x129xf32, #tpu.memory_space<vmem>>
      tpu.vector_store_idx %scatter3A_2549[%add3A_49, %broadcast_in_dim3A_2539], %add3A_2545 : memref<32x129xf32, #tpu.memory_space<vmem>>[vector<16xi32>, vector<16xi32>], vector<16xf32>,
      %broadcast_in_dim3A_2550 = arith.constant 95 : i32
      %broadcast_in_dim3A_2551 = vector.broadcast %broadcast_in_dim3A_2550 : i32 to vector<16xi32>
      %add3A_2552 = arith.addf %get3A_2460, %gather3A : vector<16xf32>
      %scatter3A_2553 = arith.constant 0 : i32
      %scatter3A_2554 = arith.constant 0 : i32
      %scatter3A_2555 = tpu.memref_slice %arg9[%rem3A_423, %scatter3A_2553, %scatter3A_2554] : memref<4x32x129xf32, #tpu.memory_space<vmem>> -> memref<1x32x129xf32, #tpu.memory_space<vmem>>
      %scatter3A_2556 = tpu.memref_squeeze %scatter3A_2555 : memref<1x32x129xf32, #tpu.memory_space<vmem>> -> memref<32x129xf32, #tpu.memory_space<vmem>>
      tpu.vector_store_idx %scatter3A_2556[%iota3A, %broadcast_in_dim3A_2551], %add3A_2552 : memref<32x129xf32, #tpu.memory_space<vmem>>[vector<16xi32>, vector<16xi32>], vector<16xf32>,
      %add3A_2557 = arith.addf %get3A_2465, %gather3A_451 : vector<16xf32>
      %scatter3A_2558 = arith.constant 0 : i32
      %scatter3A_2559 = arith.constant 0 : i32
      %scatter3A_2560 = tpu.memref_slice %arg9[%rem3A_423, %scatter3A_2558, %scatter3A_2559] : memref<4x32x129xf32, #tpu.memory_space<vmem>> -> memref<1x32x129xf32, #tpu.memory_space<vmem>>
      %scatter3A_2561 = tpu.memref_squeeze %scatter3A_2560 : memref<1x32x129xf32, #tpu.memory_space<vmem>> -> memref<32x129xf32, #tpu.memory_space<vmem>>
      tpu.vector_store_idx %scatter3A_2561[%add3A_49, %broadcast_in_dim3A_2551], %add3A_2557 : memref<32x129xf32, #tpu.memory_space<vmem>>[vector<16xi32>, vector<16xi32>], vector<16xf32>,
      %get3A_2562 = arith.constant 96 : i32
      %get3A_2563 = arith.index_cast %rem3A_423 : i32 to index
      %get3A_2564 = arith.index_cast %get3A_2562 : i32 to index
      %get3A_2565 = arith.constant 0 : index
      %get3A_2566 = tpu.vector_load %arg8[%get3A_2563, %get3A_2564, %get3A_2565] {strides = array<i32>} : memref<4x128x32xf32, #tpu.memory_space<vmem>>, vector<16xf32>,
      %get3A_2567 = arith.constant 96 : i32
      %get3A_2568 = arith.index_cast %rem3A_423 : i32 to index
      %get3A_2569 = arith.index_cast %get3A_2567 : i32 to index
      %get3A_2570 = arith.constant 16 : index
      %get3A_2571 = tpu.vector_load %arg8[%get3A_2568, %get3A_2569, %get3A_2570] {strides = array<i32>} : memref<4x128x32xf32, #tpu.memory_space<vmem>>, vector<16xf32>,
      %get3A_2572 = arith.constant 97 : i32
      %get3A_2573 = arith.index_cast %rem3A_423 : i32 to index
      %get3A_2574 = arith.index_cast %get3A_2572 : i32 to index
      %get3A_2575 = arith.constant 0 : index
      %get3A_2576 = tpu.vector_load %arg8[%get3A_2573, %get3A_2574, %get3A_2575] {strides = array<i32>} : memref<4x128x32xf32, #tpu.memory_space<vmem>>, vector<16xf32>,
      %get3A_2577 = arith.constant 97 : i32
      %get3A_2578 = arith.index_cast %rem3A_423 : i32 to index
      %get3A_2579 = arith.index_cast %get3A_2577 : i32 to index
      %get3A_2580 = arith.constant 16 : index
      %get3A_2581 = tpu.vector_load %arg8[%get3A_2578, %get3A_2579, %get3A_2580] {strides = array<i32>} : memref<4x128x32xf32, #tpu.memory_space<vmem>>, vector<16xf32>,
      %get3A_2582 = arith.constant 98 : i32
      %get3A_2583 = arith.index_cast %rem3A_423 : i32 to index
      %get3A_2584 = arith.index_cast %get3A_2582 : i32 to index
      %get3A_2585 = arith.constant 0 : index
      %get3A_2586 = tpu.vector_load %arg8[%get3A_2583, %get3A_2584, %get3A_2585] {strides = array<i32>} : memref<4x128x32xf32, #tpu.memory_space<vmem>>, vector<16xf32>,
      %get3A_2587 = arith.constant 98 : i32
      %get3A_2588 = arith.index_cast %rem3A_423 : i32 to index
      %get3A_2589 = arith.index_cast %get3A_2587 : i32 to index
      %get3A_2590 = arith.constant 16 : index
      %get3A_2591 = tpu.vector_load %arg8[%get3A_2588, %get3A_2589, %get3A_2590] {strides = array<i32>} : memref<4x128x32xf32, #tpu.memory_space<vmem>>, vector<16xf32>,
      %get3A_2592 = arith.constant 99 : i32
      %get3A_2593 = arith.index_cast %rem3A_423 : i32 to index
      %get3A_2594 = arith.index_cast %get3A_2592 : i32 to index
      %get3A_2595 = arith.constant 0 : index
      %get3A_2596 = tpu.vector_load %arg8[%get3A_2593, %get3A_2594, %get3A_2595] {strides = array<i32>} : memref<4x128x32xf32, #tpu.memory_space<vmem>>, vector<16xf32>,
      %get3A_2597 = arith.constant 99 : i32
      %get3A_2598 = arith.index_cast %rem3A_423 : i32 to index
      %get3A_2599 = arith.index_cast %get3A_2597 : i32 to index
      %get3A_2600 = arith.constant 16 : index
      %get3A_2601 = tpu.vector_load %arg8[%get3A_2598, %get3A_2599, %get3A_2600] {strides = array<i32>} : memref<4x128x32xf32, #tpu.memory_space<vmem>>, vector<16xf32>,
      %get3A_2602 = arith.constant 100 : i32
      %get3A_2603 = arith.index_cast %rem3A_423 : i32 to index
      %get3A_2604 = arith.index_cast %get3A_2602 : i32 to index
      %get3A_2605 = arith.constant 0 : index
      %get3A_2606 = tpu.vector_load %arg8[%get3A_2603, %get3A_2604, %get3A_2605] {strides = array<i32>} : memref<4x128x32xf32, #tpu.memory_space<vmem>>, vector<16xf32>,
      %get3A_2607 = arith.constant 100 : i32
      %get3A_2608 = arith.index_cast %rem3A_423 : i32 to index
      %get3A_2609 = arith.index_cast %get3A_2607 : i32 to index
      %get3A_2610 = arith.constant 16 : index
      %get3A_2611 = tpu.vector_load %arg8[%get3A_2608, %get3A_2609, %get3A_2610] {strides = array<i32>} : memref<4x128x32xf32, #tpu.memory_space<vmem>>, vector<16xf32>,
      %get3A_2612 = arith.constant 101 : i32
      %get3A_2613 = arith.index_cast %rem3A_423 : i32 to index
      %get3A_2614 = arith.index_cast %get3A_2612 : i32 to index
      %get3A_2615 = arith.constant 0 : index
      %get3A_2616 = tpu.vector_load %arg8[%get3A_2613, %get3A_2614, %get3A_2615] {strides = array<i32>} : memref<4x128x32xf32, #tpu.memory_space<vmem>>, vector<16xf32>,
      %get3A_2617 = arith.constant 101 : i32
      %get3A_2618 = arith.index_cast %rem3A_423 : i32 to index
      %get3A_2619 = arith.index_cast %get3A_2617 : i32 to index
      %get3A_2620 = arith.constant 16 : index
      %get3A_2621 = tpu.vector_load %arg8[%get3A_2618, %get3A_2619, %get3A_2620] {strides = array<i32>} : memref<4x128x32xf32, #tpu.memory_space<vmem>>, vector<16xf32>,
      %get3A_2622 = arith.constant 102 : i32
      %get3A_2623 = arith.index_cast %rem3A_423 : i32 to index
      %get3A_2624 = arith.index_cast %get3A_2622 : i32 to index
      %get3A_2625 = arith.constant 0 : index
      %get3A_2626 = tpu.vector_load %arg8[%get3A_2623, %get3A_2624, %get3A_2625] {strides = array<i32>} : memref<4x128x32xf32, #tpu.memory_space<vmem>>, vector<16xf32>,
      %get3A_2627 = arith.constant 102 : i32
      %get3A_2628 = arith.index_cast %rem3A_423 : i32 to index
      %get3A_2629 = arith.index_cast %get3A_2627 : i32 to index
      %get3A_2630 = arith.constant 16 : index
      %get3A_2631 = tpu.vector_load %arg8[%get3A_2628, %get3A_2629, %get3A_2630] {strides = array<i32>} : memref<4x128x32xf32, #tpu.memory_space<vmem>>, vector<16xf32>,
      %get3A_2632 = arith.constant 103 : i32
      %get3A_2633 = arith.index_cast %rem3A_423 : i32 to index
      %get3A_2634 = arith.index_cast %get3A_2632 : i32 to index
      %get3A_2635 = arith.constant 0 : index
      %get3A_2636 = tpu.vector_load %arg8[%get3A_2633, %get3A_2634, %get3A_2635] {strides = array<i32>} : memref<4x128x32xf32, #tpu.memory_space<vmem>>, vector<16xf32>,
      %get3A_2637 = arith.constant 103 : i32
      %get3A_2638 = arith.index_cast %rem3A_423 : i32 to index
      %get3A_2639 = arith.index_cast %get3A_2637 : i32 to index
      %get3A_2640 = arith.constant 16 : index
      %get3A_2641 = tpu.vector_load %arg8[%get3A_2638, %get3A_2639, %get3A_2640] {strides = array<i32>} : memref<4x128x32xf32, #tpu.memory_space<vmem>>, vector<16xf32>,
      %broadcast_in_dim3A_2642 = arith.constant 96 : i32
      %broadcast_in_dim3A_2643 = vector.broadcast %broadcast_in_dim3A_2642 : i32 to vector<16xi32>
      %add3A_2644 = arith.addf %get3A_2566, %gather3A : vector<16xf32>
      %scatter3A_2645 = arith.constant 0 : i32
      %scatter3A_2646 = arith.constant 0 : i32
      %scatter3A_2647 = tpu.memref_slice %arg9[%rem3A_423, %scatter3A_2645, %scatter3A_2646] : memref<4x32x129xf32, #tpu.memory_space<vmem>> -> memref<1x32x129xf32, #tpu.memory_space<vmem>>
      %scatter3A_2648 = tpu.memref_squeeze %scatter3A_2647 : memref<1x32x129xf32, #tpu.memory_space<vmem>> -> memref<32x129xf32, #tpu.memory_space<vmem>>
      tpu.vector_store_idx %scatter3A_2648[%iota3A, %broadcast_in_dim3A_2643], %add3A_2644 : memref<32x129xf32, #tpu.memory_space<vmem>>[vector<16xi32>, vector<16xi32>], vector<16xf32>,
      %add3A_2649 = arith.addf %get3A_2571, %gather3A_451 : vector<16xf32>
      %scatter3A_2650 = arith.constant 0 : i32
      %scatter3A_2651 = arith.constant 0 : i32
      %scatter3A_2652 = tpu.memref_slice %arg9[%rem3A_423, %scatter3A_2650, %scatter3A_2651] : memref<4x32x129xf32, #tpu.memory_space<vmem>> -> memref<1x32x129xf32, #tpu.memory_space<vmem>>
      %scatter3A_2653 = tpu.memref_squeeze %scatter3A_2652 : memref<1x32x129xf32, #tpu.memory_space<vmem>> -> memref<32x129xf32, #tpu.memory_space<vmem>>
      tpu.vector_store_idx %scatter3A_2653[%add3A_49, %broadcast_in_dim3A_2643], %add3A_2649 : memref<32x129xf32, #tpu.memory_space<vmem>>[vector<16xi32>, vector<16xi32>], vector<16xf32>,
      %broadcast_in_dim3A_2654 = arith.constant 97 : i32
      %broadcast_in_dim3A_2655 = vector.broadcast %broadcast_in_dim3A_2654 : i32 to vector<16xi32>
      %add3A_2656 = arith.addf %get3A_2576, %gather3A : vector<16xf32>
      %scatter3A_2657 = arith.constant 0 : i32
      %scatter3A_2658 = arith.constant 0 : i32
      %scatter3A_2659 = tpu.memref_slice %arg9[%rem3A_423, %scatter3A_2657, %scatter3A_2658] : memref<4x32x129xf32, #tpu.memory_space<vmem>> -> memref<1x32x129xf32, #tpu.memory_space<vmem>>
      %scatter3A_2660 = tpu.memref_squeeze %scatter3A_2659 : memref<1x32x129xf32, #tpu.memory_space<vmem>> -> memref<32x129xf32, #tpu.memory_space<vmem>>
      tpu.vector_store_idx %scatter3A_2660[%iota3A, %broadcast_in_dim3A_2655], %add3A_2656 : memref<32x129xf32, #tpu.memory_space<vmem>>[vector<16xi32>, vector<16xi32>], vector<16xf32>,
      %add3A_2661 = arith.addf %get3A_2581, %gather3A_451 : vector<16xf32>
      %scatter3A_2662 = arith.constant 0 : i32
      %scatter3A_2663 = arith.constant 0 : i32
      %scatter3A_2664 = tpu.memref_slice %arg9[%rem3A_423, %scatter3A_2662, %scatter3A_2663] : memref<4x32x129xf32, #tpu.memory_space<vmem>> -> memref<1x32x129xf32, #tpu.memory_space<vmem>>
      %scatter3A_2665 = tpu.memref_squeeze %scatter3A_2664 : memref<1x32x129xf32, #tpu.memory_space<vmem>> -> memref<32x129xf32, #tpu.memory_space<vmem>>
      tpu.vector_store_idx %scatter3A_2665[%add3A_49, %broadcast_in_dim3A_2655], %add3A_2661 : memref<32x129xf32, #tpu.memory_space<vmem>>[vector<16xi32>, vector<16xi32>], vector<16xf32>,
      %broadcast_in_dim3A_2666 = arith.constant 98 : i32
      %broadcast_in_dim3A_2667 = vector.broadcast %broadcast_in_dim3A_2666 : i32 to vector<16xi32>
      %add3A_2668 = arith.addf %get3A_2586, %gather3A : vector<16xf32>
      %scatter3A_2669 = arith.constant 0 : i32
      %scatter3A_2670 = arith.constant 0 : i32
      %scatter3A_2671 = tpu.memref_slice %arg9[%rem3A_423, %scatter3A_2669, %scatter3A_2670] : memref<4x32x129xf32, #tpu.memory_space<vmem>> -> memref<1x32x129xf32, #tpu.memory_space<vmem>>
      %scatter3A_2672 = tpu.memref_squeeze %scatter3A_2671 : memref<1x32x129xf32, #tpu.memory_space<vmem>> -> memref<32x129xf32, #tpu.memory_space<vmem>>
      tpu.vector_store_idx %scatter3A_2672[%iota3A, %broadcast_in_dim3A_2667], %add3A_2668 : memref<32x129xf32, #tpu.memory_space<vmem>>[vector<16xi32>, vector<16xi32>], vector<16xf32>,
      %add3A_2673 = arith.addf %get3A_2591, %gather3A_451 : vector<16xf32>
      %scatter3A_2674 = arith.constant 0 : i32
      %scatter3A_2675 = arith.constant 0 : i32
      %scatter3A_2676 = tpu.memref_slice %arg9[%rem3A_423, %scatter3A_2674, %scatter3A_2675] : memref<4x32x129xf32, #tpu.memory_space<vmem>> -> memref<1x32x129xf32, #tpu.memory_space<vmem>>
      %scatter3A_2677 = tpu.memref_squeeze %scatter3A_2676 : memref<1x32x129xf32, #tpu.memory_space<vmem>> -> memref<32x129xf32, #tpu.memory_space<vmem>>
      tpu.vector_store_idx %scatter3A_2677[%add3A_49, %broadcast_in_dim3A_2667], %add3A_2673 : memref<32x129xf32, #tpu.memory_space<vmem>>[vector<16xi32>, vector<16xi32>], vector<16xf32>,
      %broadcast_in_dim3A_2678 = arith.constant 99 : i32
      %broadcast_in_dim3A_2679 = vector.broadcast %broadcast_in_dim3A_2678 : i32 to vector<16xi32>
      %add3A_2680 = arith.addf %get3A_2596, %gather3A : vector<16xf32>
      %scatter3A_2681 = arith.constant 0 : i32
      %scatter3A_2682 = arith.constant 0 : i32
      %scatter3A_2683 = tpu.memref_slice %arg9[%rem3A_423, %scatter3A_2681, %scatter3A_2682] : memref<4x32x129xf32, #tpu.memory_space<vmem>> -> memref<1x32x129xf32, #tpu.memory_space<vmem>>
      %scatter3A_2684 = tpu.memref_squeeze %scatter3A_2683 : memref<1x32x129xf32, #tpu.memory_space<vmem>> -> memref<32x129xf32, #tpu.memory_space<vmem>>
      tpu.vector_store_idx %scatter3A_2684[%iota3A, %broadcast_in_dim3A_2679], %add3A_2680 : memref<32x129xf32, #tpu.memory_space<vmem>>[vector<16xi32>, vector<16xi32>], vector<16xf32>,
      %add3A_2685 = arith.addf %get3A_2601, %gather3A_451 : vector<16xf32>
      %scatter3A_2686 = arith.constant 0 : i32
      %scatter3A_2687 = arith.constant 0 : i32
      %scatter3A_2688 = tpu.memref_slice %arg9[%rem3A_423, %scatter3A_2686, %scatter3A_2687] : memref<4x32x129xf32, #tpu.memory_space<vmem>> -> memref<1x32x129xf32, #tpu.memory_space<vmem>>
      %scatter3A_2689 = tpu.memref_squeeze %scatter3A_2688 : memref<1x32x129xf32, #tpu.memory_space<vmem>> -> memref<32x129xf32, #tpu.memory_space<vmem>>
      tpu.vector_store_idx %scatter3A_2689[%add3A_49, %broadcast_in_dim3A_2679], %add3A_2685 : memref<32x129xf32, #tpu.memory_space<vmem>>[vector<16xi32>, vector<16xi32>], vector<16xf32>,
      %broadcast_in_dim3A_2690 = arith.constant 100 : i32
      %broadcast_in_dim3A_2691 = vector.broadcast %broadcast_in_dim3A_2690 : i32 to vector<16xi32>
      %add3A_2692 = arith.addf %get3A_2606, %gather3A : vector<16xf32>
      %scatter3A_2693 = arith.constant 0 : i32
      %scatter3A_2694 = arith.constant 0 : i32
      %scatter3A_2695 = tpu.memref_slice %arg9[%rem3A_423, %scatter3A_2693, %scatter3A_2694] : memref<4x32x129xf32, #tpu.memory_space<vmem>> -> memref<1x32x129xf32, #tpu.memory_space<vmem>>
      %scatter3A_2696 = tpu.memref_squeeze %scatter3A_2695 : memref<1x32x129xf32, #tpu.memory_space<vmem>> -> memref<32x129xf32, #tpu.memory_space<vmem>>
      tpu.vector_store_idx %scatter3A_2696[%iota3A, %broadcast_in_dim3A_2691], %add3A_2692 : memref<32x129xf32, #tpu.memory_space<vmem>>[vector<16xi32>, vector<16xi32>], vector<16xf32>,
      %add3A_2697 = arith.addf %get3A_2611, %gather3A_451 : vector<16xf32>
      %scatter3A_2698 = arith.constant 0 : i32
      %scatter3A_2699 = arith.constant 0 : i32
      %scatter3A_2700 = tpu.memref_slice %arg9[%rem3A_423, %scatter3A_2698, %scatter3A_2699] : memref<4x32x129xf32, #tpu.memory_space<vmem>> -> memref<1x32x129xf32, #tpu.memory_space<vmem>>
      %scatter3A_2701 = tpu.memref_squeeze %scatter3A_2700 : memref<1x32x129xf32, #tpu.memory_space<vmem>> -> memref<32x129xf32, #tpu.memory_space<vmem>>
      tpu.vector_store_idx %scatter3A_2701[%add3A_49, %broadcast_in_dim3A_2691], %add3A_2697 : memref<32x129xf32, #tpu.memory_space<vmem>>[vector<16xi32>, vector<16xi32>], vector<16xf32>,
      %broadcast_in_dim3A_2702 = arith.constant 101 : i32
      %broadcast_in_dim3A_2703 = vector.broadcast %broadcast_in_dim3A_2702 : i32 to vector<16xi32>
      %add3A_2704 = arith.addf %get3A_2616, %gather3A : vector<16xf32>
      %scatter3A_2705 = arith.constant 0 : i32
      %scatter3A_2706 = arith.constant 0 : i32
      %scatter3A_2707 = tpu.memref_slice %arg9[%rem3A_423, %scatter3A_2705, %scatter3A_2706] : memref<4x32x129xf32, #tpu.memory_space<vmem>> -> memref<1x32x129xf32, #tpu.memory_space<vmem>>
      %scatter3A_2708 = tpu.memref_squeeze %scatter3A_2707 : memref<1x32x129xf32, #tpu.memory_space<vmem>> -> memref<32x129xf32, #tpu.memory_space<vmem>>
      tpu.vector_store_idx %scatter3A_2708[%iota3A, %broadcast_in_dim3A_2703], %add3A_2704 : memref<32x129xf32, #tpu.memory_space<vmem>>[vector<16xi32>, vector<16xi32>], vector<16xf32>,
      %add3A_2709 = arith.addf %get3A_2621, %gather3A_451 : vector<16xf32>
      %scatter3A_2710 = arith.constant 0 : i32
      %scatter3A_2711 = arith.constant 0 : i32
      %scatter3A_2712 = tpu.memref_slice %arg9[%rem3A_423, %scatter3A_2710, %scatter3A_2711] : memref<4x32x129xf32, #tpu.memory_space<vmem>> -> memref<1x32x129xf32, #tpu.memory_space<vmem>>
      %scatter3A_2713 = tpu.memref_squeeze %scatter3A_2712 : memref<1x32x129xf32, #tpu.memory_space<vmem>> -> memref<32x129xf32, #tpu.memory_space<vmem>>
      tpu.vector_store_idx %scatter3A_2713[%add3A_49, %broadcast_in_dim3A_2703], %add3A_2709 : memref<32x129xf32, #tpu.memory_space<vmem>>[vector<16xi32>, vector<16xi32>], vector<16xf32>,
      %broadcast_in_dim3A_2714 = arith.constant 102 : i32
      %broadcast_in_dim3A_2715 = vector.broadcast %broadcast_in_dim3A_2714 : i32 to vector<16xi32>
      %add3A_2716 = arith.addf %get3A_2626, %gather3A : vector<16xf32>
      %scatter3A_2717 = arith.constant 0 : i32
      %scatter3A_2718 = arith.constant 0 : i32
      %scatter3A_2719 = tpu.memref_slice %arg9[%rem3A_423, %scatter3A_2717, %scatter3A_2718] : memref<4x32x129xf32, #tpu.memory_space<vmem>> -> memref<1x32x129xf32, #tpu.memory_space<vmem>>
      %scatter3A_2720 = tpu.memref_squeeze %scatter3A_2719 : memref<1x32x129xf32, #tpu.memory_space<vmem>> -> memref<32x129xf32, #tpu.memory_space<vmem>>
      tpu.vector_store_idx %scatter3A_2720[%iota3A, %broadcast_in_dim3A_2715], %add3A_2716 : memref<32x129xf32, #tpu.memory_space<vmem>>[vector<16xi32>, vector<16xi32>], vector<16xf32>,
      %add3A_2721 = arith.addf %get3A_2631, %gather3A_451 : vector<16xf32>
      %scatter3A_2722 = arith.constant 0 : i32
      %scatter3A_2723 = arith.constant 0 : i32
      %scatter3A_2724 = tpu.memref_slice %arg9[%rem3A_423, %scatter3A_2722, %scatter3A_2723] : memref<4x32x129xf32, #tpu.memory_space<vmem>> -> memref<1x32x129xf32, #tpu.memory_space<vmem>>
      %scatter3A_2725 = tpu.memref_squeeze %scatter3A_2724 : memref<1x32x129xf32, #tpu.memory_space<vmem>> -> memref<32x129xf32, #tpu.memory_space<vmem>>
      tpu.vector_store_idx %scatter3A_2725[%add3A_49, %broadcast_in_dim3A_2715], %add3A_2721 : memref<32x129xf32, #tpu.memory_space<vmem>>[vector<16xi32>, vector<16xi32>], vector<16xf32>,
      %broadcast_in_dim3A_2726 = arith.constant 103 : i32
      %broadcast_in_dim3A_2727 = vector.broadcast %broadcast_in_dim3A_2726 : i32 to vector<16xi32>
      %add3A_2728 = arith.addf %get3A_2636, %gather3A : vector<16xf32>
      %scatter3A_2729 = arith.constant 0 : i32
      %scatter3A_2730 = arith.constant 0 : i32
      %scatter3A_2731 = tpu.memref_slice %arg9[%rem3A_423, %scatter3A_2729, %scatter3A_2730] : memref<4x32x129xf32, #tpu.memory_space<vmem>> -> memref<1x32x129xf32, #tpu.memory_space<vmem>>
      %scatter3A_2732 = tpu.memref_squeeze %scatter3A_2731 : memref<1x32x129xf32, #tpu.memory_space<vmem>> -> memref<32x129xf32, #tpu.memory_space<vmem>>
      tpu.vector_store_idx %scatter3A_2732[%iota3A, %broadcast_in_dim3A_2727], %add3A_2728 : memref<32x129xf32, #tpu.memory_space<vmem>>[vector<16xi32>, vector<16xi32>], vector<16xf32>,
      %add3A_2733 = arith.addf %get3A_2641, %gather3A_451 : vector<16xf32>
      %scatter3A_2734 = arith.constant 0 : i32
      %scatter3A_2735 = arith.constant 0 : i32
      %scatter3A_2736 = tpu.memref_slice %arg9[%rem3A_423, %scatter3A_2734, %scatter3A_2735] : memref<4x32x129xf32, #tpu.memory_space<vmem>> -> memref<1x32x129xf32, #tpu.memory_space<vmem>>
      %scatter3A_2737 = tpu.memref_squeeze %scatter3A_2736 : memref<1x32x129xf32, #tpu.memory_space<vmem>> -> memref<32x129xf32, #tpu.memory_space<vmem>>
      tpu.vector_store_idx %scatter3A_2737[%add3A_49, %broadcast_in_dim3A_2727], %add3A_2733 : memref<32x129xf32, #tpu.memory_space<vmem>>[vector<16xi32>, vector<16xi32>], vector<16xf32>,
      %get3A_2738 = arith.constant 104 : i32
      %get3A_2739 = arith.index_cast %rem3A_423 : i32 to index
      %get3A_2740 = arith.index_cast %get3A_2738 : i32 to index
      %get3A_2741 = arith.constant 0 : index
      %get3A_2742 = tpu.vector_load %arg8[%get3A_2739, %get3A_2740, %get3A_2741] {strides = array<i32>} : memref<4x128x32xf32, #tpu.memory_space<vmem>>, vector<16xf32>,
      %get3A_2743 = arith.constant 104 : i32
      %get3A_2744 = arith.index_cast %rem3A_423 : i32 to index
      %get3A_2745 = arith.index_cast %get3A_2743 : i32 to index
      %get3A_2746 = arith.constant 16 : index
      %get3A_2747 = tpu.vector_load %arg8[%get3A_2744, %get3A_2745, %get3A_2746] {strides = array<i32>} : memref<4x128x32xf32, #tpu.memory_space<vmem>>, vector<16xf32>,
      %get3A_2748 = arith.constant 105 : i32
      %get3A_2749 = arith.index_cast %rem3A_423 : i32 to index
      %get3A_2750 = arith.index_cast %get3A_2748 : i32 to index
      %get3A_2751 = arith.constant 0 : index
      %get3A_2752 = tpu.vector_load %arg8[%get3A_2749, %get3A_2750, %get3A_2751] {strides = array<i32>} : memref<4x128x32xf32, #tpu.memory_space<vmem>>, vector<16xf32>,
      %get3A_2753 = arith.constant 105 : i32
      %get3A_2754 = arith.index_cast %rem3A_423 : i32 to index
      %get3A_2755 = arith.index_cast %get3A_2753 : i32 to index
      %get3A_2756 = arith.constant 16 : index
      %get3A_2757 = tpu.vector_load %arg8[%get3A_2754, %get3A_2755, %get3A_2756] {strides = array<i32>} : memref<4x128x32xf32, #tpu.memory_space<vmem>>, vector<16xf32>,
      %get3A_2758 = arith.constant 106 : i32
      %get3A_2759 = arith.index_cast %rem3A_423 : i32 to index
      %get3A_2760 = arith.index_cast %get3A_2758 : i32 to index
      %get3A_2761 = arith.constant 0 : index
      %get3A_2762 = tpu.vector_load %arg8[%get3A_2759, %get3A_2760, %get3A_2761] {strides = array<i32>} : memref<4x128x32xf32, #tpu.memory_space<vmem>>, vector<16xf32>,
      %get3A_2763 = arith.constant 106 : i32
      %get3A_2764 = arith.index_cast %rem3A_423 : i32 to index
      %get3A_2765 = arith.index_cast %get3A_2763 : i32 to index
      %get3A_2766 = arith.constant 16 : index
      %get3A_2767 = tpu.vector_load %arg8[%get3A_2764, %get3A_2765, %get3A_2766] {strides = array<i32>} : memref<4x128x32xf32, #tpu.memory_space<vmem>>, vector<16xf32>,
      %get3A_2768 = arith.constant 107 : i32
      %get3A_2769 = arith.index_cast %rem3A_423 : i32 to index
      %get3A_2770 = arith.index_cast %get3A_2768 : i32 to index
      %get3A_2771 = arith.constant 0 : index
      %get3A_2772 = tpu.vector_load %arg8[%get3A_2769, %get3A_2770, %get3A_2771] {strides = array<i32>} : memref<4x128x32xf32, #tpu.memory_space<vmem>>, vector<16xf32>,
      %get3A_2773 = arith.constant 107 : i32
      %get3A_2774 = arith.index_cast %rem3A_423 : i32 to index
      %get3A_2775 = arith.index_cast %get3A_2773 : i32 to index
      %get3A_2776 = arith.constant 16 : index
      %get3A_2777 = tpu.vector_load %arg8[%get3A_2774, %get3A_2775, %get3A_2776] {strides = array<i32>} : memref<4x128x32xf32, #tpu.memory_space<vmem>>, vector<16xf32>,
      %get3A_2778 = arith.constant 108 : i32
      %get3A_2779 = arith.index_cast %rem3A_423 : i32 to index
      %get3A_2780 = arith.index_cast %get3A_2778 : i32 to index
      %get3A_2781 = arith.constant 0 : index
      %get3A_2782 = tpu.vector_load %arg8[%get3A_2779, %get3A_2780, %get3A_2781] {strides = array<i32>} : memref<4x128x32xf32, #tpu.memory_space<vmem>>, vector<16xf32>,
      %get3A_2783 = arith.constant 108 : i32
      %get3A_2784 = arith.index_cast %rem3A_423 : i32 to index
      %get3A_2785 = arith.index_cast %get3A_2783 : i32 to index
      %get3A_2786 = arith.constant 16 : index
      %get3A_2787 = tpu.vector_load %arg8[%get3A_2784, %get3A_2785, %get3A_2786] {strides = array<i32>} : memref<4x128x32xf32, #tpu.memory_space<vmem>>, vector<16xf32>,
      %get3A_2788 = arith.constant 109 : i32
      %get3A_2789 = arith.index_cast %rem3A_423 : i32 to index
      %get3A_2790 = arith.index_cast %get3A_2788 : i32 to index
      %get3A_2791 = arith.constant 0 : index
      %get3A_2792 = tpu.vector_load %arg8[%get3A_2789, %get3A_2790, %get3A_2791] {strides = array<i32>} : memref<4x128x32xf32, #tpu.memory_space<vmem>>, vector<16xf32>,
      %get3A_2793 = arith.constant 109 : i32
      %get3A_2794 = arith.index_cast %rem3A_423 : i32 to index
      %get3A_2795 = arith.index_cast %get3A_2793 : i32 to index
      %get3A_2796 = arith.constant 16 : index
      %get3A_2797 = tpu.vector_load %arg8[%get3A_2794, %get3A_2795, %get3A_2796] {strides = array<i32>} : memref<4x128x32xf32, #tpu.memory_space<vmem>>, vector<16xf32>,
      %get3A_2798 = arith.constant 110 : i32
      %get3A_2799 = arith.index_cast %rem3A_423 : i32 to index
      %get3A_2800 = arith.index_cast %get3A_2798 : i32 to index
      %get3A_2801 = arith.constant 0 : index
      %get3A_2802 = tpu.vector_load %arg8[%get3A_2799, %get3A_2800, %get3A_2801] {strides = array<i32>} : memref<4x128x32xf32, #tpu.memory_space<vmem>>, vector<16xf32>,
      %get3A_2803 = arith.constant 110 : i32
      %get3A_2804 = arith.index_cast %rem3A_423 : i32 to index
      %get3A_2805 = arith.index_cast %get3A_2803 : i32 to index
      %get3A_2806 = arith.constant 16 : index
      %get3A_2807 = tpu.vector_load %arg8[%get3A_2804, %get3A_2805, %get3A_2806] {strides = array<i32>} : memref<4x128x32xf32, #tpu.memory_space<vmem>>, vector<16xf32>,
      %get3A_2808 = arith.constant 111 : i32
      %get3A_2809 = arith.index_cast %rem3A_423 : i32 to index
      %get3A_2810 = arith.index_cast %get3A_2808 : i32 to index
      %get3A_2811 = arith.constant 0 : index
      %get3A_2812 = tpu.vector_load %arg8[%get3A_2809, %get3A_2810, %get3A_2811] {strides = array<i32>} : memref<4x128x32xf32, #tpu.memory_space<vmem>>, vector<16xf32>,
      %get3A_2813 = arith.constant 111 : i32
      %get3A_2814 = arith.index_cast %rem3A_423 : i32 to index
      %get3A_2815 = arith.index_cast %get3A_2813 : i32 to index
      %get3A_2816 = arith.constant 16 : index
      %get3A_2817 = tpu.vector_load %arg8[%get3A_2814, %get3A_2815, %get3A_2816] {strides = array<i32>} : memref<4x128x32xf32, #tpu.memory_space<vmem>>, vector<16xf32>,
      %broadcast_in_dim3A_2818 = arith.constant 104 : i32
      %broadcast_in_dim3A_2819 = vector.broadcast %broadcast_in_dim3A_2818 : i32 to vector<16xi32>
      %add3A_2820 = arith.addf %get3A_2742, %gather3A : vector<16xf32>
      %scatter3A_2821 = arith.constant 0 : i32
      %scatter3A_2822 = arith.constant 0 : i32
      %scatter3A_2823 = tpu.memref_slice %arg9[%rem3A_423, %scatter3A_2821, %scatter3A_2822] : memref<4x32x129xf32, #tpu.memory_space<vmem>> -> memref<1x32x129xf32, #tpu.memory_space<vmem>>
      %scatter3A_2824 = tpu.memref_squeeze %scatter3A_2823 : memref<1x32x129xf32, #tpu.memory_space<vmem>> -> memref<32x129xf32, #tpu.memory_space<vmem>>
      tpu.vector_store_idx %scatter3A_2824[%iota3A, %broadcast_in_dim3A_2819], %add3A_2820 : memref<32x129xf32, #tpu.memory_space<vmem>>[vector<16xi32>, vector<16xi32>], vector<16xf32>,
      %add3A_2825 = arith.addf %get3A_2747, %gather3A_451 : vector<16xf32>
      %scatter3A_2826 = arith.constant 0 : i32
      %scatter3A_2827 = arith.constant 0 : i32
      %scatter3A_2828 = tpu.memref_slice %arg9[%rem3A_423, %scatter3A_2826, %scatter3A_2827] : memref<4x32x129xf32, #tpu.memory_space<vmem>> -> memref<1x32x129xf32, #tpu.memory_space<vmem>>
      %scatter3A_2829 = tpu.memref_squeeze %scatter3A_2828 : memref<1x32x129xf32, #tpu.memory_space<vmem>> -> memref<32x129xf32, #tpu.memory_space<vmem>>
      tpu.vector_store_idx %scatter3A_2829[%add3A_49, %broadcast_in_dim3A_2819], %add3A_2825 : memref<32x129xf32, #tpu.memory_space<vmem>>[vector<16xi32>, vector<16xi32>], vector<16xf32>,
      %broadcast_in_dim3A_2830 = arith.constant 105 : i32
      %broadcast_in_dim3A_2831 = vector.broadcast %broadcast_in_dim3A_2830 : i32 to vector<16xi32>
      %add3A_2832 = arith.addf %get3A_2752, %gather3A : vector<16xf32>
      %scatter3A_2833 = arith.constant 0 : i32
      %scatter3A_2834 = arith.constant 0 : i32
      %scatter3A_2835 = tpu.memref_slice %arg9[%rem3A_423, %scatter3A_2833, %scatter3A_2834] : memref<4x32x129xf32, #tpu.memory_space<vmem>> -> memref<1x32x129xf32, #tpu.memory_space<vmem>>
      %scatter3A_2836 = tpu.memref_squeeze %scatter3A_2835 : memref<1x32x129xf32, #tpu.memory_space<vmem>> -> memref<32x129xf32, #tpu.memory_space<vmem>>
      tpu.vector_store_idx %scatter3A_2836[%iota3A, %broadcast_in_dim3A_2831], %add3A_2832 : memref<32x129xf32, #tpu.memory_space<vmem>>[vector<16xi32>, vector<16xi32>], vector<16xf32>,
      %add3A_2837 = arith.addf %get3A_2757, %gather3A_451 : vector<16xf32>
      %scatter3A_2838 = arith.constant 0 : i32
      %scatter3A_2839 = arith.constant 0 : i32
      %scatter3A_2840 = tpu.memref_slice %arg9[%rem3A_423, %scatter3A_2838, %scatter3A_2839] : memref<4x32x129xf32, #tpu.memory_space<vmem>> -> memref<1x32x129xf32, #tpu.memory_space<vmem>>
      %scatter3A_2841 = tpu.memref_squeeze %scatter3A_2840 : memref<1x32x129xf32, #tpu.memory_space<vmem>> -> memref<32x129xf32, #tpu.memory_space<vmem>>
      tpu.vector_store_idx %scatter3A_2841[%add3A_49, %broadcast_in_dim3A_2831], %add3A_2837 : memref<32x129xf32, #tpu.memory_space<vmem>>[vector<16xi32>, vector<16xi32>], vector<16xf32>,
      %broadcast_in_dim3A_2842 = arith.constant 106 : i32
      %broadcast_in_dim3A_2843 = vector.broadcast %broadcast_in_dim3A_2842 : i32 to vector<16xi32>
      %add3A_2844 = arith.addf %get3A_2762, %gather3A : vector<16xf32>
      %scatter3A_2845 = arith.constant 0 : i32
      %scatter3A_2846 = arith.constant 0 : i32
      %scatter3A_2847 = tpu.memref_slice %arg9[%rem3A_423, %scatter3A_2845, %scatter3A_2846] : memref<4x32x129xf32, #tpu.memory_space<vmem>> -> memref<1x32x129xf32, #tpu.memory_space<vmem>>
      %scatter3A_2848 = tpu.memref_squeeze %scatter3A_2847 : memref<1x32x129xf32, #tpu.memory_space<vmem>> -> memref<32x129xf32, #tpu.memory_space<vmem>>
      tpu.vector_store_idx %scatter3A_2848[%iota3A, %broadcast_in_dim3A_2843], %add3A_2844 : memref<32x129xf32, #tpu.memory_space<vmem>>[vector<16xi32>, vector<16xi32>], vector<16xf32>,
      %add3A_2849 = arith.addf %get3A_2767, %gather3A_451 : vector<16xf32>
      %scatter3A_2850 = arith.constant 0 : i32
      %scatter3A_2851 = arith.constant 0 : i32
      %scatter3A_2852 = tpu.memref_slice %arg9[%rem3A_423, %scatter3A_2850, %scatter3A_2851] : memref<4x32x129xf32, #tpu.memory_space<vmem>> -> memref<1x32x129xf32, #tpu.memory_space<vmem>>
      %scatter3A_2853 = tpu.memref_squeeze %scatter3A_2852 : memref<1x32x129xf32, #tpu.memory_space<vmem>> -> memref<32x129xf32, #tpu.memory_space<vmem>>
      tpu.vector_store_idx %scatter3A_2853[%add3A_49, %broadcast_in_dim3A_2843], %add3A_2849 : memref<32x129xf32, #tpu.memory_space<vmem>>[vector<16xi32>, vector<16xi32>], vector<16xf32>,
      %broadcast_in_dim3A_2854 = arith.constant 107 : i32
      %broadcast_in_dim3A_2855 = vector.broadcast %broadcast_in_dim3A_2854 : i32 to vector<16xi32>
      %add3A_2856 = arith.addf %get3A_2772, %gather3A : vector<16xf32>
      %scatter3A_2857 = arith.constant 0 : i32
      %scatter3A_2858 = arith.constant 0 : i32
      %scatter3A_2859 = tpu.memref_slice %arg9[%rem3A_423, %scatter3A_2857, %scatter3A_2858] : memref<4x32x129xf32, #tpu.memory_space<vmem>> -> memref<1x32x129xf32, #tpu.memory_space<vmem>>
      %scatter3A_2860 = tpu.memref_squeeze %scatter3A_2859 : memref<1x32x129xf32, #tpu.memory_space<vmem>> -> memref<32x129xf32, #tpu.memory_space<vmem>>
      tpu.vector_store_idx %scatter3A_2860[%iota3A, %broadcast_in_dim3A_2855], %add3A_2856 : memref<32x129xf32, #tpu.memory_space<vmem>>[vector<16xi32>, vector<16xi32>], vector<16xf32>,
      %add3A_2861 = arith.addf %get3A_2777, %gather3A_451 : vector<16xf32>
      %scatter3A_2862 = arith.constant 0 : i32
      %scatter3A_2863 = arith.constant 0 : i32
      %scatter3A_2864 = tpu.memref_slice %arg9[%rem3A_423, %scatter3A_2862, %scatter3A_2863] : memref<4x32x129xf32, #tpu.memory_space<vmem>> -> memref<1x32x129xf32, #tpu.memory_space<vmem>>
      %scatter3A_2865 = tpu.memref_squeeze %scatter3A_2864 : memref<1x32x129xf32, #tpu.memory_space<vmem>> -> memref<32x129xf32, #tpu.memory_space<vmem>>
      tpu.vector_store_idx %scatter3A_2865[%add3A_49, %broadcast_in_dim3A_2855], %add3A_2861 : memref<32x129xf32, #tpu.memory_space<vmem>>[vector<16xi32>, vector<16xi32>], vector<16xf32>,
      %broadcast_in_dim3A_2866 = arith.constant 108 : i32
      %broadcast_in_dim3A_2867 = vector.broadcast %broadcast_in_dim3A_2866 : i32 to vector<16xi32>
      %add3A_2868 = arith.addf %get3A_2782, %gather3A : vector<16xf32>
      %scatter3A_2869 = arith.constant 0 : i32
      %scatter3A_2870 = arith.constant 0 : i32
      %scatter3A_2871 = tpu.memref_slice %arg9[%rem3A_423, %scatter3A_2869, %scatter3A_2870] : memref<4x32x129xf32, #tpu.memory_space<vmem>> -> memref<1x32x129xf32, #tpu.memory_space<vmem>>
      %scatter3A_2872 = tpu.memref_squeeze %scatter3A_2871 : memref<1x32x129xf32, #tpu.memory_space<vmem>> -> memref<32x129xf32, #tpu.memory_space<vmem>>
      tpu.vector_store_idx %scatter3A_2872[%iota3A, %broadcast_in_dim3A_2867], %add3A_2868 : memref<32x129xf32, #tpu.memory_space<vmem>>[vector<16xi32>, vector<16xi32>], vector<16xf32>,
      %add3A_2873 = arith.addf %get3A_2787, %gather3A_451 : vector<16xf32>
      %scatter3A_2874 = arith.constant 0 : i32
      %scatter3A_2875 = arith.constant 0 : i32
      %scatter3A_2876 = tpu.memref_slice %arg9[%rem3A_423, %scatter3A_2874, %scatter3A_2875] : memref<4x32x129xf32, #tpu.memory_space<vmem>> -> memref<1x32x129xf32, #tpu.memory_space<vmem>>
      %scatter3A_2877 = tpu.memref_squeeze %scatter3A_2876 : memref<1x32x129xf32, #tpu.memory_space<vmem>> -> memref<32x129xf32, #tpu.memory_space<vmem>>
      tpu.vector_store_idx %scatter3A_2877[%add3A_49, %broadcast_in_dim3A_2867], %add3A_2873 : memref<32x129xf32, #tpu.memory_space<vmem>>[vector<16xi32>, vector<16xi32>], vector<16xf32>,
      %broadcast_in_dim3A_2878 = arith.constant 109 : i32
      %broadcast_in_dim3A_2879 = vector.broadcast %broadcast_in_dim3A_2878 : i32 to vector<16xi32>
      %add3A_2880 = arith.addf %get3A_2792, %gather3A : vector<16xf32>
      %scatter3A_2881 = arith.constant 0 : i32
      %scatter3A_2882 = arith.constant 0 : i32
      %scatter3A_2883 = tpu.memref_slice %arg9[%rem3A_423, %scatter3A_2881, %scatter3A_2882] : memref<4x32x129xf32, #tpu.memory_space<vmem>> -> memref<1x32x129xf32, #tpu.memory_space<vmem>>
      %scatter3A_2884 = tpu.memref_squeeze %scatter3A_2883 : memref<1x32x129xf32, #tpu.memory_space<vmem>> -> memref<32x129xf32, #tpu.memory_space<vmem>>
      tpu.vector_store_idx %scatter3A_2884[%iota3A, %broadcast_in_dim3A_2879], %add3A_2880 : memref<32x129xf32, #tpu.memory_space<vmem>>[vector<16xi32>, vector<16xi32>], vector<16xf32>,
      %add3A_2885 = arith.addf %get3A_2797, %gather3A_451 : vector<16xf32>
      %scatter3A_2886 = arith.constant 0 : i32
      %scatter3A_2887 = arith.constant 0 : i32
      %scatter3A_2888 = tpu.memref_slice %arg9[%rem3A_423, %scatter3A_2886, %scatter3A_2887] : memref<4x32x129xf32, #tpu.memory_space<vmem>> -> memref<1x32x129xf32, #tpu.memory_space<vmem>>
      %scatter3A_2889 = tpu.memref_squeeze %scatter3A_2888 : memref<1x32x129xf32, #tpu.memory_space<vmem>> -> memref<32x129xf32, #tpu.memory_space<vmem>>
      tpu.vector_store_idx %scatter3A_2889[%add3A_49, %broadcast_in_dim3A_2879], %add3A_2885 : memref<32x129xf32, #tpu.memory_space<vmem>>[vector<16xi32>, vector<16xi32>], vector<16xf32>,
      %broadcast_in_dim3A_2890 = arith.constant 110 : i32
      %broadcast_in_dim3A_2891 = vector.broadcast %broadcast_in_dim3A_2890 : i32 to vector<16xi32>
      %add3A_2892 = arith.addf %get3A_2802, %gather3A : vector<16xf32>
      %scatter3A_2893 = arith.constant 0 : i32
      %scatter3A_2894 = arith.constant 0 : i32
      %scatter3A_2895 = tpu.memref_slice %arg9[%rem3A_423, %scatter3A_2893, %scatter3A_2894] : memref<4x32x129xf32, #tpu.memory_space<vmem>> -> memref<1x32x129xf32, #tpu.memory_space<vmem>>
      %scatter3A_2896 = tpu.memref_squeeze %scatter3A_2895 : memref<1x32x129xf32, #tpu.memory_space<vmem>> -> memref<32x129xf32, #tpu.memory_space<vmem>>
      tpu.vector_store_idx %scatter3A_2896[%iota3A, %broadcast_in_dim3A_2891], %add3A_2892 : memref<32x129xf32, #tpu.memory_space<vmem>>[vector<16xi32>, vector<16xi32>], vector<16xf32>,
      %add3A_2897 = arith.addf %get3A_2807, %gather3A_451 : vector<16xf32>
      %scatter3A_2898 = arith.constant 0 : i32
      %scatter3A_2899 = arith.constant 0 : i32
      %scatter3A_2900 = tpu.memref_slice %arg9[%rem3A_423, %scatter3A_2898, %scatter3A_2899] : memref<4x32x129xf32, #tpu.memory_space<vmem>> -> memref<1x32x129xf32, #tpu.memory_space<vmem>>
      %scatter3A_2901 = tpu.memref_squeeze %scatter3A_2900 : memref<1x32x129xf32, #tpu.memory_space<vmem>> -> memref<32x129xf32, #tpu.memory_space<vmem>>
      tpu.vector_store_idx %scatter3A_2901[%add3A_49, %broadcast_in_dim3A_2891], %add3A_2897 : memref<32x129xf32, #tpu.memory_space<vmem>>[vector<16xi32>, vector<16xi32>], vector<16xf32>,
      %broadcast_in_dim3A_2902 = arith.constant 111 : i32
      %broadcast_in_dim3A_2903 = vector.broadcast %broadcast_in_dim3A_2902 : i32 to vector<16xi32>
      %add3A_2904 = arith.addf %get3A_2812, %gather3A : vector<16xf32>
      %scatter3A_2905 = arith.constant 0 : i32
      %scatter3A_2906 = arith.constant 0 : i32
      %scatter3A_2907 = tpu.memref_slice %arg9[%rem3A_423, %scatter3A_2905, %scatter3A_2906] : memref<4x32x129xf32, #tpu.memory_space<vmem>> -> memref<1x32x129xf32, #tpu.memory_space<vmem>>
      %scatter3A_2908 = tpu.memref_squeeze %scatter3A_2907 : memref<1x32x129xf32, #tpu.memory_space<vmem>> -> memref<32x129xf32, #tpu.memory_space<vmem>>
      tpu.vector_store_idx %scatter3A_2908[%iota3A, %broadcast_in_dim3A_2903], %add3A_2904 : memref<32x129xf32, #tpu.memory_space<vmem>>[vector<16xi32>, vector<16xi32>], vector<16xf32>,
      %add3A_2909 = arith.addf %get3A_2817, %gather3A_451 : vector<16xf32>
      %scatter3A_2910 = arith.constant 0 : i32
      %scatter3A_2911 = arith.constant 0 : i32
      %scatter3A_2912 = tpu.memref_slice %arg9[%rem3A_423, %scatter3A_2910, %scatter3A_2911] : memref<4x32x129xf32, #tpu.memory_space<vmem>> -> memref<1x32x129xf32, #tpu.memory_space<vmem>>
      %scatter3A_2913 = tpu.memref_squeeze %scatter3A_2912 : memref<1x32x129xf32, #tpu.memory_space<vmem>> -> memref<32x129xf32, #tpu.memory_space<vmem>>
      tpu.vector_store_idx %scatter3A_2913[%add3A_49, %broadcast_in_dim3A_2903], %add3A_2909 : memref<32x129xf32, #tpu.memory_space<vmem>>[vector<16xi32>, vector<16xi32>], vector<16xf32>,
      %get3A_2914 = arith.constant 112 : i32
      %get3A_2915 = arith.index_cast %rem3A_423 : i32 to index
      %get3A_2916 = arith.index_cast %get3A_2914 : i32 to index
      %get3A_2917 = arith.constant 0 : index
      %get3A_2918 = tpu.vector_load %arg8[%get3A_2915, %get3A_2916, %get3A_2917] {strides = array<i32>} : memref<4x128x32xf32, #tpu.memory_space<vmem>>, vector<16xf32>,
      %get3A_2919 = arith.constant 112 : i32
      %get3A_2920 = arith.index_cast %rem3A_423 : i32 to index
      %get3A_2921 = arith.index_cast %get3A_2919 : i32 to index
      %get3A_2922 = arith.constant 16 : index
      %get3A_2923 = tpu.vector_load %arg8[%get3A_2920, %get3A_2921, %get3A_2922] {strides = array<i32>} : memref<4x128x32xf32, #tpu.memory_space<vmem>>, vector<16xf32>,
      %get3A_2924 = arith.constant 113 : i32
      %get3A_2925 = arith.index_cast %rem3A_423 : i32 to index
      %get3A_2926 = arith.index_cast %get3A_2924 : i32 to index
      %get3A_2927 = arith.constant 0 : index
      %get3A_2928 = tpu.vector_load %arg8[%get3A_2925, %get3A_2926, %get3A_2927] {strides = array<i32>} : memref<4x128x32xf32, #tpu.memory_space<vmem>>, vector<16xf32>,
      %get3A_2929 = arith.constant 113 : i32
      %get3A_2930 = arith.index_cast %rem3A_423 : i32 to index
      %get3A_2931 = arith.index_cast %get3A_2929 : i32 to index
      %get3A_2932 = arith.constant 16 : index
      %get3A_2933 = tpu.vector_load %arg8[%get3A_2930, %get3A_2931, %get3A_2932] {strides = array<i32>} : memref<4x128x32xf32, #tpu.memory_space<vmem>>, vector<16xf32>,
      %get3A_2934 = arith.constant 114 : i32
      %get3A_2935 = arith.index_cast %rem3A_423 : i32 to index
      %get3A_2936 = arith.index_cast %get3A_2934 : i32 to index
      %get3A_2937 = arith.constant 0 : index
      %get3A_2938 = tpu.vector_load %arg8[%get3A_2935, %get3A_2936, %get3A_2937] {strides = array<i32>} : memref<4x128x32xf32, #tpu.memory_space<vmem>>, vector<16xf32>,
      %get3A_2939 = arith.constant 114 : i32
      %get3A_2940 = arith.index_cast %rem3A_423 : i32 to index
      %get3A_2941 = arith.index_cast %get3A_2939 : i32 to index
      %get3A_2942 = arith.constant 16 : index
      %get3A_2943 = tpu.vector_load %arg8[%get3A_2940, %get3A_2941, %get3A_2942] {strides = array<i32>} : memref<4x128x32xf32, #tpu.memory_space<vmem>>, vector<16xf32>,
      %get3A_2944 = arith.constant 115 : i32
      %get3A_2945 = arith.index_cast %rem3A_423 : i32 to index
      %get3A_2946 = arith.index_cast %get3A_2944 : i32 to index
      %get3A_2947 = arith.constant 0 : index
      %get3A_2948 = tpu.vector_load %arg8[%get3A_2945, %get3A_2946, %get3A_2947] {strides = array<i32>} : memref<4x128x32xf32, #tpu.memory_space<vmem>>, vector<16xf32>,
      %get3A_2949 = arith.constant 115 : i32
      %get3A_2950 = arith.index_cast %rem3A_423 : i32 to index
      %get3A_2951 = arith.index_cast %get3A_2949 : i32 to index
      %get3A_2952 = arith.constant 16 : index
      %get3A_2953 = tpu.vector_load %arg8[%get3A_2950, %get3A_2951, %get3A_2952] {strides = array<i32>} : memref<4x128x32xf32, #tpu.memory_space<vmem>>, vector<16xf32>,
      %get3A_2954 = arith.constant 116 : i32
      %get3A_2955 = arith.index_cast %rem3A_423 : i32 to index
      %get3A_2956 = arith.index_cast %get3A_2954 : i32 to index
      %get3A_2957 = arith.constant 0 : index
      %get3A_2958 = tpu.vector_load %arg8[%get3A_2955, %get3A_2956, %get3A_2957] {strides = array<i32>} : memref<4x128x32xf32, #tpu.memory_space<vmem>>, vector<16xf32>,
      %get3A_2959 = arith.constant 116 : i32
      %get3A_2960 = arith.index_cast %rem3A_423 : i32 to index
      %get3A_2961 = arith.index_cast %get3A_2959 : i32 to index
      %get3A_2962 = arith.constant 16 : index
      %get3A_2963 = tpu.vector_load %arg8[%get3A_2960, %get3A_2961, %get3A_2962] {strides = array<i32>} : memref<4x128x32xf32, #tpu.memory_space<vmem>>, vector<16xf32>,
      %get3A_2964 = arith.constant 117 : i32
      %get3A_2965 = arith.index_cast %rem3A_423 : i32 to index
      %get3A_2966 = arith.index_cast %get3A_2964 : i32 to index
      %get3A_2967 = arith.constant 0 : index
      %get3A_2968 = tpu.vector_load %arg8[%get3A_2965, %get3A_2966, %get3A_2967] {strides = array<i32>} : memref<4x128x32xf32, #tpu.memory_space<vmem>>, vector<16xf32>,
      %get3A_2969 = arith.constant 117 : i32
      %get3A_2970 = arith.index_cast %rem3A_423 : i32 to index
      %get3A_2971 = arith.index_cast %get3A_2969 : i32 to index
      %get3A_2972 = arith.constant 16 : index
      %get3A_2973 = tpu.vector_load %arg8[%get3A_2970, %get3A_2971, %get3A_2972] {strides = array<i32>} : memref<4x128x32xf32, #tpu.memory_space<vmem>>, vector<16xf32>,
      %get3A_2974 = arith.constant 118 : i32
      %get3A_2975 = arith.index_cast %rem3A_423 : i32 to index
      %get3A_2976 = arith.index_cast %get3A_2974 : i32 to index
      %get3A_2977 = arith.constant 0 : index
      %get3A_2978 = tpu.vector_load %arg8[%get3A_2975, %get3A_2976, %get3A_2977] {strides = array<i32>} : memref<4x128x32xf32, #tpu.memory_space<vmem>>, vector<16xf32>,
      %get3A_2979 = arith.constant 118 : i32
      %get3A_2980 = arith.index_cast %rem3A_423 : i32 to index
      %get3A_2981 = arith.index_cast %get3A_2979 : i32 to index
      %get3A_2982 = arith.constant 16 : index
      %get3A_2983 = tpu.vector_load %arg8[%get3A_2980, %get3A_2981, %get3A_2982] {strides = array<i32>} : memref<4x128x32xf32, #tpu.memory_space<vmem>>, vector<16xf32>,
      %get3A_2984 = arith.constant 119 : i32
      %get3A_2985 = arith.index_cast %rem3A_423 : i32 to index
      %get3A_2986 = arith.index_cast %get3A_2984 : i32 to index
      %get3A_2987 = arith.constant 0 : index
      %get3A_2988 = tpu.vector_load %arg8[%get3A_2985, %get3A_2986, %get3A_2987] {strides = array<i32>} : memref<4x128x32xf32, #tpu.memory_space<vmem>>, vector<16xf32>,
      %get3A_2989 = arith.constant 119 : i32
      %get3A_2990 = arith.index_cast %rem3A_423 : i32 to index
      %get3A_2991 = arith.index_cast %get3A_2989 : i32 to index
      %get3A_2992 = arith.constant 16 : index
      %get3A_2993 = tpu.vector_load %arg8[%get3A_2990, %get3A_2991, %get3A_2992] {strides = array<i32>} : memref<4x128x32xf32, #tpu.memory_space<vmem>>, vector<16xf32>,
      %broadcast_in_dim3A_2994 = arith.constant 112 : i32
      %broadcast_in_dim3A_2995 = vector.broadcast %broadcast_in_dim3A_2994 : i32 to vector<16xi32>
      %add3A_2996 = arith.addf %get3A_2918, %gather3A : vector<16xf32>
      %scatter3A_2997 = arith.constant 0 : i32
      %scatter3A_2998 = arith.constant 0 : i32
      %scatter3A_2999 = tpu.memref_slice %arg9[%rem3A_423, %scatter3A_2997, %scatter3A_2998] : memref<4x32x129xf32, #tpu.memory_space<vmem>> -> memref<1x32x129xf32, #tpu.memory_space<vmem>>
      %scatter3A_3000 = tpu.memref_squeeze %scatter3A_2999 : memref<1x32x129xf32, #tpu.memory_space<vmem>> -> memref<32x129xf32, #tpu.memory_space<vmem>>
      tpu.vector_store_idx %scatter3A_3000[%iota3A, %broadcast_in_dim3A_2995], %add3A_2996 : memref<32x129xf32, #tpu.memory_space<vmem>>[vector<16xi32>, vector<16xi32>], vector<16xf32>,
      %add3A_3001 = arith.addf %get3A_2923, %gather3A_451 : vector<16xf32>
      %scatter3A_3002 = arith.constant 0 : i32
      %scatter3A_3003 = arith.constant 0 : i32
      %scatter3A_3004 = tpu.memref_slice %arg9[%rem3A_423, %scatter3A_3002, %scatter3A_3003] : memref<4x32x129xf32, #tpu.memory_space<vmem>> -> memref<1x32x129xf32, #tpu.memory_space<vmem>>
      %scatter3A_3005 = tpu.memref_squeeze %scatter3A_3004 : memref<1x32x129xf32, #tpu.memory_space<vmem>> -> memref<32x129xf32, #tpu.memory_space<vmem>>
      tpu.vector_store_idx %scatter3A_3005[%add3A_49, %broadcast_in_dim3A_2995], %add3A_3001 : memref<32x129xf32, #tpu.memory_space<vmem>>[vector<16xi32>, vector<16xi32>], vector<16xf32>,
      %broadcast_in_dim3A_3006 = arith.constant 113 : i32
      %broadcast_in_dim3A_3007 = vector.broadcast %broadcast_in_dim3A_3006 : i32 to vector<16xi32>
      %add3A_3008 = arith.addf %get3A_2928, %gather3A : vector<16xf32>
      %scatter3A_3009 = arith.constant 0 : i32
      %scatter3A_3010 = arith.constant 0 : i32
      %scatter3A_3011 = tpu.memref_slice %arg9[%rem3A_423, %scatter3A_3009, %scatter3A_3010] : memref<4x32x129xf32, #tpu.memory_space<vmem>> -> memref<1x32x129xf32, #tpu.memory_space<vmem>>
      %scatter3A_3012 = tpu.memref_squeeze %scatter3A_3011 : memref<1x32x129xf32, #tpu.memory_space<vmem>> -> memref<32x129xf32, #tpu.memory_space<vmem>>
      tpu.vector_store_idx %scatter3A_3012[%iota3A, %broadcast_in_dim3A_3007], %add3A_3008 : memref<32x129xf32, #tpu.memory_space<vmem>>[vector<16xi32>, vector<16xi32>], vector<16xf32>,
      %add3A_3013 = arith.addf %get3A_2933, %gather3A_451 : vector<16xf32>
      %scatter3A_3014 = arith.constant 0 : i32
      %scatter3A_3015 = arith.constant 0 : i32
      %scatter3A_3016 = tpu.memref_slice %arg9[%rem3A_423, %scatter3A_3014, %scatter3A_3015] : memref<4x32x129xf32, #tpu.memory_space<vmem>> -> memref<1x32x129xf32, #tpu.memory_space<vmem>>
      %scatter3A_3017 = tpu.memref_squeeze %scatter3A_3016 : memref<1x32x129xf32, #tpu.memory_space<vmem>> -> memref<32x129xf32, #tpu.memory_space<vmem>>
      tpu.vector_store_idx %scatter3A_3017[%add3A_49, %broadcast_in_dim3A_3007], %add3A_3013 : memref<32x129xf32, #tpu.memory_space<vmem>>[vector<16xi32>, vector<16xi32>], vector<16xf32>,
      %broadcast_in_dim3A_3018 = arith.constant 114 : i32
      %broadcast_in_dim3A_3019 = vector.broadcast %broadcast_in_dim3A_3018 : i32 to vector<16xi32>
      %add3A_3020 = arith.addf %get3A_2938, %gather3A : vector<16xf32>
      %scatter3A_3021 = arith.constant 0 : i32
      %scatter3A_3022 = arith.constant 0 : i32
      %scatter3A_3023 = tpu.memref_slice %arg9[%rem3A_423, %scatter3A_3021, %scatter3A_3022] : memref<4x32x129xf32, #tpu.memory_space<vmem>> -> memref<1x32x129xf32, #tpu.memory_space<vmem>>
      %scatter3A_3024 = tpu.memref_squeeze %scatter3A_3023 : memref<1x32x129xf32, #tpu.memory_space<vmem>> -> memref<32x129xf32, #tpu.memory_space<vmem>>
      tpu.vector_store_idx %scatter3A_3024[%iota3A, %broadcast_in_dim3A_3019], %add3A_3020 : memref<32x129xf32, #tpu.memory_space<vmem>>[vector<16xi32>, vector<16xi32>], vector<16xf32>,
      %add3A_3025 = arith.addf %get3A_2943, %gather3A_451 : vector<16xf32>
      %scatter3A_3026 = arith.constant 0 : i32
      %scatter3A_3027 = arith.constant 0 : i32
      %scatter3A_3028 = tpu.memref_slice %arg9[%rem3A_423, %scatter3A_3026, %scatter3A_3027] : memref<4x32x129xf32, #tpu.memory_space<vmem>> -> memref<1x32x129xf32, #tpu.memory_space<vmem>>
      %scatter3A_3029 = tpu.memref_squeeze %scatter3A_3028 : memref<1x32x129xf32, #tpu.memory_space<vmem>> -> memref<32x129xf32, #tpu.memory_space<vmem>>
      tpu.vector_store_idx %scatter3A_3029[%add3A_49, %broadcast_in_dim3A_3019], %add3A_3025 : memref<32x129xf32, #tpu.memory_space<vmem>>[vector<16xi32>, vector<16xi32>], vector<16xf32>,
      %broadcast_in_dim3A_3030 = arith.constant 115 : i32
      %broadcast_in_dim3A_3031 = vector.broadcast %broadcast_in_dim3A_3030 : i32 to vector<16xi32>
      %add3A_3032 = arith.addf %get3A_2948, %gather3A : vector<16xf32>
      %scatter3A_3033 = arith.constant 0 : i32
      %scatter3A_3034 = arith.constant 0 : i32
      %scatter3A_3035 = tpu.memref_slice %arg9[%rem3A_423, %scatter3A_3033, %scatter3A_3034] : memref<4x32x129xf32, #tpu.memory_space<vmem>> -> memref<1x32x129xf32, #tpu.memory_space<vmem>>
      %scatter3A_3036 = tpu.memref_squeeze %scatter3A_3035 : memref<1x32x129xf32, #tpu.memory_space<vmem>> -> memref<32x129xf32, #tpu.memory_space<vmem>>
      tpu.vector_store_idx %scatter3A_3036[%iota3A, %broadcast_in_dim3A_3031], %add3A_3032 : memref<32x129xf32, #tpu.memory_space<vmem>>[vector<16xi32>, vector<16xi32>], vector<16xf32>,
      %add3A_3037 = arith.addf %get3A_2953, %gather3A_451 : vector<16xf32>
      %scatter3A_3038 = arith.constant 0 : i32
      %scatter3A_3039 = arith.constant 0 : i32
      %scatter3A_3040 = tpu.memref_slice %arg9[%rem3A_423, %scatter3A_3038, %scatter3A_3039] : memref<4x32x129xf32, #tpu.memory_space<vmem>> -> memref<1x32x129xf32, #tpu.memory_space<vmem>>
      %scatter3A_3041 = tpu.memref_squeeze %scatter3A_3040 : memref<1x32x129xf32, #tpu.memory_space<vmem>> -> memref<32x129xf32, #tpu.memory_space<vmem>>
      tpu.vector_store_idx %scatter3A_3041[%add3A_49, %broadcast_in_dim3A_3031], %add3A_3037 : memref<32x129xf32, #tpu.memory_space<vmem>>[vector<16xi32>, vector<16xi32>], vector<16xf32>,
      %broadcast_in_dim3A_3042 = arith.constant 116 : i32
      %broadcast_in_dim3A_3043 = vector.broadcast %broadcast_in_dim3A_3042 : i32 to vector<16xi32>
      %add3A_3044 = arith.addf %get3A_2958, %gather3A : vector<16xf32>
      %scatter3A_3045 = arith.constant 0 : i32
      %scatter3A_3046 = arith.constant 0 : i32
      %scatter3A_3047 = tpu.memref_slice %arg9[%rem3A_423, %scatter3A_3045, %scatter3A_3046] : memref<4x32x129xf32, #tpu.memory_space<vmem>> -> memref<1x32x129xf32, #tpu.memory_space<vmem>>
      %scatter3A_3048 = tpu.memref_squeeze %scatter3A_3047 : memref<1x32x129xf32, #tpu.memory_space<vmem>> -> memref<32x129xf32, #tpu.memory_space<vmem>>
      tpu.vector_store_idx %scatter3A_3048[%iota3A, %broadcast_in_dim3A_3043], %add3A_3044 : memref<32x129xf32, #tpu.memory_space<vmem>>[vector<16xi32>, vector<16xi32>], vector<16xf32>,
      %add3A_3049 = arith.addf %get3A_2963, %gather3A_451 : vector<16xf32>
      %scatter3A_3050 = arith.constant 0 : i32
      %scatter3A_3051 = arith.constant 0 : i32
      %scatter3A_3052 = tpu.memref_slice %arg9[%rem3A_423, %scatter3A_3050, %scatter3A_3051] : memref<4x32x129xf32, #tpu.memory_space<vmem>> -> memref<1x32x129xf32, #tpu.memory_space<vmem>>
      %scatter3A_3053 = tpu.memref_squeeze %scatter3A_3052 : memref<1x32x129xf32, #tpu.memory_space<vmem>> -> memref<32x129xf32, #tpu.memory_space<vmem>>
      tpu.vector_store_idx %scatter3A_3053[%add3A_49, %broadcast_in_dim3A_3043], %add3A_3049 : memref<32x129xf32, #tpu.memory_space<vmem>>[vector<16xi32>, vector<16xi32>], vector<16xf32>,
      %broadcast_in_dim3A_3054 = arith.constant 117 : i32
      %broadcast_in_dim3A_3055 = vector.broadcast %broadcast_in_dim3A_3054 : i32 to vector<16xi32>
      %add3A_3056 = arith.addf %get3A_2968, %gather3A : vector<16xf32>
      %scatter3A_3057 = arith.constant 0 : i32
      %scatter3A_3058 = arith.constant 0 : i32
      %scatter3A_3059 = tpu.memref_slice %arg9[%rem3A_423, %scatter3A_3057, %scatter3A_3058] : memref<4x32x129xf32, #tpu.memory_space<vmem>> -> memref<1x32x129xf32, #tpu.memory_space<vmem>>
      %scatter3A_3060 = tpu.memref_squeeze %scatter3A_3059 : memref<1x32x129xf32, #tpu.memory_space<vmem>> -> memref<32x129xf32, #tpu.memory_space<vmem>>
      tpu.vector_store_idx %scatter3A_3060[%iota3A, %broadcast_in_dim3A_3055], %add3A_3056 : memref<32x129xf32, #tpu.memory_space<vmem>>[vector<16xi32>, vector<16xi32>], vector<16xf32>,
      %add3A_3061 = arith.addf %get3A_2973, %gather3A_451 : vector<16xf32>
      %scatter3A_3062 = arith.constant 0 : i32
      %scatter3A_3063 = arith.constant 0 : i32
      %scatter3A_3064 = tpu.memref_slice %arg9[%rem3A_423, %scatter3A_3062, %scatter3A_3063] : memref<4x32x129xf32, #tpu.memory_space<vmem>> -> memref<1x32x129xf32, #tpu.memory_space<vmem>>
      %scatter3A_3065 = tpu.memref_squeeze %scatter3A_3064 : memref<1x32x129xf32, #tpu.memory_space<vmem>> -> memref<32x129xf32, #tpu.memory_space<vmem>>
      tpu.vector_store_idx %scatter3A_3065[%add3A_49, %broadcast_in_dim3A_3055], %add3A_3061 : memref<32x129xf32, #tpu.memory_space<vmem>>[vector<16xi32>, vector<16xi32>], vector<16xf32>,
      %broadcast_in_dim3A_3066 = arith.constant 118 : i32
      %broadcast_in_dim3A_3067 = vector.broadcast %broadcast_in_dim3A_3066 : i32 to vector<16xi32>
      %add3A_3068 = arith.addf %get3A_2978, %gather3A : vector<16xf32>
      %scatter3A_3069 = arith.constant 0 : i32
      %scatter3A_3070 = arith.constant 0 : i32
      %scatter3A_3071 = tpu.memref_slice %arg9[%rem3A_423, %scatter3A_3069, %scatter3A_3070] : memref<4x32x129xf32, #tpu.memory_space<vmem>> -> memref<1x32x129xf32, #tpu.memory_space<vmem>>
      %scatter3A_3072 = tpu.memref_squeeze %scatter3A_3071 : memref<1x32x129xf32, #tpu.memory_space<vmem>> -> memref<32x129xf32, #tpu.memory_space<vmem>>
      tpu.vector_store_idx %scatter3A_3072[%iota3A, %broadcast_in_dim3A_3067], %add3A_3068 : memref<32x129xf32, #tpu.memory_space<vmem>>[vector<16xi32>, vector<16xi32>], vector<16xf32>,
      %add3A_3073 = arith.addf %get3A_2983, %gather3A_451 : vector<16xf32>
      %scatter3A_3074 = arith.constant 0 : i32
      %scatter3A_3075 = arith.constant 0 : i32
      %scatter3A_3076 = tpu.memref_slice %arg9[%rem3A_423, %scatter3A_3074, %scatter3A_3075] : memref<4x32x129xf32, #tpu.memory_space<vmem>> -> memref<1x32x129xf32, #tpu.memory_space<vmem>>
      %scatter3A_3077 = tpu.memref_squeeze %scatter3A_3076 : memref<1x32x129xf32, #tpu.memory_space<vmem>> -> memref<32x129xf32, #tpu.memory_space<vmem>>
      tpu.vector_store_idx %scatter3A_3077[%add3A_49, %broadcast_in_dim3A_3067], %add3A_3073 : memref<32x129xf32, #tpu.memory_space<vmem>>[vector<16xi32>, vector<16xi32>], vector<16xf32>,
      %broadcast_in_dim3A_3078 = arith.constant 119 : i32
      %broadcast_in_dim3A_3079 = vector.broadcast %broadcast_in_dim3A_3078 : i32 to vector<16xi32>
      %add3A_3080 = arith.addf %get3A_2988, %gather3A : vector<16xf32>
      %scatter3A_3081 = arith.constant 0 : i32
      %scatter3A_3082 = arith.constant 0 : i32
      %scatter3A_3083 = tpu.memref_slice %arg9[%rem3A_423, %scatter3A_3081, %scatter3A_3082] : memref<4x32x129xf32, #tpu.memory_space<vmem>> -> memref<1x32x129xf32, #tpu.memory_space<vmem>>
      %scatter3A_3084 = tpu.memref_squeeze %scatter3A_3083 : memref<1x32x129xf32, #tpu.memory_space<vmem>> -> memref<32x129xf32, #tpu.memory_space<vmem>>
      tpu.vector_store_idx %scatter3A_3084[%iota3A, %broadcast_in_dim3A_3079], %add3A_3080 : memref<32x129xf32, #tpu.memory_space<vmem>>[vector<16xi32>, vector<16xi32>], vector<16xf32>,
      %add3A_3085 = arith.addf %get3A_2993, %gather3A_451 : vector<16xf32>
      %scatter3A_3086 = arith.constant 0 : i32
      %scatter3A_3087 = arith.constant 0 : i32
      %scatter3A_3088 = tpu.memref_slice %arg9[%rem3A_423, %scatter3A_3086, %scatter3A_3087] : memref<4x32x129xf32, #tpu.memory_space<vmem>> -> memref<1x32x129xf32, #tpu.memory_space<vmem>>
      %scatter3A_3089 = tpu.memref_squeeze %scatter3A_3088 : memref<1x32x129xf32, #tpu.memory_space<vmem>> -> memref<32x129xf32, #tpu.memory_space<vmem>>
      tpu.vector_store_idx %scatter3A_3089[%add3A_49, %broadcast_in_dim3A_3079], %add3A_3085 : memref<32x129xf32, #tpu.memory_space<vmem>>[vector<16xi32>, vector<16xi32>], vector<16xf32>,
      %get3A_3090 = arith.constant 120 : i32
      %get3A_3091 = arith.index_cast %rem3A_423 : i32 to index
      %get3A_3092 = arith.index_cast %get3A_3090 : i32 to index
      %get3A_3093 = arith.constant 0 : index
      %get3A_3094 = tpu.vector_load %arg8[%get3A_3091, %get3A_3092, %get3A_3093] {strides = array<i32>} : memref<4x128x32xf32, #tpu.memory_space<vmem>>, vector<16xf32>,
      %get3A_3095 = arith.constant 120 : i32
      %get3A_3096 = arith.index_cast %rem3A_423 : i32 to index
      %get3A_3097 = arith.index_cast %get3A_3095 : i32 to index
      %get3A_3098 = arith.constant 16 : index
      %get3A_3099 = tpu.vector_load %arg8[%get3A_3096, %get3A_3097, %get3A_3098] {strides = array<i32>} : memref<4x128x32xf32, #tpu.memory_space<vmem>>, vector<16xf32>,
      %get3A_3100 = arith.constant 121 : i32
      %get3A_3101 = arith.index_cast %rem3A_423 : i32 to index
      %get3A_3102 = arith.index_cast %get3A_3100 : i32 to index
      %get3A_3103 = arith.constant 0 : index
      %get3A_3104 = tpu.vector_load %arg8[%get3A_3101, %get3A_3102, %get3A_3103] {strides = array<i32>} : memref<4x128x32xf32, #tpu.memory_space<vmem>>, vector<16xf32>,
      %get3A_3105 = arith.constant 121 : i32
      %get3A_3106 = arith.index_cast %rem3A_423 : i32 to index
      %get3A_3107 = arith.index_cast %get3A_3105 : i32 to index
      %get3A_3108 = arith.constant 16 : index
      %get3A_3109 = tpu.vector_load %arg8[%get3A_3106, %get3A_3107, %get3A_3108] {strides = array<i32>} : memref<4x128x32xf32, #tpu.memory_space<vmem>>, vector<16xf32>,
      %get3A_3110 = arith.constant 122 : i32
      %get3A_3111 = arith.index_cast %rem3A_423 : i32 to index
      %get3A_3112 = arith.index_cast %get3A_3110 : i32 to index
      %get3A_3113 = arith.constant 0 : index
      %get3A_3114 = tpu.vector_load %arg8[%get3A_3111, %get3A_3112, %get3A_3113] {strides = array<i32>} : memref<4x128x32xf32, #tpu.memory_space<vmem>>, vector<16xf32>,
      %get3A_3115 = arith.constant 122 : i32
      %get3A_3116 = arith.index_cast %rem3A_423 : i32 to index
      %get3A_3117 = arith.index_cast %get3A_3115 : i32 to index
      %get3A_3118 = arith.constant 16 : index
      %get3A_3119 = tpu.vector_load %arg8[%get3A_3116, %get3A_3117, %get3A_3118] {strides = array<i32>} : memref<4x128x32xf32, #tpu.memory_space<vmem>>, vector<16xf32>,
      %get3A_3120 = arith.constant 123 : i32
      %get3A_3121 = arith.index_cast %rem3A_423 : i32 to index
      %get3A_3122 = arith.index_cast %get3A_3120 : i32 to index
      %get3A_3123 = arith.constant 0 : index
      %get3A_3124 = tpu.vector_load %arg8[%get3A_3121, %get3A_3122, %get3A_3123] {strides = array<i32>} : memref<4x128x32xf32, #tpu.memory_space<vmem>>, vector<16xf32>,
      %get3A_3125 = arith.constant 123 : i32
      %get3A_3126 = arith.index_cast %rem3A_423 : i32 to index
      %get3A_3127 = arith.index_cast %get3A_3125 : i32 to index
      %get3A_3128 = arith.constant 16 : index
      %get3A_3129 = tpu.vector_load %arg8[%get3A_3126, %get3A_3127, %get3A_3128] {strides = array<i32>} : memref<4x128x32xf32, #tpu.memory_space<vmem>>, vector<16xf32>,
      %get3A_3130 = arith.constant 124 : i32
      %get3A_3131 = arith.index_cast %rem3A_423 : i32 to index
      %get3A_3132 = arith.index_cast %get3A_3130 : i32 to index
      %get3A_3133 = arith.constant 0 : index
      %get3A_3134 = tpu.vector_load %arg8[%get3A_3131, %get3A_3132, %get3A_3133] {strides = array<i32>} : memref<4x128x32xf32, #tpu.memory_space<vmem>>, vector<16xf32>,
      %get3A_3135 = arith.constant 124 : i32
      %get3A_3136 = arith.index_cast %rem3A_423 : i32 to index
      %get3A_3137 = arith.index_cast %get3A_3135 : i32 to index
      %get3A_3138 = arith.constant 16 : index
      %get3A_3139 = tpu.vector_load %arg8[%get3A_3136, %get3A_3137, %get3A_3138] {strides = array<i32>} : memref<4x128x32xf32, #tpu.memory_space<vmem>>, vector<16xf32>,
      %get3A_3140 = arith.constant 125 : i32
      %get3A_3141 = arith.index_cast %rem3A_423 : i32 to index
      %get3A_3142 = arith.index_cast %get3A_3140 : i32 to index
      %get3A_3143 = arith.constant 0 : index
      %get3A_3144 = tpu.vector_load %arg8[%get3A_3141, %get3A_3142, %get3A_3143] {strides = array<i32>} : memref<4x128x32xf32, #tpu.memory_space<vmem>>, vector<16xf32>,
      %get3A_3145 = arith.constant 125 : i32
      %get3A_3146 = arith.index_cast %rem3A_423 : i32 to index
      %get3A_3147 = arith.index_cast %get3A_3145 : i32 to index
      %get3A_3148 = arith.constant 16 : index
      %get3A_3149 = tpu.vector_load %arg8[%get3A_3146, %get3A_3147, %get3A_3148] {strides = array<i32>} : memref<4x128x32xf32, #tpu.memory_space<vmem>>, vector<16xf32>,
      %get3A_3150 = arith.constant 126 : i32
      %get3A_3151 = arith.index_cast %rem3A_423 : i32 to index
      %get3A_3152 = arith.index_cast %get3A_3150 : i32 to index
      %get3A_3153 = arith.constant 0 : index
      %get3A_3154 = tpu.vector_load %arg8[%get3A_3151, %get3A_3152, %get3A_3153] {strides = array<i32>} : memref<4x128x32xf32, #tpu.memory_space<vmem>>, vector<16xf32>,
      %get3A_3155 = arith.constant 126 : i32
      %get3A_3156 = arith.index_cast %rem3A_423 : i32 to index
      %get3A_3157 = arith.index_cast %get3A_3155 : i32 to index
      %get3A_3158 = arith.constant 16 : index
      %get3A_3159 = tpu.vector_load %arg8[%get3A_3156, %get3A_3157, %get3A_3158] {strides = array<i32>} : memref<4x128x32xf32, #tpu.memory_space<vmem>>, vector<16xf32>,
      %get3A_3160 = arith.constant 127 : i32
      %get3A_3161 = arith.index_cast %rem3A_423 : i32 to index
      %get3A_3162 = arith.index_cast %get3A_3160 : i32 to index
      %get3A_3163 = arith.constant 0 : index
      %get3A_3164 = tpu.vector_load %arg8[%get3A_3161, %get3A_3162, %get3A_3163] {strides = array<i32>} : memref<4x128x32xf32, #tpu.memory_space<vmem>>, vector<16xf32>,
      %get3A_3165 = arith.constant 127 : i32
      %get3A_3166 = arith.index_cast %rem3A_423 : i32 to index
      %get3A_3167 = arith.index_cast %get3A_3165 : i32 to index
      %get3A_3168 = arith.constant 16 : index
      %get3A_3169 = tpu.vector_load %arg8[%get3A_3166, %get3A_3167, %get3A_3168] {strides = array<i32>} : memref<4x128x32xf32, #tpu.memory_space<vmem>>, vector<16xf32>,
      %broadcast_in_dim3A_3170 = arith.constant 120 : i32
      %broadcast_in_dim3A_3171 = vector.broadcast %broadcast_in_dim3A_3170 : i32 to vector<16xi32>
      %add3A_3172 = arith.addf %get3A_3094, %gather3A : vector<16xf32>
      %scatter3A_3173 = arith.constant 0 : i32
      %scatter3A_3174 = arith.constant 0 : i32
      %scatter3A_3175 = tpu.memref_slice %arg9[%rem3A_423, %scatter3A_3173, %scatter3A_3174] : memref<4x32x129xf32, #tpu.memory_space<vmem>> -> memref<1x32x129xf32, #tpu.memory_space<vmem>>
      %scatter3A_3176 = tpu.memref_squeeze %scatter3A_3175 : memref<1x32x129xf32, #tpu.memory_space<vmem>> -> memref<32x129xf32, #tpu.memory_space<vmem>>
      tpu.vector_store_idx %scatter3A_3176[%iota3A, %broadcast_in_dim3A_3171], %add3A_3172 : memref<32x129xf32, #tpu.memory_space<vmem>>[vector<16xi32>, vector<16xi32>], vector<16xf32>,
      %add3A_3177 = arith.addf %get3A_3099, %gather3A_451 : vector<16xf32>
      %scatter3A_3178 = arith.constant 0 : i32
      %scatter3A_3179 = arith.constant 0 : i32
      %scatter3A_3180 = tpu.memref_slice %arg9[%rem3A_423, %scatter3A_3178, %scatter3A_3179] : memref<4x32x129xf32, #tpu.memory_space<vmem>> -> memref<1x32x129xf32, #tpu.memory_space<vmem>>
      %scatter3A_3181 = tpu.memref_squeeze %scatter3A_3180 : memref<1x32x129xf32, #tpu.memory_space<vmem>> -> memref<32x129xf32, #tpu.memory_space<vmem>>
      tpu.vector_store_idx %scatter3A_3181[%add3A_49, %broadcast_in_dim3A_3171], %add3A_3177 : memref<32x129xf32, #tpu.memory_space<vmem>>[vector<16xi32>, vector<16xi32>], vector<16xf32>,
      %broadcast_in_dim3A_3182 = arith.constant 121 : i32
      %broadcast_in_dim3A_3183 = vector.broadcast %broadcast_in_dim3A_3182 : i32 to vector<16xi32>
      %add3A_3184 = arith.addf %get3A_3104, %gather3A : vector<16xf32>
      %scatter3A_3185 = arith.constant 0 : i32
      %scatter3A_3186 = arith.constant 0 : i32
      %scatter3A_3187 = tpu.memref_slice %arg9[%rem3A_423, %scatter3A_3185, %scatter3A_3186] : memref<4x32x129xf32, #tpu.memory_space<vmem>> -> memref<1x32x129xf32, #tpu.memory_space<vmem>>
      %scatter3A_3188 = tpu.memref_squeeze %scatter3A_3187 : memref<1x32x129xf32, #tpu.memory_space<vmem>> -> memref<32x129xf32, #tpu.memory_space<vmem>>
      tpu.vector_store_idx %scatter3A_3188[%iota3A, %broadcast_in_dim3A_3183], %add3A_3184 : memref<32x129xf32, #tpu.memory_space<vmem>>[vector<16xi32>, vector<16xi32>], vector<16xf32>,
      %add3A_3189 = arith.addf %get3A_3109, %gather3A_451 : vector<16xf32>
      %scatter3A_3190 = arith.constant 0 : i32
      %scatter3A_3191 = arith.constant 0 : i32
      %scatter3A_3192 = tpu.memref_slice %arg9[%rem3A_423, %scatter3A_3190, %scatter3A_3191] : memref<4x32x129xf32, #tpu.memory_space<vmem>> -> memref<1x32x129xf32, #tpu.memory_space<vmem>>
      %scatter3A_3193 = tpu.memref_squeeze %scatter3A_3192 : memref<1x32x129xf32, #tpu.memory_space<vmem>> -> memref<32x129xf32, #tpu.memory_space<vmem>>
      tpu.vector_store_idx %scatter3A_3193[%add3A_49, %broadcast_in_dim3A_3183], %add3A_3189 : memref<32x129xf32, #tpu.memory_space<vmem>>[vector<16xi32>, vector<16xi32>], vector<16xf32>,
      %broadcast_in_dim3A_3194 = arith.constant 122 : i32
      %broadcast_in_dim3A_3195 = vector.broadcast %broadcast_in_dim3A_3194 : i32 to vector<16xi32>
      %add3A_3196 = arith.addf %get3A_3114, %gather3A : vector<16xf32>
      %scatter3A_3197 = arith.constant 0 : i32
      %scatter3A_3198 = arith.constant 0 : i32
      %scatter3A_3199 = tpu.memref_slice %arg9[%rem3A_423, %scatter3A_3197, %scatter3A_3198] : memref<4x32x129xf32, #tpu.memory_space<vmem>> -> memref<1x32x129xf32, #tpu.memory_space<vmem>>
      %scatter3A_3200 = tpu.memref_squeeze %scatter3A_3199 : memref<1x32x129xf32, #tpu.memory_space<vmem>> -> memref<32x129xf32, #tpu.memory_space<vmem>>
      tpu.vector_store_idx %scatter3A_3200[%iota3A, %broadcast_in_dim3A_3195], %add3A_3196 : memref<32x129xf32, #tpu.memory_space<vmem>>[vector<16xi32>, vector<16xi32>], vector<16xf32>,
      %add3A_3201 = arith.addf %get3A_3119, %gather3A_451 : vector<16xf32>
      %scatter3A_3202 = arith.constant 0 : i32
      %scatter3A_3203 = arith.constant 0 : i32
      %scatter3A_3204 = tpu.memref_slice %arg9[%rem3A_423, %scatter3A_3202, %scatter3A_3203] : memref<4x32x129xf32, #tpu.memory_space<vmem>> -> memref<1x32x129xf32, #tpu.memory_space<vmem>>
      %scatter3A_3205 = tpu.memref_squeeze %scatter3A_3204 : memref<1x32x129xf32, #tpu.memory_space<vmem>> -> memref<32x129xf32, #tpu.memory_space<vmem>>
      tpu.vector_store_idx %scatter3A_3205[%add3A_49, %broadcast_in_dim3A_3195], %add3A_3201 : memref<32x129xf32, #tpu.memory_space<vmem>>[vector<16xi32>, vector<16xi32>], vector<16xf32>,
      %broadcast_in_dim3A_3206 = arith.constant 123 : i32
      %broadcast_in_dim3A_3207 = vector.broadcast %broadcast_in_dim3A_3206 : i32 to vector<16xi32>
      %add3A_3208 = arith.addf %get3A_3124, %gather3A : vector<16xf32>
      %scatter3A_3209 = arith.constant 0 : i32
      %scatter3A_3210 = arith.constant 0 : i32
      %scatter3A_3211 = tpu.memref_slice %arg9[%rem3A_423, %scatter3A_3209, %scatter3A_3210] : memref<4x32x129xf32, #tpu.memory_space<vmem>> -> memref<1x32x129xf32, #tpu.memory_space<vmem>>
      %scatter3A_3212 = tpu.memref_squeeze %scatter3A_3211 : memref<1x32x129xf32, #tpu.memory_space<vmem>> -> memref<32x129xf32, #tpu.memory_space<vmem>>
      tpu.vector_store_idx %scatter3A_3212[%iota3A, %broadcast_in_dim3A_3207], %add3A_3208 : memref<32x129xf32, #tpu.memory_space<vmem>>[vector<16xi32>, vector<16xi32>], vector<16xf32>,
      %add3A_3213 = arith.addf %get3A_3129, %gather3A_451 : vector<16xf32>
      %scatter3A_3214 = arith.constant 0 : i32
      %scatter3A_3215 = arith.constant 0 : i32
      %scatter3A_3216 = tpu.memref_slice %arg9[%rem3A_423, %scatter3A_3214, %scatter3A_3215] : memref<4x32x129xf32, #tpu.memory_space<vmem>> -> memref<1x32x129xf32, #tpu.memory_space<vmem>>
      %scatter3A_3217 = tpu.memref_squeeze %scatter3A_3216 : memref<1x32x129xf32, #tpu.memory_space<vmem>> -> memref<32x129xf32, #tpu.memory_space<vmem>>
      tpu.vector_store_idx %scatter3A_3217[%add3A_49, %broadcast_in_dim3A_3207], %add3A_3213 : memref<32x129xf32, #tpu.memory_space<vmem>>[vector<16xi32>, vector<16xi32>], vector<16xf32>,
      %broadcast_in_dim3A_3218 = arith.constant 124 : i32
      %broadcast_in_dim3A_3219 = vector.broadcast %broadcast_in_dim3A_3218 : i32 to vector<16xi32>
      %add3A_3220 = arith.addf %get3A_3134, %gather3A : vector<16xf32>
      %scatter3A_3221 = arith.constant 0 : i32
      %scatter3A_3222 = arith.constant 0 : i32
      %scatter3A_3223 = tpu.memref_slice %arg9[%rem3A_423, %scatter3A_3221, %scatter3A_3222] : memref<4x32x129xf32, #tpu.memory_space<vmem>> -> memref<1x32x129xf32, #tpu.memory_space<vmem>>
      %scatter3A_3224 = tpu.memref_squeeze %scatter3A_3223 : memref<1x32x129xf32, #tpu.memory_space<vmem>> -> memref<32x129xf32, #tpu.memory_space<vmem>>
      tpu.vector_store_idx %scatter3A_3224[%iota3A, %broadcast_in_dim3A_3219], %add3A_3220 : memref<32x129xf32, #tpu.memory_space<vmem>>[vector<16xi32>, vector<16xi32>], vector<16xf32>,
      %add3A_3225 = arith.addf %get3A_3139, %gather3A_451 : vector<16xf32>
      %scatter3A_3226 = arith.constant 0 : i32
      %scatter3A_3227 = arith.constant 0 : i32
      %scatter3A_3228 = tpu.memref_slice %arg9[%rem3A_423, %scatter3A_3226, %scatter3A_3227] : memref<4x32x129xf32, #tpu.memory_space<vmem>> -> memref<1x32x129xf32, #tpu.memory_space<vmem>>
      %scatter3A_3229 = tpu.memref_squeeze %scatter3A_3228 : memref<1x32x129xf32, #tpu.memory_space<vmem>> -> memref<32x129xf32, #tpu.memory_space<vmem>>
      tpu.vector_store_idx %scatter3A_3229[%add3A_49, %broadcast_in_dim3A_3219], %add3A_3225 : memref<32x129xf32, #tpu.memory_space<vmem>>[vector<16xi32>, vector<16xi32>], vector<16xf32>,
      %broadcast_in_dim3A_3230 = arith.constant 125 : i32
      %broadcast_in_dim3A_3231 = vector.broadcast %broadcast_in_dim3A_3230 : i32 to vector<16xi32>
      %add3A_3232 = arith.addf %get3A_3144, %gather3A : vector<16xf32>
      %scatter3A_3233 = arith.constant 0 : i32
      %scatter3A_3234 = arith.constant 0 : i32
      %scatter3A_3235 = tpu.memref_slice %arg9[%rem3A_423, %scatter3A_3233, %scatter3A_3234] : memref<4x32x129xf32, #tpu.memory_space<vmem>> -> memref<1x32x129xf32, #tpu.memory_space<vmem>>
      %scatter3A_3236 = tpu.memref_squeeze %scatter3A_3235 : memref<1x32x129xf32, #tpu.memory_space<vmem>> -> memref<32x129xf32, #tpu.memory_space<vmem>>
      tpu.vector_store_idx %scatter3A_3236[%iota3A, %broadcast_in_dim3A_3231], %add3A_3232 : memref<32x129xf32, #tpu.memory_space<vmem>>[vector<16xi32>, vector<16xi32>], vector<16xf32>,
      %add3A_3237 = arith.addf %get3A_3149, %gather3A_451 : vector<16xf32>
      %scatter3A_3238 = arith.constant 0 : i32
      %scatter3A_3239 = arith.constant 0 : i32
      %scatter3A_3240 = tpu.memref_slice %arg9[%rem3A_423, %scatter3A_3238, %scatter3A_3239] : memref<4x32x129xf32, #tpu.memory_space<vmem>> -> memref<1x32x129xf32, #tpu.memory_space<vmem>>
      %scatter3A_3241 = tpu.memref_squeeze %scatter3A_3240 : memref<1x32x129xf32, #tpu.memory_space<vmem>> -> memref<32x129xf32, #tpu.memory_space<vmem>>
      tpu.vector_store_idx %scatter3A_3241[%add3A_49, %broadcast_in_dim3A_3231], %add3A_3237 : memref<32x129xf32, #tpu.memory_space<vmem>>[vector<16xi32>, vector<16xi32>], vector<16xf32>,
      %broadcast_in_dim3A_3242 = arith.constant 126 : i32
      %broadcast_in_dim3A_3243 = vector.broadcast %broadcast_in_dim3A_3242 : i32 to vector<16xi32>
      %add3A_3244 = arith.addf %get3A_3154, %gather3A : vector<16xf32>
      %scatter3A_3245 = arith.constant 0 : i32
      %scatter3A_3246 = arith.constant 0 : i32
      %scatter3A_3247 = tpu.memref_slice %arg9[%rem3A_423, %scatter3A_3245, %scatter3A_3246] : memref<4x32x129xf32, #tpu.memory_space<vmem>> -> memref<1x32x129xf32, #tpu.memory_space<vmem>>
      %scatter3A_3248 = tpu.memref_squeeze %scatter3A_3247 : memref<1x32x129xf32, #tpu.memory_space<vmem>> -> memref<32x129xf32, #tpu.memory_space<vmem>>
      tpu.vector_store_idx %scatter3A_3248[%iota3A, %broadcast_in_dim3A_3243], %add3A_3244 : memref<32x129xf32, #tpu.memory_space<vmem>>[vector<16xi32>, vector<16xi32>], vector<16xf32>,
      %add3A_3249 = arith.addf %get3A_3159, %gather3A_451 : vector<16xf32>
      %scatter3A_3250 = arith.constant 0 : i32
      %scatter3A_3251 = arith.constant 0 : i32
      %scatter3A_3252 = tpu.memref_slice %arg9[%rem3A_423, %scatter3A_3250, %scatter3A_3251] : memref<4x32x129xf32, #tpu.memory_space<vmem>> -> memref<1x32x129xf32, #tpu.memory_space<vmem>>
      %scatter3A_3253 = tpu.memref_squeeze %scatter3A_3252 : memref<1x32x129xf32, #tpu.memory_space<vmem>> -> memref<32x129xf32, #tpu.memory_space<vmem>>
      tpu.vector_store_idx %scatter3A_3253[%add3A_49, %broadcast_in_dim3A_3243], %add3A_3249 : memref<32x129xf32, #tpu.memory_space<vmem>>[vector<16xi32>, vector<16xi32>], vector<16xf32>,
      %broadcast_in_dim3A_3254 = arith.constant 127 : i32
      %broadcast_in_dim3A_3255 = vector.broadcast %broadcast_in_dim3A_3254 : i32 to vector<16xi32>
      %add3A_3256 = arith.addf %get3A_3164, %gather3A : vector<16xf32>
      %scatter3A_3257 = arith.constant 0 : i32
      %scatter3A_3258 = arith.constant 0 : i32
      %scatter3A_3259 = tpu.memref_slice %arg9[%rem3A_423, %scatter3A_3257, %scatter3A_3258] : memref<4x32x129xf32, #tpu.memory_space<vmem>> -> memref<1x32x129xf32, #tpu.memory_space<vmem>>
      %scatter3A_3260 = tpu.memref_squeeze %scatter3A_3259 : memref<1x32x129xf32, #tpu.memory_space<vmem>> -> memref<32x129xf32, #tpu.memory_space<vmem>>
      tpu.vector_store_idx %scatter3A_3260[%iota3A, %broadcast_in_dim3A_3255], %add3A_3256 : memref<32x129xf32, #tpu.memory_space<vmem>>[vector<16xi32>, vector<16xi32>], vector<16xf32>,
      %add3A_3261 = arith.addf %get3A_3169, %gather3A_451 : vector<16xf32>
      %scatter3A_3262 = arith.constant 0 : i32
      %scatter3A_3263 = arith.constant 0 : i32
      %scatter3A_3264 = tpu.memref_slice %arg9[%rem3A_423, %scatter3A_3262, %scatter3A_3263] : memref<4x32x129xf32, #tpu.memory_space<vmem>> -> memref<1x32x129xf32, #tpu.memory_space<vmem>>
      %scatter3A_3265 = tpu.memref_squeeze %scatter3A_3264 : memref<1x32x129xf32, #tpu.memory_space<vmem>> -> memref<32x129xf32, #tpu.memory_space<vmem>>
      tpu.vector_store_idx %scatter3A_3265[%add3A_49, %broadcast_in_dim3A_3255], %add3A_3261 : memref<32x129xf32, #tpu.memory_space<vmem>>[vector<16xi32>, vector<16xi32>], vector<16xf32>,
      %dma_start3A_3266 = arith.constant 0 : i32
      %dma_start3A_3267 = arith.constant 0 : i32
      %dma_start3A_3268 = arith.constant 0 : i32
      %dma_start3A_3269 = tpu.memref_slice %arg9[%rem3A_423, %dma_start3A_3267, %dma_start3A_3268] : memref<4x32x129xf32, #tpu.memory_space<vmem>> -> memref<1x8x128xf32, #tpu.memory_space<vmem>>
      %dma_start3A_3270 = tpu.memref_squeeze %dma_start3A_3269 : memref<1x8x128xf32, #tpu.memory_space<vmem>> -> memref<8x128xf32, #tpu.memory_space<vmem>>
      %dma_start3A_3271 = arith.constant 0 : i32
      %dma_start3A_3272 = arith.constant 0 : i32
      %dma_start3A_3273 = tpu.memref_slice %arg5[%scan3A_422, %dma_start3A_3266, %add3A, %dma_start3A_3271, %dma_start3A_3272] : memref<200x4x32x8x128xf32, #tpu.memory_space<hbm>> -> memref<1x1x1x8x128xf32, #tpu.memory_space<hbm>>
      %dma_start3A_3274 = tpu.memref_squeeze %dma_start3A_3273 : memref<1x1x1x8x128xf32, #tpu.memory_space<hbm>> -> memref<8x128xf32, #tpu.memory_space<hbm>>
      %dma_start3A_3275 = tpu.memref_slice %arg11[%rem3A_423] : memref<4x!tpu.dma_semaphore, #tpu.memory_space<semaphore_mem>> -> memref<1x!tpu.dma_semaphore, #tpu.memory_space<semaphore_mem>>
      %dma_start3A_3276 = tpu.memref_squeeze %dma_start3A_3275 : memref<1x!tpu.dma_semaphore, #tpu.memory_space<semaphore_mem>> -> memref<!tpu.dma_semaphore, #tpu.memory_space<semaphore_mem>>
      %dma_start3A_3277 = arith.constant 0 : i32
      %dma_start3A_3278 = arith.constant 0 : i32
      %dma_start3A_3279 = tpu.memref_slice %arg5[%scan3A_422, %dma_start3A_3266, %add3A, %dma_start3A_3277, %dma_start3A_3278] : memref<200x4x32x8x128xf32, #tpu.memory_space<hbm>> -> memref<1x1x1x8x128xf32, #tpu.memory_space<hbm>>
      %dma_start3A_3280 = tpu.memref_squeeze %dma_start3A_3279 : memref<1x1x1x8x128xf32, #tpu.memory_space<hbm>> -> memref<8x128xf32, #tpu.memory_space<hbm>>
      %dma_start3A_3281 = arith.constant 0 : i32
      %dma_start3A_3282 = arith.constant 0 : i32
      %dma_start3A_3283 = tpu.memref_slice %arg9[%rem3A_423, %dma_start3A_3281, %dma_start3A_3282] : memref<4x32x129xf32, #tpu.memory_space<vmem>> -> memref<1x8x128xf32, #tpu.memory_space<vmem>>
      %dma_start3A_3284 = tpu.memref_squeeze %dma_start3A_3283 : memref<1x8x128xf32, #tpu.memory_space<vmem>> -> memref<8x128xf32, #tpu.memory_space<vmem>>
      tpu.enqueue_dma source(%dma_start3A_3284 : memref<8x128xf32, #tpu.memory_space<vmem>>) target(%dma_start3A_3280 : memref<8x128xf32, #tpu.memory_space<hbm>>) target_semaphore(%dma_start3A_3276 : memref<!tpu.dma_semaphore, #tpu.memory_space<semaphore_mem>>)
      %dma_start3A_3285 = arith.constant 1 : i32
      %dma_start3A_3286 = arith.constant 8 : i32
      %dma_start3A_3287 = arith.constant 0 : i32
      %dma_start3A_3288 = tpu.memref_slice %arg9[%rem3A_423, %dma_start3A_3286, %dma_start3A_3287] : memref<4x32x129xf32, #tpu.memory_space<vmem>> -> memref<1x8x128xf32, #tpu.memory_space<vmem>>
      %dma_start3A_3289 = tpu.memref_squeeze %dma_start3A_3288 : memref<1x8x128xf32, #tpu.memory_space<vmem>> -> memref<8x128xf32, #tpu.memory_space<vmem>>
      %dma_start3A_3290 = arith.constant 0 : i32
      %dma_start3A_3291 = arith.constant 0 : i32
      %dma_start3A_3292 = tpu.memref_slice %arg5[%scan3A_422, %dma_start3A_3285, %add3A, %dma_start3A_3290, %dma_start3A_3291] : memref<200x4x32x8x128xf32, #tpu.memory_space<hbm>> -> memref<1x1x1x8x128xf32, #tpu.memory_space<hbm>>
      %dma_start3A_3293 = tpu.memref_squeeze %dma_start3A_3292 : memref<1x1x1x8x128xf32, #tpu.memory_space<hbm>> -> memref<8x128xf32, #tpu.memory_space<hbm>>
      %dma_start3A_3294 = tpu.memref_slice %arg11[%rem3A_423] : memref<4x!tpu.dma_semaphore, #tpu.memory_space<semaphore_mem>> -> memref<1x!tpu.dma_semaphore, #tpu.memory_space<semaphore_mem>>
      %dma_start3A_3295 = tpu.memref_squeeze %dma_start3A_3294 : memref<1x!tpu.dma_semaphore, #tpu.memory_space<semaphore_mem>> -> memref<!tpu.dma_semaphore, #tpu.memory_space<semaphore_mem>>
      %dma_start3A_3296 = arith.constant 0 : i32
      %dma_start3A_3297 = arith.constant 0 : i32
      %dma_start3A_3298 = tpu.memref_slice %arg5[%scan3A_422, %dma_start3A_3285, %add3A, %dma_start3A_3296, %dma_start3A_3297] : memref<200x4x32x8x128xf32, #tpu.memory_space<hbm>> -> memref<1x1x1x8x128xf32, #tpu.memory_space<hbm>>
      %dma_start3A_3299 = tpu.memref_squeeze %dma_start3A_3298 : memref<1x1x1x8x128xf32, #tpu.memory_space<hbm>> -> memref<8x128xf32, #tpu.memory_space<hbm>>
      %dma_start3A_3300 = arith.constant 8 : i32
      %dma_start3A_3301 = arith.constant 0 : i32
      %dma_start3A_3302 = tpu.memref_slice %arg9[%rem3A_423, %dma_start3A_3300, %dma_start3A_3301] : memref<4x32x129xf32, #tpu.memory_space<vmem>> -> memref<1x8x128xf32, #tpu.memory_space<vmem>>
      %dma_start3A_3303 = tpu.memref_squeeze %dma_start3A_3302 : memref<1x8x128xf32, #tpu.memory_space<vmem>> -> memref<8x128xf32, #tpu.memory_space<vmem>>
      tpu.enqueue_dma source(%dma_start3A_3303 : memref<8x128xf32, #tpu.memory_space<vmem>>) target(%dma_start3A_3299 : memref<8x128xf32, #tpu.memory_space<hbm>>) target_semaphore(%dma_start3A_3295 : memref<!tpu.dma_semaphore, #tpu.memory_space<semaphore_mem>>)
      %dma_start3A_3304 = arith.constant 2 : i32
      %dma_start3A_3305 = arith.constant 16 : i32
      %dma_start3A_3306 = arith.constant 0 : i32
      %dma_start3A_3307 = tpu.memref_slice %arg9[%rem3A_423, %dma_start3A_3305, %dma_start3A_3306] : memref<4x32x129xf32, #tpu.memory_space<vmem>> -> memref<1x8x128xf32, #tpu.memory_space<vmem>>
      %dma_start3A_3308 = tpu.memref_squeeze %dma_start3A_3307 : memref<1x8x128xf32, #tpu.memory_space<vmem>> -> memref<8x128xf32, #tpu.memory_space<vmem>>
      %dma_start3A_3309 = arith.constant 0 : i32
      %dma_start3A_3310 = arith.constant 0 : i32
      %dma_start3A_3311 = tpu.memref_slice %arg5[%scan3A_422, %dma_start3A_3304, %add3A, %dma_start3A_3309, %dma_start3A_3310] : memref<200x4x32x8x128xf32, #tpu.memory_space<hbm>> -> memref<1x1x1x8x128xf32, #tpu.memory_space<hbm>>
      %dma_start3A_3312 = tpu.memref_squeeze %dma_start3A_3311 : memref<1x1x1x8x128xf32, #tpu.memory_space<hbm>> -> memref<8x128xf32, #tpu.memory_space<hbm>>
      %dma_start3A_3313 = tpu.memref_slice %arg11[%rem3A_423] : memref<4x!tpu.dma_semaphore, #tpu.memory_space<semaphore_mem>> -> memref<1x!tpu.dma_semaphore, #tpu.memory_space<semaphore_mem>>
      %dma_start3A_3314 = tpu.memref_squeeze %dma_start3A_3313 : memref<1x!tpu.dma_semaphore, #tpu.memory_space<semaphore_mem>> -> memref<!tpu.dma_semaphore, #tpu.memory_space<semaphore_mem>>
      %dma_start3A_3315 = arith.constant 0 : i32
      %dma_start3A_3316 = arith.constant 0 : i32
      %dma_start3A_3317 = tpu.memref_slice %arg5[%scan3A_422, %dma_start3A_3304, %add3A, %dma_start3A_3315, %dma_start3A_3316] : memref<200x4x32x8x128xf32, #tpu.memory_space<hbm>> -> memref<1x1x1x8x128xf32, #tpu.memory_space<hbm>>
      %dma_start3A_3318 = tpu.memref_squeeze %dma_start3A_3317 : memref<1x1x1x8x128xf32, #tpu.memory_space<hbm>> -> memref<8x128xf32, #tpu.memory_space<hbm>>
      %dma_start3A_3319 = arith.constant 16 : i32
      %dma_start3A_3320 = arith.constant 0 : i32
      %dma_start3A_3321 = tpu.memref_slice %arg9[%rem3A_423, %dma_start3A_3319, %dma_start3A_3320] : memref<4x32x129xf32, #tpu.memory_space<vmem>> -> memref<1x8x128xf32, #tpu.memory_space<vmem>>
      %dma_start3A_3322 = tpu.memref_squeeze %dma_start3A_3321 : memref<1x8x128xf32, #tpu.memory_space<vmem>> -> memref<8x128xf32, #tpu.memory_space<vmem>>
      tpu.enqueue_dma source(%dma_start3A_3322 : memref<8x128xf32, #tpu.memory_space<vmem>>) target(%dma_start3A_3318 : memref<8x128xf32, #tpu.memory_space<hbm>>) target_semaphore(%dma_start3A_3314 : memref<!tpu.dma_semaphore, #tpu.memory_space<semaphore_mem>>)
      %dma_start3A_3323 = arith.constant 3 : i32
      %dma_start3A_3324 = arith.constant 24 : i32
      %dma_start3A_3325 = arith.constant 0 : i32
      %dma_start3A_3326 = tpu.memref_slice %arg9[%rem3A_423, %dma_start3A_3324, %dma_start3A_3325] : memref<4x32x129xf32, #tpu.memory_space<vmem>> -> memref<1x8x128xf32, #tpu.memory_space<vmem>>
      %dma_start3A_3327 = tpu.memref_squeeze %dma_start3A_3326 : memref<1x8x128xf32, #tpu.memory_space<vmem>> -> memref<8x128xf32, #tpu.memory_space<vmem>>
      %dma_start3A_3328 = arith.constant 0 : i32
      %dma_start3A_3329 = arith.constant 0 : i32
      %dma_start3A_3330 = tpu.memref_slice %arg5[%scan3A_422, %dma_start3A_3323, %add3A, %dma_start3A_3328, %dma_start3A_3329] : memref<200x4x32x8x128xf32, #tpu.memory_space<hbm>> -> memref<1x1x1x8x128xf32, #tpu.memory_space<hbm>>
      %dma_start3A_3331 = tpu.memref_squeeze %dma_start3A_3330 : memref<1x1x1x8x128xf32, #tpu.memory_space<hbm>> -> memref<8x128xf32, #tpu.memory_space<hbm>>
      %dma_start3A_3332 = tpu.memref_slice %arg11[%rem3A_423] : memref<4x!tpu.dma_semaphore, #tpu.memory_space<semaphore_mem>> -> memref<1x!tpu.dma_semaphore, #tpu.memory_space<semaphore_mem>>
      %dma_start3A_3333 = tpu.memref_squeeze %dma_start3A_3332 : memref<1x!tpu.dma_semaphore, #tpu.memory_space<semaphore_mem>> -> memref<!tpu.dma_semaphore, #tpu.memory_space<semaphore_mem>>
      %dma_start3A_3334 = arith.constant 0 : i32
      %dma_start3A_3335 = arith.constant 0 : i32
      %dma_start3A_3336 = tpu.memref_slice %arg5[%scan3A_422, %dma_start3A_3323, %add3A, %dma_start3A_3334, %dma_start3A_3335] : memref<200x4x32x8x128xf32, #tpu.memory_space<hbm>> -> memref<1x1x1x8x128xf32, #tpu.memory_space<hbm>>
      %dma_start3A_3337 = tpu.memref_squeeze %dma_start3A_3336 : memref<1x1x1x8x128xf32, #tpu.memory_space<hbm>> -> memref<8x128xf32, #tpu.memory_space<hbm>>
      %dma_start3A_3338 = arith.constant 24 : i32
      %dma_start3A_3339 = arith.constant 0 : i32
      %dma_start3A_3340 = tpu.memref_slice %arg9[%rem3A_423, %dma_start3A_3338, %dma_start3A_3339] : memref<4x32x129xf32, #tpu.memory_space<vmem>> -> memref<1x8x128xf32, #tpu.memory_space<vmem>>
      %dma_start3A_3341 = tpu.memref_squeeze %dma_start3A_3340 : memref<1x8x128xf32, #tpu.memory_space<vmem>> -> memref<8x128xf32, #tpu.memory_space<vmem>>
      tpu.enqueue_dma source(%dma_start3A_3341 : memref<8x128xf32, #tpu.memory_space<vmem>>) target(%dma_start3A_3337 : memref<8x128xf32, #tpu.memory_space<hbm>>) target_semaphore(%dma_start3A_3333 : memref<!tpu.dma_semaphore, #tpu.memory_space<semaphore_mem>>)
    }
    %scan3A_54 = arith.constant 200 : i32
    %dma_wait3A = arith.constant 0 : i32
    %dma_wait3A_55 = arith.constant 0 : i32
    %dma_wait3A_56 = arith.constant 0 : i32
    %dma_wait3A_57 = arith.constant 0 : i32
    %dma_wait3A_58 = arith.constant 0 : i32
    %dma_wait3A_59 = arith.constant 0 : i32
    %dma_wait3A_60 = arith.constant 0 : i32
    %dma_wait3A_61 = tpu.memref_slice %arg9[%dma_wait3A, %dma_wait3A_59, %dma_wait3A_60] : memref<4x32x129xf32, #tpu.memory_space<vmem>> -> memref<1x8x128xf32, #tpu.memory_space<vmem>>
    %dma_wait3A_62 = tpu.memref_squeeze %dma_wait3A_61 : memref<1x8x128xf32, #tpu.memory_space<vmem>> -> memref<8x128xf32, #tpu.memory_space<vmem>>
    %dma_wait3A_63 = arith.constant 0 : i32
    %dma_wait3A_64 = arith.constant 0 : i32
    %dma_wait3A_65 = tpu.memref_slice %arg5[%dma_wait3A_55, %dma_wait3A_56, %dma_wait3A_57, %dma_wait3A_63, %dma_wait3A_64] : memref<200x4x32x8x128xf32, #tpu.memory_space<hbm>> -> memref<1x1x1x8x128xf32, #tpu.memory_space<hbm>>
    %dma_wait3A_66 = tpu.memref_squeeze %dma_wait3A_65 : memref<1x1x1x8x128xf32, #tpu.memory_space<hbm>> -> memref<8x128xf32, #tpu.memory_space<hbm>>
    %dma_wait3A_67 = tpu.memref_slice %arg11[%dma_wait3A_58] : memref<4x!tpu.dma_semaphore, #tpu.memory_space<semaphore_mem>> -> memref<1x!tpu.dma_semaphore, #tpu.memory_space<semaphore_mem>>
    %dma_wait3A_68 = tpu.memref_squeeze %dma_wait3A_67 : memref<1x!tpu.dma_semaphore, #tpu.memory_space<semaphore_mem>> -> memref<!tpu.dma_semaphore, #tpu.memory_space<semaphore_mem>>
    %dma_wait3A_69 = arith.constant 0 : i32
    %dma_wait3A_70 = arith.constant 0 : i32
    %dma_wait3A_71 = tpu.memref_slice %arg5[%dma_wait3A_55, %dma_wait3A_56, %dma_wait3A_57, %dma_wait3A_69, %dma_wait3A_70] : memref<200x4x32x8x128xf32, #tpu.memory_space<hbm>> -> memref<1x1x1x8x128xf32, #tpu.memory_space<hbm>>
    %dma_wait3A_72 = tpu.memref_squeeze %dma_wait3A_71 : memref<1x1x1x8x128xf32, #tpu.memory_space<hbm>> -> memref<8x128xf32, #tpu.memory_space<hbm>>
    %dma_wait3A_73 = arith.constant 0 : i32
    %dma_wait3A_74 = arith.constant 0 : i32
    %dma_wait3A_75 = tpu.memref_slice %arg9[%dma_wait3A, %dma_wait3A_73, %dma_wait3A_74] : memref<4x32x129xf32, #tpu.memory_space<vmem>> -> memref<1x8x128xf32, #tpu.memory_space<vmem>>
    %dma_wait3A_76 = tpu.memref_squeeze %dma_wait3A_75 : memref<1x8x128xf32, #tpu.memory_space<vmem>> -> memref<8x128xf32, #tpu.memory_space<vmem>>
    tpu.wait_dma2 semaphore(%dma_wait3A_68 : memref<!tpu.dma_semaphore, #tpu.memory_space<semaphore_mem>>) src(%dma_wait3A_76 : memref<8x128xf32, #tpu.memory_space<vmem>>) dst(%dma_wait3A_72 : memref<8x128xf32, #tpu.memory_space<hbm>>)
    %dma_wait3A_77 = arith.constant 0 : i32
    %dma_wait3A_78 = arith.constant 0 : i32
    %dma_wait3A_79 = arith.constant 0 : i32
    %dma_wait3A_80 = arith.constant 0 : i32
    %dma_wait3A_81 = arith.constant 0 : i32
    %dma_wait3A_82 = arith.constant 8 : i32
    %dma_wait3A_83 = arith.constant 0 : i32
    %dma_wait3A_84 = tpu.memref_slice %arg9[%dma_wait3A_77, %dma_wait3A_82, %dma_wait3A_83] : memref<4x32x129xf32, #tpu.memory_space<vmem>> -> memref<1x8x128xf32, #tpu.memory_space<vmem>>
    %dma_wait3A_85 = tpu.memref_squeeze %dma_wait3A_84 : memref<1x8x128xf32, #tpu.memory_space<vmem>> -> memref<8x128xf32, #tpu.memory_space<vmem>>
    %dma_wait3A_86 = arith.constant 0 : i32
    %dma_wait3A_87 = arith.constant 0 : i32
    %dma_wait3A_88 = tpu.memref_slice %arg5[%dma_wait3A_78, %dma_wait3A_79, %dma_wait3A_80, %dma_wait3A_86, %dma_wait3A_87] : memref<200x4x32x8x128xf32, #tpu.memory_space<hbm>> -> memref<1x1x1x8x128xf32, #tpu.memory_space<hbm>>
    %dma_wait3A_89 = tpu.memref_squeeze %dma_wait3A_88 : memref<1x1x1x8x128xf32, #tpu.memory_space<hbm>> -> memref<8x128xf32, #tpu.memory_space<hbm>>
    %dma_wait3A_90 = tpu.memref_slice %arg11[%dma_wait3A_81] : memref<4x!tpu.dma_semaphore, #tpu.memory_space<semaphore_mem>> -> memref<1x!tpu.dma_semaphore, #tpu.memory_space<semaphore_mem>>
    %dma_wait3A_91 = tpu.memref_squeeze %dma_wait3A_90 : memref<1x!tpu.dma_semaphore, #tpu.memory_space<semaphore_mem>> -> memref<!tpu.dma_semaphore, #tpu.memory_space<semaphore_mem>>
    %dma_wait3A_92 = arith.constant 0 : i32
    %dma_wait3A_93 = arith.constant 0 : i32
    %dma_wait3A_94 = tpu.memref_slice %arg5[%dma_wait3A_78, %dma_wait3A_79, %dma_wait3A_80, %dma_wait3A_92, %dma_wait3A_93] : memref<200x4x32x8x128xf32, #tpu.memory_space<hbm>> -> memref<1x1x1x8x128xf32, #tpu.memory_space<hbm>>
    %dma_wait3A_95 = tpu.memref_squeeze %dma_wait3A_94 : memref<1x1x1x8x128xf32, #tpu.memory_space<hbm>> -> memref<8x128xf32, #tpu.memory_space<hbm>>
    %dma_wait3A_96 = arith.constant 8 : i32
    %dma_wait3A_97 = arith.constant 0 : i32
    %dma_wait3A_98 = tpu.memref_slice %arg9[%dma_wait3A_77, %dma_wait3A_96, %dma_wait3A_97] : memref<4x32x129xf32, #tpu.memory_space<vmem>> -> memref<1x8x128xf32, #tpu.memory_space<vmem>>
    %dma_wait3A_99 = tpu.memref_squeeze %dma_wait3A_98 : memref<1x8x128xf32, #tpu.memory_space<vmem>> -> memref<8x128xf32, #tpu.memory_space<vmem>>
    tpu.wait_dma2 semaphore(%dma_wait3A_91 : memref<!tpu.dma_semaphore, #tpu.memory_space<semaphore_mem>>) src(%dma_wait3A_99 : memref<8x128xf32, #tpu.memory_space<vmem>>) dst(%dma_wait3A_95 : memref<8x128xf32, #tpu.memory_space<hbm>>)
    %dma_wait3A_100 = arith.constant 0 : i32
    %dma_wait3A_101 = arith.constant 0 : i32
    %dma_wait3A_102 = arith.constant 0 : i32
    %dma_wait3A_103 = arith.constant 0 : i32
    %dma_wait3A_104 = arith.constant 0 : i32
    %dma_wait3A_105 = arith.constant 16 : i32
    %dma_wait3A_106 = arith.constant 0 : i32
    %dma_wait3A_107 = tpu.memref_slice %arg9[%dma_wait3A_100, %dma_wait3A_105, %dma_wait3A_106] : memref<4x32x129xf32, #tpu.memory_space<vmem>> -> memref<1x8x128xf32, #tpu.memory_space<vmem>>
    %dma_wait3A_108 = tpu.memref_squeeze %dma_wait3A_107 : memref<1x8x128xf32, #tpu.memory_space<vmem>> -> memref<8x128xf32, #tpu.memory_space<vmem>>
    %dma_wait3A_109 = arith.constant 0 : i32
    %dma_wait3A_110 = arith.constant 0 : i32
    %dma_wait3A_111 = tpu.memref_slice %arg5[%dma_wait3A_101, %dma_wait3A_102, %dma_wait3A_103, %dma_wait3A_109, %dma_wait3A_110] : memref<200x4x32x8x128xf32, #tpu.memory_space<hbm>> -> memref<1x1x1x8x128xf32, #tpu.memory_space<hbm>>
    %dma_wait3A_112 = tpu.memref_squeeze %dma_wait3A_111 : memref<1x1x1x8x128xf32, #tpu.memory_space<hbm>> -> memref<8x128xf32, #tpu.memory_space<hbm>>
    %dma_wait3A_113 = tpu.memref_slice %arg11[%dma_wait3A_104] : memref<4x!tpu.dma_semaphore, #tpu.memory_space<semaphore_mem>> -> memref<1x!tpu.dma_semaphore, #tpu.memory_space<semaphore_mem>>
    %dma_wait3A_114 = tpu.memref_squeeze %dma_wait3A_113 : memref<1x!tpu.dma_semaphore, #tpu.memory_space<semaphore_mem>> -> memref<!tpu.dma_semaphore, #tpu.memory_space<semaphore_mem>>
    %dma_wait3A_115 = arith.constant 0 : i32
    %dma_wait3A_116 = arith.constant 0 : i32
    %dma_wait3A_117 = tpu.memref_slice %arg5[%dma_wait3A_101, %dma_wait3A_102, %dma_wait3A_103, %dma_wait3A_115, %dma_wait3A_116] : memref<200x4x32x8x128xf32, #tpu.memory_space<hbm>> -> memref<1x1x1x8x128xf32, #tpu.memory_space<hbm>>
    %dma_wait3A_118 = tpu.memref_squeeze %dma_wait3A_117 : memref<1x1x1x8x128xf32, #tpu.memory_space<hbm>> -> memref<8x128xf32, #tpu.memory_space<hbm>>
    %dma_wait3A_119 = arith.constant 16 : i32
    %dma_wait3A_120 = arith.constant 0 : i32
    %dma_wait3A_121 = tpu.memref_slice %arg9[%dma_wait3A_100, %dma_wait3A_119, %dma_wait3A_120] : memref<4x32x129xf32, #tpu.memory_space<vmem>> -> memref<1x8x128xf32, #tpu.memory_space<vmem>>
    %dma_wait3A_122 = tpu.memref_squeeze %dma_wait3A_121 : memref<1x8x128xf32, #tpu.memory_space<vmem>> -> memref<8x128xf32, #tpu.memory_space<vmem>>
    tpu.wait_dma2 semaphore(%dma_wait3A_114 : memref<!tpu.dma_semaphore, #tpu.memory_space<semaphore_mem>>) src(%dma_wait3A_122 : memref<8x128xf32, #tpu.memory_space<vmem>>) dst(%dma_wait3A_118 : memref<8x128xf32, #tpu.memory_space<hbm>>)
    %dma_wait3A_123 = arith.constant 0 : i32
    %dma_wait3A_124 = arith.constant 0 : i32
    %dma_wait3A_125 = arith.constant 0 : i32
    %dma_wait3A_126 = arith.constant 0 : i32
    %dma_wait3A_127 = arith.constant 0 : i32
    %dma_wait3A_128 = arith.constant 24 : i32
    %dma_wait3A_129 = arith.constant 0 : i32
    %dma_wait3A_130 = tpu.memref_slice %arg9[%dma_wait3A_123, %dma_wait3A_128, %dma_wait3A_129] : memref<4x32x129xf32, #tpu.memory_space<vmem>> -> memref<1x8x128xf32, #tpu.memory_space<vmem>>
    %dma_wait3A_131 = tpu.memref_squeeze %dma_wait3A_130 : memref<1x8x128xf32, #tpu.memory_space<vmem>> -> memref<8x128xf32, #tpu.memory_space<vmem>>
    %dma_wait3A_132 = arith.constant 0 : i32
    %dma_wait3A_133 = arith.constant 0 : i32
    %dma_wait3A_134 = tpu.memref_slice %arg5[%dma_wait3A_124, %dma_wait3A_125, %dma_wait3A_126, %dma_wait3A_132, %dma_wait3A_133] : memref<200x4x32x8x128xf32, #tpu.memory_space<hbm>> -> memref<1x1x1x8x128xf32, #tpu.memory_space<hbm>>
    %dma_wait3A_135 = tpu.memref_squeeze %dma_wait3A_134 : memref<1x1x1x8x128xf32, #tpu.memory_space<hbm>> -> memref<8x128xf32, #tpu.memory_space<hbm>>
    %dma_wait3A_136 = tpu.memref_slice %arg11[%dma_wait3A_127] : memref<4x!tpu.dma_semaphore, #tpu.memory_space<semaphore_mem>> -> memref<1x!tpu.dma_semaphore, #tpu.memory_space<semaphore_mem>>
    %dma_wait3A_137 = tpu.memref_squeeze %dma_wait3A_136 : memref<1x!tpu.dma_semaphore, #tpu.memory_space<semaphore_mem>> -> memref<!tpu.dma_semaphore, #tpu.memory_space<semaphore_mem>>
    %dma_wait3A_138 = arith.constant 0 : i32
    %dma_wait3A_139 = arith.constant 0 : i32
    %dma_wait3A_140 = tpu.memref_slice %arg5[%dma_wait3A_124, %dma_wait3A_125, %dma_wait3A_126, %dma_wait3A_138, %dma_wait3A_139] : memref<200x4x32x8x128xf32, #tpu.memory_space<hbm>> -> memref<1x1x1x8x128xf32, #tpu.memory_space<hbm>>
    %dma_wait3A_141 = tpu.memref_squeeze %dma_wait3A_140 : memref<1x1x1x8x128xf32, #tpu.memory_space<hbm>> -> memref<8x128xf32, #tpu.memory_space<hbm>>
    %dma_wait3A_142 = arith.constant 24 : i32
    %dma_wait3A_143 = arith.constant 0 : i32
    %dma_wait3A_144 = tpu.memref_slice %arg9[%dma_wait3A_123, %dma_wait3A_142, %dma_wait3A_143] : memref<4x32x129xf32, #tpu.memory_space<vmem>> -> memref<1x8x128xf32, #tpu.memory_space<vmem>>
    %dma_wait3A_145 = tpu.memref_squeeze %dma_wait3A_144 : memref<1x8x128xf32, #tpu.memory_space<vmem>> -> memref<8x128xf32, #tpu.memory_space<vmem>>
    tpu.wait_dma2 semaphore(%dma_wait3A_137 : memref<!tpu.dma_semaphore, #tpu.memory_space<semaphore_mem>>) src(%dma_wait3A_145 : memref<8x128xf32, #tpu.memory_space<vmem>>) dst(%dma_wait3A_141 : memref<8x128xf32, #tpu.memory_space<hbm>>)
    %dma_wait3A_146 = arith.constant 1 : i32
    %dma_wait3A_147 = arith.constant 0 : i32
    %dma_wait3A_148 = arith.constant 0 : i32
    %dma_wait3A_149 = arith.constant 0 : i32
    %dma_wait3A_150 = arith.constant 1 : i32
    %dma_wait3A_151 = arith.constant 0 : i32
    %dma_wait3A_152 = arith.constant 0 : i32
    %dma_wait3A_153 = tpu.memref_slice %arg9[%dma_wait3A_146, %dma_wait3A_151, %dma_wait3A_152] : memref<4x32x129xf32, #tpu.memory_space<vmem>> -> memref<1x8x128xf32, #tpu.memory_space<vmem>>
    %dma_wait3A_154 = tpu.memref_squeeze %dma_wait3A_153 : memref<1x8x128xf32, #tpu.memory_space<vmem>> -> memref<8x128xf32, #tpu.memory_space<vmem>>
    %dma_wait3A_155 = arith.constant 0 : i32
    %dma_wait3A_156 = arith.constant 0 : i32
    %dma_wait3A_157 = tpu.memref_slice %arg5[%dma_wait3A_147, %dma_wait3A_148, %dma_wait3A_149, %dma_wait3A_155, %dma_wait3A_156] : memref<200x4x32x8x128xf32, #tpu.memory_space<hbm>> -> memref<1x1x1x8x128xf32, #tpu.memory_space<hbm>>
    %dma_wait3A_158 = tpu.memref_squeeze %dma_wait3A_157 : memref<1x1x1x8x128xf32, #tpu.memory_space<hbm>> -> memref<8x128xf32, #tpu.memory_space<hbm>>
    %dma_wait3A_159 = tpu.memref_slice %arg11[%dma_wait3A_150] : memref<4x!tpu.dma_semaphore, #tpu.memory_space<semaphore_mem>> -> memref<1x!tpu.dma_semaphore, #tpu.memory_space<semaphore_mem>>
    %dma_wait3A_160 = tpu.memref_squeeze %dma_wait3A_159 : memref<1x!tpu.dma_semaphore, #tpu.memory_space<semaphore_mem>> -> memref<!tpu.dma_semaphore, #tpu.memory_space<semaphore_mem>>
    %dma_wait3A_161 = arith.constant 0 : i32
    %dma_wait3A_162 = arith.constant 0 : i32
    %dma_wait3A_163 = tpu.memref_slice %arg5[%dma_wait3A_147, %dma_wait3A_148, %dma_wait3A_149, %dma_wait3A_161, %dma_wait3A_162] : memref<200x4x32x8x128xf32, #tpu.memory_space<hbm>> -> memref<1x1x1x8x128xf32, #tpu.memory_space<hbm>>
    %dma_wait3A_164 = tpu.memref_squeeze %dma_wait3A_163 : memref<1x1x1x8x128xf32, #tpu.memory_space<hbm>> -> memref<8x128xf32, #tpu.memory_space<hbm>>
    %dma_wait3A_165 = arith.constant 0 : i32
    %dma_wait3A_166 = arith.constant 0 : i32
    %dma_wait3A_167 = tpu.memref_slice %arg9[%dma_wait3A_146, %dma_wait3A_165, %dma_wait3A_166] : memref<4x32x129xf32, #tpu.memory_space<vmem>> -> memref<1x8x128xf32, #tpu.memory_space<vmem>>
    %dma_wait3A_168 = tpu.memref_squeeze %dma_wait3A_167 : memref<1x8x128xf32, #tpu.memory_space<vmem>> -> memref<8x128xf32, #tpu.memory_space<vmem>>
    tpu.wait_dma2 semaphore(%dma_wait3A_160 : memref<!tpu.dma_semaphore, #tpu.memory_space<semaphore_mem>>) src(%dma_wait3A_168 : memref<8x128xf32, #tpu.memory_space<vmem>>) dst(%dma_wait3A_164 : memref<8x128xf32, #tpu.memory_space<hbm>>)
    %dma_wait3A_169 = arith.constant 1 : i32
    %dma_wait3A_170 = arith.constant 0 : i32
    %dma_wait3A_171 = arith.constant 0 : i32
    %dma_wait3A_172 = arith.constant 0 : i32
    %dma_wait3A_173 = arith.constant 1 : i32
    %dma_wait3A_174 = arith.constant 8 : i32
    %dma_wait3A_175 = arith.constant 0 : i32
    %dma_wait3A_176 = tpu.memref_slice %arg9[%dma_wait3A_169, %dma_wait3A_174, %dma_wait3A_175] : memref<4x32x129xf32, #tpu.memory_space<vmem>> -> memref<1x8x128xf32, #tpu.memory_space<vmem>>
    %dma_wait3A_177 = tpu.memref_squeeze %dma_wait3A_176 : memref<1x8x128xf32, #tpu.memory_space<vmem>> -> memref<8x128xf32, #tpu.memory_space<vmem>>
    %dma_wait3A_178 = arith.constant 0 : i32
    %dma_wait3A_179 = arith.constant 0 : i32
    %dma_wait3A_180 = tpu.memref_slice %arg5[%dma_wait3A_170, %dma_wait3A_171, %dma_wait3A_172, %dma_wait3A_178, %dma_wait3A_179] : memref<200x4x32x8x128xf32, #tpu.memory_space<hbm>> -> memref<1x1x1x8x128xf32, #tpu.memory_space<hbm>>
    %dma_wait3A_181 = tpu.memref_squeeze %dma_wait3A_180 : memref<1x1x1x8x128xf32, #tpu.memory_space<hbm>> -> memref<8x128xf32, #tpu.memory_space<hbm>>
    %dma_wait3A_182 = tpu.memref_slice %arg11[%dma_wait3A_173] : memref<4x!tpu.dma_semaphore, #tpu.memory_space<semaphore_mem>> -> memref<1x!tpu.dma_semaphore, #tpu.memory_space<semaphore_mem>>
    %dma_wait3A_183 = tpu.memref_squeeze %dma_wait3A_182 : memref<1x!tpu.dma_semaphore, #tpu.memory_space<semaphore_mem>> -> memref<!tpu.dma_semaphore, #tpu.memory_space<semaphore_mem>>
    %dma_wait3A_184 = arith.constant 0 : i32
    %dma_wait3A_185 = arith.constant 0 : i32
    %dma_wait3A_186 = tpu.memref_slice %arg5[%dma_wait3A_170, %dma_wait3A_171, %dma_wait3A_172, %dma_wait3A_184, %dma_wait3A_185] : memref<200x4x32x8x128xf32, #tpu.memory_space<hbm>> -> memref<1x1x1x8x128xf32, #tpu.memory_space<hbm>>
    %dma_wait3A_187 = tpu.memref_squeeze %dma_wait3A_186 : memref<1x1x1x8x128xf32, #tpu.memory_space<hbm>> -> memref<8x128xf32, #tpu.memory_space<hbm>>
    %dma_wait3A_188 = arith.constant 8 : i32
    %dma_wait3A_189 = arith.constant 0 : i32
    %dma_wait3A_190 = tpu.memref_slice %arg9[%dma_wait3A_169, %dma_wait3A_188, %dma_wait3A_189] : memref<4x32x129xf32, #tpu.memory_space<vmem>> -> memref<1x8x128xf32, #tpu.memory_space<vmem>>
    %dma_wait3A_191 = tpu.memref_squeeze %dma_wait3A_190 : memref<1x8x128xf32, #tpu.memory_space<vmem>> -> memref<8x128xf32, #tpu.memory_space<vmem>>
    tpu.wait_dma2 semaphore(%dma_wait3A_183 : memref<!tpu.dma_semaphore, #tpu.memory_space<semaphore_mem>>) src(%dma_wait3A_191 : memref<8x128xf32, #tpu.memory_space<vmem>>) dst(%dma_wait3A_187 : memref<8x128xf32, #tpu.memory_space<hbm>>)
    %dma_wait3A_192 = arith.constant 1 : i32
    %dma_wait3A_193 = arith.constant 0 : i32
    %dma_wait3A_194 = arith.constant 0 : i32
    %dma_wait3A_195 = arith.constant 0 : i32
    %dma_wait3A_196 = arith.constant 1 : i32
    %dma_wait3A_197 = arith.constant 16 : i32
    %dma_wait3A_198 = arith.constant 0 : i32
    %dma_wait3A_199 = tpu.memref_slice %arg9[%dma_wait3A_192, %dma_wait3A_197, %dma_wait3A_198] : memref<4x32x129xf32, #tpu.memory_space<vmem>> -> memref<1x8x128xf32, #tpu.memory_space<vmem>>
    %dma_wait3A_200 = tpu.memref_squeeze %dma_wait3A_199 : memref<1x8x128xf32, #tpu.memory_space<vmem>> -> memref<8x128xf32, #tpu.memory_space<vmem>>
    %dma_wait3A_201 = arith.constant 0 : i32
    %dma_wait3A_202 = arith.constant 0 : i32
    %dma_wait3A_203 = tpu.memref_slice %arg5[%dma_wait3A_193, %dma_wait3A_194, %dma_wait3A_195, %dma_wait3A_201, %dma_wait3A_202] : memref<200x4x32x8x128xf32, #tpu.memory_space<hbm>> -> memref<1x1x1x8x128xf32, #tpu.memory_space<hbm>>
    %dma_wait3A_204 = tpu.memref_squeeze %dma_wait3A_203 : memref<1x1x1x8x128xf32, #tpu.memory_space<hbm>> -> memref<8x128xf32, #tpu.memory_space<hbm>>
    %dma_wait3A_205 = tpu.memref_slice %arg11[%dma_wait3A_196] : memref<4x!tpu.dma_semaphore, #tpu.memory_space<semaphore_mem>> -> memref<1x!tpu.dma_semaphore, #tpu.memory_space<semaphore_mem>>
    %dma_wait3A_206 = tpu.memref_squeeze %dma_wait3A_205 : memref<1x!tpu.dma_semaphore, #tpu.memory_space<semaphore_mem>> -> memref<!tpu.dma_semaphore, #tpu.memory_space<semaphore_mem>>
    %dma_wait3A_207 = arith.constant 0 : i32
    %dma_wait3A_208 = arith.constant 0 : i32
    %dma_wait3A_209 = tpu.memref_slice %arg5[%dma_wait3A_193, %dma_wait3A_194, %dma_wait3A_195, %dma_wait3A_207, %dma_wait3A_208] : memref<200x4x32x8x128xf32, #tpu.memory_space<hbm>> -> memref<1x1x1x8x128xf32, #tpu.memory_space<hbm>>
    %dma_wait3A_210 = tpu.memref_squeeze %dma_wait3A_209 : memref<1x1x1x8x128xf32, #tpu.memory_space<hbm>> -> memref<8x128xf32, #tpu.memory_space<hbm>>
    %dma_wait3A_211 = arith.constant 16 : i32
    %dma_wait3A_212 = arith.constant 0 : i32
    %dma_wait3A_213 = tpu.memref_slice %arg9[%dma_wait3A_192, %dma_wait3A_211, %dma_wait3A_212] : memref<4x32x129xf32, #tpu.memory_space<vmem>> -> memref<1x8x128xf32, #tpu.memory_space<vmem>>
    %dma_wait3A_214 = tpu.memref_squeeze %dma_wait3A_213 : memref<1x8x128xf32, #tpu.memory_space<vmem>> -> memref<8x128xf32, #tpu.memory_space<vmem>>
    tpu.wait_dma2 semaphore(%dma_wait3A_206 : memref<!tpu.dma_semaphore, #tpu.memory_space<semaphore_mem>>) src(%dma_wait3A_214 : memref<8x128xf32, #tpu.memory_space<vmem>>) dst(%dma_wait3A_210 : memref<8x128xf32, #tpu.memory_space<hbm>>)
    %dma_wait3A_215 = arith.constant 1 : i32
    %dma_wait3A_216 = arith.constant 0 : i32
    %dma_wait3A_217 = arith.constant 0 : i32
    %dma_wait3A_218 = arith.constant 0 : i32
    %dma_wait3A_219 = arith.constant 1 : i32
    %dma_wait3A_220 = arith.constant 24 : i32
    %dma_wait3A_221 = arith.constant 0 : i32
    %dma_wait3A_222 = tpu.memref_slice %arg9[%dma_wait3A_215, %dma_wait3A_220, %dma_wait3A_221] : memref<4x32x129xf32, #tpu.memory_space<vmem>> -> memref<1x8x128xf32, #tpu.memory_space<vmem>>
    %dma_wait3A_223 = tpu.memref_squeeze %dma_wait3A_222 : memref<1x8x128xf32, #tpu.memory_space<vmem>> -> memref<8x128xf32, #tpu.memory_space<vmem>>
    %dma_wait3A_224 = arith.constant 0 : i32
    %dma_wait3A_225 = arith.constant 0 : i32
    %dma_wait3A_226 = tpu.memref_slice %arg5[%dma_wait3A_216, %dma_wait3A_217, %dma_wait3A_218, %dma_wait3A_224, %dma_wait3A_225] : memref<200x4x32x8x128xf32, #tpu.memory_space<hbm>> -> memref<1x1x1x8x128xf32, #tpu.memory_space<hbm>>
    %dma_wait3A_227 = tpu.memref_squeeze %dma_wait3A_226 : memref<1x1x1x8x128xf32, #tpu.memory_space<hbm>> -> memref<8x128xf32, #tpu.memory_space<hbm>>
    %dma_wait3A_228 = tpu.memref_slice %arg11[%dma_wait3A_219] : memref<4x!tpu.dma_semaphore, #tpu.memory_space<semaphore_mem>> -> memref<1x!tpu.dma_semaphore, #tpu.memory_space<semaphore_mem>>
    %dma_wait3A_229 = tpu.memref_squeeze %dma_wait3A_228 : memref<1x!tpu.dma_semaphore, #tpu.memory_space<semaphore_mem>> -> memref<!tpu.dma_semaphore, #tpu.memory_space<semaphore_mem>>
    %dma_wait3A_230 = arith.constant 0 : i32
    %dma_wait3A_231 = arith.constant 0 : i32
    %dma_wait3A_232 = tpu.memref_slice %arg5[%dma_wait3A_216, %dma_wait3A_217, %dma_wait3A_218, %dma_wait3A_230, %dma_wait3A_231] : memref<200x4x32x8x128xf32, #tpu.memory_space<hbm>> -> memref<1x1x1x8x128xf32, #tpu.memory_space<hbm>>
    %dma_wait3A_233 = tpu.memref_squeeze %dma_wait3A_232 : memref<1x1x1x8x128xf32, #tpu.memory_space<hbm>> -> memref<8x128xf32, #tpu.memory_space<hbm>>
    %dma_wait3A_234 = arith.constant 24 : i32
    %dma_wait3A_235 = arith.constant 0 : i32
    %dma_wait3A_236 = tpu.memref_slice %arg9[%dma_wait3A_215, %dma_wait3A_234, %dma_wait3A_235] : memref<4x32x129xf32, #tpu.memory_space<vmem>> -> memref<1x8x128xf32, #tpu.memory_space<vmem>>
    %dma_wait3A_237 = tpu.memref_squeeze %dma_wait3A_236 : memref<1x8x128xf32, #tpu.memory_space<vmem>> -> memref<8x128xf32, #tpu.memory_space<vmem>>
    tpu.wait_dma2 semaphore(%dma_wait3A_229 : memref<!tpu.dma_semaphore, #tpu.memory_space<semaphore_mem>>) src(%dma_wait3A_237 : memref<8x128xf32, #tpu.memory_space<vmem>>) dst(%dma_wait3A_233 : memref<8x128xf32, #tpu.memory_space<hbm>>)
    %dma_wait3A_238 = arith.constant 2 : i32
    %dma_wait3A_239 = arith.constant 0 : i32
    %dma_wait3A_240 = arith.constant 0 : i32
    %dma_wait3A_241 = arith.constant 0 : i32
    %dma_wait3A_242 = arith.constant 2 : i32
    %dma_wait3A_243 = arith.constant 0 : i32
    %dma_wait3A_244 = arith.constant 0 : i32
    %dma_wait3A_245 = tpu.memref_slice %arg9[%dma_wait3A_238, %dma_wait3A_243, %dma_wait3A_244] : memref<4x32x129xf32, #tpu.memory_space<vmem>> -> memref<1x8x128xf32, #tpu.memory_space<vmem>>
    %dma_wait3A_246 = tpu.memref_squeeze %dma_wait3A_245 : memref<1x8x128xf32, #tpu.memory_space<vmem>> -> memref<8x128xf32, #tpu.memory_space<vmem>>
    %dma_wait3A_247 = arith.constant 0 : i32
    %dma_wait3A_248 = arith.constant 0 : i32
    %dma_wait3A_249 = tpu.memref_slice %arg5[%dma_wait3A_239, %dma_wait3A_240, %dma_wait3A_241, %dma_wait3A_247, %dma_wait3A_248] : memref<200x4x32x8x128xf32, #tpu.memory_space<hbm>> -> memref<1x1x1x8x128xf32, #tpu.memory_space<hbm>>
    %dma_wait3A_250 = tpu.memref_squeeze %dma_wait3A_249 : memref<1x1x1x8x128xf32, #tpu.memory_space<hbm>> -> memref<8x128xf32, #tpu.memory_space<hbm>>
    %dma_wait3A_251 = tpu.memref_slice %arg11[%dma_wait3A_242] : memref<4x!tpu.dma_semaphore, #tpu.memory_space<semaphore_mem>> -> memref<1x!tpu.dma_semaphore, #tpu.memory_space<semaphore_mem>>
    %dma_wait3A_252 = tpu.memref_squeeze %dma_wait3A_251 : memref<1x!tpu.dma_semaphore, #tpu.memory_space<semaphore_mem>> -> memref<!tpu.dma_semaphore, #tpu.memory_space<semaphore_mem>>
    %dma_wait3A_253 = arith.constant 0 : i32
    %dma_wait3A_254 = arith.constant 0 : i32
    %dma_wait3A_255 = tpu.memref_slice %arg5[%dma_wait3A_239, %dma_wait3A_240, %dma_wait3A_241, %dma_wait3A_253, %dma_wait3A_254] : memref<200x4x32x8x128xf32, #tpu.memory_space<hbm>> -> memref<1x1x1x8x128xf32, #tpu.memory_space<hbm>>
    %dma_wait3A_256 = tpu.memref_squeeze %dma_wait3A_255 : memref<1x1x1x8x128xf32, #tpu.memory_space<hbm>> -> memref<8x128xf32, #tpu.memory_space<hbm>>
    %dma_wait3A_257 = arith.constant 0 : i32
    %dma_wait3A_258 = arith.constant 0 : i32
    %dma_wait3A_259 = tpu.memref_slice %arg9[%dma_wait3A_238, %dma_wait3A_257, %dma_wait3A_258] : memref<4x32x129xf32, #tpu.memory_space<vmem>> -> memref<1x8x128xf32, #tpu.memory_space<vmem>>
    %dma_wait3A_260 = tpu.memref_squeeze %dma_wait3A_259 : memref<1x8x128xf32, #tpu.memory_space<vmem>> -> memref<8x128xf32, #tpu.memory_space<vmem>>
    tpu.wait_dma2 semaphore(%dma_wait3A_252 : memref<!tpu.dma_semaphore, #tpu.memory_space<semaphore_mem>>) src(%dma_wait3A_260 : memref<8x128xf32, #tpu.memory_space<vmem>>) dst(%dma_wait3A_256 : memref<8x128xf32, #tpu.memory_space<hbm>>)
    %dma_wait3A_261 = arith.constant 2 : i32
    %dma_wait3A_262 = arith.constant 0 : i32
    %dma_wait3A_263 = arith.constant 0 : i32
    %dma_wait3A_264 = arith.constant 0 : i32
    %dma_wait3A_265 = arith.constant 2 : i32
    %dma_wait3A_266 = arith.constant 8 : i32
    %dma_wait3A_267 = arith.constant 0 : i32
    %dma_wait3A_268 = tpu.memref_slice %arg9[%dma_wait3A_261, %dma_wait3A_266, %dma_wait3A_267] : memref<4x32x129xf32, #tpu.memory_space<vmem>> -> memref<1x8x128xf32, #tpu.memory_space<vmem>>
    %dma_wait3A_269 = tpu.memref_squeeze %dma_wait3A_268 : memref<1x8x128xf32, #tpu.memory_space<vmem>> -> memref<8x128xf32, #tpu.memory_space<vmem>>
    %dma_wait3A_270 = arith.constant 0 : i32
    %dma_wait3A_271 = arith.constant 0 : i32
    %dma_wait3A_272 = tpu.memref_slice %arg5[%dma_wait3A_262, %dma_wait3A_263, %dma_wait3A_264, %dma_wait3A_270, %dma_wait3A_271] : memref<200x4x32x8x128xf32, #tpu.memory_space<hbm>> -> memref<1x1x1x8x128xf32, #tpu.memory_space<hbm>>
    %dma_wait3A_273 = tpu.memref_squeeze %dma_wait3A_272 : memref<1x1x1x8x128xf32, #tpu.memory_space<hbm>> -> memref<8x128xf32, #tpu.memory_space<hbm>>
    %dma_wait3A_274 = tpu.memref_slice %arg11[%dma_wait3A_265] : memref<4x!tpu.dma_semaphore, #tpu.memory_space<semaphore_mem>> -> memref<1x!tpu.dma_semaphore, #tpu.memory_space<semaphore_mem>>
    %dma_wait3A_275 = tpu.memref_squeeze %dma_wait3A_274 : memref<1x!tpu.dma_semaphore, #tpu.memory_space<semaphore_mem>> -> memref<!tpu.dma_semaphore, #tpu.memory_space<semaphore_mem>>
    %dma_wait3A_276 = arith.constant 0 : i32
    %dma_wait3A_277 = arith.constant 0 : i32
    %dma_wait3A_278 = tpu.memref_slice %arg5[%dma_wait3A_262, %dma_wait3A_263, %dma_wait3A_264, %dma_wait3A_276, %dma_wait3A_277] : memref<200x4x32x8x128xf32, #tpu.memory_space<hbm>> -> memref<1x1x1x8x128xf32, #tpu.memory_space<hbm>>
    %dma_wait3A_279 = tpu.memref_squeeze %dma_wait3A_278 : memref<1x1x1x8x128xf32, #tpu.memory_space<hbm>> -> memref<8x128xf32, #tpu.memory_space<hbm>>
    %dma_wait3A_280 = arith.constant 8 : i32
    %dma_wait3A_281 = arith.constant 0 : i32
    %dma_wait3A_282 = tpu.memref_slice %arg9[%dma_wait3A_261, %dma_wait3A_280, %dma_wait3A_281] : memref<4x32x129xf32, #tpu.memory_space<vmem>> -> memref<1x8x128xf32, #tpu.memory_space<vmem>>
    %dma_wait3A_283 = tpu.memref_squeeze %dma_wait3A_282 : memref<1x8x128xf32, #tpu.memory_space<vmem>> -> memref<8x128xf32, #tpu.memory_space<vmem>>
    tpu.wait_dma2 semaphore(%dma_wait3A_275 : memref<!tpu.dma_semaphore, #tpu.memory_space<semaphore_mem>>) src(%dma_wait3A_283 : memref<8x128xf32, #tpu.memory_space<vmem>>) dst(%dma_wait3A_279 : memref<8x128xf32, #tpu.memory_space<hbm>>)
    %dma_wait3A_284 = arith.constant 2 : i32
    %dma_wait3A_285 = arith.constant 0 : i32
    %dma_wait3A_286 = arith.constant 0 : i32
    %dma_wait3A_287 = arith.constant 0 : i32
    %dma_wait3A_288 = arith.constant 2 : i32
    %dma_wait3A_289 = arith.constant 16 : i32
    %dma_wait3A_290 = arith.constant 0 : i32
    %dma_wait3A_291 = tpu.memref_slice %arg9[%dma_wait3A_284, %dma_wait3A_289, %dma_wait3A_290] : memref<4x32x129xf32, #tpu.memory_space<vmem>> -> memref<1x8x128xf32, #tpu.memory_space<vmem>>
    %dma_wait3A_292 = tpu.memref_squeeze %dma_wait3A_291 : memref<1x8x128xf32, #tpu.memory_space<vmem>> -> memref<8x128xf32, #tpu.memory_space<vmem>>
    %dma_wait3A_293 = arith.constant 0 : i32
    %dma_wait3A_294 = arith.constant 0 : i32
    %dma_wait3A_295 = tpu.memref_slice %arg5[%dma_wait3A_285, %dma_wait3A_286, %dma_wait3A_287, %dma_wait3A_293, %dma_wait3A_294] : memref<200x4x32x8x128xf32, #tpu.memory_space<hbm>> -> memref<1x1x1x8x128xf32, #tpu.memory_space<hbm>>
    %dma_wait3A_296 = tpu.memref_squeeze %dma_wait3A_295 : memref<1x1x1x8x128xf32, #tpu.memory_space<hbm>> -> memref<8x128xf32, #tpu.memory_space<hbm>>
    %dma_wait3A_297 = tpu.memref_slice %arg11[%dma_wait3A_288] : memref<4x!tpu.dma_semaphore, #tpu.memory_space<semaphore_mem>> -> memref<1x!tpu.dma_semaphore, #tpu.memory_space<semaphore_mem>>
    %dma_wait3A_298 = tpu.memref_squeeze %dma_wait3A_297 : memref<1x!tpu.dma_semaphore, #tpu.memory_space<semaphore_mem>> -> memref<!tpu.dma_semaphore, #tpu.memory_space<semaphore_mem>>
    %dma_wait3A_299 = arith.constant 0 : i32
    %dma_wait3A_300 = arith.constant 0 : i32
    %dma_wait3A_301 = tpu.memref_slice %arg5[%dma_wait3A_285, %dma_wait3A_286, %dma_wait3A_287, %dma_wait3A_299, %dma_wait3A_300] : memref<200x4x32x8x128xf32, #tpu.memory_space<hbm>> -> memref<1x1x1x8x128xf32, #tpu.memory_space<hbm>>
    %dma_wait3A_302 = tpu.memref_squeeze %dma_wait3A_301 : memref<1x1x1x8x128xf32, #tpu.memory_space<hbm>> -> memref<8x128xf32, #tpu.memory_space<hbm>>
    %dma_wait3A_303 = arith.constant 16 : i32
    %dma_wait3A_304 = arith.constant 0 : i32
    %dma_wait3A_305 = tpu.memref_slice %arg9[%dma_wait3A_284, %dma_wait3A_303, %dma_wait3A_304] : memref<4x32x129xf32, #tpu.memory_space<vmem>> -> memref<1x8x128xf32, #tpu.memory_space<vmem>>
    %dma_wait3A_306 = tpu.memref_squeeze %dma_wait3A_305 : memref<1x8x128xf32, #tpu.memory_space<vmem>> -> memref<8x128xf32, #tpu.memory_space<vmem>>
    tpu.wait_dma2 semaphore(%dma_wait3A_298 : memref<!tpu.dma_semaphore, #tpu.memory_space<semaphore_mem>>) src(%dma_wait3A_306 : memref<8x128xf32, #tpu.memory_space<vmem>>) dst(%dma_wait3A_302 : memref<8x128xf32, #tpu.memory_space<hbm>>)
    %dma_wait3A_307 = arith.constant 2 : i32
    %dma_wait3A_308 = arith.constant 0 : i32
    %dma_wait3A_309 = arith.constant 0 : i32
    %dma_wait3A_310 = arith.constant 0 : i32
    %dma_wait3A_311 = arith.constant 2 : i32
    %dma_wait3A_312 = arith.constant 24 : i32
    %dma_wait3A_313 = arith.constant 0 : i32
    %dma_wait3A_314 = tpu.memref_slice %arg9[%dma_wait3A_307, %dma_wait3A_312, %dma_wait3A_313] : memref<4x32x129xf32, #tpu.memory_space<vmem>> -> memref<1x8x128xf32, #tpu.memory_space<vmem>>
    %dma_wait3A_315 = tpu.memref_squeeze %dma_wait3A_314 : memref<1x8x128xf32, #tpu.memory_space<vmem>> -> memref<8x128xf32, #tpu.memory_space<vmem>>
    %dma_wait3A_316 = arith.constant 0 : i32
    %dma_wait3A_317 = arith.constant 0 : i32
    %dma_wait3A_318 = tpu.memref_slice %arg5[%dma_wait3A_308, %dma_wait3A_309, %dma_wait3A_310, %dma_wait3A_316, %dma_wait3A_317] : memref<200x4x32x8x128xf32, #tpu.memory_space<hbm>> -> memref<1x1x1x8x128xf32, #tpu.memory_space<hbm>>
    %dma_wait3A_319 = tpu.memref_squeeze %dma_wait3A_318 : memref<1x1x1x8x128xf32, #tpu.memory_space<hbm>> -> memref<8x128xf32, #tpu.memory_space<hbm>>
    %dma_wait3A_320 = tpu.memref_slice %arg11[%dma_wait3A_311] : memref<4x!tpu.dma_semaphore, #tpu.memory_space<semaphore_mem>> -> memref<1x!tpu.dma_semaphore, #tpu.memory_space<semaphore_mem>>
    %dma_wait3A_321 = tpu.memref_squeeze %dma_wait3A_320 : memref<1x!tpu.dma_semaphore, #tpu.memory_space<semaphore_mem>> -> memref<!tpu.dma_semaphore, #tpu.memory_space<semaphore_mem>>
    %dma_wait3A_322 = arith.constant 0 : i32
    %dma_wait3A_323 = arith.constant 0 : i32
    %dma_wait3A_324 = tpu.memref_slice %arg5[%dma_wait3A_308, %dma_wait3A_309, %dma_wait3A_310, %dma_wait3A_322, %dma_wait3A_323] : memref<200x4x32x8x128xf32, #tpu.memory_space<hbm>> -> memref<1x1x1x8x128xf32, #tpu.memory_space<hbm>>
    %dma_wait3A_325 = tpu.memref_squeeze %dma_wait3A_324 : memref<1x1x1x8x128xf32, #tpu.memory_space<hbm>> -> memref<8x128xf32, #tpu.memory_space<hbm>>
    %dma_wait3A_326 = arith.constant 24 : i32
    %dma_wait3A_327 = arith.constant 0 : i32
    %dma_wait3A_328 = tpu.memref_slice %arg9[%dma_wait3A_307, %dma_wait3A_326, %dma_wait3A_327] : memref<4x32x129xf32, #tpu.memory_space<vmem>> -> memref<1x8x128xf32, #tpu.memory_space<vmem>>
    %dma_wait3A_329 = tpu.memref_squeeze %dma_wait3A_328 : memref<1x8x128xf32, #tpu.memory_space<vmem>> -> memref<8x128xf32, #tpu.memory_space<vmem>>
    tpu.wait_dma2 semaphore(%dma_wait3A_321 : memref<!tpu.dma_semaphore, #tpu.memory_space<semaphore_mem>>) src(%dma_wait3A_329 : memref<8x128xf32, #tpu.memory_space<vmem>>) dst(%dma_wait3A_325 : memref<8x128xf32, #tpu.memory_space<hbm>>)
    %dma_wait3A_330 = arith.constant 3 : i32
    %dma_wait3A_331 = arith.constant 0 : i32
    %dma_wait3A_332 = arith.constant 0 : i32
    %dma_wait3A_333 = arith.constant 0 : i32
    %dma_wait3A_334 = arith.constant 3 : i32
    %dma_wait3A_335 = arith.constant 0 : i32
    %dma_wait3A_336 = arith.constant 0 : i32
    %dma_wait3A_337 = tpu.memref_slice %arg9[%dma_wait3A_330, %dma_wait3A_335, %dma_wait3A_336] : memref<4x32x129xf32, #tpu.memory_space<vmem>> -> memref<1x8x128xf32, #tpu.memory_space<vmem>>
    %dma_wait3A_338 = tpu.memref_squeeze %dma_wait3A_337 : memref<1x8x128xf32, #tpu.memory_space<vmem>> -> memref<8x128xf32, #tpu.memory_space<vmem>>
    %dma_wait3A_339 = arith.constant 0 : i32
    %dma_wait3A_340 = arith.constant 0 : i32
    %dma_wait3A_341 = tpu.memref_slice %arg5[%dma_wait3A_331, %dma_wait3A_332, %dma_wait3A_333, %dma_wait3A_339, %dma_wait3A_340] : memref<200x4x32x8x128xf32, #tpu.memory_space<hbm>> -> memref<1x1x1x8x128xf32, #tpu.memory_space<hbm>>
    %dma_wait3A_342 = tpu.memref_squeeze %dma_wait3A_341 : memref<1x1x1x8x128xf32, #tpu.memory_space<hbm>> -> memref<8x128xf32, #tpu.memory_space<hbm>>
    %dma_wait3A_343 = tpu.memref_slice %arg11[%dma_wait3A_334] : memref<4x!tpu.dma_semaphore, #tpu.memory_space<semaphore_mem>> -> memref<1x!tpu.dma_semaphore, #tpu.memory_space<semaphore_mem>>
    %dma_wait3A_344 = tpu.memref_squeeze %dma_wait3A_343 : memref<1x!tpu.dma_semaphore, #tpu.memory_space<semaphore_mem>> -> memref<!tpu.dma_semaphore, #tpu.memory_space<semaphore_mem>>
    %dma_wait3A_345 = arith.constant 0 : i32
    %dma_wait3A_346 = arith.constant 0 : i32
    %dma_wait3A_347 = tpu.memref_slice %arg5[%dma_wait3A_331, %dma_wait3A_332, %dma_wait3A_333, %dma_wait3A_345, %dma_wait3A_346] : memref<200x4x32x8x128xf32, #tpu.memory_space<hbm>> -> memref<1x1x1x8x128xf32, #tpu.memory_space<hbm>>
    %dma_wait3A_348 = tpu.memref_squeeze %dma_wait3A_347 : memref<1x1x1x8x128xf32, #tpu.memory_space<hbm>> -> memref<8x128xf32, #tpu.memory_space<hbm>>
    %dma_wait3A_349 = arith.constant 0 : i32
    %dma_wait3A_350 = arith.constant 0 : i32
    %dma_wait3A_351 = tpu.memref_slice %arg9[%dma_wait3A_330, %dma_wait3A_349, %dma_wait3A_350] : memref<4x32x129xf32, #tpu.memory_space<vmem>> -> memref<1x8x128xf32, #tpu.memory_space<vmem>>
    %dma_wait3A_352 = tpu.memref_squeeze %dma_wait3A_351 : memref<1x8x128xf32, #tpu.memory_space<vmem>> -> memref<8x128xf32, #tpu.memory_space<vmem>>
    tpu.wait_dma2 semaphore(%dma_wait3A_344 : memref<!tpu.dma_semaphore, #tpu.memory_space<semaphore_mem>>) src(%dma_wait3A_352 : memref<8x128xf32, #tpu.memory_space<vmem>>) dst(%dma_wait3A_348 : memref<8x128xf32, #tpu.memory_space<hbm>>)
    %dma_wait3A_353 = arith.constant 3 : i32
    %dma_wait3A_354 = arith.constant 0 : i32
    %dma_wait3A_355 = arith.constant 0 : i32
    %dma_wait3A_356 = arith.constant 0 : i32
    %dma_wait3A_357 = arith.constant 3 : i32
    %dma_wait3A_358 = arith.constant 8 : i32
    %dma_wait3A_359 = arith.constant 0 : i32
    %dma_wait3A_360 = tpu.memref_slice %arg9[%dma_wait3A_353, %dma_wait3A_358, %dma_wait3A_359] : memref<4x32x129xf32, #tpu.memory_space<vmem>> -> memref<1x8x128xf32, #tpu.memory_space<vmem>>
    %dma_wait3A_361 = tpu.memref_squeeze %dma_wait3A_360 : memref<1x8x128xf32, #tpu.memory_space<vmem>> -> memref<8x128xf32, #tpu.memory_space<vmem>>
    %dma_wait3A_362 = arith.constant 0 : i32
    %dma_wait3A_363 = arith.constant 0 : i32
    %dma_wait3A_364 = tpu.memref_slice %arg5[%dma_wait3A_354, %dma_wait3A_355, %dma_wait3A_356, %dma_wait3A_362, %dma_wait3A_363] : memref<200x4x32x8x128xf32, #tpu.memory_space<hbm>> -> memref<1x1x1x8x128xf32, #tpu.memory_space<hbm>>
    %dma_wait3A_365 = tpu.memref_squeeze %dma_wait3A_364 : memref<1x1x1x8x128xf32, #tpu.memory_space<hbm>> -> memref<8x128xf32, #tpu.memory_space<hbm>>
    %dma_wait3A_366 = tpu.memref_slice %arg11[%dma_wait3A_357] : memref<4x!tpu.dma_semaphore, #tpu.memory_space<semaphore_mem>> -> memref<1x!tpu.dma_semaphore, #tpu.memory_space<semaphore_mem>>
    %dma_wait3A_367 = tpu.memref_squeeze %dma_wait3A_366 : memref<1x!tpu.dma_semaphore, #tpu.memory_space<semaphore_mem>> -> memref<!tpu.dma_semaphore, #tpu.memory_space<semaphore_mem>>
    %dma_wait3A_368 = arith.constant 0 : i32
    %dma_wait3A_369 = arith.constant 0 : i32
    %dma_wait3A_370 = tpu.memref_slice %arg5[%dma_wait3A_354, %dma_wait3A_355, %dma_wait3A_356, %dma_wait3A_368, %dma_wait3A_369] : memref<200x4x32x8x128xf32, #tpu.memory_space<hbm>> -> memref<1x1x1x8x128xf32, #tpu.memory_space<hbm>>
    %dma_wait3A_371 = tpu.memref_squeeze %dma_wait3A_370 : memref<1x1x1x8x128xf32, #tpu.memory_space<hbm>> -> memref<8x128xf32, #tpu.memory_space<hbm>>
    %dma_wait3A_372 = arith.constant 8 : i32
    %dma_wait3A_373 = arith.constant 0 : i32
    %dma_wait3A_374 = tpu.memref_slice %arg9[%dma_wait3A_353, %dma_wait3A_372, %dma_wait3A_373] : memref<4x32x129xf32, #tpu.memory_space<vmem>> -> memref<1x8x128xf32, #tpu.memory_space<vmem>>
    %dma_wait3A_375 = tpu.memref_squeeze %dma_wait3A_374 : memref<1x8x128xf32, #tpu.memory_space<vmem>> -> memref<8x128xf32, #tpu.memory_space<vmem>>
    tpu.wait_dma2 semaphore(%dma_wait3A_367 : memref<!tpu.dma_semaphore, #tpu.memory_space<semaphore_mem>>) src(%dma_wait3A_375 : memref<8x128xf32, #tpu.memory_space<vmem>>) dst(%dma_wait3A_371 : memref<8x128xf32, #tpu.memory_space<hbm>>)
    %dma_wait3A_376 = arith.constant 3 : i32
    %dma_wait3A_377 = arith.constant 0 : i32
    %dma_wait3A_378 = arith.constant 0 : i32
    %dma_wait3A_379 = arith.constant 0 : i32
    %dma_wait3A_380 = arith.constant 3 : i32
    %dma_wait3A_381 = arith.constant 16 : i32
    %dma_wait3A_382 = arith.constant 0 : i32
    %dma_wait3A_383 = tpu.memref_slice %arg9[%dma_wait3A_376, %dma_wait3A_381, %dma_wait3A_382] : memref<4x32x129xf32, #tpu.memory_space<vmem>> -> memref<1x8x128xf32, #tpu.memory_space<vmem>>
    %dma_wait3A_384 = tpu.memref_squeeze %dma_wait3A_383 : memref<1x8x128xf32, #tpu.memory_space<vmem>> -> memref<8x128xf32, #tpu.memory_space<vmem>>
    %dma_wait3A_385 = arith.constant 0 : i32
    %dma_wait3A_386 = arith.constant 0 : i32
    %dma_wait3A_387 = tpu.memref_slice %arg5[%dma_wait3A_377, %dma_wait3A_378, %dma_wait3A_379, %dma_wait3A_385, %dma_wait3A_386] : memref<200x4x32x8x128xf32, #tpu.memory_space<hbm>> -> memref<1x1x1x8x128xf32, #tpu.memory_space<hbm>>
    %dma_wait3A_388 = tpu.memref_squeeze %dma_wait3A_387 : memref<1x1x1x8x128xf32, #tpu.memory_space<hbm>> -> memref<8x128xf32, #tpu.memory_space<hbm>>
    %dma_wait3A_389 = tpu.memref_slice %arg11[%dma_wait3A_380] : memref<4x!tpu.dma_semaphore, #tpu.memory_space<semaphore_mem>> -> memref<1x!tpu.dma_semaphore, #tpu.memory_space<semaphore_mem>>
    %dma_wait3A_390 = tpu.memref_squeeze %dma_wait3A_389 : memref<1x!tpu.dma_semaphore, #tpu.memory_space<semaphore_mem>> -> memref<!tpu.dma_semaphore, #tpu.memory_space<semaphore_mem>>
    %dma_wait3A_391 = arith.constant 0 : i32
    %dma_wait3A_392 = arith.constant 0 : i32
    %dma_wait3A_393 = tpu.memref_slice %arg5[%dma_wait3A_377, %dma_wait3A_378, %dma_wait3A_379, %dma_wait3A_391, %dma_wait3A_392] : memref<200x4x32x8x128xf32, #tpu.memory_space<hbm>> -> memref<1x1x1x8x128xf32, #tpu.memory_space<hbm>>
    %dma_wait3A_394 = tpu.memref_squeeze %dma_wait3A_393 : memref<1x1x1x8x128xf32, #tpu.memory_space<hbm>> -> memref<8x128xf32, #tpu.memory_space<hbm>>
    %dma_wait3A_395 = arith.constant 16 : i32
    %dma_wait3A_396 = arith.constant 0 : i32
    %dma_wait3A_397 = tpu.memref_slice %arg9[%dma_wait3A_376, %dma_wait3A_395, %dma_wait3A_396] : memref<4x32x129xf32, #tpu.memory_space<vmem>> -> memref<1x8x128xf32, #tpu.memory_space<vmem>>
    %dma_wait3A_398 = tpu.memref_squeeze %dma_wait3A_397 : memref<1x8x128xf32, #tpu.memory_space<vmem>> -> memref<8x128xf32, #tpu.memory_space<vmem>>
    tpu.wait_dma2 semaphore(%dma_wait3A_390 : memref<!tpu.dma_semaphore, #tpu.memory_space<semaphore_mem>>) src(%dma_wait3A_398 : memref<8x128xf32, #tpu.memory_space<vmem>>) dst(%dma_wait3A_394 : memref<8x128xf32, #tpu.memory_space<hbm>>)
    %dma_wait3A_399 = arith.constant 3 : i32
    %dma_wait3A_400 = arith.constant 0 : i32
    %dma_wait3A_401 = arith.constant 0 : i32
    %dma_wait3A_402 = arith.constant 0 : i32
    %dma_wait3A_403 = arith.constant 3 : i32
    %dma_wait3A_404 = arith.constant 24 : i32
    %dma_wait3A_405 = arith.constant 0 : i32
    %dma_wait3A_406 = tpu.memref_slice %arg9[%dma_wait3A_399, %dma_wait3A_404, %dma_wait3A_405] : memref<4x32x129xf32, #tpu.memory_space<vmem>> -> memref<1x8x128xf32, #tpu.memory_space<vmem>>
    %dma_wait3A_407 = tpu.memref_squeeze %dma_wait3A_406 : memref<1x8x128xf32, #tpu.memory_space<vmem>> -> memref<8x128xf32, #tpu.memory_space<vmem>>
    %dma_wait3A_408 = arith.constant 0 : i32
    %dma_wait3A_409 = arith.constant 0 : i32
    %dma_wait3A_410 = tpu.memref_slice %arg5[%dma_wait3A_400, %dma_wait3A_401, %dma_wait3A_402, %dma_wait3A_408, %dma_wait3A_409] : memref<200x4x32x8x128xf32, #tpu.memory_space<hbm>> -> memref<1x1x1x8x128xf32, #tpu.memory_space<hbm>>
    %dma_wait3A_411 = tpu.memref_squeeze %dma_wait3A_410 : memref<1x1x1x8x128xf32, #tpu.memory_space<hbm>> -> memref<8x128xf32, #tpu.memory_space<hbm>>
    %dma_wait3A_412 = tpu.memref_slice %arg11[%dma_wait3A_403] : memref<4x!tpu.dma_semaphore, #tpu.memory_space<semaphore_mem>> -> memref<1x!tpu.dma_semaphore, #tpu.memory_space<semaphore_mem>>
    %dma_wait3A_413 = tpu.memref_squeeze %dma_wait3A_412 : memref<1x!tpu.dma_semaphore, #tpu.memory_space<semaphore_mem>> -> memref<!tpu.dma_semaphore, #tpu.memory_space<semaphore_mem>>
    %dma_wait3A_414 = arith.constant 0 : i32
    %dma_wait3A_415 = arith.constant 0 : i32
    %dma_wait3A_416 = tpu.memref_slice %arg5[%dma_wait3A_400, %dma_wait3A_401, %dma_wait3A_402, %dma_wait3A_414, %dma_wait3A_415] : memref<200x4x32x8x128xf32, #tpu.memory_space<hbm>> -> memref<1x1x1x8x128xf32, #tpu.memory_space<hbm>>
    %dma_wait3A_417 = tpu.memref_squeeze %dma_wait3A_416 : memref<1x1x1x8x128xf32, #tpu.memory_space<hbm>> -> memref<8x128xf32, #tpu.memory_space<hbm>>
    %dma_wait3A_418 = arith.constant 24 : i32
    %dma_wait3A_419 = arith.constant 0 : i32
    %dma_wait3A_420 = tpu.memref_slice %arg9[%dma_wait3A_399, %dma_wait3A_418, %dma_wait3A_419] : memref<4x32x129xf32, #tpu.memory_space<vmem>> -> memref<1x8x128xf32, #tpu.memory_space<vmem>>
    %dma_wait3A_421 = tpu.memref_squeeze %dma_wait3A_420 : memref<1x8x128xf32, #tpu.memory_space<vmem>> -> memref<8x128xf32, #tpu.memory_space<vmem>>
    tpu.wait_dma2 semaphore(%dma_wait3A_413 : memref<!tpu.dma_semaphore, #tpu.memory_space<semaphore_mem>>) src(%dma_wait3A_421 : memref<8x128xf32, #tpu.memory_space<vmem>>) dst(%dma_wait3A_417 : memref<8x128xf32, #tpu.memory_space<hbm>>)
    return
  }
}

</mosaic_0001>

<sc_bundles>
// kernel: kernel.3.cloned.1.call-start
scs
__scs_entry_jumppad:
0x0: {  	(pc) =	sbr.rel $0x88, $3  }
0x1: {  	(tag) =	ssettag $0x0;
	lr =	simm.s32 $0x1  }
0x2: {  	[smem:$0x3F9E] =	sst lr;
	_ =	strace $0xD0000000  }
0x3: {  	_ = 	snop  }
0x4: {  	_ = 	snop  }
0x5: {  	_ = 	snop  }
0x6: {  	_ = 	snop  }
0x7: {  	_ = 	snop  }
__scs_overlays_trampoline_lowered:
0x8: {  	[smem:$0x3FAD] =	sst s0  }
0x9: {  	[smem:$0x3FAE] =	sst s1  }
0xa: {  	[smem:$0x3FAF] =	sst s2  }
0xb: {  	[smem:$0x3FB0] =	sst s3  }
0xc: {  	[smem:$0x3FB1] =	sst s4  }
0xd: {  	[smem:$0x3FB2] =	sst s5  }
0xe: {  	[smem:$0x3FB3] =	sst s6  }
0xf: {  	[smem:$0x3FB4] =	sst s7  }
0x10: {  	[smem:$0x3FB5] =	sst s8  }
0x11: {  	[smem:$0x3FB6] =	sst s9;
	s0 =	simm.s32 @!p0 $0x0  }
0x12: {  	s1 =	sld [smem:$0x3F9C];
	s0 =	simm.s32 @p0 $0x1  }
0x13: {  	[smem:$0x3FB7] =	sst s0;
	s0 =	simm.s32 @!p1 $0x0  }
0x14: {  	s2 =	sld [smem:$0x3F9B];
	s0 =	simm.s32 @p1 $0x1  }
0x15: {  	[smem:$0x3FB8] =	sst s0;
	s0 =	simm.s32 @!p2 $0x0  }
0x16: {  	s3 =	sld [smem:$0x3FDB];
	s0 =	simm.s32 @p2 $0x1  }
0x17: {  	s4 =	simm.s32 $0x1BF5;
	[smem:$0x3FBA] =	sst s0  }
0x18: {  	s0 =	sld [smem:$0x3F9D];
	_ =	swait.ge [sflag:s4], $0x0  }
0x19: {  	s7 =	sld [smem:$0x3F9E]  }
0x1a: {  	s8 =	sadd.s32 $0xFFFFE003, lr  }
0x1b: {  	s9 =	sadd.s32 $0xFFFFFEF7, lr;
	s5 =	simm.s32 $0xFFFFFFFF;
	p2 =	slt.u32 s8, $0xFFFFF086  }
0x1c: {  	p1 =	slt.u32 s9, $0xF7A;
	s5 =	simm.s32 @!p2 $0x0  }
0x1d: {  	s5 =	simm.s32 @p1 $0x1;
	p0 =	seq.s32 s7, s2  }
0x1e: {  	s7 =	smul.u32 @!p0 $0xF7A, s2;
	p2 =	seq.s32 @!p0 s5, $0x0  }
0x1f: {  	s9 =	smul.u32 $0xF7A, s1;
	s8 =	simm.s32 @!p0 $0x1BF5;
	p2 =	por !p2, p0  }
0x20: {  	[sflag:s8] =	ssyncset.s32 @!p0 $0xFFFFF086;
	s6 =	sadd.s32 @!p0 s3, s7;
	s7 =	simm.s32 @!p0 $0x108  }
0x21: {  	s3 =	sadd.s32 s3, s9;
	s6 =	sadd.s32 @!p0 $0x88, s6;
	s7 =	simm.s32 @p2 $0x1082  }
0x22: {  	[simem:s7], [sflag:s8] =	dma.local @!p0 [hbm:s6], $0xF7A  }
0x23: {  	s9 =	sor.u32 $0xD0000000, s2;
	s6 =	simm.s32 $0x108;
	_ =	swait.ge @!p0 [sflag:s8], $0x0  }
0x24: {  	s3 =	sadd.s32 $0x88, s3;
	s6 =	simm.s32 @!p1 $0x1082;
	[sflag:s4] =	ssyncset.s32 $0xFFFFF086  }
0x25: {  	[simem:s6], [sflag:s4] =	dma.local [hbm:s3], $0xF7A  }
0x26: {  	[smem:$0x3F9E] =	sst s1;
	(tag) =	ssettag s2;
	_ =	strace s9  }
0x27: {  	s1 =	sld [smem:$0x3FAE]  }
0x28: {  	s2 =	sld [smem:$0x3FAF]  }
0x29: {  	s4 =	sld [smem:$0x3FB1]  }
0x2a: {  	p0 =	seq.s32 s5, $0x0;
	s5 =	sld [smem:$0x3FB2]  }
0x2b: {  	s6 =	sld [smem:$0x3FB3]  }
0x2c: {  	s7 =	sld [smem:$0x3FB4]  }
0x2d: {  	s3 =	simm.s32 $0x108;
	s8 =	sld [smem:$0x3FB5]  }
0x2e: {  	s3 =	simm.s32 @!p0 $0x1082;
	s9 =	sld [smem:$0x3FB6]  }
0x2f: {  	lr =	sadd.s32 s0, s3;
	s0 =	sld [smem:$0x3FAD]  }
0x30: {  	s3 =	sld [smem:$0x3FB0]  }
0x31: {  	[smem:$0x3FB9] =	sst s10  }
0x32: {  	s10 =	sld [smem:$0x3FB7];
	_ =	sdelay $0x3  }
0x33: {  	p0 =	seq.s32 s10, $0x1;
	s10 =	sld [smem:$0x3FB9];
	_ =	sdelay $0x3  }
0x34: {  	[smem:$0x3FB9] =	sst s10  }
0x35: {  	s10 =	sld [smem:$0x3FB8];
	_ =	sdelay $0x3  }
0x36: {  	p1 =	seq.s32 s10, $0x1;
	s10 =	sld [smem:$0x3FB9];
	_ =	sdelay $0x3  }
0x37: {  	[smem:$0x3FB9] =	sst s10  }
0x38: {  	s10 =	sld [smem:$0x3FBA]  }
0x39: {  	_ = 	snop;
	(pc) =	sbr.ind lr, $3  }
0x3a: {  	_ = 	snop  }
0x3b: {  	_ = 	snop  }
0x3c: {  	p2 =	seq.s32 s10, $0x1;
	s10 =	sld [smem:$0x3FB9]  }
0x3d: {  	_ =	shalt  }
0x3e: {  	_ =	shalt  }
0x3f: {  	_ =	shalt  }
0x40: {  	_ =	shalt  }
0x41: {  	_ =	shalt  }
0x42: {  	_ =	shalt  }
0x43: {  	_ =	shalt  }
0x44: {  	_ =	shalt  }
0x45: {  	_ =	shalt  }
0x46: {  	_ =	shalt  }
0x47: {  	_ =	shalt  }
0x48: {  	_ =	shalt  }
0x49: {  	_ =	shalt  }
0x4a: {  	_ =	shalt  }
0x4b: {  	_ =	shalt  }
0x4c: {  	_ =	shalt  }
0x4d: {  	_ =	shalt  }
0x4e: {  	_ =	shalt  }
0x4f: {  	_ =	shalt  }
0x50: {  	_ =	shalt  }
0x51: {  	_ =	shalt  }
0x52: {  	_ =	shalt  }
0x53: {  	_ =	shalt  }
0x54: {  	_ =	shalt  }
0x55: {  	_ =	shalt  }
0x56: {  	_ =	shalt  }
0x57: {  	_ =	shalt  }
0x58: {  	_ =	shalt  }
0x59: {  	_ =	shalt  }
0x5a: {  	_ =	shalt  }
0x5b: {  	_ =	shalt  }
0x5c: {  	_ =	shalt  }
0x5d: {  	_ =	shalt  }
0x5e: {  	_ =	shalt  }
0x5f: {  	_ =	shalt  }
0x60: {  	_ =	shalt  }
0x61: {  	_ =	shalt  }
0x62: {  	_ =	shalt  }
0x63: {  	_ =	shalt  }
0x64: {  	_ =	shalt  }
0x65: {  	_ =	shalt  }
0x66: {  	_ =	shalt  }
0x67: {  	_ =	shalt  }
0x68: {  	_ =	shalt  }
0x69: {  	_ =	shalt  }
0x6a: {  	_ =	shalt  }
0x6b: {  	_ =	shalt  }
0x6c: {  	_ =	shalt  }
0x6d: {  	_ =	shalt  }
0x6e: {  	_ =	shalt  }
0x6f: {  	_ =	shalt  }
0x70: {  	_ =	shalt  }
0x71: {  	_ =	shalt  }
0x72: {  	_ =	shalt  }
0x73: {  	_ =	shalt  }
0x74: {  	_ =	shalt  }
0x75: {  	_ =	shalt  }
0x76: {  	_ =	shalt  }
0x77: {  	_ =	shalt  }
0x78: {  	_ =	shalt  }
0x79: {  	_ =	shalt  }
0x7a: {  	_ =	shalt  }
0x7b: {  	_ =	shalt  }
0x7c: {  	_ =	shalt  }
0x7d: {  	_ =	shalt  }
0x7e: {  	_ =	shalt  }
0x7f: {  	_ =	shalt  }
0x80: {  	_ =	shalt  }
0x81: {  	_ =	shalt  }
0x82: {  	_ =	shalt  }
0x83: {  	_ =	shalt  }
0x84: {  	_ =	shalt  }
0x85: {  	_ =	shalt  }
0x86: {  	_ =	shalt  }
0x87: {  	_ =	shalt  }
.Lfunc_end0:
.L_simem_size_0:
called_computation_lowered:
.L_overlay_start_0:
0x88: {  	s2 =	sld [smem:$0x3FD9]  }
0x89: {  	s3 =	sld [smem:$0x3FFE];
	_ =	sdelay $0x1  }
0x8a: {  	s1 =	srdreg.scid  }
0x8b: {  	s0 =	sand.u32 $0x1, s1  }
0x8c: {  	s17 =	sshll.u32 s0, $0xA;
	s2 =	sadd.s32 s3, s2  }
0x8d: {  	s2 =	sadd.s32 s2, s17  }
0x8e: {  	[smem:$0x3FC5] =	sst s2  }
0x8f: {  	_ = 	snop  }
0x90: {  	s2 =	sld [smem:$0x3FD0];
	(tm) =	ssettm $0x1  }
0x91: {  	s18 =	sld [smem:$0x3FFB];
	_ =	sdelay $0x3  }
0x92: {  	_ =	strace s18  }
0x93: {  	s3 =	sld [smem:$0x3FFC];
	_ =	sdelay $0x3  }
0x94: {  	_ =	strace s3  }
0x95: {  	s3 =	sld [smem:$0x3FFD];
	_ =	sdelay $0x3  }
0x96: {  	_ =	strace s3  }
0x97: {  	_ =	strace $0x8FFFFFFF  }
0x98: {  	s19 =	sld [smem:$0x3FDB];
	_ =	sdelay $0x1  }
0x99: {  	s4 =	simm.s32 $_scs_section_size  }
0x9a: {  	s5 =	simm.s32 $_size__tile_overlayer_lowered;
	s6 =	simm.s32 $_tile_overlayer_lowered  }
0x9b: {  	s22 =	simm.s32 $0x1BFF;
	s21 =	sshll.u32 s6, $0x1;
	s3 =	sadd.s32 s4, s19  }
0x9c: {  	s7 =	simm.s32 $0x0;
	s20 =	sshll.u32 s5, $0x1;
	s5 =	sadd.s32 s21, s3  }
0x9d: {  	[timem:s7], [sflag:s22] =	dma.local [hbm:s5], s20  }
0x9e: {  	_ =	swait.ge [sflag:s22], s20  }
0x9f: {  	s4 =	ssub.s32 $0x0, s20;
	[sflag:s22] =	ssyncset.done $0x0  }
0xa0: {  	[sflag:s22] =	ssyncadd.s32 s4;
	_ =	sdelay $0x1  }
0xa1: {  	s23 =	simm.s32 $0x1B8B  }
0xa2: {  	_ =	swait.ge [sflag:s23], $0x1  }
0xa3: {  	[sflag:s23] =	ssyncset.done $0x0  }
0xa4: {  	s25 =	simm.s32 $0x1B8E;
	s24 =	sld [smem:$0x3FFE];
	[sflag:s23] =	ssyncadd.s32 $0xFFFFFFFF  }
0xa5: {  	s26 =	simm.s32 $execute0_lowered;
	[smem:$0x3FD2] =	sst s25  }
0xa6: {  	s5 =	sshll.u32 s26, $0x1;
	_ =	strace $0x80000046;
	[dreg:$0x1] =	wrdreg $0xFFFFFFFF  }
0xa7: {  	s28 =	simm.s32 $_size_execute0_lowered;
	s3 =	sadd.s32 s3, s5;
	[dreg:$0x0] =	wrdreg $0x0  }
0xa8: {  	s5 =	sshll.u32 s28, $0x1;
	[dreg:$0x2] =	wrdreg s3  }
0xa9: {  	[dreg:$0x3] =	wrdreg s5  }
0xaa: {  	[dreg:$0x4] =	wrdreg $0xC0  }
0xab: {  	_ =	task [dreg:s7], $0x5FFFF  }
0xac: {  	[dreg:$0x1] =	wrdreg $0xFFFFFFFF  }
0xad: {  	[dreg:$0x0] =	wrdreg $0x60  }
0xae: {  	[dreg:$0x2] =	wrdreg s24  }
0xaf: {  	[dreg:$0x3] =	wrdreg s2  }
0xb0: {  	[dreg:$0x4] =	wrdreg $0x9  }
0xb1: {  	_ =	task.clear_ibuf [dreg:s7], $0x5FFFF;
	_ =	strace $0x90000046  }
0xb2: {  	s29 =	simm.s32 $0x9;
	_ =	strace $0x80000048  }
0xb3: {  	_ =	swait.ge [sflag:s29], $0x1  }
0xb4: {  	[sflag:s29] =	ssyncadd.s32 $0xFFFFFFFF  }
0xb5: {  	_ =	strace $0x90000048  }
0xb6: {  	_ =	sfence  }
0xb7: {  	s30 =	sld [smem:$0x0];
	_ =	sdelay $0x2  }
0xb8: {  	s31 =	sshll.u32 s1, $0xD;
	s1 =	sshrl.u32 s1, $0x2  }
0xb9: {  	s3 =	sand.u32 $0x4000, s31;
	s1 =	sadd.s32 s1, s30  }
0xba: {  	s0 =	sor.u32 s3, s0;
	s1 =	sshll.u32 s1, $0x11  }
0xbb: {  	s0 =	sor.u32 s1, s0  }
0xbc: {  	s0 =	sadd.s32 $0x8F2B, s0  }
0xbd: {  	[sflag:s0] =	ssyncadd.remote.s32 $0x1  }
0xbe: {  	_ =	sfence.sel $0xFFFF  }
0xbf: {  	[dreg:$0x0] =	wrdreg $0xFFFFFFFF;
	(pc) =	sbr.abs _section_cstart, $3  }
0xc0: {  	[dreg:$0x1] =	wrdreg $0xFFFFFFFF  }
0xc1: {  	_ =	task.clear_ibuf [dreg:s7], $0x2FFFF;
	_ =	strace $0x9FFFFFFF  }
0xc2: {  	(tm) =	ssettm $0x7FFFFFFF  }
0xc3: {  	_ =	shalt  }
tec
execute0_lowered:
.L_overlay_start_1:
0x0: {  	(tag) =	ssettag $0x1  }
0x1: {  	v0 =	vlaneseq.u32  }
0x2: {  	v2 =	vmul.u32 $0xC8, v0  }
0x3: {  	v1 =	vmul.u32 $0x88, v0  }
0x4: {  	[tilespmem:$0x1FEA0] =	vst v2;
	v0 =	vadd.s32 $0xC80, v2  }
0x5: {  	[tilespmem:$0x1FEB0] =	vst v0;
	v0 =	vadd.s32 $0x880, v1  }
0x6: {  	[tilespmem:$0x1FEC0] =	vst v0;
	v0 =	vor.u32 $0x1, v1  }
0x7: {  	[tilespmem:$0x1FED0] =	vst v0;
	v0 =	vadd.s32 $0x881, v1  }
0x8: {  	v23 =	vadd.s32 $0x88A, v1;
	v24 =	vadd.s32 $0xB, v1;
	[tilespmem:$0x1FEE0] =	vst v0;
	v0 =	vor.u32 $0x2, v1  }
0x9: {  	v25 =	vadd.s32 $0x88B, v1;
	v26 =	vadd.s32 $0xC, v1;
	[tilespmem:$0x1FEF0] =	vst v0;
	v0 =	vadd.s32 $0x882, v1  }
0xa: {  	v27 =	vadd.s32 $0x88C, v1;
	v28 =	vadd.s32 $0xD, v1;
	[tilespmem:$0x1FF00] =	vst v0;
	v0 =	vor.u32 $0x3, v1  }
0xb: {  	v29 =	vadd.s32 $0x88D, v1;
	v30 =	vadd.s32 $0xE, v1;
	[tilespmem:$0x1FF10] =	vst v0;
	v0 =	vadd.s32 $0x883, v1  }
0xc: {  	v31 =	vadd.s32 $0x88E, v1;
	v32 =	vadd.s32 $0xF, v1;
	[tilespmem:$0x1FF20] =	vst v0;
	v0 =	vor.u32 $0x4, v1  }
0xd: {  	s4 =	rddreg [dreg:$0x0];
	v33 =	vadd.s32 $0x88F, v1;
	v34 =	vadd.s32 $0x10, v1;
	[tilespmem:$0x1FF30] =	vst v0;
	v0 =	vadd.s32 $0x884, v1  }
0xe: {  	s6 =	rddreg [dreg:$0x1];
	v35 =	vadd.s32 $0x890, v1;
	v36 =	vadd.s32 $0x11, v1;
	[tilespmem:$0x1FF40] =	vst v0;
	v0 =	vor.u32 $0x5, v1  }
0xf: {  	s0 =	rddreg [dreg:$0x2];
	s3 =	srdreg.scid;
	v37 =	vadd.s32 $0x891, v1;
	v38 =	vadd.s32 $0x12, v1;
	[tilespmem:$0x1FF50] =	vst v0;
	v0 =	vadd.s32 $0x885, v1  }
0x10: {  	s2 =	simm.s32 $0x0;
	s1 =	stileid.u32;
	s11 =	simm.s32 $0x6400;
	v39 =	vadd.s32 $0x892, v1;
	v40 =	vadd.s32 $0x13, v1;
	[tilespmem:$0x1FF60] =	vst v0;
	v0 =	vor.u32 $0x6, v1  }
0x11: {  	s12 =	simm.s32 $0x7D00;
	s13 =	simm.s32 $0x8D00;
	s14 =	simm.s32 $0x100;
	v41 =	vadd.s32 $0x893, v1;
	v42 =	vadd.s32 $0x14, v1;
	[tilespmem:$0x1FF70] =	vst v0;
	v0 =	vadd.s32 $0x886, v1  }
0x12: {  	s15 =	simm.s32 $0x9D00;
	s16 =	simm.s32 $0x5;
	s17 =	simm.s32 $0x6;
	v43 =	vadd.s32 $0x894, v1;
	v44 =	vadd.s32 $0x15, v1;
	[tilespmem:$0x1FF80] =	vst v0;
	v0 =	vor.u32 $0x7, v1  }
0x13: {  	s18 =	simm.s32 $0x7;
	s19 =	simm.s32 $0x8;
	s20 =	simm.s32 $0x0;
	v45 =	vadd.s32 $0x895, v1;
	v46 =	vadd.s32 $0x16, v1;
	[tilespmem:$0x1FF90] =	vst v0;
	v0 =	vadd.s32 $0x887, v1  }
0x14: {  	s7 =	sand.u32 $0x1, s3;
	[smem:$0x7FF] =	sst s2;
	s29 =	sshll.u32 s1, $0x5;
	v47 =	vadd.s32 $0x896, v1;
	v48 =	vadd.s32 $0x17, v1;
	[tilespmem:$0x1FFA0] =	vst v0;
	v0 =	vadd.s32 $0x8, v1  }
0x15: {  	s10 =	sshll.u32 s1, $0x8;
	s5 =	sshll.u32 s7, $0x4;
	s30 =	ssub.s32 $0x2, s7;
	v49 =	vadd.s32 $0x897, v1;
	v50 =	vadd.s32 $0x18, v1;
	[tilespmem:$0x1FFB0] =	vst v0;
	v0 =	vadd.s32 $0x888, v1  }
0x16: {  	s31 =	sadd.s32 s10, s6;
	s7 =	sshll.u32 s7, $0x7;
	s10 =	simm.s32 $0x9;
	v51 =	vadd.s32 $0x898, v1;
	v52 =	vadd.s32 $0x19, v1;
	[tilespmem:$0x1FFC0] =	vst v0;
	v0 =	vadd.s32 $0x9, v1  }
0x17: {  	s3 =	sor.u32 s5, s29;
	s9 =	sshrl.u32 s30, $0x1;
	s7 =	sadd.s32 s7, s31;
	v53 =	vadd.s32 $0x899, v1;
	v54 =	vadd.s32 $0x1A, v1;
	[tilespmem:$0x1FFD0] =	vst v0;
	v0 =	vadd.s32 $0x889, v1  }
0x18: {  	v55 =	vadd.s32 $0x89A, v1;
	v56 =	vadd.s32 $0x1B, v1;
	s8 =	sadd.s32 s3, s4;
	s3 =	sadd.s32 $0xF42C00, s4;
	s9 =	ssub.s32 s30, s9;
	[tilespmem:$0x1FFE0] =	vst v0;
	v0 =	vadd.s32 $0xA, v1  }
0x19: {  	v57 =	vadd.s32 $0x89B, v1;
	v58 =	vadd.s32 $0x1C, v1;
	v59 =	vadd.s32 $0x89C, v1;
	s4 =	sadd.s32 $0x19800, s4;
	s5 =	sadd.s32 $0x800, s8;
	s6 =	smax.u32 s9, $0x1;
	[tilespmem:$0x1FFF0] =	vst v0  }
0x1a: {  	v60 =	vadd.s32 $0x1D, v1;
	v61 =	vadd.s32 $0x89D, v1;
	v62 =	vadd.s32 $0x1E, v1;
	s8 =	simm.s32 $0x80;
	s9 =	simm.s32 $0x1000;
	_ =	strace $0x80000047  }
.LBB2_1:
0x1b: {  	[tilespmem:s2], [sflag:$0x9] =	stream.strided.gather [hbm4b:s5+s8], $0x6400, s9, s8, $0x38;
	[tilespmem:$0x10100] =	vst v63  }
0x1c: {  	_ =	swait.ge [sflag:s10], $0x6400  }
0x1d: {  	[sflag:s10] =	ssyncset.done $0x0  }
0x1e: {  	[sflag:s10] =	ssyncadd.s32 $0xFFFF9C00  }
0x1f: {  	[tilespmem:s11], [sflag:$0x9] =	stream.linear.gather [hbm4b:s4+s2], $0x1900, $0x38;
	[tilespmem:$0x10100] =	vst v63  }
0x20: {  	_ =	swait.ge [sflag:s10], $0x1900  }
0x21: {  	[sflag:s10] =	ssyncset.done $0x0  }
0x22: {  	[sflag:s10] =	ssyncadd.s32 $0xFFFFE700  }
0x23: {  	[tilespmem:s12], [sflag:$0x1] =	stream.indirect.gather [hbm4b:s3+s8], $0x20, s2, s8, $0xb8;
	[tilespmem:$0x10100] =	vst v63  }
0x24: {  	_ = 	snop  }
0x25: {  	[tilespmem:s13], [sflag:$0x2] =	stream.indirect.gather [hbm4b:s3+s8], $0x20, s8, s8, $0xb8;
	[tilespmem:$0x10100] =	vst v63  }
0x26: {  	s21 =	simm.s32 $0x3;
	s22 =	simm.s32 $0x180;
	s23 =	simm.s32 $0x0  }
0x27: {  	[tilespmem:s15], [sflag:$0x3] =	stream.indirect.gather [hbm4b:s3+s8], $0x20, s14, s8, $0xb8;
	[tilespmem:$0x10100] =	vst v63  }
.LBB2_2:
0x28: {  	s26 =	sadd.s32 $0xFFFFFFFD, s21  }
0x29: {  	s25 =	sand.u32 $0x3, s26  }
0x2a: {  	s24 =	sadd.s32 $0x1, s25  }
0x2b: {  	p0 =	sgt.u32 s26, $0xC4;
	_ =	swait.ge [sflag:s24], $0x1000  }
0x2c: {  	s28 =	sand.u32 @!p0 $0x3, s21;
	[sflag:s24] =	ssyncset.done $0x0  }
0x2d: {  	s29 =	simm.s32 @!p0 $0x80;
	[sflag:s24] =	ssyncadd.s32 $0xFFFFF000;
	s24 =	sshll.u32 @!p0 s28, $0xC  }
0x2e: {  	p1 =	slt.u32 @!p0 s26, $0x4;
	s28 =	sadd.s32 @!p0 $0x1, s28;
	s24 =	sadd.s32 @!p0 $0x7D00, s24  }
0x2f: {  	[tilespmem:s24], [sflag:s28] =	stream.indirect.gather @!p0 [hbm4b:s3+s29], $0x20, s22, s29, $0xb8;
	[tilespmem:$0x10100] =	vst v63  }
0x30: {  	p0 =	por p0, !p1;
	s24 =	sadd.s32 $0x5, s25  }
0x31: {  	_ =	swait.ge @p0 [sflag:s24], $0x400  }
0x32: {  	[sflag:s24] =	ssyncset.done @p0 $0x0  }
0x33: {  	[sflag:s24] =	ssyncadd.s32 @p0 $0xFFFFFC00  }
0x34: {  	_ =	swait.ge @p0 [sflag:s24], $0x400  }
0x35: {  	[sflag:s24] =	ssyncset.done @p0 $0x0  }
0x36: {  	[sflag:s24] =	ssyncadd.s32 @p0 $0xFFFFFC00  }
0x37: {  	_ =	swait.ge @p0 [sflag:s24], $0x400  }
0x38: {  	[sflag:s24] =	ssyncset.done @p0 $0x0  }
0x39: {  	[sflag:s24] =	ssyncadd.s32 @p0 $0xFFFFFC00  }
0x3a: {  	_ =	swait.ge @p0 [sflag:s24], $0x400  }
0x3b: {  	v2 =	vld [tilespmem:$0x1FEA0];
	_ =	sdelay $0x2  }
0x3c: {  	v0 =	vmov s26;
	v18 =	vld [tilespmem:$0x1FEC0]  }
0x3d: {  	v0 =	vand.u32 $0xFF, v0;
	[sflag:s24] =	ssyncset.done @p0 $0x0;
	v19 =	vld [tilespmem:$0x1FED0]  }
0x3e: {  	s28 =	sshll.u32 s25, $0xC;
	[sflag:s24] =	ssyncadd.s32 @p0 $0xFFFFFC00;
	v63 =	vadd.s32 v2, v0;
	v2 =	vld [tilespmem:$0x1FEB0]  }
0x3f: {  	v3 =	vld [tilespmem:s28+$0x7D10]  }
0x40: {  	v4 =	vld [tilespmem:s28+$0x7D20]  }
0x41: {  	v5 =	vld [tilespmem:s28+$0x7D30]  }
0x42: {  	v6 =	vld [tilespmem:s28+$0x7D40]  }
0x43: {  	v7 =	vld [tilespmem:s28+$0x7D50];
	v2 =	vadd.s32 v2, v0  }
0x44: {  	v8 =	vld [tilespmem:s28+$0x7D60]  }
0x45: {  	v9 =	vld [tilespmem:s28+$0x7D70]  }
0x46: {  	v10 =	vld [tilespmem:s28+$0x7D80]  }
0x47: {  	v0 =	vld.idx.msk [tilespmem:v63+s11+$0x0], $0xffff  }
0x48: {  	v63 =	vld.idx.msk [tilespmem:v2+s11+$0x0], $0xffff  }
0x49: {  	v2 =	vld [tilespmem:s28+$0x7D00]  }
0x4a: {  	v11 =	vld [tilespmem:s28+$0x7D90]  }
0x4b: {  	v12 =	vld [tilespmem:s28+$0x7DA0]  }
0x4c: {  	v13 =	vld [tilespmem:s28+$0x7DB0]  }
0x4d: {  	s25 =	smul.u32 $0x4400, s25;
	v14 =	vld [tilespmem:s28+$0x7DC0]  }
0x4e: {  	v15 =	vld [tilespmem:s28+$0x7DD0];
	v2 =	vadd.f32 v2, v0  }
0x4f: {  	s25 =	sshrl.u32 s25, $0x2;
	v16 =	vld [tilespmem:s28+$0x7DE0];
	v3 =	vadd.f32 v3, v63  }
0x50: {  	v17 =	vld [tilespmem:s28+$0x7DF0];
	[tilespmem:v1+s25+$0xBD00] =	vst.idx.msk $0xffff, v2;
	v2 =	vadd.f32 v4, v0  }
0x51: {  	[tilespmem:v18+s25+$0xBD00] =	vst.idx.msk $0xffff, v3;
	v18 =	vld [tilespmem:$0x1FEE0]  }
0x52: {  	[tilespmem:v19+s25+$0xBD00] =	vst.idx.msk $0xffff, v2;
	v19 =	vld [tilespmem:$0x1FEF0];
	_ =	sdelay $0x4  }
0x53: {  	v3 =	vadd.f32 v5, v63  }
0x54: {  	v2 =	vadd.f32 v6, v0  }
0x55: {  	[tilespmem:v18+s25+$0xBD00] =	vst.idx.msk $0xffff, v3  }
0x56: {  	[tilespmem:v19+s25+$0xBD00] =	vst.idx.msk $0xffff, v2;
	v2 =	vadd.f32 v8, v0;
	v8 =	vld [tilespmem:$0x1FF00];
	_ =	sdelay $0x5  }
0x57: {  	v3 =	vadd.f32 v7, v63;
	_ =	sdelay $0x1  }
0x58: {  	[tilespmem:v8+s25+$0xBD00] =	vst.idx.msk $0xffff, v3;
	v3 =	vadd.f32 v9, v63;
	v9 =	vld [tilespmem:$0x1FF10];
	_ =	sdelay $0x7  }
0x59: {  	[tilespmem:v9+s25+$0xBD00] =	vst.idx.msk $0xffff, v2;
	v2 =	vadd.f32 v10, v0;
	v10 =	vld [tilespmem:$0x1FF20];
	_ =	sdelay $0x7  }
0x5a: {  	[tilespmem:v10+s25+$0xBD00] =	vst.idx.msk $0xffff, v3;
	v3 =	vadd.f32 v11, v63;
	v11 =	vld [tilespmem:$0x1FF30];
	_ =	sdelay $0x7  }
0x5b: {  	[tilespmem:v11+s25+$0xBD00] =	vst.idx.msk $0xffff, v2;
	v2 =	vadd.f32 v12, v0;
	v12 =	vld [tilespmem:$0x1FF40];
	_ =	sdelay $0x7  }
0x5c: {  	[tilespmem:v12+s25+$0xBD00] =	vst.idx.msk $0xffff, v3;
	v3 =	vadd.f32 v13, v63;
	v13 =	vld [tilespmem:$0x1FF50];
	_ =	sdelay $0x7  }
0x5d: {  	[tilespmem:v13+s25+$0xBD00] =	vst.idx.msk $0xffff, v2;
	v2 =	vadd.f32 v14, v0;
	v14 =	vld [tilespmem:$0x1FF60];
	_ =	sdelay $0x7  }
0x5e: {  	[tilespmem:v14+s25+$0xBD00] =	vst.idx.msk $0xffff, v3;
	v3 =	vadd.f32 v15, v63;
	v15 =	vld [tilespmem:$0x1FF70];
	_ =	sdelay $0x7  }
0x5f: {  	[tilespmem:v15+s25+$0xBD00] =	vst.idx.msk $0xffff, v2;
	v2 =	vadd.f32 v16, v0;
	v16 =	vld [tilespmem:$0x1FF80];
	_ =	sdelay $0x7  }
0x60: {  	[tilespmem:v16+s25+$0xBD00] =	vst.idx.msk $0xffff, v3;
	v3 =	vadd.f32 v17, v63;
	v17 =	vld [tilespmem:$0x1FF90];
	_ =	sdelay $0x7  }
0x61: {  	[tilespmem:v17+s25+$0xBD00] =	vst.idx.msk $0xffff, v2;
	v2 =	vld [tilespmem:$0x1FFA0];
	_ =	sdelay $0x7  }
0x62: {  	v18 =	vld [tilespmem:$0x1FFB0];
	[tilespmem:v2+s25+$0xBD00] =	vst.idx.msk $0xffff, v3  }
0x63: {  	v2 =	vld [tilespmem:s28+$0x7E00]  }
0x64: {  	v3 =	vld [tilespmem:s28+$0x7E10]  }
0x65: {  	v4 =	vld [tilespmem:s28+$0x7E20]  }
0x66: {  	v5 =	vld [tilespmem:s28+$0x7E30]  }
0x67: {  	v6 =	vld [tilespmem:s28+$0x7E40]  }
0x68: {  	v7 =	vld [tilespmem:s28+$0x7E50]  }
0x69: {  	v8 =	vld [tilespmem:s28+$0x7E60]  }
0x6a: {  	v9 =	vld [tilespmem:s28+$0x7E70]  }
0x6b: {  	v10 =	vld [tilespmem:s28+$0x7E80]  }
0x6c: {  	v11 =	vld [tilespmem:s28+$0x7E90]  }
0x6d: {  	v12 =	vld [tilespmem:s28+$0x7EA0]  }
0x6e: {  	v13 =	vld [tilespmem:s28+$0x7EB0]  }
0x6f: {  	v14 =	vld [tilespmem:s28+$0x7EC0]  }
0x70: {  	v15 =	vld [tilespmem:s28+$0x7ED0];
	v2 =	vadd.f32 v2, v0  }
0x71: {  	v16 =	vld [tilespmem:s28+$0x7EE0]  }
0x72: {  	v17 =	vld [tilespmem:s28+$0x7EF0];
	[tilespmem:v18+s25+$0xBD00] =	vst.idx.msk $0xffff, v2  }
0x73: {  	v18 =	vld [tilespmem:$0x1FFC0]  }
0x74: {  	v19 =	vld [tilespmem:$0x1FFD0];
	_ =	sdelay $0x4  }
0x75: {  	v3 =	vadd.f32 v3, v63  }
0x76: {  	v2 =	vadd.f32 v4, v0  }
0x77: {  	[tilespmem:v18+s25+$0xBD00] =	vst.idx.msk $0xffff, v3;
	v18 =	vld [tilespmem:$0x1FFE0]  }
0x78: {  	[tilespmem:v19+s25+$0xBD00] =	vst.idx.msk $0xffff, v2;
	v19 =	vld [tilespmem:$0x1FFF0];
	_ =	sdelay $0x4  }
0x79: {  	v3 =	vadd.f32 v5, v63  }
0x7a: {  	v2 =	vadd.f32 v6, v0  }
0x7b: {  	[tilespmem:v18+s25+$0xBD00] =	vst.idx.msk $0xffff, v3;
	v3 =	vadd.f32 v7, v63  }
0x7c: {  	[tilespmem:v19+s25+$0xBD00] =	vst.idx.msk $0xffff, v2;
	v2 =	vadd.f32 v8, v0  }
0x7d: {  	[tilespmem:v23+s25+$0xBD00] =	vst.idx.msk $0xffff, v3;
	v3 =	vadd.f32 v9, v63  }
0x7e: {  	[tilespmem:v24+s25+$0xBD00] =	vst.idx.msk $0xffff, v2;
	v2 =	vadd.f32 v10, v0  }
0x7f: {  	[tilespmem:v25+s25+$0xBD00] =	vst.idx.msk $0xffff, v3;
	v3 =	vadd.f32 v11, v63  }
0x80: {  	[tilespmem:v26+s25+$0xBD00] =	vst.idx.msk $0xffff, v2;
	v2 =	vadd.f32 v12, v0  }
0x81: {  	[tilespmem:v27+s25+$0xBD00] =	vst.idx.msk $0xffff, v3;
	v3 =	vadd.f32 v13, v63  }
0x82: {  	[tilespmem:v28+s25+$0xBD00] =	vst.idx.msk $0xffff, v2;
	v2 =	vadd.f32 v14, v0  }
0x83: {  	[tilespmem:v29+s25+$0xBD00] =	vst.idx.msk $0xffff, v3;
	v3 =	vadd.f32 v15, v63  }
0x84: {  	[tilespmem:v30+s25+$0xBD00] =	vst.idx.msk $0xffff, v2;
	v2 =	vadd.f32 v16, v0  }
0x85: {  	[tilespmem:v31+s25+$0xBD00] =	vst.idx.msk $0xffff, v3;
	v3 =	vadd.f32 v17, v63  }
0x86: {  	[tilespmem:v32+s25+$0xBD00] =	vst.idx.msk $0xffff, v2  }
0x87: {  	[tilespmem:v33+s25+$0xBD00] =	vst.idx.msk $0xffff, v3  }
0x88: {  	v2 =	vld [tilespmem:s28+$0x7F00]  }
0x89: {  	v3 =	vld [tilespmem:s28+$0x7F10]  }
0x8a: {  	v4 =	vld [tilespmem:s28+$0x7F20]  }
0x8b: {  	v5 =	vld [tilespmem:s28+$0x7F30]  }
0x8c: {  	v6 =	vld [tilespmem:s28+$0x7F40]  }
0x8d: {  	v7 =	vld [tilespmem:s28+$0x7F50]  }
0x8e: {  	v8 =	vld [tilespmem:s28+$0x7F60]  }
0x8f: {  	v9 =	vld [tilespmem:s28+$0x7F70]  }
0x90: {  	v10 =	vld [tilespmem:s28+$0x7F80]  }
0x91: {  	v11 =	vld [tilespmem:s28+$0x7F90]  }
0x92: {  	v12 =	vld [tilespmem:s28+$0x7FA0]  }
0x93: {  	v13 =	vld [tilespmem:s28+$0x7FB0]  }
0x94: {  	v14 =	vld [tilespmem:s28+$0x7FC0]  }
0x95: {  	v15 =	vld [tilespmem:s28+$0x7FD0];
	v2 =	vadd.f32 v2, v0  }
0x96: {  	v16 =	vld [tilespmem:s28+$0x7FE0];
	v3 =	vadd.f32 v3, v63  }
0x97: {  	v17 =	vld [tilespmem:s28+$0x7FF0];
	[tilespmem:v34+s25+$0xBD00] =	vst.idx.msk $0xffff, v2;
	v2 =	vadd.f32 v4, v0  }
0x98: {  	[tilespmem:v35+s25+$0xBD00] =	vst.idx.msk $0xffff, v3;
	v3 =	vadd.f32 v5, v63  }
0x99: {  	[tilespmem:v36+s25+$0xBD00] =	vst.idx.msk $0xffff, v2;
	v2 =	vadd.f32 v6, v0  }
0x9a: {  	[tilespmem:v37+s25+$0xBD00] =	vst.idx.msk $0xffff, v3;
	v3 =	vadd.f32 v7, v63  }
0x9b: {  	[tilespmem:v38+s25+$0xBD00] =	vst.idx.msk $0xffff, v2;
	v2 =	vadd.f32 v8, v0  }
0x9c: {  	[tilespmem:v39+s25+$0xBD00] =	vst.idx.msk $0xffff, v3;
	v3 =	vadd.f32 v9, v63  }
0x9d: {  	[tilespmem:v40+s25+$0xBD00] =	vst.idx.msk $0xffff, v2;
	v2 =	vadd.f32 v10, v0  }
0x9e: {  	[tilespmem:v41+s25+$0xBD00] =	vst.idx.msk $0xffff, v3;
	v3 =	vadd.f32 v11, v63  }
0x9f: {  	[tilespmem:v42+s25+$0xBD00] =	vst.idx.msk $0xffff, v2;
	v2 =	vadd.f32 v12, v0  }
0xa0: {  	[tilespmem:v43+s25+$0xBD00] =	vst.idx.msk $0xffff, v3;
	v3 =	vadd.f32 v13, v63  }
0xa1: {  	[tilespmem:v44+s25+$0xBD00] =	vst.idx.msk $0xffff, v2;
	v2 =	vadd.f32 v14, v0  }
0xa2: {  	[tilespmem:v45+s25+$0xBD00] =	vst.idx.msk $0xffff, v3;
	v3 =	vadd.f32 v15, v63  }
0xa3: {  	[tilespmem:v46+s25+$0xBD00] =	vst.idx.msk $0xffff, v2;
	v2 =	vadd.f32 v16, v0  }
0xa4: {  	[tilespmem:v47+s25+$0xBD00] =	vst.idx.msk $0xffff, v3;
	v3 =	vadd.f32 v17, v63  }
0xa5: {  	[tilespmem:v48+s25+$0xBD00] =	vst.idx.msk $0xffff, v2  }
0xa6: {  	[tilespmem:v49+s25+$0xBD00] =	vst.idx.msk $0xffff, v3  }
0xa7: {  	v2 =	vld [tilespmem:s28+$0x8000]  }
0xa8: {  	v3 =	vld [tilespmem:s28+$0x8010]  }
0xa9: {  	v4 =	vld [tilespmem:s28+$0x8020]  }
0xaa: {  	v5 =	vld [tilespmem:s28+$0x8030]  }
0xab: {  	v6 =	vld [tilespmem:s28+$0x8040]  }
0xac: {  	v7 =	vld [tilespmem:s28+$0x8050]  }
0xad: {  	v8 =	vld [tilespmem:s28+$0x8060]  }
0xae: {  	v9 =	vld [tilespmem:s28+$0x8070]  }
0xaf: {  	v10 =	vld [tilespmem:s28+$0x8080]  }
0xb0: {  	v11 =	vld [tilespmem:s28+$0x8090]  }
0xb1: {  	v12 =	vld [tilespmem:s28+$0x80A0]  }
0xb2: {  	v13 =	vld [tilespmem:s28+$0x80B0]  }
0xb3: {  	v14 =	vld [tilespmem:s28+$0x80C0]  }
0xb4: {  	v15 =	vld [tilespmem:s28+$0x80D0];
	v2 =	vadd.f32 v2, v0  }
0xb5: {  	v16 =	vld [tilespmem:s28+$0x80E0];
	v3 =	vadd.f32 v3, v63  }
0xb6: {  	v17 =	vld [tilespmem:s28+$0x80F0];
	[tilespmem:v50+s25+$0xBD00] =	vst.idx.msk $0xffff, v2;
	v2 =	vadd.f32 v4, v0  }
0xb7: {  	[tilespmem:v51+s25+$0xBD00] =	vst.idx.msk $0xffff, v3;
	v3 =	vadd.f32 v5, v63  }
0xb8: {  	[tilespmem:v52+s25+$0xBD00] =	vst.idx.msk $0xffff, v2;
	v2 =	vadd.f32 v6, v0  }
0xb9: {  	[tilespmem:v53+s25+$0xBD00] =	vst.idx.msk $0xffff, v3;
	v3 =	vadd.f32 v7, v63  }
0xba: {  	[tilespmem:v54+s25+$0xBD00] =	vst.idx.msk $0xffff, v2;
	v2 =	vadd.f32 v8, v0  }
0xbb: {  	[tilespmem:v55+s25+$0xBD00] =	vst.idx.msk $0xffff, v3;
	v3 =	vadd.f32 v9, v63  }
0xbc: {  	[tilespmem:v56+s25+$0xBD00] =	vst.idx.msk $0xffff, v2;
	v2 =	vadd.f32 v10, v0  }
0xbd: {  	[tilespmem:v57+s25+$0xBD00] =	vst.idx.msk $0xffff, v3;
	v3 =	vadd.f32 v11, v63  }
0xbe: {  	v11 =	vadd.s32 $0x89E, v1;
	[tilespmem:v58+s25+$0xBD00] =	vst.idx.msk $0xffff, v2;
	v2 =	vadd.f32 v12, v0  }
0xbf: {  	v12 =	vadd.s32 $0x1F, v1;
	[tilespmem:v59+s25+$0xBD00] =	vst.idx.msk $0xffff, v3;
	v3 =	vadd.f32 v13, v63  }
0xc0: {  	v13 =	vadd.s32 $0x89F, v1;
	[tilespmem:v60+s25+$0xBD00] =	vst.idx.msk $0xffff, v2;
	v2 =	vadd.f32 v14, v0  }
0xc1: {  	[tilespmem:v61+s25+$0xBD00] =	vst.idx.msk $0xffff, v3;
	v3 =	vadd.f32 v15, v63  }
0xc2: {  	[tilespmem:v62+s25+$0xBD00] =	vst.idx.msk $0xffff, v2;
	v2 =	vadd.f32 v16, v0  }
0xc3: {  	[tilespmem:v11+s25+$0xBD00] =	vst.idx.msk $0xffff, v3;
	v3 =	vadd.f32 v17, v63  }
0xc4: {  	[tilespmem:v12+s25+$0xBD00] =	vst.idx.msk $0xffff, v2  }
0xc5: {  	[tilespmem:v13+s25+$0xBD00] =	vst.idx.msk $0xffff, v3  }
0xc6: {  	v2 =	vld [tilespmem:s28+$0x8100]  }
0xc7: {  	v3 =	vld [tilespmem:s28+$0x8110]  }
0xc8: {  	v4 =	vld [tilespmem:s28+$0x8120]  }
0xc9: {  	v5 =	vld [tilespmem:s28+$0x8130]  }
0xca: {  	v6 =	vld [tilespmem:s28+$0x8140]  }
0xcb: {  	v7 =	vld [tilespmem:s28+$0x8150]  }
0xcc: {  	v8 =	vld [tilespmem:s28+$0x8160]  }
0xcd: {  	v9 =	vld [tilespmem:s28+$0x8170]  }
0xce: {  	v10 =	vld [tilespmem:s28+$0x8180]  }
0xcf: {  	v11 =	vld [tilespmem:s28+$0x8190]  }
0xd0: {  	v14 =	vadd.s32 $0x20, v1;
	v12 =	vld [tilespmem:s28+$0x81A0]  }
0xd1: {  	v16 =	vadd.s32 $0x8A0, v1;
	v13 =	vld [tilespmem:s28+$0x81B0]  }
0xd2: {  	v18 =	vadd.s32 $0x21, v1;
	v15 =	vld [tilespmem:s28+$0x81C0]  }
0xd3: {  	v20 =	vadd.s32 $0x8A1, v1;
	v17 =	vld [tilespmem:s28+$0x81D0];
	v2 =	vadd.f32 v2, v0  }
0xd4: {  	v22 =	vadd.s32 $0x22, v1;
	v19 =	vld [tilespmem:s28+$0x81E0];
	v3 =	vadd.f32 v3, v63  }
0xd5: {  	v21 =	vld [tilespmem:s28+$0x81F0];
	[tilespmem:v14+s25+$0xBD00] =	vst.idx.msk $0xffff, v2;
	v2 =	vadd.f32 v4, v0;
	v4 =	vadd.s32 $0x8A2, v1  }
0xd6: {  	v14 =	vadd.s32 $0x23, v1;
	[tilespmem:v16+s25+$0xBD00] =	vst.idx.msk $0xffff, v3;
	v3 =	vadd.f32 v5, v63  }
0xd7: {  	v16 =	vadd.s32 $0x8A3, v1;
	[tilespmem:v18+s25+$0xBD00] =	vst.idx.msk $0xffff, v2;
	v2 =	vadd.f32 v6, v0  }
0xd8: {  	v18 =	vadd.s32 $0x24, v1;
	[tilespmem:v20+s25+$0xBD00] =	vst.idx.msk $0xffff, v3;
	v3 =	vadd.f32 v7, v63  }
0xd9: {  	[tilespmem:v22+s25+$0xBD00] =	vst.idx.msk $0xffff, v2;
	v2 =	vadd.f32 v8, v0;
	v8 =	vadd.s32 $0x8A4, v1  }
0xda: {  	[tilespmem:v4+s25+$0xBD00] =	vst.idx.msk $0xffff, v3;
	v3 =	vadd.f32 v9, v63;
	v4 =	vadd.s32 $0x25, v1  }
0xdb: {  	[tilespmem:v14+s25+$0xBD00] =	vst.idx.msk $0xffff, v2;
	v2 =	vadd.f32 v10, v0;
	v14 =	vadd.s32 $0x8A5, v1  }
0xdc: {  	[tilespmem:v16+s25+$0xBD00] =	vst.idx.msk $0xffff, v3;
	v3 =	vadd.f32 v11, v63;
	v16 =	vadd.s32 $0x26, v1  }
0xdd: {  	[tilespmem:v18+s25+$0xBD00] =	vst.idx.msk $0xffff, v2;
	v2 =	vadd.f32 v12, v0;
	v18 =	vadd.s32 $0x8A6, v1  }
0xde: {  	v12 =	vadd.s32 $0x27, v1;
	[tilespmem:v8+s25+$0xBD00] =	vst.idx.msk $0xffff, v3;
	v3 =	vadd.f32 v13, v63  }
0xdf: {  	v13 =	vadd.s32 $0x8A7, v1;
	[tilespmem:v4+s25+$0xBD00] =	vst.idx.msk $0xffff, v2;
	v2 =	vadd.f32 v15, v0  }
0xe0: {  	[tilespmem:v14+s25+$0xBD00] =	vst.idx.msk $0xffff, v3;
	v3 =	vadd.f32 v17, v63  }
0xe1: {  	[tilespmem:v16+s25+$0xBD00] =	vst.idx.msk $0xffff, v2;
	v2 =	vadd.f32 v19, v0  }
0xe2: {  	[tilespmem:v18+s25+$0xBD00] =	vst.idx.msk $0xffff, v3;
	v3 =	vadd.f32 v21, v63  }
0xe3: {  	[tilespmem:v12+s25+$0xBD00] =	vst.idx.msk $0xffff, v2  }
0xe4: {  	[tilespmem:v13+s25+$0xBD00] =	vst.idx.msk $0xffff, v3  }
0xe5: {  	v2 =	vld [tilespmem:s28+$0x8200]  }
0xe6: {  	v3 =	vld [tilespmem:s28+$0x8210]  }
0xe7: {  	v4 =	vld [tilespmem:s28+$0x8220]  }
0xe8: {  	v5 =	vld [tilespmem:s28+$0x8230]  }
0xe9: {  	v6 =	vld [tilespmem:s28+$0x8240]  }
0xea: {  	v7 =	vld [tilespmem:s28+$0x8250]  }
0xeb: {  	v8 =	vld [tilespmem:s28+$0x8260]  }
0xec: {  	v9 =	vld [tilespmem:s28+$0x8270]  }
0xed: {  	v10 =	vld [tilespmem:s28+$0x8280]  }
0xee: {  	v11 =	vld [tilespmem:s28+$0x8290]  }
0xef: {  	v14 =	vadd.s32 $0x28, v1;
	v12 =	vld [tilespmem:s28+$0x82A0]  }
0xf0: {  	v16 =	vadd.s32 $0x8A8, v1;
	v13 =	vld [tilespmem:s28+$0x82B0]  }
0xf1: {  	v18 =	vadd.s32 $0x29, v1;
	v15 =	vld [tilespmem:s28+$0x82C0]  }
0xf2: {  	v20 =	vadd.s32 $0x8A9, v1;
	v17 =	vld [tilespmem:s28+$0x82D0];
	v2 =	vadd.f32 v2, v0  }
0xf3: {  	v22 =	vadd.s32 $0x2A, v1;
	v19 =	vld [tilespmem:s28+$0x82E0];
	v3 =	vadd.f32 v3, v63  }
0xf4: {  	v21 =	vld [tilespmem:s28+$0x82F0];
	[tilespmem:v14+s25+$0xBD00] =	vst.idx.msk $0xffff, v2;
	v2 =	vadd.f32 v4, v0;
	v4 =	vadd.s32 $0x8AA, v1  }
0xf5: {  	v14 =	vadd.s32 $0x2B, v1;
	[tilespmem:v16+s25+$0xBD00] =	vst.idx.msk $0xffff, v3;
	v3 =	vadd.f32 v5, v63  }
0xf6: {  	v16 =	vadd.s32 $0x8AB, v1;
	[tilespmem:v18+s25+$0xBD00] =	vst.idx.msk $0xffff, v2;
	v2 =	vadd.f32 v6, v0  }
0xf7: {  	v18 =	vadd.s32 $0x2C, v1;
	[tilespmem:v20+s25+$0xBD00] =	vst.idx.msk $0xffff, v3;
	v3 =	vadd.f32 v7, v63  }
0xf8: {  	[tilespmem:v22+s25+$0xBD00] =	vst.idx.msk $0xffff, v2;
	v2 =	vadd.f32 v8, v0;
	v8 =	vadd.s32 $0x8AC, v1  }
0xf9: {  	[tilespmem:v4+s25+$0xBD00] =	vst.idx.msk $0xffff, v3;
	v3 =	vadd.f32 v9, v63;
	v4 =	vadd.s32 $0x2D, v1  }
0xfa: {  	[tilespmem:v14+s25+$0xBD00] =	vst.idx.msk $0xffff, v2;
	v2 =	vadd.f32 v10, v0;
	v14 =	vadd.s32 $0x8AD, v1  }
0xfb: {  	[tilespmem:v16+s25+$0xBD00] =	vst.idx.msk $0xffff, v3;
	v3 =	vadd.f32 v11, v63;
	v16 =	vadd.s32 $0x2E, v1  }
0xfc: {  	[tilespmem:v18+s25+$0xBD00] =	vst.idx.msk $0xffff, v2;
	v2 =	vadd.f32 v12, v0;
	v18 =	vadd.s32 $0x8AE, v1  }
0xfd: {  	v12 =	vadd.s32 $0x2F, v1;
	[tilespmem:v8+s25+$0xBD00] =	vst.idx.msk $0xffff, v3;
	v3 =	vadd.f32 v13, v63  }
0xfe: {  	v13 =	vadd.s32 $0x8AF, v1;
	[tilespmem:v4+s25+$0xBD00] =	vst.idx.msk $0xffff, v2;
	v2 =	vadd.f32 v15, v0  }
0xff: {  	[tilespmem:v14+s25+$0xBD00] =	vst.idx.msk $0xffff, v3;
	v3 =	vadd.f32 v17, v63  }
0x100: {  	[tilespmem:v16+s25+$0xBD00] =	vst.idx.msk $0xffff, v2;
	v2 =	vadd.f32 v19, v0  }
0x101: {  	[tilespmem:v18+s25+$0xBD00] =	vst.idx.msk $0xffff, v3;
	v3 =	vadd.f32 v21, v63  }
0x102: {  	[tilespmem:v12+s25+$0xBD00] =	vst.idx.msk $0xffff, v2  }
0x103: {  	[tilespmem:v13+s25+$0xBD00] =	vst.idx.msk $0xffff, v3  }
0x104: {  	v2 =	vld [tilespmem:s28+$0x8300]  }
0x105: {  	v3 =	vld [tilespmem:s28+$0x8310]  }
0x106: {  	v4 =	vld [tilespmem:s28+$0x8320]  }
0x107: {  	v5 =	vld [tilespmem:s28+$0x8330]  }
0x108: {  	v6 =	vld [tilespmem:s28+$0x8340]  }
0x109: {  	v7 =	vld [tilespmem:s28+$0x8350]  }
0x10a: {  	v8 =	vld [tilespmem:s28+$0x8360]  }
0x10b: {  	v9 =	vld [tilespmem:s28+$0x8370]  }
0x10c: {  	v10 =	vld [tilespmem:s28+$0x8380]  }
0x10d: {  	v11 =	vld [tilespmem:s28+$0x8390]  }
0x10e: {  	v14 =	vadd.s32 $0x30, v1;
	v12 =	vld [tilespmem:s28+$0x83A0]  }
0x10f: {  	v16 =	vadd.s32 $0x8B0, v1;
	v13 =	vld [tilespmem:s28+$0x83B0]  }
0x110: {  	v18 =	vadd.s32 $0x31, v1;
	v15 =	vld [tilespmem:s28+$0x83C0]  }
0x111: {  	v20 =	vadd.s32 $0x8B1, v1;
	v17 =	vld [tilespmem:s28+$0x83D0];
	v2 =	vadd.f32 v2, v0  }
0x112: {  	v22 =	vadd.s32 $0x32, v1;
	v19 =	vld [tilespmem:s28+$0x83E0];
	v3 =	vadd.f32 v3, v63  }
0x113: {  	v21 =	vld [tilespmem:s28+$0x83F0];
	[tilespmem:v14+s25+$0xBD00] =	vst.idx.msk $0xffff, v2;
	v2 =	vadd.f32 v4, v0;
	v4 =	vadd.s32 $0x8B2, v1  }
0x114: {  	v14 =	vadd.s32 $0x33, v1;
	[tilespmem:v16+s25+$0xBD00] =	vst.idx.msk $0xffff, v3;
	v3 =	vadd.f32 v5, v63  }
0x115: {  	v16 =	vadd.s32 $0x8B3, v1;
	[tilespmem:v18+s25+$0xBD00] =	vst.idx.msk $0xffff, v2;
	v2 =	vadd.f32 v6, v0  }
0x116: {  	v18 =	vadd.s32 $0x34, v1;
	[tilespmem:v20+s25+$0xBD00] =	vst.idx.msk $0xffff, v3;
	v3 =	vadd.f32 v7, v63  }
0x117: {  	[tilespmem:v22+s25+$0xBD00] =	vst.idx.msk $0xffff, v2;
	v2 =	vadd.f32 v8, v0;
	v8 =	vadd.s32 $0x8B4, v1  }
0x118: {  	[tilespmem:v4+s25+$0xBD00] =	vst.idx.msk $0xffff, v3;
	v3 =	vadd.f32 v9, v63;
	v4 =	vadd.s32 $0x35, v1  }
0x119: {  	[tilespmem:v14+s25+$0xBD00] =	vst.idx.msk $0xffff, v2;
	v2 =	vadd.f32 v10, v0;
	v14 =	vadd.s32 $0x8B5, v1  }
0x11a: {  	[tilespmem:v16+s25+$0xBD00] =	vst.idx.msk $0xffff, v3;
	v3 =	vadd.f32 v11, v63;
	v16 =	vadd.s32 $0x36, v1  }
0x11b: {  	[tilespmem:v18+s25+$0xBD00] =	vst.idx.msk $0xffff, v2;
	v2 =	vadd.f32 v12, v0;
	v18 =	vadd.s32 $0x8B6, v1  }
0x11c: {  	v12 =	vadd.s32 $0x37, v1;
	[tilespmem:v8+s25+$0xBD00] =	vst.idx.msk $0xffff, v3;
	v3 =	vadd.f32 v13, v63  }
0x11d: {  	v13 =	vadd.s32 $0x8B7, v1;
	[tilespmem:v4+s25+$0xBD00] =	vst.idx.msk $0xffff, v2;
	v2 =	vadd.f32 v15, v0  }
0x11e: {  	[tilespmem:v14+s25+$0xBD00] =	vst.idx.msk $0xffff, v3;
	v3 =	vadd.f32 v17, v63  }
0x11f: {  	[tilespmem:v16+s25+$0xBD00] =	vst.idx.msk $0xffff, v2;
	v2 =	vadd.f32 v19, v0  }
0x120: {  	[tilespmem:v18+s25+$0xBD00] =	vst.idx.msk $0xffff, v3;
	v3 =	vadd.f32 v21, v63  }
0x121: {  	[tilespmem:v12+s25+$0xBD00] =	vst.idx.msk $0xffff, v2  }
0x122: {  	[tilespmem:v13+s25+$0xBD00] =	vst.idx.msk $0xffff, v3  }
0x123: {  	v2 =	vld [tilespmem:s28+$0x8400]  }
0x124: {  	v3 =	vld [tilespmem:s28+$0x8410]  }
0x125: {  	v4 =	vld [tilespmem:s28+$0x8420]  }
0x126: {  	v5 =	vld [tilespmem:s28+$0x8430]  }
0x127: {  	v6 =	vld [tilespmem:s28+$0x8440]  }
0x128: {  	v7 =	vld [tilespmem:s28+$0x8450]  }
0x129: {  	v8 =	vld [tilespmem:s28+$0x8460]  }
0x12a: {  	v9 =	vld [tilespmem:s28+$0x8470]  }
0x12b: {  	v10 =	vld [tilespmem:s28+$0x8480]  }
0x12c: {  	v11 =	vld [tilespmem:s28+$0x8490]  }
0x12d: {  	v14 =	vadd.s32 $0x38, v1;
	v12 =	vld [tilespmem:s28+$0x84A0]  }
0x12e: {  	v16 =	vadd.s32 $0x8B8, v1;
	v13 =	vld [tilespmem:s28+$0x84B0]  }
0x12f: {  	v18 =	vadd.s32 $0x39, v1;
	v15 =	vld [tilespmem:s28+$0x84C0]  }
0x130: {  	v20 =	vadd.s32 $0x8B9, v1;
	v17 =	vld [tilespmem:s28+$0x84D0];
	v2 =	vadd.f32 v2, v0  }
0x131: {  	v22 =	vadd.s32 $0x3A, v1;
	v19 =	vld [tilespmem:s28+$0x84E0];
	v3 =	vadd.f32 v3, v63  }
0x132: {  	v21 =	vld [tilespmem:s28+$0x84F0];
	[tilespmem:v14+s25+$0xBD00] =	vst.idx.msk $0xffff, v2;
	v2 =	vadd.f32 v4, v0;
	v4 =	vadd.s32 $0x8BA, v1  }
0x133: {  	v14 =	vadd.s32 $0x3B, v1;
	[tilespmem:v16+s25+$0xBD00] =	vst.idx.msk $0xffff, v3;
	v3 =	vadd.f32 v5, v63  }
0x134: {  	v16 =	vadd.s32 $0x8BB, v1;
	[tilespmem:v18+s25+$0xBD00] =	vst.idx.msk $0xffff, v2;
	v2 =	vadd.f32 v6, v0  }
0x135: {  	v18 =	vadd.s32 $0x3C, v1;
	[tilespmem:v20+s25+$0xBD00] =	vst.idx.msk $0xffff, v3;
	v3 =	vadd.f32 v7, v63  }
0x136: {  	[tilespmem:v22+s25+$0xBD00] =	vst.idx.msk $0xffff, v2;
	v2 =	vadd.f32 v8, v0;
	v8 =	vadd.s32 $0x8BC, v1  }
0x137: {  	[tilespmem:v4+s25+$0xBD00] =	vst.idx.msk $0xffff, v3;
	v3 =	vadd.f32 v9, v63;
	v4 =	vadd.s32 $0x3D, v1  }
0x138: {  	[tilespmem:v14+s25+$0xBD00] =	vst.idx.msk $0xffff, v2;
	v2 =	vadd.f32 v10, v0;
	v14 =	vadd.s32 $0x8BD, v1  }
0x139: {  	[tilespmem:v16+s25+$0xBD00] =	vst.idx.msk $0xffff, v3;
	v3 =	vadd.f32 v11, v63;
	v16 =	vadd.s32 $0x3E, v1  }
0x13a: {  	[tilespmem:v18+s25+$0xBD00] =	vst.idx.msk $0xffff, v2;
	v2 =	vadd.f32 v12, v0;
	v18 =	vadd.s32 $0x8BE, v1  }
0x13b: {  	v12 =	vadd.s32 $0x3F, v1;
	[tilespmem:v8+s25+$0xBD00] =	vst.idx.msk $0xffff, v3;
	v3 =	vadd.f32 v13, v63  }
0x13c: {  	v13 =	vadd.s32 $0x8BF, v1;
	[tilespmem:v4+s25+$0xBD00] =	vst.idx.msk $0xffff, v2;
	v2 =	vadd.f32 v15, v0  }
0x13d: {  	[tilespmem:v14+s25+$0xBD00] =	vst.idx.msk $0xffff, v3;
	v3 =	vadd.f32 v17, v63  }
0x13e: {  	[tilespmem:v16+s25+$0xBD00] =	vst.idx.msk $0xffff, v2;
	v2 =	vadd.f32 v19, v0  }
0x13f: {  	[tilespmem:v18+s25+$0xBD00] =	vst.idx.msk $0xffff, v3;
	v3 =	vadd.f32 v21, v63  }
0x140: {  	[tilespmem:v12+s25+$0xBD00] =	vst.idx.msk $0xffff, v2  }
0x141: {  	[tilespmem:v13+s25+$0xBD00] =	vst.idx.msk $0xffff, v3  }
0x142: {  	v2 =	vld [tilespmem:s28+$0x8500]  }
0x143: {  	v3 =	vld [tilespmem:s28+$0x8510]  }
0x144: {  	v4 =	vld [tilespmem:s28+$0x8520]  }
0x145: {  	v5 =	vld [tilespmem:s28+$0x8530]  }
0x146: {  	v6 =	vld [tilespmem:s28+$0x8540]  }
0x147: {  	v7 =	vld [tilespmem:s28+$0x8550]  }
0x148: {  	v8 =	vld [tilespmem:s28+$0x8560]  }
0x149: {  	v9 =	vld [tilespmem:s28+$0x8570]  }
0x14a: {  	v10 =	vld [tilespmem:s28+$0x8580]  }
0x14b: {  	v11 =	vld [tilespmem:s28+$0x8590]  }
0x14c: {  	v14 =	vadd.s32 $0x40, v1;
	v12 =	vld [tilespmem:s28+$0x85A0]  }
0x14d: {  	v16 =	vadd.s32 $0x8C0, v1;
	v13 =	vld [tilespmem:s28+$0x85B0]  }
0x14e: {  	v18 =	vadd.s32 $0x41, v1;
	v15 =	vld [tilespmem:s28+$0x85C0]  }
0x14f: {  	v20 =	vadd.s32 $0x8C1, v1;
	v17 =	vld [tilespmem:s28+$0x85D0];
	v2 =	vadd.f32 v2, v0  }
0x150: {  	v22 =	vadd.s32 $0x42, v1;
	v19 =	vld [tilespmem:s28+$0x85E0];
	v3 =	vadd.f32 v3, v63  }
0x151: {  	v21 =	vld [tilespmem:s28+$0x85F0];
	[tilespmem:v14+s25+$0xBD00] =	vst.idx.msk $0xffff, v2;
	v2 =	vadd.f32 v4, v0;
	v4 =	vadd.s32 $0x8C2, v1  }
0x152: {  	v14 =	vadd.s32 $0x43, v1;
	[tilespmem:v16+s25+$0xBD00] =	vst.idx.msk $0xffff, v3;
	v3 =	vadd.f32 v5, v63  }
0x153: {  	v16 =	vadd.s32 $0x8C3, v1;
	[tilespmem:v18+s25+$0xBD00] =	vst.idx.msk $0xffff, v2;
	v2 =	vadd.f32 v6, v0  }
0x154: {  	v18 =	vadd.s32 $0x44, v1;
	[tilespmem:v20+s25+$0xBD00] =	vst.idx.msk $0xffff, v3;
	v3 =	vadd.f32 v7, v63  }
0x155: {  	[tilespmem:v22+s25+$0xBD00] =	vst.idx.msk $0xffff, v2;
	v2 =	vadd.f32 v8, v0;
	v8 =	vadd.s32 $0x8C4, v1  }
0x156: {  	[tilespmem:v4+s25+$0xBD00] =	vst.idx.msk $0xffff, v3;
	v3 =	vadd.f32 v9, v63;
	v4 =	vadd.s32 $0x45, v1  }
0x157: {  	[tilespmem:v14+s25+$0xBD00] =	vst.idx.msk $0xffff, v2;
	v2 =	vadd.f32 v10, v0;
	v14 =	vadd.s32 $0x8C5, v1  }
0x158: {  	[tilespmem:v16+s25+$0xBD00] =	vst.idx.msk $0xffff, v3;
	v3 =	vadd.f32 v11, v63;
	v16 =	vadd.s32 $0x46, v1  }
0x159: {  	[tilespmem:v18+s25+$0xBD00] =	vst.idx.msk $0xffff, v2;
	v2 =	vadd.f32 v12, v0;
	v18 =	vadd.s32 $0x8C6, v1  }
0x15a: {  	v12 =	vadd.s32 $0x47, v1;
	[tilespmem:v8+s25+$0xBD00] =	vst.idx.msk $0xffff, v3;
	v3 =	vadd.f32 v13, v63  }
0x15b: {  	v13 =	vadd.s32 $0x8C7, v1;
	[tilespmem:v4+s25+$0xBD00] =	vst.idx.msk $0xffff, v2;
	v2 =	vadd.f32 v15, v0  }
0x15c: {  	[tilespmem:v14+s25+$0xBD00] =	vst.idx.msk $0xffff, v3;
	v3 =	vadd.f32 v17, v63  }
0x15d: {  	[tilespmem:v16+s25+$0xBD00] =	vst.idx.msk $0xffff, v2;
	v2 =	vadd.f32 v19, v0  }
0x15e: {  	[tilespmem:v18+s25+$0xBD00] =	vst.idx.msk $0xffff, v3;
	v3 =	vadd.f32 v21, v63  }
0x15f: {  	[tilespmem:v12+s25+$0xBD00] =	vst.idx.msk $0xffff, v2  }
0x160: {  	[tilespmem:v13+s25+$0xBD00] =	vst.idx.msk $0xffff, v3  }
0x161: {  	v2 =	vld [tilespmem:s28+$0x8600]  }
0x162: {  	v3 =	vld [tilespmem:s28+$0x8610]  }
0x163: {  	v4 =	vld [tilespmem:s28+$0x8620]  }
0x164: {  	v5 =	vld [tilespmem:s28+$0x8630]  }
0x165: {  	v6 =	vld [tilespmem:s28+$0x8640]  }
0x166: {  	v7 =	vld [tilespmem:s28+$0x8650]  }
0x167: {  	v8 =	vld [tilespmem:s28+$0x8660]  }
0x168: {  	v9 =	vld [tilespmem:s28+$0x8670]  }
0x169: {  	v10 =	vld [tilespmem:s28+$0x8680]  }
0x16a: {  	v11 =	vld [tilespmem:s28+$0x8690]  }
0x16b: {  	v14 =	vadd.s32 $0x48, v1;
	v12 =	vld [tilespmem:s28+$0x86A0]  }
0x16c: {  	v16 =	vadd.s32 $0x8C8, v1;
	v13 =	vld [tilespmem:s28+$0x86B0]  }
0x16d: {  	v18 =	vadd.s32 $0x49, v1;
	v15 =	vld [tilespmem:s28+$0x86C0]  }
0x16e: {  	v20 =	vadd.s32 $0x8C9, v1;
	v17 =	vld [tilespmem:s28+$0x86D0];
	v2 =	vadd.f32 v2, v0  }
0x16f: {  	v22 =	vadd.s32 $0x4A, v1;
	v19 =	vld [tilespmem:s28+$0x86E0];
	v3 =	vadd.f32 v3, v63  }
0x170: {  	v21 =	vld [tilespmem:s28+$0x86F0];
	[tilespmem:v14+s25+$0xBD00] =	vst.idx.msk $0xffff, v2;
	v2 =	vadd.f32 v4, v0;
	v4 =	vadd.s32 $0x8CA, v1  }
0x171: {  	v14 =	vadd.s32 $0x4B, v1;
	[tilespmem:v16+s25+$0xBD00] =	vst.idx.msk $0xffff, v3;
	v3 =	vadd.f32 v5, v63  }
0x172: {  	v16 =	vadd.s32 $0x8CB, v1;
	[tilespmem:v18+s25+$0xBD00] =	vst.idx.msk $0xffff, v2;
	v2 =	vadd.f32 v6, v0  }
0x173: {  	v18 =	vadd.s32 $0x4C, v1;
	[tilespmem:v20+s25+$0xBD00] =	vst.idx.msk $0xffff, v3;
	v3 =	vadd.f32 v7, v63  }
0x174: {  	[tilespmem:v22+s25+$0xBD00] =	vst.idx.msk $0xffff, v2;
	v2 =	vadd.f32 v8, v0;
	v8 =	vadd.s32 $0x8CC, v1  }
0x175: {  	[tilespmem:v4+s25+$0xBD00] =	vst.idx.msk $0xffff, v3;
	v3 =	vadd.f32 v9, v63;
	v4 =	vadd.s32 $0x4D, v1  }
0x176: {  	[tilespmem:v14+s25+$0xBD00] =	vst.idx.msk $0xffff, v2;
	v2 =	vadd.f32 v10, v0;
	v14 =	vadd.s32 $0x8CD, v1  }
0x177: {  	[tilespmem:v16+s25+$0xBD00] =	vst.idx.msk $0xffff, v3;
	v3 =	vadd.f32 v11, v63;
	v16 =	vadd.s32 $0x4E, v1  }
0x178: {  	[tilespmem:v18+s25+$0xBD00] =	vst.idx.msk $0xffff, v2;
	v2 =	vadd.f32 v12, v0;
	v18 =	vadd.s32 $0x8CE, v1  }
0x179: {  	v12 =	vadd.s32 $0x4F, v1;
	[tilespmem:v8+s25+$0xBD00] =	vst.idx.msk $0xffff, v3;
	v3 =	vadd.f32 v13, v63  }
0x17a: {  	v13 =	vadd.s32 $0x8CF, v1;
	[tilespmem:v4+s25+$0xBD00] =	vst.idx.msk $0xffff, v2;
	v2 =	vadd.f32 v15, v0  }
0x17b: {  	[tilespmem:v14+s25+$0xBD00] =	vst.idx.msk $0xffff, v3;
	v3 =	vadd.f32 v17, v63  }
0x17c: {  	[tilespmem:v16+s25+$0xBD00] =	vst.idx.msk $0xffff, v2;
	v2 =	vadd.f32 v19, v0  }
0x17d: {  	[tilespmem:v18+s25+$0xBD00] =	vst.idx.msk $0xffff, v3;
	v3 =	vadd.f32 v21, v63  }
0x17e: {  	[tilespmem:v12+s25+$0xBD00] =	vst.idx.msk $0xffff, v2  }
0x17f: {  	[tilespmem:v13+s25+$0xBD00] =	vst.idx.msk $0xffff, v3  }
0x180: {  	v2 =	vld [tilespmem:s28+$0x8700]  }
0x181: {  	v3 =	vld [tilespmem:s28+$0x8710]  }
0x182: {  	v4 =	vld [tilespmem:s28+$0x8720]  }
0x183: {  	v5 =	vld [tilespmem:s28+$0x8730]  }
0x184: {  	v6 =	vld [tilespmem:s28+$0x8740]  }
0x185: {  	v7 =	vld [tilespmem:s28+$0x8750]  }
0x186: {  	v8 =	vld [tilespmem:s28+$0x8760]  }
0x187: {  	v9 =	vld [tilespmem:s28+$0x8770]  }
0x188: {  	v10 =	vld [tilespmem:s28+$0x8780]  }
0x189: {  	v11 =	vld [tilespmem:s28+$0x8790]  }
0x18a: {  	v14 =	vadd.s32 $0x50, v1;
	v12 =	vld [tilespmem:s28+$0x87A0]  }
0x18b: {  	v16 =	vadd.s32 $0x8D0, v1;
	v13 =	vld [tilespmem:s28+$0x87B0]  }
0x18c: {  	v18 =	vadd.s32 $0x51, v1;
	v15 =	vld [tilespmem:s28+$0x87C0]  }
0x18d: {  	v20 =	vadd.s32 $0x8D1, v1;
	v17 =	vld [tilespmem:s28+$0x87D0];
	v2 =	vadd.f32 v2, v0  }
0x18e: {  	v22 =	vadd.s32 $0x52, v1;
	v19 =	vld [tilespmem:s28+$0x87E0];
	v3 =	vadd.f32 v3, v63  }
0x18f: {  	v21 =	vld [tilespmem:s28+$0x87F0];
	[tilespmem:v14+s25+$0xBD00] =	vst.idx.msk $0xffff, v2;
	v2 =	vadd.f32 v4, v0;
	v4 =	vadd.s32 $0x8D2, v1  }
0x190: {  	v14 =	vadd.s32 $0x53, v1;
	[tilespmem:v16+s25+$0xBD00] =	vst.idx.msk $0xffff, v3;
	v3 =	vadd.f32 v5, v63  }
0x191: {  	v16 =	vadd.s32 $0x8D3, v1;
	[tilespmem:v18+s25+$0xBD00] =	vst.idx.msk $0xffff, v2;
	v2 =	vadd.f32 v6, v0  }
0x192: {  	v18 =	vadd.s32 $0x54, v1;
	[tilespmem:v20+s25+$0xBD00] =	vst.idx.msk $0xffff, v3;
	v3 =	vadd.f32 v7, v63  }
0x193: {  	[tilespmem:v22+s25+$0xBD00] =	vst.idx.msk $0xffff, v2;
	v2 =	vadd.f32 v8, v0;
	v8 =	vadd.s32 $0x8D4, v1  }
0x194: {  	[tilespmem:v4+s25+$0xBD00] =	vst.idx.msk $0xffff, v3;
	v3 =	vadd.f32 v9, v63;
	v4 =	vadd.s32 $0x55, v1  }
0x195: {  	[tilespmem:v14+s25+$0xBD00] =	vst.idx.msk $0xffff, v2;
	v2 =	vadd.f32 v10, v0;
	v14 =	vadd.s32 $0x8D5, v1  }
0x196: {  	[tilespmem:v16+s25+$0xBD00] =	vst.idx.msk $0xffff, v3;
	v3 =	vadd.f32 v11, v63;
	v16 =	vadd.s32 $0x56, v1  }
0x197: {  	[tilespmem:v18+s25+$0xBD00] =	vst.idx.msk $0xffff, v2;
	v2 =	vadd.f32 v12, v0;
	v18 =	vadd.s32 $0x8D6, v1  }
0x198: {  	v12 =	vadd.s32 $0x57, v1;
	[tilespmem:v8+s25+$0xBD00] =	vst.idx.msk $0xffff, v3;
	v3 =	vadd.f32 v13, v63  }
0x199: {  	v13 =	vadd.s32 $0x8D7, v1;
	[tilespmem:v4+s25+$0xBD00] =	vst.idx.msk $0xffff, v2;
	v2 =	vadd.f32 v15, v0  }
0x19a: {  	[tilespmem:v14+s25+$0xBD00] =	vst.idx.msk $0xffff, v3;
	v3 =	vadd.f32 v17, v63  }
0x19b: {  	[tilespmem:v16+s25+$0xBD00] =	vst.idx.msk $0xffff, v2;
	v2 =	vadd.f32 v19, v0  }
0x19c: {  	[tilespmem:v18+s25+$0xBD00] =	vst.idx.msk $0xffff, v3;
	v3 =	vadd.f32 v21, v63  }
0x19d: {  	[tilespmem:v12+s25+$0xBD00] =	vst.idx.msk $0xffff, v2  }
0x19e: {  	[tilespmem:v13+s25+$0xBD00] =	vst.idx.msk $0xffff, v3  }
0x19f: {  	v2 =	vld [tilespmem:s28+$0x8800]  }
0x1a0: {  	v3 =	vld [tilespmem:s28+$0x8810]  }
0x1a1: {  	v4 =	vld [tilespmem:s28+$0x8820]  }
0x1a2: {  	v5 =	vld [tilespmem:s28+$0x8830]  }
0x1a3: {  	v6 =	vld [tilespmem:s28+$0x8840]  }
0x1a4: {  	v7 =	vld [tilespmem:s28+$0x8850]  }
0x1a5: {  	v8 =	vld [tilespmem:s28+$0x8860]  }
0x1a6: {  	v9 =	vld [tilespmem:s28+$0x8870]  }
0x1a7: {  	v10 =	vld [tilespmem:s28+$0x8880]  }
0x1a8: {  	v11 =	vld [tilespmem:s28+$0x8890]  }
0x1a9: {  	v14 =	vadd.s32 $0x58, v1;
	v12 =	vld [tilespmem:s28+$0x88A0]  }
0x1aa: {  	v16 =	vadd.s32 $0x8D8, v1;
	v13 =	vld [tilespmem:s28+$0x88B0]  }
0x1ab: {  	v18 =	vadd.s32 $0x59, v1;
	v15 =	vld [tilespmem:s28+$0x88C0]  }
0x1ac: {  	v20 =	vadd.s32 $0x8D9, v1;
	v17 =	vld [tilespmem:s28+$0x88D0];
	v2 =	vadd.f32 v2, v0  }
0x1ad: {  	v22 =	vadd.s32 $0x5A, v1;
	v19 =	vld [tilespmem:s28+$0x88E0];
	v3 =	vadd.f32 v3, v63  }
0x1ae: {  	v21 =	vld [tilespmem:s28+$0x88F0];
	[tilespmem:v14+s25+$0xBD00] =	vst.idx.msk $0xffff, v2;
	v2 =	vadd.f32 v4, v0;
	v4 =	vadd.s32 $0x8DA, v1  }
0x1af: {  	v14 =	vadd.s32 $0x5B, v1;
	[tilespmem:v16+s25+$0xBD00] =	vst.idx.msk $0xffff, v3;
	v3 =	vadd.f32 v5, v63  }
0x1b0: {  	v16 =	vadd.s32 $0x8DB, v1;
	[tilespmem:v18+s25+$0xBD00] =	vst.idx.msk $0xffff, v2;
	v2 =	vadd.f32 v6, v0  }
0x1b1: {  	v18 =	vadd.s32 $0x5C, v1;
	[tilespmem:v20+s25+$0xBD00] =	vst.idx.msk $0xffff, v3;
	v3 =	vadd.f32 v7, v63  }
0x1b2: {  	[tilespmem:v22+s25+$0xBD00] =	vst.idx.msk $0xffff, v2;
	v2 =	vadd.f32 v8, v0;
	v8 =	vadd.s32 $0x8DC, v1  }
0x1b3: {  	[tilespmem:v4+s25+$0xBD00] =	vst.idx.msk $0xffff, v3;
	v3 =	vadd.f32 v9, v63;
	v4 =	vadd.s32 $0x5D, v1  }
0x1b4: {  	[tilespmem:v14+s25+$0xBD00] =	vst.idx.msk $0xffff, v2;
	v2 =	vadd.f32 v10, v0;
	v14 =	vadd.s32 $0x8DD, v1  }
0x1b5: {  	[tilespmem:v16+s25+$0xBD00] =	vst.idx.msk $0xffff, v3;
	v3 =	vadd.f32 v11, v63;
	v16 =	vadd.s32 $0x5E, v1  }
0x1b6: {  	[tilespmem:v18+s25+$0xBD00] =	vst.idx.msk $0xffff, v2;
	v2 =	vadd.f32 v12, v0;
	v18 =	vadd.s32 $0x8DE, v1  }
0x1b7: {  	v12 =	vadd.s32 $0x5F, v1;
	[tilespmem:v8+s25+$0xBD00] =	vst.idx.msk $0xffff, v3;
	v3 =	vadd.f32 v13, v63  }
0x1b8: {  	v13 =	vadd.s32 $0x8DF, v1;
	[tilespmem:v4+s25+$0xBD00] =	vst.idx.msk $0xffff, v2;
	v2 =	vadd.f32 v15, v0  }
0x1b9: {  	[tilespmem:v14+s25+$0xBD00] =	vst.idx.msk $0xffff, v3;
	v3 =	vadd.f32 v17, v63  }
0x1ba: {  	[tilespmem:v16+s25+$0xBD00] =	vst.idx.msk $0xffff, v2;
	v2 =	vadd.f32 v19, v0  }
0x1bb: {  	[tilespmem:v18+s25+$0xBD00] =	vst.idx.msk $0xffff, v3;
	v3 =	vadd.f32 v21, v63  }
0x1bc: {  	[tilespmem:v12+s25+$0xBD00] =	vst.idx.msk $0xffff, v2  }
0x1bd: {  	[tilespmem:v13+s25+$0xBD00] =	vst.idx.msk $0xffff, v3  }
0x1be: {  	v2 =	vld [tilespmem:s28+$0x8900]  }
0x1bf: {  	v3 =	vld [tilespmem:s28+$0x8910]  }
0x1c0: {  	v4 =	vld [tilespmem:s28+$0x8920]  }
0x1c1: {  	v5 =	vld [tilespmem:s28+$0x8930]  }
0x1c2: {  	v6 =	vld [tilespmem:s28+$0x8940]  }
0x1c3: {  	v7 =	vld [tilespmem:s28+$0x8950]  }
0x1c4: {  	v8 =	vld [tilespmem:s28+$0x8960]  }
0x1c5: {  	v9 =	vld [tilespmem:s28+$0x8970]  }
0x1c6: {  	v10 =	vld [tilespmem:s28+$0x8980]  }
0x1c7: {  	v11 =	vld [tilespmem:s28+$0x8990]  }
0x1c8: {  	v14 =	vadd.s32 $0x60, v1;
	v12 =	vld [tilespmem:s28+$0x89A0]  }
0x1c9: {  	v16 =	vadd.s32 $0x8E0, v1;
	v13 =	vld [tilespmem:s28+$0x89B0]  }
0x1ca: {  	v18 =	vadd.s32 $0x61, v1;
	v15 =	vld [tilespmem:s28+$0x89C0]  }
0x1cb: {  	v20 =	vadd.s32 $0x8E1, v1;
	v17 =	vld [tilespmem:s28+$0x89D0];
	v2 =	vadd.f32 v2, v0  }
0x1cc: {  	v22 =	vadd.s32 $0x62, v1;
	v19 =	vld [tilespmem:s28+$0x89E0];
	v3 =	vadd.f32 v3, v63  }
0x1cd: {  	v21 =	vld [tilespmem:s28+$0x89F0];
	[tilespmem:v14+s25+$0xBD00] =	vst.idx.msk $0xffff, v2;
	v2 =	vadd.f32 v4, v0;
	v4 =	vadd.s32 $0x8E2, v1  }
0x1ce: {  	v14 =	vadd.s32 $0x63, v1;
	[tilespmem:v16+s25+$0xBD00] =	vst.idx.msk $0xffff, v3;
	v3 =	vadd.f32 v5, v63  }
0x1cf: {  	v16 =	vadd.s32 $0x8E3, v1;
	[tilespmem:v18+s25+$0xBD00] =	vst.idx.msk $0xffff, v2;
	v2 =	vadd.f32 v6, v0  }
0x1d0: {  	v18 =	vadd.s32 $0x64, v1;
	[tilespmem:v20+s25+$0xBD00] =	vst.idx.msk $0xffff, v3;
	v3 =	vadd.f32 v7, v63  }
0x1d1: {  	[tilespmem:v22+s25+$0xBD00] =	vst.idx.msk $0xffff, v2;
	v2 =	vadd.f32 v8, v0;
	v8 =	vadd.s32 $0x8E4, v1  }
0x1d2: {  	[tilespmem:v4+s25+$0xBD00] =	vst.idx.msk $0xffff, v3;
	v3 =	vadd.f32 v9, v63;
	v4 =	vadd.s32 $0x65, v1  }
0x1d3: {  	[tilespmem:v14+s25+$0xBD00] =	vst.idx.msk $0xffff, v2;
	v2 =	vadd.f32 v10, v0;
	v14 =	vadd.s32 $0x8E5, v1  }
0x1d4: {  	[tilespmem:v16+s25+$0xBD00] =	vst.idx.msk $0xffff, v3;
	v3 =	vadd.f32 v11, v63;
	v16 =	vadd.s32 $0x66, v1  }
0x1d5: {  	[tilespmem:v18+s25+$0xBD00] =	vst.idx.msk $0xffff, v2;
	v2 =	vadd.f32 v12, v0;
	v18 =	vadd.s32 $0x8E6, v1  }
0x1d6: {  	v12 =	vadd.s32 $0x67, v1;
	[tilespmem:v8+s25+$0xBD00] =	vst.idx.msk $0xffff, v3;
	v3 =	vadd.f32 v13, v63  }
0x1d7: {  	v13 =	vadd.s32 $0x8E7, v1;
	[tilespmem:v4+s25+$0xBD00] =	vst.idx.msk $0xffff, v2;
	v2 =	vadd.f32 v15, v0  }
0x1d8: {  	[tilespmem:v14+s25+$0xBD00] =	vst.idx.msk $0xffff, v3;
	v3 =	vadd.f32 v17, v63  }
0x1d9: {  	[tilespmem:v16+s25+$0xBD00] =	vst.idx.msk $0xffff, v2;
	v2 =	vadd.f32 v19, v0  }
0x1da: {  	[tilespmem:v18+s25+$0xBD00] =	vst.idx.msk $0xffff, v3;
	v3 =	vadd.f32 v21, v63  }
0x1db: {  	[tilespmem:v12+s25+$0xBD00] =	vst.idx.msk $0xffff, v2  }
0x1dc: {  	[tilespmem:v13+s25+$0xBD00] =	vst.idx.msk $0xffff, v3  }
0x1dd: {  	v2 =	vld [tilespmem:s28+$0x8A00]  }
0x1de: {  	v3 =	vld [tilespmem:s28+$0x8A10]  }
0x1df: {  	v4 =	vld [tilespmem:s28+$0x8A20]  }
0x1e0: {  	v5 =	vld [tilespmem:s28+$0x8A30]  }
0x1e1: {  	v6 =	vld [tilespmem:s28+$0x8A40]  }
0x1e2: {  	v7 =	vld [tilespmem:s28+$0x8A50]  }
0x1e3: {  	v8 =	vld [tilespmem:s28+$0x8A60]  }
0x1e4: {  	v9 =	vld [tilespmem:s28+$0x8A70]  }
0x1e5: {  	v10 =	vld [tilespmem:s28+$0x8A80]  }
0x1e6: {  	v11 =	vld [tilespmem:s28+$0x8A90]  }
0x1e7: {  	v14 =	vadd.s32 $0x68, v1;
	v12 =	vld [tilespmem:s28+$0x8AA0]  }
0x1e8: {  	v16 =	vadd.s32 $0x8E8, v1;
	v13 =	vld [tilespmem:s28+$0x8AB0]  }
0x1e9: {  	v18 =	vadd.s32 $0x69, v1;
	v15 =	vld [tilespmem:s28+$0x8AC0]  }
0x1ea: {  	v20 =	vadd.s32 $0x8E9, v1;
	v17 =	vld [tilespmem:s28+$0x8AD0];
	v2 =	vadd.f32 v2, v0  }
0x1eb: {  	v22 =	vadd.s32 $0x6A, v1;
	v19 =	vld [tilespmem:s28+$0x8AE0];
	v3 =	vadd.f32 v3, v63  }
0x1ec: {  	v21 =	vld [tilespmem:s28+$0x8AF0];
	[tilespmem:v14+s25+$0xBD00] =	vst.idx.msk $0xffff, v2;
	v2 =	vadd.f32 v4, v0;
	v4 =	vadd.s32 $0x8EA, v1  }
0x1ed: {  	v14 =	vadd.s32 $0x6B, v1;
	[tilespmem:v16+s25+$0xBD00] =	vst.idx.msk $0xffff, v3;
	v3 =	vadd.f32 v5, v63  }
0x1ee: {  	v16 =	vadd.s32 $0x8EB, v1;
	[tilespmem:v18+s25+$0xBD00] =	vst.idx.msk $0xffff, v2;
	v2 =	vadd.f32 v6, v0  }
0x1ef: {  	v18 =	vadd.s32 $0x6C, v1;
	[tilespmem:v20+s25+$0xBD00] =	vst.idx.msk $0xffff, v3;
	v3 =	vadd.f32 v7, v63  }
0x1f0: {  	[tilespmem:v22+s25+$0xBD00] =	vst.idx.msk $0xffff, v2;
	v2 =	vadd.f32 v8, v0;
	v8 =	vadd.s32 $0x8EC, v1  }
0x1f1: {  	[tilespmem:v4+s25+$0xBD00] =	vst.idx.msk $0xffff, v3;
	v3 =	vadd.f32 v9, v63;
	v4 =	vadd.s32 $0x6D, v1  }
0x1f2: {  	[tilespmem:v14+s25+$0xBD00] =	vst.idx.msk $0xffff, v2;
	v2 =	vadd.f32 v10, v0;
	v14 =	vadd.s32 $0x8ED, v1  }
0x1f3: {  	[tilespmem:v16+s25+$0xBD00] =	vst.idx.msk $0xffff, v3;
	v3 =	vadd.f32 v11, v63;
	v16 =	vadd.s32 $0x6E, v1  }
0x1f4: {  	[tilespmem:v18+s25+$0xBD00] =	vst.idx.msk $0xffff, v2;
	v2 =	vadd.f32 v12, v0;
	v18 =	vadd.s32 $0x8EE, v1  }
0x1f5: {  	v12 =	vadd.s32 $0x6F, v1;
	[tilespmem:v8+s25+$0xBD00] =	vst.idx.msk $0xffff, v3;
	v3 =	vadd.f32 v13, v63  }
0x1f6: {  	v13 =	vadd.s32 $0x8EF, v1;
	[tilespmem:v4+s25+$0xBD00] =	vst.idx.msk $0xffff, v2;
	v2 =	vadd.f32 v15, v0  }
0x1f7: {  	[tilespmem:v14+s25+$0xBD00] =	vst.idx.msk $0xffff, v3;
	v3 =	vadd.f32 v17, v63  }
0x1f8: {  	[tilespmem:v16+s25+$0xBD00] =	vst.idx.msk $0xffff, v2;
	v2 =	vadd.f32 v19, v0  }
0x1f9: {  	[tilespmem:v18+s25+$0xBD00] =	vst.idx.msk $0xffff, v3;
	v3 =	vadd.f32 v21, v63  }
0x1fa: {  	[tilespmem:v12+s25+$0xBD00] =	vst.idx.msk $0xffff, v2  }
0x1fb: {  	[tilespmem:v13+s25+$0xBD00] =	vst.idx.msk $0xffff, v3  }
0x1fc: {  	v2 =	vld [tilespmem:s28+$0x8B00]  }
0x1fd: {  	v3 =	vld [tilespmem:s28+$0x8B10]  }
0x1fe: {  	v4 =	vld [tilespmem:s28+$0x8B20]  }
0x1ff: {  	v5 =	vld [tilespmem:s28+$0x8B30]  }
0x200: {  	v6 =	vld [tilespmem:s28+$0x8B40]  }
0x201: {  	v7 =	vld [tilespmem:s28+$0x8B50]  }
0x202: {  	v8 =	vld [tilespmem:s28+$0x8B60]  }
0x203: {  	v9 =	vld [tilespmem:s28+$0x8B70]  }
0x204: {  	v10 =	vld [tilespmem:s28+$0x8B80]  }
0x205: {  	v11 =	vld [tilespmem:s28+$0x8B90]  }
0x206: {  	v14 =	vadd.s32 $0x70, v1;
	v12 =	vld [tilespmem:s28+$0x8BA0]  }
0x207: {  	v16 =	vadd.s32 $0x8F0, v1;
	v13 =	vld [tilespmem:s28+$0x8BB0]  }
0x208: {  	v18 =	vadd.s32 $0x71, v1;
	v15 =	vld [tilespmem:s28+$0x8BC0]  }
0x209: {  	v20 =	vadd.s32 $0x8F1, v1;
	v17 =	vld [tilespmem:s28+$0x8BD0];
	v2 =	vadd.f32 v2, v0  }
0x20a: {  	v22 =	vadd.s32 $0x72, v1;
	v19 =	vld [tilespmem:s28+$0x8BE0];
	v3 =	vadd.f32 v3, v63  }
0x20b: {  	v21 =	vld [tilespmem:s28+$0x8BF0];
	[tilespmem:v14+s25+$0xBD00] =	vst.idx.msk $0xffff, v2;
	v2 =	vadd.f32 v4, v0;
	v4 =	vadd.s32 $0x8F2, v1  }
0x20c: {  	v14 =	vadd.s32 $0x73, v1;
	[tilespmem:v16+s25+$0xBD00] =	vst.idx.msk $0xffff, v3;
	v3 =	vadd.f32 v5, v63  }
0x20d: {  	v16 =	vadd.s32 $0x8F3, v1;
	[tilespmem:v18+s25+$0xBD00] =	vst.idx.msk $0xffff, v2;
	v2 =	vadd.f32 v6, v0  }
0x20e: {  	v18 =	vadd.s32 $0x74, v1;
	[tilespmem:v20+s25+$0xBD00] =	vst.idx.msk $0xffff, v3;
	v3 =	vadd.f32 v7, v63  }
0x20f: {  	[tilespmem:v22+s25+$0xBD00] =	vst.idx.msk $0xffff, v2;
	v2 =	vadd.f32 v8, v0;
	v8 =	vadd.s32 $0x8F4, v1  }
0x210: {  	[tilespmem:v4+s25+$0xBD00] =	vst.idx.msk $0xffff, v3;
	v3 =	vadd.f32 v9, v63;
	v4 =	vadd.s32 $0x75, v1  }
0x211: {  	[tilespmem:v14+s25+$0xBD00] =	vst.idx.msk $0xffff, v2;
	v2 =	vadd.f32 v10, v0;
	v14 =	vadd.s32 $0x8F5, v1  }
0x212: {  	[tilespmem:v16+s25+$0xBD00] =	vst.idx.msk $0xffff, v3;
	v3 =	vadd.f32 v11, v63;
	v16 =	vadd.s32 $0x76, v1  }
0x213: {  	[tilespmem:v18+s25+$0xBD00] =	vst.idx.msk $0xffff, v2;
	v2 =	vadd.f32 v12, v0;
	v18 =	vadd.s32 $0x8F6, v1  }
0x214: {  	v12 =	vadd.s32 $0x77, v1;
	[tilespmem:v8+s25+$0xBD00] =	vst.idx.msk $0xffff, v3;
	v3 =	vadd.f32 v13, v63  }
0x215: {  	v13 =	vadd.s32 $0x8F7, v1;
	[tilespmem:v4+s25+$0xBD00] =	vst.idx.msk $0xffff, v2;
	v2 =	vadd.f32 v15, v0  }
0x216: {  	[tilespmem:v14+s25+$0xBD00] =	vst.idx.msk $0xffff, v3;
	v3 =	vadd.f32 v17, v63  }
0x217: {  	[tilespmem:v16+s25+$0xBD00] =	vst.idx.msk $0xffff, v2;
	v2 =	vadd.f32 v19, v0  }
0x218: {  	[tilespmem:v18+s25+$0xBD00] =	vst.idx.msk $0xffff, v3;
	v3 =	vadd.f32 v21, v63  }
0x219: {  	[tilespmem:v12+s25+$0xBD00] =	vst.idx.msk $0xffff, v2  }
0x21a: {  	[tilespmem:v13+s25+$0xBD00] =	vst.idx.msk $0xffff, v3  }
0x21b: {  	v2 =	vld [tilespmem:s28+$0x8C00]  }
0x21c: {  	v3 =	vld [tilespmem:s28+$0x8C10]  }
0x21d: {  	v4 =	vld [tilespmem:s28+$0x8C20]  }
0x21e: {  	v5 =	vld [tilespmem:s28+$0x8C30]  }
0x21f: {  	v6 =	vld [tilespmem:s28+$0x8C40]  }
0x220: {  	v7 =	vld [tilespmem:s28+$0x8C50]  }
0x221: {  	v8 =	vld [tilespmem:s28+$0x8C60]  }
0x222: {  	v9 =	vld [tilespmem:s28+$0x8C70]  }
0x223: {  	v10 =	vld [tilespmem:s28+$0x8C80]  }
0x224: {  	v11 =	vld [tilespmem:s28+$0x8C90]  }
0x225: {  	v14 =	vadd.s32 $0x78, v1;
	v12 =	vld [tilespmem:s28+$0x8CA0]  }
0x226: {  	v16 =	vadd.s32 $0x8F8, v1;
	v13 =	vld [tilespmem:s28+$0x8CB0]  }
0x227: {  	v18 =	vadd.s32 $0x79, v1;
	v15 =	vld [tilespmem:s28+$0x8CC0]  }
0x228: {  	v20 =	vadd.s32 $0x8F9, v1;
	v17 =	vld [tilespmem:s28+$0x8CD0];
	v2 =	vadd.f32 v2, v0  }
0x229: {  	v22 =	vadd.s32 $0x7A, v1;
	v19 =	vld [tilespmem:s28+$0x8CE0];
	v3 =	vadd.f32 v3, v63  }
0x22a: {  	v21 =	vld [tilespmem:s28+$0x8CF0];
	[tilespmem:v14+s25+$0xBD00] =	vst.idx.msk $0xffff, v2;
	v2 =	vadd.f32 v4, v0;
	v4 =	vadd.s32 $0x8FA, v1  }
0x22b: {  	[tilespmem:v16+s25+$0xBD00] =	vst.idx.msk $0xffff, v3;
	v3 =	vadd.f32 v5, v63;
	v5 =	vadd.s32 $0x7B, v1  }
0x22c: {  	[tilespmem:v18+s25+$0xBD00] =	vst.idx.msk $0xffff, v2;
	v2 =	vadd.f32 v6, v0;
	v6 =	vadd.s32 $0x8FB, v1  }
0x22d: {  	v14 =	vadd.s32 $0x7C, v1;
	[tilespmem:v20+s25+$0xBD00] =	vst.idx.msk $0xffff, v3;
	v3 =	vadd.f32 v7, v63  }
0x22e: {  	v16 =	vadd.s32 $0x8FC, v1;
	[tilespmem:v22+s25+$0xBD00] =	vst.idx.msk $0xffff, v2;
	v2 =	vadd.f32 v8, v0  }
0x22f: {  	v18 =	vadd.s32 $0x7D, v1;
	[tilespmem:v4+s25+$0xBD00] =	vst.idx.msk $0xffff, v3;
	v3 =	vadd.f32 v9, v63  }
0x230: {  	[tilespmem:v5+s25+$0xBD00] =	vst.idx.msk $0xffff, v2;
	v2 =	vadd.f32 v10, v0;
	v5 =	vadd.s32 $0x8FD, v1  }
0x231: {  	[tilespmem:v6+s25+$0xBD00] =	vst.idx.msk $0xffff, v3;
	v3 =	vadd.f32 v11, v63;
	v6 =	vadd.s32 $0x7E, v1  }
0x232: {  	[tilespmem:v14+s25+$0xBD00] =	vst.idx.msk $0xffff, v2;
	v2 =	vadd.f32 v12, v0;
	v14 =	vadd.s32 $0x8FE, v1  }
0x233: {  	[tilespmem:v16+s25+$0xBD00] =	vst.idx.msk $0xffff, v3;
	v3 =	vadd.f32 v13, v63;
	v16 =	vadd.s32 $0x7F, v1  }
0x234: {  	[tilespmem:v18+s25+$0xBD00] =	vst.idx.msk $0xffff, v2;
	v2 =	vadd.f32 v15, v0;
	v18 =	vadd.s32 $0x8FF, v1  }
0x235: {  	[tilespmem:v5+s25+$0xBD00] =	vst.idx.msk $0xffff, v3;
	v3 =	vadd.f32 v17, v63  }
0x236: {  	v0 =	vadd.f32 v19, v0;
	[tilespmem:v6+s25+$0xBD00] =	vst.idx.msk $0xffff, v2  }
0x237: {  	v2 =	vadd.f32 v21, v63;
	[tilespmem:v14+s25+$0xBD00] =	vst.idx.msk $0xffff, v3  }
0x238: {  	[tilespmem:v16+s25+$0xBD00] =	vst.idx.msk $0xffff, v0  }
0x239: {  	s26 =	sadd.s32 s23, s7;
	s29 =	sadd.s32 $0xBD00, s25;
	[tilespmem:v18+s25+$0xBD00] =	vst.idx.msk $0xffff, v2  }
0x23a: {  	[hbm4b:s26+s2] =	stream.linear.scatter [tilespmem:s29], [sflag:s24], $0x80, $0x38;
	[tilespmem:$0x10100] =	vst v63  }
0x23b: {  	s31 =	sadd.s32 $0x10, s26;
	s30 =	sadd.s32 $0xBD88, s25  }
0x23c: {  	[hbm4b:s31+s2] =	stream.linear.scatter [tilespmem:s30], [sflag:s24], $0x80, $0x38;
	[tilespmem:$0x10100] =	vst v63  }
0x23d: {  	s30 =	sadd.s32 $0xBE10, s25;
	s31 =	sadd.s32 $0x20, s26  }
0x23e: {  	[hbm4b:s31+s2] =	stream.linear.scatter [tilespmem:s30], [sflag:s24], $0x80, $0x38;
	[tilespmem:$0x10100] =	vst v63  }
0x23f: {  	s30 =	sadd.s32 $0xBE98, s25;
	s31 =	sadd.s32 $0x30, s26  }
0x240: {  	[hbm4b:s31+s2] =	stream.linear.scatter [tilespmem:s30], [sflag:s24], $0x80, $0x38;
	[tilespmem:$0x10100] =	vst v63  }
0x241: {  	s30 =	sadd.s32 $0xBF20, s25;
	s31 =	sadd.s32 $0x40, s26  }
0x242: {  	[hbm4b:s31+s2] =	stream.linear.scatter [tilespmem:s30], [sflag:s24], $0x80, $0x38;
	[tilespmem:$0x10100] =	vst v63  }
0x243: {  	s30 =	sadd.s32 $0xBFA8, s25;
	s31 =	sadd.s32 $0x50, s26  }
0x244: {  	[hbm4b:s31+s2] =	stream.linear.scatter [tilespmem:s30], [sflag:s24], $0x80, $0x38;
	[tilespmem:$0x10100] =	vst v63  }
0x245: {  	s30 =	sor.u32 $0xC030, s25;
	s31 =	sadd.s32 $0x60, s26  }
0x246: {  	[hbm4b:s31+s2] =	stream.linear.scatter [tilespmem:s30], [sflag:s24], $0x80, $0x38;
	[tilespmem:$0x10100] =	vst v63  }
0x247: {  	s30 =	sor.u32 $0xC0B8, s25;
	s31 =	sadd.s32 $0x70, s26  }
0x248: {  	[hbm4b:s31+s2] =	stream.linear.scatter [tilespmem:s30], [sflag:s24], $0x80, $0x38;
	[tilespmem:$0x10100] =	vst v63  }
0x249: {  	s30 =	sadd.s32 $0x1000, s26;
	s31 =	sadd.s32 $0xC140, s25  }
0x24a: {  	[hbm4b:s30+s2] =	stream.linear.scatter [tilespmem:s31], [sflag:s24], $0x80, $0x38;
	[tilespmem:$0x10100] =	vst v63  }
0x24b: {  	s30 =	sadd.s32 $0xC1C8, s25;
	s31 =	sadd.s32 $0x1010, s26  }
0x24c: {  	[hbm4b:s31+s2] =	stream.linear.scatter [tilespmem:s30], [sflag:s24], $0x80, $0x38;
	[tilespmem:$0x10100] =	vst v63  }
0x24d: {  	s30 =	sadd.s32 $0xC250, s25;
	s31 =	sadd.s32 $0x1020, s26  }
0x24e: {  	[hbm4b:s31+s2] =	stream.linear.scatter [tilespmem:s30], [sflag:s24], $0x80, $0x38;
	[tilespmem:$0x10100] =	vst v63  }
0x24f: {  	s30 =	sadd.s32 $0xC2D8, s25;
	s31 =	sadd.s32 $0x1030, s26  }
0x250: {  	[hbm4b:s31+s2] =	stream.linear.scatter [tilespmem:s30], [sflag:s24], $0x80, $0x38;
	[tilespmem:$0x10100] =	vst v63  }
0x251: {  	s30 =	sadd.s32 $0xC360, s25;
	s31 =	sadd.s32 $0x1040, s26  }
0x252: {  	[hbm4b:s31+s2] =	stream.linear.scatter [tilespmem:s30], [sflag:s24], $0x80, $0x38;
	[tilespmem:$0x10100] =	vst v63  }
0x253: {  	s30 =	sadd.s32 $0xC3E8, s25;
	s31 =	sadd.s32 $0x1050, s26  }
0x254: {  	[hbm4b:s31+s2] =	stream.linear.scatter [tilespmem:s30], [sflag:s24], $0x80, $0x38;
	[tilespmem:$0x10100] =	vst v63  }
0x255: {  	s30 =	sadd.s32 $0xC470, s25;
	s31 =	sadd.s32 $0x1060, s26  }
0x256: {  	[hbm4b:s31+s2] =	stream.linear.scatter [tilespmem:s30], [sflag:s24], $0x80, $0x38;
	[tilespmem:$0x10100] =	vst v63  }
0x257: {  	s30 =	sadd.s32 $0xC4F8, s25;
	s31 =	sadd.s32 $0x1070, s26  }
0x258: {  	[hbm4b:s31+s2] =	stream.linear.scatter [tilespmem:s30], [sflag:s24], $0x80, $0x38;
	[tilespmem:$0x10100] =	vst v63  }
0x259: {  	s30 =	sadd.s32 $0x2000, s26;
	s31 =	sadd.s32 $0xC580, s25  }
0x25a: {  	[hbm4b:s30+s2] =	stream.linear.scatter [tilespmem:s31], [sflag:s24], $0x80, $0x38;
	[tilespmem:$0x10100] =	vst v63  }
0x25b: {  	s30 =	sadd.s32 $0xC608, s25;
	s31 =	sadd.s32 $0x2010, s26  }
0x25c: {  	[hbm4b:s31+s2] =	stream.linear.scatter [tilespmem:s30], [sflag:s24], $0x80, $0x38;
	[tilespmem:$0x10100] =	vst v63  }
0x25d: {  	s30 =	sadd.s32 $0xC690, s25;
	s31 =	sadd.s32 $0x2020, s26  }
0x25e: {  	[hbm4b:s31+s2] =	stream.linear.scatter [tilespmem:s30], [sflag:s24], $0x80, $0x38;
	[tilespmem:$0x10100] =	vst v63  }
0x25f: {  	s30 =	sadd.s32 $0xC718, s25;
	s31 =	sadd.s32 $0x2030, s26  }
0x260: {  	[hbm4b:s31+s2] =	stream.linear.scatter [tilespmem:s30], [sflag:s24], $0x80, $0x38;
	[tilespmem:$0x10100] =	vst v63  }
0x261: {  	s30 =	sadd.s32 $0xC7A0, s25;
	s31 =	sadd.s32 $0x2040, s26  }
0x262: {  	[hbm4b:s31+s2] =	stream.linear.scatter [tilespmem:s30], [sflag:s24], $0x80, $0x38;
	[tilespmem:$0x10100] =	vst v63  }
0x263: {  	s30 =	sadd.s32 $0xC828, s25;
	s31 =	sadd.s32 $0x2050, s26  }
0x264: {  	[hbm4b:s31+s2] =	stream.linear.scatter [tilespmem:s30], [sflag:s24], $0x80, $0x38;
	[tilespmem:$0x10100] =	vst v63  }
0x265: {  	s30 =	sadd.s32 $0xC8B0, s25;
	s31 =	sadd.s32 $0x2060, s26  }
0x266: {  	[hbm4b:s31+s2] =	stream.linear.scatter [tilespmem:s30], [sflag:s24], $0x80, $0x38;
	[tilespmem:$0x10100] =	vst v63  }
0x267: {  	s30 =	sadd.s32 $0xC938, s25;
	s31 =	sadd.s32 $0x2070, s26  }
0x268: {  	[hbm4b:s31+s2] =	stream.linear.scatter [tilespmem:s30], [sflag:s24], $0x80, $0x38;
	[tilespmem:$0x10100] =	vst v63  }
0x269: {  	s30 =	sadd.s32 $0x3000, s26;
	s31 =	sadd.s32 $0xC9C0, s25  }
0x26a: {  	[hbm4b:s30+s2] =	stream.linear.scatter [tilespmem:s31], [sflag:s24], $0x80, $0x38;
	[tilespmem:$0x10100] =	vst v63  }
0x26b: {  	s30 =	sadd.s32 $0xCA48, s25;
	s31 =	sadd.s32 $0x3010, s26  }
0x26c: {  	[hbm4b:s31+s2] =	stream.linear.scatter [tilespmem:s30], [sflag:s24], $0x80, $0x38;
	[tilespmem:$0x10100] =	vst v63  }
0x26d: {  	s30 =	sadd.s32 $0xCAD0, s25;
	s31 =	sadd.s32 $0x3020, s26  }
0x26e: {  	[hbm4b:s31+s2] =	stream.linear.scatter [tilespmem:s30], [sflag:s24], $0x80, $0x38;
	[tilespmem:$0x10100] =	vst v63  }
0x26f: {  	s30 =	sadd.s32 $0xCB58, s25;
	s31 =	sadd.s32 $0x3030, s26  }
0x270: {  	[hbm4b:s31+s2] =	stream.linear.scatter [tilespmem:s30], [sflag:s24], $0x80, $0x38;
	[tilespmem:$0x10100] =	vst v63  }
0x271: {  	s23 =	sadd.s32 $0x4000, s23;
	s30 =	sadd.s32 $0xCBE0, s25;
	s31 =	sadd.s32 $0x3040, s26  }
0x272: {  	[hbm4b:s31+s2] =	stream.linear.scatter [tilespmem:s30], [sflag:s24], $0x80, $0x38;
	[tilespmem:$0x10100] =	vst v63  }
0x273: {  	p0 =	sne.s32 s23, $0x320000;
	s30 =	sadd.s32 $0xCC68, s25;
	s31 =	sadd.s32 $0x3050, s26  }
0x274: {  	[hbm4b:s31+s2] =	stream.linear.scatter [tilespmem:s30], [sflag:s24], $0x80, $0x38;
	[tilespmem:$0x10100] =	vst v63  }
.Ltmp0:
0x275: {  	_ = 	snop;
	(pc) =	sbr.rel @p0 .LBB2_2-.Ltmp0, $4  }
0x276: {  	s21 =	sadd.s32 $0x1, s21;
	s30 =	sadd.s32 $0xCCF0, s25;
	s31 =	sadd.s32 $0x3060, s26  }
0x277: {  	[hbm4b:s31+s2] =	stream.linear.scatter [tilespmem:s30], [sflag:s24], $0x80, $0x38;
	[tilespmem:$0x10100] =	vst v63  }
0x278: {  	s22 =	sadd.s32 $0x80, s22;
	s25 =	sadd.s32 $0xCD78, s25;
	s26 =	sadd.s32 $0x3070, s26  }
0x279: {  	[hbm4b:s26+s2] =	stream.linear.scatter [tilespmem:s25], [sflag:s24], $0x80, $0x38;
	[tilespmem:$0x10100] =	vst v63  }
0x27a: {  	_ =	swait.ge [sflag:s16], $0x400  }
0x27b: {  	[sflag:s16] =	ssyncset.done $0x0  }
0x27c: {  	[sflag:s16] =	ssyncadd.s32 $0xFFFFFC00  }
0x27d: {  	_ =	swait.ge [sflag:s16], $0x400  }
0x27e: {  	[sflag:s16] =	ssyncset.done $0x0  }
0x27f: {  	[sflag:s16] =	ssyncadd.s32 $0xFFFFFC00  }
0x280: {  	_ =	swait.ge [sflag:s16], $0x400  }
0x281: {  	[sflag:s16] =	ssyncset.done $0x0  }
0x282: {  	[sflag:s16] =	ssyncadd.s32 $0xFFFFFC00  }
0x283: {  	_ =	swait.ge [sflag:s16], $0x400  }
0x284: {  	[sflag:s16] =	ssyncset.done $0x0  }
0x285: {  	[sflag:s16] =	ssyncadd.s32 $0xFFFFFC00  }
0x286: {  	_ =	swait.ge [sflag:s17], $0x400  }
0x287: {  	[sflag:s17] =	ssyncset.done $0x0  }
0x288: {  	[sflag:s17] =	ssyncadd.s32 $0xFFFFFC00  }
0x289: {  	_ =	swait.ge [sflag:s17], $0x400  }
0x28a: {  	[sflag:s17] =	ssyncset.done $0x0  }
0x28b: {  	[sflag:s17] =	ssyncadd.s32 $0xFFFFFC00  }
0x28c: {  	_ =	swait.ge [sflag:s17], $0x400  }
0x28d: {  	[sflag:s17] =	ssyncset.done $0x0  }
0x28e: {  	[sflag:s17] =	ssyncadd.s32 $0xFFFFFC00  }
0x28f: {  	_ =	swait.ge [sflag:s17], $0x400  }
0x290: {  	[sflag:s17] =	ssyncset.done $0x0  }
0x291: {  	[sflag:s17] =	ssyncadd.s32 $0xFFFFFC00  }
0x292: {  	_ =	swait.ge [sflag:s18], $0x400  }
0x293: {  	[sflag:s18] =	ssyncset.done $0x0  }
0x294: {  	[sflag:s18] =	ssyncadd.s32 $0xFFFFFC00  }
0x295: {  	_ =	swait.ge [sflag:s18], $0x400  }
0x296: {  	[sflag:s18] =	ssyncset.done $0x0  }
0x297: {  	[sflag:s18] =	ssyncadd.s32 $0xFFFFFC00  }
0x298: {  	_ =	swait.ge [sflag:s18], $0x400  }
0x299: {  	[sflag:s18] =	ssyncset.done $0x0  }
0x29a: {  	[sflag:s18] =	ssyncadd.s32 $0xFFFFFC00  }
0x29b: {  	_ =	swait.ge [sflag:s18], $0x400  }
0x29c: {  	[sflag:s18] =	ssyncset.done $0x0  }
0x29d: {  	[sflag:s18] =	ssyncadd.s32 $0xFFFFFC00  }
0x29e: {  	_ =	swait.ge [sflag:s19], $0x400  }
0x29f: {  	[sflag:s19] =	ssyncset.done $0x0  }
0x2a0: {  	[sflag:s19] =	ssyncadd.s32 $0xFFFFFC00  }
0x2a1: {  	_ =	swait.ge [sflag:s19], $0x400  }
0x2a2: {  	[sflag:s19] =	ssyncset.done $0x0  }
0x2a3: {  	s20 =	sadd.s32 $0x1, s20;
	[sflag:s19] =	ssyncadd.s32 $0xFFFFFC00  }
0x2a4: {  	p0 =	sne.s32 s20, s6;
	_ =	swait.ge [sflag:s19], $0x400  }
.Ltmp1:
0x2a5: {  	[sflag:s19] =	ssyncset.done $0x0;
	(pc) =	sbr.rel @p0 .LBB2_1-.Ltmp1, $4  }
0x2a6: {  	[sflag:s19] =	ssyncadd.s32 $0xFFFFFC00  }
0x2a7: {  	_ =	swait.ge [sflag:s19], $0x400  }
0x2a8: {  	[sflag:s19] =	ssyncset.done $0x0  }
0x2a9: {  	[sflag:s19] =	ssyncadd.s32 $0xFFFFFC00  }
0x2aa: {  	_ =	sfence.sel $0x180000  }
0x2ab: {  	[bflag:$0x0] =	sbarrier.arrive $0xFFFF  }
0x2ac: {  	p0 =	sne.s32 s1, $0x0;
	_ =	strace $0x90000047  }
0x2ad: {  	s0 =	sadd.s32 @!p0 $0x100000, s0;
	[bflag:$0x2] =	sbarrier.arrive $0xFFFF  }
0x2ae: {  	[sflag:s0] =	ssyncadd.tile.s32 @!p0 $0x1;
	_ =	shalt  }
.Lfunc_end2:
_tile_overlayer_lowered:
.L_overlay_start_2:
0x2af: {  	(tag) =	ssettag $0x2  }
0x2b0: {  	s0 =	rddreg [dreg:$0x0];
	s2 =	stileid.u32  }
0x2b1: {  	s1 =	rddreg [dreg:$0x1];
	p0 =	sne.s32 s2, $0x0  }
0x2b2: {  	s3 =	rddreg [dreg:$0x2];
	[bflag:$0x3] =	sbarrier.arrive $0xFFFF;
	s2 =	simm.s32 @!p0 $0x1C09  }
0x2b3: {  	[timem:s3], [sflag:s2] =	dma.local @!p0 [hbm:s0], s1  }
0x2b4: {  	s0 =	simm.s32 @!p0 $0x9  }
0x2b5: {  	_ =	swait.ge @!p0 [sflag:s0], s1  }
0x2b6: {  	s1 =	ssub.s32 @!p0 $0x0, s1;
	[sflag:s0] =	ssyncset.done @!p0 $0x0  }
0x2b7: {  	[sflag:s0] =	ssyncadd.s32 @!p0 s1  }
0x2b8: {  	[bflag:$0x3] =	sbarrier.arrive $0xFFFF  }
0x2b9: {  	_ =	shalt  }

</sc_bundles>
